<compile_context>
chip_gen: v7x
topology: tpu7x:2x2x1
jax: 0.10.2.dev20260603
libtpu: 0.0.44.dev20260713+nightly
codegen_flags: <defaults>
</compile_context>

<pallas_src>
import functools

import jax
import jax.numpy as jnp
from jax import lax
from jax.experimental import pallas as pl
from jax.experimental.pallas import tpu as pltpu
from jax.experimental.pallas import tpu_sc as plsc

NC = 2
NS = 16
NW = NC * NS
LANES = 16
CH = 128
PB = 40
NBLK = 62
PBT = 20
CPT = 4
CPK = CPT // 2


def kernel(X, edge_index, edge_weight, W, b):
    N, D = X.shape
    E = edge_index.shape[1]
    DO = W.shape[1]
    bits = (N - 1).bit_length()
    sd_r = (edge_index[0] | (edge_index[1] << bits)).reshape(E // CH, CH)
    xb = X.astype(jnp.bfloat16).reshape(N, D // 2, 2)
    XTP = jnp.transpose(lax.bitcast_convert_type(xb, jnp.int32))
    fT = _sc_spmm_cols(XTP, sd_r, edge_weight, N=N, D=D, bits=bits)
    out = _tc_linear(fT, W, b.reshape(1, DO), N=N, D=D, DO=DO)
    return out


def _sc_spmm_cols(XTP, sd_r, w_p, *, N, D, bits):
    mesh = plsc.VectorSubcoreMesh(core_axis_name="c", subcore_axis_name="s")
    lomask = jnp.int32((1 << bits) - 1)
    himask = jnp.int32(-65536)

    @functools.partial(
        pl.kernel,
        out_type=jax.ShapeDtypeStruct((D, N), jnp.float32),
        mesh=mesh,
        compiler_params=pltpu.CompilerParams(use_tc_tiling_on_sc=False,
                                             needs_layout_passes=False),
        scratch_types=[
            pltpu.VMEM((CPK, N), jnp.int32),
            pltpu.VMEM((CPT, N), jnp.float32),
            pltpu.VMEM((PB, CH), jnp.int32),
            pltpu.VMEM((PB * CH,), jnp.float32),
            pltpu.VMEM((PB, CH), jnp.int32),
            pltpu.VMEM((PB * CH,), jnp.float32),
            pltpu.SemaphoreType.DMA,
            pltpu.SemaphoreType.DMA,
        ],
    )
    def spmm(xtp_hbm, sd_hbm, w_hbm, ft_hbm,
             xt2, ft4, sdA, wA, sdB, wB, semA, semB):
        c = lax.axis_index("c")
        s = lax.axis_index("s")
        wid = s * NC + c

        pltpu.sync_copy(xtp_hbm.at[pl.ds(wid * CPK, CPK)], xt2)
        zero = jnp.zeros((LANES,), jnp.float32)

        def zero_body(i, carry):
            for col in range(CPT):
                ft4[col, pl.ds(i * LANES, LANES)] = zero
            return carry

        lax.fori_loop(0, N // LANES, zero_body, 0)

        def stage(blk, sdbuf, wbuf, sem):
            pltpu.async_copy(sd_hbm.at[pl.ds(blk * PB, PB)], sdbuf, sem)
            pltpu.async_copy(w_hbm.at[pl.ds(blk * PB * CH, PB * CH)],
                             wbuf, sem)

        def stage_wait(sdbuf, wbuf, sem):
            pltpu.make_async_copy(sd_hbm.at[pl.ds(0, PB)], sdbuf, sem).wait()
            pltpu.make_async_copy(w_hbm.at[pl.ds(0, PB * CH)],
                                  wbuf, sem).wait()

        def process(sdbuf, wbuf, nrows=PB):
            @plsc.parallel_loop(0, nrows, 1, unroll=4)
            def _row(r):
                for g in range(CH // LANES):
                    sd16 = sdbuf[r, pl.ds(g * LANES, LANES)]
                    src16 = sd16 & lomask
                    dst16 = lax.shift_right_logical(sd16, bits)
                    w16 = wbuf[pl.ds(r * CH + g * LANES, LANES)]
                    for h in range(CPK):
                        rowi = jnp.full((LANES,), h, jnp.int32)
                        xi = plsc.load_gather(xt2, [rowi, src16])
                        xa = plsc.bitcast(xi << 16, jnp.float32)
                        xbv = plsc.bitcast(xi & himask, jnp.float32)
                        ra = jnp.full((LANES,), 2 * h, jnp.int32)
                        rb = jnp.full((LANES,), 2 * h + 1, jnp.int32)
                        plsc.addupdate_scatter(ft4, [ra, dst16], xa * w16)
                        plsc.addupdate_scatter(ft4, [rb, dst16], xbv * w16)

        stage(0, sdA, wA, semA)
        stage(1, sdB, wB, semB)

        def blk_body(q, carry):
            blk = q * 2
            stage_wait(sdA, wA, semA)
            process(sdA, wA)

            @pl.when(q < NBLK // 2 - 1)
            def _():
                stage(blk + 2, sdA, wA, semA)

            stage_wait(sdB, wB, semB)
            process(sdB, wB)

            @pl.when(q < NBLK // 2 - 1)
            def _():
                stage(blk + 3, sdB, wB, semB)
            return carry

        lax.fori_loop(0, NBLK // 2, blk_body, 0)

        pltpu.sync_copy(sd_hbm.at[pl.ds(NBLK * PB, PBT)],
                        sdA.at[pl.ds(0, PBT)])
        pltpu.sync_copy(w_hbm.at[pl.ds(NBLK * PB * CH, PBT * CH)],
                        wA.at[pl.ds(0, PBT * CH)])
        process(sdA, wA, nrows=PBT)

        pltpu.sync_copy(ft4, ft_hbm.at[pl.ds(wid * CPT, CPT)])

    return spmm(XTP, sd_r, w_p)


def _tc_linear(fT, W, b2, *, N, D, DO):

    def body(f_ref, w_ref, b_ref, o_ref):
        o_ref[...] = lax.dot_general(
            f_ref[...], w_ref[...],
            dimension_numbers=(((0,), (0,)), ((), ())),
            preferred_element_type=jnp.float32) + b_ref[...]

    return pl.pallas_call(
        body,
        in_specs=[
            pl.BlockSpec((D, N), lambda: (0, 0)),
            pl.BlockSpec((D, DO), lambda: (0, 0)),
            pl.BlockSpec((1, DO), lambda: (0, 0)),
        ],
        out_specs=pl.BlockSpec((N, DO), lambda: (0, 0)),
        out_shape=jax.ShapeDtypeStruct((N, DO), jnp.float32),
    )(fT, W, b2)

# --- scband reference (transcript-rebuilt; emitter-appended) ---
"""Pipeline reference for scband-graph-conv-48533130445595 (READ-ONLY COPY).

The authoritative reference and input builder live on the scoring server;
editing this copy changes nothing except your own understanding.
"""

import jax, jax.numpy as jnp
import numpy as np

N_NODES = 10000
N_EDGES = 320000
D_IN = 128
D_OUT = 128


def setup_inputs(seed: int = 0) -> dict:
    key = jax.random.key(seed)
    k1, k2, k3, k4 = jax.random.split(key, 4)
    X = jax.random.normal(k1, (N_NODES, D_IN), dtype=jnp.float32)
    edge_index = jax.random.randint(k2, (2, N_EDGES), 0, N_NODES, dtype=jnp.int32)
    edge_weight = jax.random.uniform(k3, (N_EDGES,), dtype=jnp.float32)
    # xavier_normal_ init: std = sqrt(2 / (fan_in + fan_out))
    std = float(np.sqrt(2.0 / (D_IN + D_OUT)))
    W = jax.random.normal(k4, (D_IN, D_OUT), dtype=jnp.float32) * std
    b = jnp.zeros((D_OUT,), dtype=jnp.float32)
    return {"X": X, "edge_index": edge_index, "edge_weight": edge_weight, "W": W, "b": b}


def reference(X, edge_index, edge_weight, W, b):
    # f = spmm(A, X) with A in COO form: A[dst, src] = edge_weight
    src = edge_index[0]
    dst = edge_index[1]
    gathered = X[src] * edge_weight[:, None]          # gather rows of X (SparseCore gather)
    f = jax.ops.segment_sum(gathered, dst, num_segments=N_NODES)  # scatter-add
    # out = f @ W + b
    out = f @ W + b
    return out

if __name__ == "__main__":
    import jax
    _d = setup_inputs()
    print(jax.jit(kernel)(*tuple(_d.values())))

</pallas_src>

<mosaic_0001>
#map = affine_map<(d0, d1) -> (0, 0)>
#map1 = affine_map<(d0, d1) -> (0)>
module attributes {stable_mosaic.version = 14 : i64} {
  func.func @_rewritten_body(%arg0: i32, %arg1: i32, %arg2: memref<64x10000xi32, #tpu.memory_space<hbm>>, %arg3: memref<2500x128xi32, #tpu.memory_space<hbm>>, %arg4: memref<320000xf32, #tpu.memory_space<hbm>>, %arg5: memref<1xi32, #tpu.memory_space<hbm>>, %arg6: memref<1xi32, #tpu.memory_space<hbm>>, %arg7: memref<128x10000xf32, #tpu.memory_space<hbm>>, %arg8: memref<2x10000xi32, #tpu.memory_space<vmem>>, %arg9: memref<4x10000xf32, #tpu.memory_space<vmem>>, %arg10: memref<40x128xi32, #tpu.memory_space<vmem>>, %arg11: memref<5120xf32, #tpu.memory_space<vmem>>, %arg12: memref<40x128xi32, #tpu.memory_space<vmem>>, %arg13: memref<5120xf32, #tpu.memory_space<vmem>>, %arg14: memref<!tpu.dma_semaphore, #tpu.memory_space<semaphore_mem>>, %arg15: memref<!tpu.dma_semaphore, #tpu.memory_space<semaphore_mem>>) attributes {dimension_semantics = [#tpu.dimension_semantics<core_parallel>, #tpu.dimension_semantics<subcore_parallel>], iteration_bounds = array<i64: 2, 16>, scalar_prefetch = 0 : i64, scratch_operands = 8 : i64, tpu.core_type = #tpu.core_type<sc_vector_subcore>, window_params = [{transform_indices = #map}, {transform_indices = #map}, {transform_indices = #map1}, {transform_indices = #map1}, {transform_indices = #map1}, {transform_indices = #map}]} {
    %empty_ref3A = memref.alloca() : memref<16xi32, #tpu.memory_space<vmem>>
    %empty_ref3A_0 = memref.alloca() : memref<16xi32, #tpu.memory_space<vmem>>
    "tpu.region"() ({
      %run_scoped3A = tpu.sem_alloc : memref<!tpu.dma_semaphore, #tpu.memory_space<semaphore_mem>>
      %dma_start3A_44 = arith.constant 0 : i32
      %dma_start3A_45 = tpu.memref_slice %empty_ref3A[%dma_start3A_44] : memref<16xi32, #tpu.memory_space<vmem>> -> memref<1xi32, #tpu.memory_space<vmem>>
      %dma_start3A_46 = arith.constant 0 : i32
      %dma_start3A_47 = tpu.memref_slice %empty_ref3A[%dma_start3A_46] : memref<16xi32, #tpu.memory_space<vmem>> -> memref<1xi32, #tpu.memory_space<vmem>>
      tpu.enqueue_dma source(%arg5 : memref<1xi32, #tpu.memory_space<hbm>>) target(%dma_start3A_47 : memref<1xi32, #tpu.memory_space<vmem>>) target_semaphore(%run_scoped3A : memref<!tpu.dma_semaphore, #tpu.memory_space<semaphore_mem>>)
      %dma_start3A_48 = arith.constant 0 : i32
      %dma_start3A_49 = tpu.memref_slice %empty_ref3A_0[%dma_start3A_48] : memref<16xi32, #tpu.memory_space<vmem>> -> memref<1xi32, #tpu.memory_space<vmem>>
      %dma_start3A_50 = arith.constant 0 : i32
      %dma_start3A_51 = tpu.memref_slice %empty_ref3A_0[%dma_start3A_50] : memref<16xi32, #tpu.memory_space<vmem>> -> memref<1xi32, #tpu.memory_space<vmem>>
      tpu.enqueue_dma source(%arg6 : memref<1xi32, #tpu.memory_space<hbm>>) target(%dma_start3A_51 : memref<1xi32, #tpu.memory_space<vmem>>) target_semaphore(%run_scoped3A : memref<!tpu.dma_semaphore, #tpu.memory_space<semaphore_mem>>)
      %dma_wait3A = arith.constant 0 : i32
      %dma_wait3A_52 = tpu.memref_slice %empty_ref3A[%dma_wait3A] : memref<16xi32, #tpu.memory_space<vmem>> -> memref<1xi32, #tpu.memory_space<vmem>>
      %dma_wait3A_53 = arith.constant 0 : i32
      %dma_wait3A_54 = tpu.memref_slice %empty_ref3A[%dma_wait3A_53] : memref<16xi32, #tpu.memory_space<vmem>> -> memref<1xi32, #tpu.memory_space<vmem>>
      tpu.wait_dma2 semaphore(%run_scoped3A : memref<!tpu.dma_semaphore, #tpu.memory_space<semaphore_mem>>) src(%arg5 : memref<1xi32, #tpu.memory_space<hbm>>) dst(%dma_wait3A_54 : memref<1xi32, #tpu.memory_space<vmem>>)
      %dma_wait3A_55 = arith.constant 0 : i32
      %dma_wait3A_56 = tpu.memref_slice %empty_ref3A_0[%dma_wait3A_55] : memref<16xi32, #tpu.memory_space<vmem>> -> memref<1xi32, #tpu.memory_space<vmem>>
      %dma_wait3A_57 = arith.constant 0 : i32
      %dma_wait3A_58 = tpu.memref_slice %empty_ref3A_0[%dma_wait3A_57] : memref<16xi32, #tpu.memory_space<vmem>> -> memref<1xi32, #tpu.memory_space<vmem>>
      tpu.wait_dma2 semaphore(%run_scoped3A : memref<!tpu.dma_semaphore, #tpu.memory_space<semaphore_mem>>) src(%arg6 : memref<1xi32, #tpu.memory_space<hbm>>) dst(%dma_wait3A_58 : memref<1xi32, #tpu.memory_space<vmem>>)
      tpu.yield
    }) : () -> ()
    %get3A = arith.constant 0 : index
    %get3A_1 = tpu.vector_load %empty_ref3A[%get3A] {strides = array<i32>} : memref<16xi32, #tpu.memory_space<vmem>>, vector<16xi32>,
    %slice3A = vector.extract_strided_slice %get3A_1 {offsets = [0], sizes = [1], strides = [1]} : vector<16xi32> to vector<1xi32>
    %squeeze3A = vector.extract %slice3A[0] : i32 from vector<1xi32>
    %get3A_2 = arith.constant 0 : index
    %get3A_3 = tpu.vector_load %empty_ref3A_0[%get3A_2] {strides = array<i32>} : memref<16xi32, #tpu.memory_space<vmem>>, vector<16xi32>,
    %slice3A_4 = vector.extract_strided_slice %get3A_3 {offsets = [0], sizes = [1], strides = [1]} : vector<16xi32> to vector<1xi32>
    %squeeze3A_5 = vector.extract %slice3A_4[0] : i32 from vector<1xi32>
    %mul3A = arith.constant 2 : i32
    %mul3A_6 = arith.muli %arg1, %mul3A : i32
    %add3A = arith.addi %mul3A_6, %arg0 : i32
    %mul3A_7 = arith.constant 2 : i32
    %mul3A_8 = arith.muli %add3A, %mul3A_7 : i32
    "tpu.region"() ({
      %run_scoped3A = tpu.sem_alloc : memref<!tpu.dma_semaphore, #tpu.memory_space<semaphore_mem>>
      %dma_start3A_44 = arith.constant 0 : i32
      %dma_start3A_45 = tpu.memref_slice %arg2[%mul3A_8, %dma_start3A_44] : memref<64x10000xi32, #tpu.memory_space<hbm>> -> memref<2x10000xi32, #tpu.memory_space<hbm>>
      %dma_start3A_46 = arith.constant 0 : i32
      %dma_start3A_47 = tpu.memref_slice %arg2[%mul3A_8, %dma_start3A_46] : memref<64x10000xi32, #tpu.memory_space<hbm>> -> memref<2x10000xi32, #tpu.memory_space<hbm>>
      tpu.enqueue_dma source(%dma_start3A_47 : memref<2x10000xi32, #tpu.memory_space<hbm>>) target(%arg8 : memref<2x10000xi32, #tpu.memory_space<vmem>>) target_semaphore(%run_scoped3A : memref<!tpu.dma_semaphore, #tpu.memory_space<semaphore_mem>>)
      %dma_wait3A = arith.constant 0 : i32
      %dma_wait3A_48 = tpu.memref_slice %arg2[%mul3A_8, %dma_wait3A] : memref<64x10000xi32, #tpu.memory_space<hbm>> -> memref<2x10000xi32, #tpu.memory_space<hbm>>
      %dma_wait3A_49 = arith.constant 0 : i32
      %dma_wait3A_50 = tpu.memref_slice %arg2[%mul3A_8, %dma_wait3A_49] : memref<64x10000xi32, #tpu.memory_space<hbm>> -> memref<2x10000xi32, #tpu.memory_space<hbm>>
      tpu.wait_dma2 semaphore(%run_scoped3A : memref<!tpu.dma_semaphore, #tpu.memory_space<semaphore_mem>>) src(%dma_wait3A_50 : memref<2x10000xi32, #tpu.memory_space<hbm>>) dst(%arg8 : memref<2x10000xi32, #tpu.memory_space<vmem>>)
      tpu.yield
    }) : () -> ()
    %broadcast_in_dim3A = arith.constant 0.000000e+00 : f32
    %broadcast_in_dim3A_9 = vector.broadcast %broadcast_in_dim3A : f32 to vector<16xf32>
    %scan3A = arith.constant 0 : i32
    %scan3A_10 = arith.constant 0 : i32
    %scan3A_11 = arith.constant 625 : i32
    %scan3A_12 = arith.addi %scan3A_10, %scan3A_11 : i32
    %scan3A_13 = arith.constant 1 : i32
    scf.for %scan3A_44 = %scan3A_10 to %scan3A_12 step %scan3A_13  : i32 {
      %mul3A_45 = arith.constant 16 : i32
      %mul3A_46 = arith.muli %scan3A_44, %mul3A_45 : i32
      %swap3A = arith.constant 0 : i32
      %swap3A_47 = arith.index_cast %swap3A : i32 to index
      %swap3A_48 = arith.index_cast %mul3A_46 : i32 to index
      %swap3A_49 = tpu.vector_load %arg9[%swap3A_47, %swap3A_48] {strides = array<i32>} : memref<4x10000xf32, #tpu.memory_space<vmem>>, vector<16xf32>,
      tpu.vector_store %arg9[%swap3A_47, %swap3A_48], %broadcast_in_dim3A_9 {strides = array<i32>} : memref<4x10000xf32, #tpu.memory_space<vmem>>, vector<16xf32>,
      %mul3A_50 = arith.constant 16 : i32
      %mul3A_51 = arith.muli %scan3A_44, %mul3A_50 : i32
      %swap3A_52 = arith.constant 1 : i32
      %swap3A_53 = arith.index_cast %swap3A_52 : i32 to index
      %swap3A_54 = arith.index_cast %mul3A_51 : i32 to index
      %swap3A_55 = tpu.vector_load %arg9[%swap3A_53, %swap3A_54] {strides = array<i32>} : memref<4x10000xf32, #tpu.memory_space<vmem>>, vector<16xf32>,
      tpu.vector_store %arg9[%swap3A_53, %swap3A_54], %broadcast_in_dim3A_9 {strides = array<i32>} : memref<4x10000xf32, #tpu.memory_space<vmem>>, vector<16xf32>,
      %mul3A_56 = arith.constant 16 : i32
      %mul3A_57 = arith.muli %scan3A_44, %mul3A_56 : i32
      %swap3A_58 = arith.constant 2 : i32
      %swap3A_59 = arith.index_cast %swap3A_58 : i32 to index
      %swap3A_60 = arith.index_cast %mul3A_57 : i32 to index
      %swap3A_61 = tpu.vector_load %arg9[%swap3A_59, %swap3A_60] {strides = array<i32>} : memref<4x10000xf32, #tpu.memory_space<vmem>>, vector<16xf32>,
      tpu.vector_store %arg9[%swap3A_59, %swap3A_60], %broadcast_in_dim3A_9 {strides = array<i32>} : memref<4x10000xf32, #tpu.memory_space<vmem>>, vector<16xf32>,
      %mul3A_62 = arith.constant 16 : i32
      %mul3A_63 = arith.muli %scan3A_44, %mul3A_62 : i32
      %swap3A_64 = arith.constant 3 : i32
      %swap3A_65 = arith.index_cast %swap3A_64 : i32 to index
      %swap3A_66 = arith.index_cast %mul3A_63 : i32 to index
      %swap3A_67 = tpu.vector_load %arg9[%swap3A_65, %swap3A_66] {strides = array<i32>} : memref<4x10000xf32, #tpu.memory_space<vmem>>, vector<16xf32>,
      tpu.vector_store %arg9[%swap3A_65, %swap3A_66], %broadcast_in_dim3A_9 {strides = array<i32>} : memref<4x10000xf32, #tpu.memory_space<vmem>>, vector<16xf32>,
    }
    %scan3A_14 = arith.constant 625 : i32
    %dma_start3A = arith.constant 0 : i32
    %dma_start3A_15 = arith.constant 0 : i32
    %dma_start3A_16 = tpu.memref_slice %arg3[%dma_start3A, %dma_start3A_15] : memref<2500x128xi32, #tpu.memory_space<hbm>> -> memref<40x128xi32, #tpu.memory_space<hbm>>
    %dma_start3A_17 = arith.constant 0 : i32
    %dma_start3A_18 = arith.constant 0 : i32
    %dma_start3A_19 = tpu.memref_slice %arg3[%dma_start3A_17, %dma_start3A_18] : memref<2500x128xi32, #tpu.memory_space<hbm>> -> memref<40x128xi32, #tpu.memory_space<hbm>>
    tpu.enqueue_dma source(%dma_start3A_19 : memref<40x128xi32, #tpu.memory_space<hbm>>) target(%arg10 : memref<40x128xi32, #tpu.memory_space<vmem>>) target_semaphore(%arg14 : memref<!tpu.dma_semaphore, #tpu.memory_space<semaphore_mem>>)
    %dma_start3A_20 = arith.constant 0 : i32
    %dma_start3A_21 = tpu.memref_slice %arg4[%dma_start3A_20] : memref<320000xf32, #tpu.memory_space<hbm>> -> memref<5120xf32, #tpu.memory_space<hbm>>
    %dma_start3A_22 = arith.constant 0 : i32
    %dma_start3A_23 = tpu.memref_slice %arg4[%dma_start3A_22] : memref<320000xf32, #tpu.memory_space<hbm>> -> memref<5120xf32, #tpu.memory_space<hbm>>
    tpu.enqueue_dma source(%dma_start3A_23 : memref<5120xf32, #tpu.memory_space<hbm>>) target(%arg11 : memref<5120xf32, #tpu.memory_space<vmem>>) target_semaphore(%arg14 : memref<!tpu.dma_semaphore, #tpu.memory_space<semaphore_mem>>)
    %dma_start3A_24 = arith.constant 40 : i32
    %dma_start3A_25 = arith.constant 0 : i32
    %dma_start3A_26 = tpu.memref_slice %arg3[%dma_start3A_24, %dma_start3A_25] : memref<2500x128xi32, #tpu.memory_space<hbm>> -> memref<40x128xi32, #tpu.memory_space<hbm>>
    %dma_start3A_27 = arith.constant 40 : i32
    %dma_start3A_28 = arith.constant 0 : i32
    %dma_start3A_29 = tpu.memref_slice %arg3[%dma_start3A_27, %dma_start3A_28] : memref<2500x128xi32, #tpu.memory_space<hbm>> -> memref<40x128xi32, #tpu.memory_space<hbm>>
    tpu.enqueue_dma source(%dma_start3A_29 : memref<40x128xi32, #tpu.memory_space<hbm>>) target(%arg12 : memref<40x128xi32, #tpu.memory_space<vmem>>) target_semaphore(%arg15 : memref<!tpu.dma_semaphore, #tpu.memory_space<semaphore_mem>>)
    %dma_start3A_30 = arith.constant 5120 : i32
    %dma_start3A_31 = tpu.memref_slice %arg4[%dma_start3A_30] : memref<320000xf32, #tpu.memory_space<hbm>> -> memref<5120xf32, #tpu.memory_space<hbm>>
    %dma_start3A_32 = arith.constant 5120 : i32
    %dma_start3A_33 = tpu.memref_slice %arg4[%dma_start3A_32] : memref<320000xf32, #tpu.memory_space<hbm>> -> memref<5120xf32, #tpu.memory_space<hbm>>
    tpu.enqueue_dma source(%dma_start3A_33 : memref<5120xf32, #tpu.memory_space<hbm>>) target(%arg13 : memref<5120xf32, #tpu.memory_space<vmem>>) target_semaphore(%arg15 : memref<!tpu.dma_semaphore, #tpu.memory_space<semaphore_mem>>)
    %scan3A_34 = arith.constant 0 : i32
    %scan3A_35 = arith.constant 0 : i32
    %scan3A_36 = arith.constant 31 : i32
    %scan3A_37 = arith.addi %scan3A_35, %scan3A_36 : i32
    %scan3A_38 = arith.constant 1 : i32
    scf.for %scan3A_44 = %scan3A_35 to %scan3A_37 step %scan3A_38  : i32 {
      %mul3A_45 = arith.constant 2 : i32
      %mul3A_46 = arith.muli %scan3A_44, %mul3A_45 : i32
      %dma_wait3A = arith.constant 0 : i32
      %dma_wait3A_47 = arith.constant 0 : i32
      %dma_wait3A_48 = tpu.memref_slice %arg3[%dma_wait3A, %dma_wait3A_47] : memref<2500x128xi32, #tpu.memory_space<hbm>> -> memref<40x128xi32, #tpu.memory_space<hbm>>
      %dma_wait3A_49 = arith.constant 0 : i32
      %dma_wait3A_50 = arith.constant 0 : i32
      %dma_wait3A_51 = tpu.memref_slice %arg3[%dma_wait3A_49, %dma_wait3A_50] : memref<2500x128xi32, #tpu.memory_space<hbm>> -> memref<40x128xi32, #tpu.memory_space<hbm>>
      tpu.wait_dma2 semaphore(%arg14 : memref<!tpu.dma_semaphore, #tpu.memory_space<semaphore_mem>>) src(%dma_wait3A_51 : memref<40x128xi32, #tpu.memory_space<hbm>>) dst(%arg10 : memref<40x128xi32, #tpu.memory_space<vmem>>)
      %dma_wait3A_52 = arith.constant 0 : i32
      %dma_wait3A_53 = tpu.memref_slice %arg4[%dma_wait3A_52] : memref<320000xf32, #tpu.memory_space<hbm>> -> memref<5120xf32, #tpu.memory_space<hbm>>
      %dma_wait3A_54 = arith.constant 0 : i32
      %dma_wait3A_55 = tpu.memref_slice %arg4[%dma_wait3A_54] : memref<320000xf32, #tpu.memory_space<hbm>> -> memref<5120xf32, #tpu.memory_space<hbm>>
      tpu.wait_dma2 semaphore(%arg14 : memref<!tpu.dma_semaphore, #tpu.memory_space<semaphore_mem>>) src(%dma_wait3A_55 : memref<5120xf32, #tpu.memory_space<hbm>>) dst(%arg11 : memref<5120xf32, #tpu.memory_space<vmem>>)
      %parallel_loop3A_56 = arith.constant 0 : i32
      %parallel_loop3A_57 = arith.constant 40 : i32
      %parallel_loop3A_58 = arith.constant 1 : i32
      scf.for %parallel_loop3A_79 = %parallel_loop3A_56 to %parallel_loop3A_57 step %parallel_loop3A_58  : i32 {
        %parallel_loop3A_80 = arith.index_cast %parallel_loop3A_79 : i32 to index
        %parallel_loop3A_81 = arith.constant 0 : index
        %parallel_loop3A_82 = tpu.vector_load %arg10[%parallel_loop3A_80, %parallel_loop3A_81] {strides = array<i32>} : memref<40x128xi32, #tpu.memory_space<vmem>>, vector<16xi32>,
        %parallel_loop3A_83 = vector.broadcast %squeeze3A : i32 to vector<16xi32>
        %parallel_loop3A_84 = arith.andi %parallel_loop3A_82, %parallel_loop3A_83 : vector<16xi32>
        %parallel_loop3A_85 = arith.constant 14 : i32
        %parallel_loop3A_86 = vector.broadcast %parallel_loop3A_85 : i32 to vector<16xi32>
        %parallel_loop3A_87 = arith.shrui %parallel_loop3A_82, %parallel_loop3A_86 : vector<16xi32>
        %parallel_loop3A_88 = arith.constant 128 : i32
        %parallel_loop3A_89 = arith.muli %parallel_loop3A_79, %parallel_loop3A_88 : i32
        %parallel_loop3A_90 = arith.constant 0 : i32
        %parallel_loop3A_91 = arith.addi %parallel_loop3A_89, %parallel_loop3A_90 : i32
        %parallel_loop3A_92 = arith.index_cast %parallel_loop3A_91 : i32 to index
        %parallel_loop3A_93 = tpu.vector_load %arg11[%parallel_loop3A_92] {strides = array<i32>} : memref<5120xf32, #tpu.memory_space<vmem>>, vector<16xf32>,
        %parallel_loop3A_94 = arith.constant 0 : i32
        %parallel_loop3A_95 = vector.broadcast %parallel_loop3A_94 : i32 to vector<16xi32>
        %parallel_loop3A_96 = tpu.vector_load_idx %arg8[%parallel_loop3A_95, %parallel_loop3A_84] : memref<2x10000xi32, #tpu.memory_space<vmem>>[vector<16xi32>, vector<16xi32>], vector<16xi32>,
        %parallel_loop3A_97 = arith.constant 16 : i32
        %parallel_loop3A_98 = vector.broadcast %parallel_loop3A_97 : i32 to vector<16xi32>
        %parallel_loop3A_99 = arith.shli %parallel_loop3A_96, %parallel_loop3A_98 : vector<16xi32>
        %parallel_loop3A_100 = vector.bitcast %parallel_loop3A_99 : vector<16xi32> to vector<16xf32>
        %parallel_loop3A_101 = vector.broadcast %squeeze3A_5 : i32 to vector<16xi32>
        %parallel_loop3A_102 = arith.andi %parallel_loop3A_96, %parallel_loop3A_101 : vector<16xi32>
        %parallel_loop3A_103 = vector.bitcast %parallel_loop3A_102 : vector<16xi32> to vector<16xf32>
        %parallel_loop3A_104 = arith.constant 0 : i32
        %parallel_loop3A_105 = vector.broadcast %parallel_loop3A_104 : i32 to vector<16xi32>
        %parallel_loop3A_106 = arith.constant 1 : i32
        %parallel_loop3A_107 = vector.broadcast %parallel_loop3A_106 : i32 to vector<16xi32>
        %parallel_loop3A_108 = arith.mulf %parallel_loop3A_100, %parallel_loop3A_93 : vector<16xf32>
        tpu.vector_store_idx %arg9[%parallel_loop3A_105, %parallel_loop3A_87], %parallel_loop3A_108 {add = true} : memref<4x10000xf32, #tpu.memory_space<vmem>>[vector<16xi32>, vector<16xi32>], vector<16xf32>,
        %parallel_loop3A_109 = arith.mulf %parallel_loop3A_103, %parallel_loop3A_93 : vector<16xf32>
        tpu.vector_store_idx %arg9[%parallel_loop3A_107, %parallel_loop3A_87], %parallel_loop3A_109 {add = true} : memref<4x10000xf32, #tpu.memory_space<vmem>>[vector<16xi32>, vector<16xi32>], vector<16xf32>,
        %parallel_loop3A_110 = arith.constant 1 : i32
        %parallel_loop3A_111 = vector.broadcast %parallel_loop3A_110 : i32 to vector<16xi32>
        %parallel_loop3A_112 = tpu.vector_load_idx %arg8[%parallel_loop3A_111, %parallel_loop3A_84] : memref<2x10000xi32, #tpu.memory_space<vmem>>[vector<16xi32>, vector<16xi32>], vector<16xi32>,
        %parallel_loop3A_113 = arith.constant 16 : i32
        %parallel_loop3A_114 = vector.broadcast %parallel_loop3A_113 : i32 to vector<16xi32>
        %parallel_loop3A_115 = arith.shli %parallel_loop3A_112, %parallel_loop3A_114 : vector<16xi32>
        %parallel_loop3A_116 = vector.bitcast %parallel_loop3A_115 : vector<16xi32> to vector<16xf32>
        %parallel_loop3A_117 = vector.broadcast %squeeze3A_5 : i32 to vector<16xi32>
        %parallel_loop3A_118 = arith.andi %parallel_loop3A_112, %parallel_loop3A_117 : vector<16xi32>
        %parallel_loop3A_119 = vector.bitcast %parallel_loop3A_118 : vector<16xi32> to vector<16xf32>
        %parallel_loop3A_120 = arith.constant 2 : i32
        %parallel_loop3A_121 = vector.broadcast %parallel_loop3A_120 : i32 to vector<16xi32>
        %parallel_loop3A_122 = arith.constant 3 : i32
        %parallel_loop3A_123 = vector.broadcast %parallel_loop3A_122 : i32 to vector<16xi32>
        %parallel_loop3A_124 = arith.mulf %parallel_loop3A_116, %parallel_loop3A_93 : vector<16xf32>
        tpu.vector_store_idx %arg9[%parallel_loop3A_121, %parallel_loop3A_87], %parallel_loop3A_124 {add = true} : memref<4x10000xf32, #tpu.memory_space<vmem>>[vector<16xi32>, vector<16xi32>], vector<16xf32>,
        %parallel_loop3A_125 = arith.mulf %parallel_loop3A_119, %parallel_loop3A_93 : vector<16xf32>
        tpu.vector_store_idx %arg9[%parallel_loop3A_123, %parallel_loop3A_87], %parallel_loop3A_125 {add = true} : memref<4x10000xf32, #tpu.memory_space<vmem>>[vector<16xi32>, vector<16xi32>], vector<16xf32>,
        %parallel_loop3A_126 = arith.index_cast %parallel_loop3A_79 : i32 to index
        %parallel_loop3A_127 = arith.constant 16 : index
        %parallel_loop3A_128 = tpu.vector_load %arg10[%parallel_loop3A_126, %parallel_loop3A_127] {strides = array<i32>} : memref<40x128xi32, #tpu.memory_space<vmem>>, vector<16xi32>,
        %parallel_loop3A_129 = vector.broadcast %squeeze3A : i32 to vector<16xi32>
        %parallel_loop3A_130 = arith.andi %parallel_loop3A_128, %parallel_loop3A_129 : vector<16xi32>
        %parallel_loop3A_131 = arith.constant 14 : i32
        %parallel_loop3A_132 = vector.broadcast %parallel_loop3A_131 : i32 to vector<16xi32>
        %parallel_loop3A_133 = arith.shrui %parallel_loop3A_128, %parallel_loop3A_132 : vector<16xi32>
        %parallel_loop3A_134 = arith.constant 128 : i32
        %parallel_loop3A_135 = arith.muli %parallel_loop3A_79, %parallel_loop3A_134 : i32
        %parallel_loop3A_136 = arith.constant 16 : i32
        %parallel_loop3A_137 = arith.addi %parallel_loop3A_135, %parallel_loop3A_136 : i32
        %parallel_loop3A_138 = arith.index_cast %parallel_loop3A_137 : i32 to index
        %parallel_loop3A_139 = tpu.vector_load %arg11[%parallel_loop3A_138] {strides = array<i32>} : memref<5120xf32, #tpu.memory_space<vmem>>, vector<16xf32>,
        %parallel_loop3A_140 = arith.constant 0 : i32
        %parallel_loop3A_141 = vector.broadcast %parallel_loop3A_140 : i32 to vector<16xi32>
        %parallel_loop3A_142 = tpu.vector_load_idx %arg8[%parallel_loop3A_141, %parallel_loop3A_130] : memref<2x10000xi32, #tpu.memory_space<vmem>>[vector<16xi32>, vector<16xi32>], vector<16xi32>,
        %parallel_loop3A_143 = arith.constant 16 : i32
        %parallel_loop3A_144 = vector.broadcast %parallel_loop3A_143 : i32 to vector<16xi32>
        %parallel_loop3A_145 = arith.shli %parallel_loop3A_142, %parallel_loop3A_144 : vector<16xi32>
        %parallel_loop3A_146 = vector.bitcast %parallel_loop3A_145 : vector<16xi32> to vector<16xf32>
        %parallel_loop3A_147 = vector.broadcast %squeeze3A_5 : i32 to vector<16xi32>
        %parallel_loop3A_148 = arith.andi %parallel_loop3A_142, %parallel_loop3A_147 : vector<16xi32>
        %parallel_loop3A_149 = vector.bitcast %parallel_loop3A_148 : vector<16xi32> to vector<16xf32>
        %parallel_loop3A_150 = arith.constant 0 : i32
        %parallel_loop3A_151 = vector.broadcast %parallel_loop3A_150 : i32 to vector<16xi32>
        %parallel_loop3A_152 = arith.constant 1 : i32
        %parallel_loop3A_153 = vector.broadcast %parallel_loop3A_152 : i32 to vector<16xi32>
        %parallel_loop3A_154 = arith.mulf %parallel_loop3A_146, %parallel_loop3A_139 : vector<16xf32>
        tpu.vector_store_idx %arg9[%parallel_loop3A_151, %parallel_loop3A_133], %parallel_loop3A_154 {add = true} : memref<4x10000xf32, #tpu.memory_space<vmem>>[vector<16xi32>, vector<16xi32>], vector<16xf32>,
        %parallel_loop3A_155 = arith.mulf %parallel_loop3A_149, %parallel_loop3A_139 : vector<16xf32>
        tpu.vector_store_idx %arg9[%parallel_loop3A_153, %parallel_loop3A_133], %parallel_loop3A_155 {add = true} : memref<4x10000xf32, #tpu.memory_space<vmem>>[vector<16xi32>, vector<16xi32>], vector<16xf32>,
        %parallel_loop3A_156 = arith.constant 1 : i32
        %parallel_loop3A_157 = vector.broadcast %parallel_loop3A_156 : i32 to vector<16xi32>
        %parallel_loop3A_158 = tpu.vector_load_idx %arg8[%parallel_loop3A_157, %parallel_loop3A_130] : memref<2x10000xi32, #tpu.memory_space<vmem>>[vector<16xi32>, vector<16xi32>], vector<16xi32>,
        %parallel_loop3A_159 = arith.constant 16 : i32
        %parallel_loop3A_160 = vector.broadcast %parallel_loop3A_159 : i32 to vector<16xi32>
        %parallel_loop3A_161 = arith.shli %parallel_loop3A_158, %parallel_loop3A_160 : vector<16xi32>
        %parallel_loop3A_162 = vector.bitcast %parallel_loop3A_161 : vector<16xi32> to vector<16xf32>
        %parallel_loop3A_163 = vector.broadcast %squeeze3A_5 : i32 to vector<16xi32>
        %parallel_loop3A_164 = arith.andi %parallel_loop3A_158, %parallel_loop3A_163 : vector<16xi32>
        %parallel_loop3A_165 = vector.bitcast %parallel_loop3A_164 : vector<16xi32> to vector<16xf32>
        %parallel_loop3A_166 = arith.constant 2 : i32
        %parallel_loop3A_167 = vector.broadcast %parallel_loop3A_166 : i32 to vector<16xi32>
        %parallel_loop3A_168 = arith.constant 3 : i32
        %parallel_loop3A_169 = vector.broadcast %parallel_loop3A_168 : i32 to vector<16xi32>
        %parallel_loop3A_170 = arith.mulf %parallel_loop3A_162, %parallel_loop3A_139 : vector<16xf32>
        tpu.vector_store_idx %arg9[%parallel_loop3A_167, %parallel_loop3A_133], %parallel_loop3A_170 {add = true} : memref<4x10000xf32, #tpu.memory_space<vmem>>[vector<16xi32>, vector<16xi32>], vector<16xf32>,
        %parallel_loop3A_171 = arith.mulf %parallel_loop3A_165, %parallel_loop3A_139 : vector<16xf32>
        tpu.vector_store_idx %arg9[%parallel_loop3A_169, %parallel_loop3A_133], %parallel_loop3A_171 {add = true} : memref<4x10000xf32, #tpu.memory_space<vmem>>[vector<16xi32>, vector<16xi32>], vector<16xf32>,
        %parallel_loop3A_172 = arith.index_cast %parallel_loop3A_79 : i32 to index
        %parallel_loop3A_173 = arith.constant 32 : index
        %parallel_loop3A_174 = tpu.vector_load %arg10[%parallel_loop3A_172, %parallel_loop3A_173] {strides = array<i32>} : memref<40x128xi32, #tpu.memory_space<vmem>>, vector<16xi32>,
        %parallel_loop3A_175 = vector.broadcast %squeeze3A : i32 to vector<16xi32>
        %parallel_loop3A_176 = arith.andi %parallel_loop3A_174, %parallel_loop3A_175 : vector<16xi32>
        %parallel_loop3A_177 = arith.constant 14 : i32
        %parallel_loop3A_178 = vector.broadcast %parallel_loop3A_177 : i32 to vector<16xi32>
        %parallel_loop3A_179 = arith.shrui %parallel_loop3A_174, %parallel_loop3A_178 : vector<16xi32>
        %parallel_loop3A_180 = arith.constant 128 : i32
        %parallel_loop3A_181 = arith.muli %parallel_loop3A_79, %parallel_loop3A_180 : i32
        %parallel_loop3A_182 = arith.constant 32 : i32
        %parallel_loop3A_183 = arith.addi %parallel_loop3A_181, %parallel_loop3A_182 : i32
        %parallel_loop3A_184 = arith.index_cast %parallel_loop3A_183 : i32 to index
        %parallel_loop3A_185 = tpu.vector_load %arg11[%parallel_loop3A_184] {strides = array<i32>} : memref<5120xf32, #tpu.memory_space<vmem>>, vector<16xf32>,
        %parallel_loop3A_186 = arith.constant 0 : i32
        %parallel_loop3A_187 = vector.broadcast %parallel_loop3A_186 : i32 to vector<16xi32>
        %parallel_loop3A_188 = tpu.vector_load_idx %arg8[%parallel_loop3A_187, %parallel_loop3A_176] : memref<2x10000xi32, #tpu.memory_space<vmem>>[vector<16xi32>, vector<16xi32>], vector<16xi32>,
        %parallel_loop3A_189 = arith.constant 16 : i32
        %parallel_loop3A_190 = vector.broadcast %parallel_loop3A_189 : i32 to vector<16xi32>
        %parallel_loop3A_191 = arith.shli %parallel_loop3A_188, %parallel_loop3A_190 : vector<16xi32>
        %parallel_loop3A_192 = vector.bitcast %parallel_loop3A_191 : vector<16xi32> to vector<16xf32>
        %parallel_loop3A_193 = vector.broadcast %squeeze3A_5 : i32 to vector<16xi32>
        %parallel_loop3A_194 = arith.andi %parallel_loop3A_188, %parallel_loop3A_193 : vector<16xi32>
        %parallel_loop3A_195 = vector.bitcast %parallel_loop3A_194 : vector<16xi32> to vector<16xf32>
        %parallel_loop3A_196 = arith.constant 0 : i32
        %parallel_loop3A_197 = vector.broadcast %parallel_loop3A_196 : i32 to vector<16xi32>
        %parallel_loop3A_198 = arith.constant 1 : i32
        %parallel_loop3A_199 = vector.broadcast %parallel_loop3A_198 : i32 to vector<16xi32>
        %parallel_loop3A_200 = arith.mulf %parallel_loop3A_192, %parallel_loop3A_185 : vector<16xf32>
        tpu.vector_store_idx %arg9[%parallel_loop3A_197, %parallel_loop3A_179], %parallel_loop3A_200 {add = true} : memref<4x10000xf32, #tpu.memory_space<vmem>>[vector<16xi32>, vector<16xi32>], vector<16xf32>,
        %parallel_loop3A_201 = arith.mulf %parallel_loop3A_195, %parallel_loop3A_185 : vector<16xf32>
        tpu.vector_store_idx %arg9[%parallel_loop3A_199, %parallel_loop3A_179], %parallel_loop3A_201 {add = true} : memref<4x10000xf32, #tpu.memory_space<vmem>>[vector<16xi32>, vector<16xi32>], vector<16xf32>,
        %parallel_loop3A_202 = arith.constant 1 : i32
        %parallel_loop3A_203 = vector.broadcast %parallel_loop3A_202 : i32 to vector<16xi32>
        %parallel_loop3A_204 = tpu.vector_load_idx %arg8[%parallel_loop3A_203, %parallel_loop3A_176] : memref<2x10000xi32, #tpu.memory_space<vmem>>[vector<16xi32>, vector<16xi32>], vector<16xi32>,
        %parallel_loop3A_205 = arith.constant 16 : i32
        %parallel_loop3A_206 = vector.broadcast %parallel_loop3A_205 : i32 to vector<16xi32>
        %parallel_loop3A_207 = arith.shli %parallel_loop3A_204, %parallel_loop3A_206 : vector<16xi32>
        %parallel_loop3A_208 = vector.bitcast %parallel_loop3A_207 : vector<16xi32> to vector<16xf32>
        %parallel_loop3A_209 = vector.broadcast %squeeze3A_5 : i32 to vector<16xi32>
        %parallel_loop3A_210 = arith.andi %parallel_loop3A_204, %parallel_loop3A_209 : vector<16xi32>
        %parallel_loop3A_211 = vector.bitcast %parallel_loop3A_210 : vector<16xi32> to vector<16xf32>
        %parallel_loop3A_212 = arith.constant 2 : i32
        %parallel_loop3A_213 = vector.broadcast %parallel_loop3A_212 : i32 to vector<16xi32>
        %parallel_loop3A_214 = arith.constant 3 : i32
        %parallel_loop3A_215 = vector.broadcast %parallel_loop3A_214 : i32 to vector<16xi32>
        %parallel_loop3A_216 = arith.mulf %parallel_loop3A_208, %parallel_loop3A_185 : vector<16xf32>
        tpu.vector_store_idx %arg9[%parallel_loop3A_213, %parallel_loop3A_179], %parallel_loop3A_216 {add = true} : memref<4x10000xf32, #tpu.memory_space<vmem>>[vector<16xi32>, vector<16xi32>], vector<16xf32>,
        %parallel_loop3A_217 = arith.mulf %parallel_loop3A_211, %parallel_loop3A_185 : vector<16xf32>
        tpu.vector_store_idx %arg9[%parallel_loop3A_215, %parallel_loop3A_179], %parallel_loop3A_217 {add = true} : memref<4x10000xf32, #tpu.memory_space<vmem>>[vector<16xi32>, vector<16xi32>], vector<16xf32>,
        %parallel_loop3A_218 = arith.index_cast %parallel_loop3A_79 : i32 to index
        %parallel_loop3A_219 = arith.constant 48 : index
        %parallel_loop3A_220 = tpu.vector_load %arg10[%parallel_loop3A_218, %parallel_loop3A_219] {strides = array<i32>} : memref<40x128xi32, #tpu.memory_space<vmem>>, vector<16xi32>,
        %parallel_loop3A_221 = vector.broadcast %squeeze3A : i32 to vector<16xi32>
        %parallel_loop3A_222 = arith.andi %parallel_loop3A_220, %parallel_loop3A_221 : vector<16xi32>
        %parallel_loop3A_223 = arith.constant 14 : i32
        %parallel_loop3A_224 = vector.broadcast %parallel_loop3A_223 : i32 to vector<16xi32>
        %parallel_loop3A_225 = arith.shrui %parallel_loop3A_220, %parallel_loop3A_224 : vector<16xi32>
        %parallel_loop3A_226 = arith.constant 128 : i32
        %parallel_loop3A_227 = arith.muli %parallel_loop3A_79, %parallel_loop3A_226 : i32
        %parallel_loop3A_228 = arith.constant 48 : i32
        %parallel_loop3A_229 = arith.addi %parallel_loop3A_227, %parallel_loop3A_228 : i32
        %parallel_loop3A_230 = arith.index_cast %parallel_loop3A_229 : i32 to index
        %parallel_loop3A_231 = tpu.vector_load %arg11[%parallel_loop3A_230] {strides = array<i32>} : memref<5120xf32, #tpu.memory_space<vmem>>, vector<16xf32>,
        %parallel_loop3A_232 = arith.constant 0 : i32
        %parallel_loop3A_233 = vector.broadcast %parallel_loop3A_232 : i32 to vector<16xi32>
        %parallel_loop3A_234 = tpu.vector_load_idx %arg8[%parallel_loop3A_233, %parallel_loop3A_222] : memref<2x10000xi32, #tpu.memory_space<vmem>>[vector<16xi32>, vector<16xi32>], vector<16xi32>,
        %parallel_loop3A_235 = arith.constant 16 : i32
        %parallel_loop3A_236 = vector.broadcast %parallel_loop3A_235 : i32 to vector<16xi32>
        %parallel_loop3A_237 = arith.shli %parallel_loop3A_234, %parallel_loop3A_236 : vector<16xi32>
        %parallel_loop3A_238 = vector.bitcast %parallel_loop3A_237 : vector<16xi32> to vector<16xf32>
        %parallel_loop3A_239 = vector.broadcast %squeeze3A_5 : i32 to vector<16xi32>
        %parallel_loop3A_240 = arith.andi %parallel_loop3A_234, %parallel_loop3A_239 : vector<16xi32>
        %parallel_loop3A_241 = vector.bitcast %parallel_loop3A_240 : vector<16xi32> to vector<16xf32>
        %parallel_loop3A_242 = arith.constant 0 : i32
        %parallel_loop3A_243 = vector.broadcast %parallel_loop3A_242 : i32 to vector<16xi32>
        %parallel_loop3A_244 = arith.constant 1 : i32
        %parallel_loop3A_245 = vector.broadcast %parallel_loop3A_244 : i32 to vector<16xi32>
        %parallel_loop3A_246 = arith.mulf %parallel_loop3A_238, %parallel_loop3A_231 : vector<16xf32>
        tpu.vector_store_idx %arg9[%parallel_loop3A_243, %parallel_loop3A_225], %parallel_loop3A_246 {add = true} : memref<4x10000xf32, #tpu.memory_space<vmem>>[vector<16xi32>, vector<16xi32>], vector<16xf32>,
        %parallel_loop3A_247 = arith.mulf %parallel_loop3A_241, %parallel_loop3A_231 : vector<16xf32>
        tpu.vector_store_idx %arg9[%parallel_loop3A_245, %parallel_loop3A_225], %parallel_loop3A_247 {add = true} : memref<4x10000xf32, #tpu.memory_space<vmem>>[vector<16xi32>, vector<16xi32>], vector<16xf32>,
        %parallel_loop3A_248 = arith.constant 1 : i32
        %parallel_loop3A_249 = vector.broadcast %parallel_loop3A_248 : i32 to vector<16xi32>
        %parallel_loop3A_250 = tpu.vector_load_idx %arg8[%parallel_loop3A_249, %parallel_loop3A_222] : memref<2x10000xi32, #tpu.memory_space<vmem>>[vector<16xi32>, vector<16xi32>], vector<16xi32>,
        %parallel_loop3A_251 = arith.constant 16 : i32
        %parallel_loop3A_252 = vector.broadcast %parallel_loop3A_251 : i32 to vector<16xi32>
        %parallel_loop3A_253 = arith.shli %parallel_loop3A_250, %parallel_loop3A_252 : vector<16xi32>
        %parallel_loop3A_254 = vector.bitcast %parallel_loop3A_253 : vector<16xi32> to vector<16xf32>
        %parallel_loop3A_255 = vector.broadcast %squeeze3A_5 : i32 to vector<16xi32>
        %parallel_loop3A_256 = arith.andi %parallel_loop3A_250, %parallel_loop3A_255 : vector<16xi32>
        %parallel_loop3A_257 = vector.bitcast %parallel_loop3A_256 : vector<16xi32> to vector<16xf32>
        %parallel_loop3A_258 = arith.constant 2 : i32
        %parallel_loop3A_259 = vector.broadcast %parallel_loop3A_258 : i32 to vector<16xi32>
        %parallel_loop3A_260 = arith.constant 3 : i32
        %parallel_loop3A_261 = vector.broadcast %parallel_loop3A_260 : i32 to vector<16xi32>
        %parallel_loop3A_262 = arith.mulf %parallel_loop3A_254, %parallel_loop3A_231 : vector<16xf32>
        tpu.vector_store_idx %arg9[%parallel_loop3A_259, %parallel_loop3A_225], %parallel_loop3A_262 {add = true} : memref<4x10000xf32, #tpu.memory_space<vmem>>[vector<16xi32>, vector<16xi32>], vector<16xf32>,
        %parallel_loop3A_263 = arith.mulf %parallel_loop3A_257, %parallel_loop3A_231 : vector<16xf32>
        tpu.vector_store_idx %arg9[%parallel_loop3A_261, %parallel_loop3A_225], %parallel_loop3A_263 {add = true} : memref<4x10000xf32, #tpu.memory_space<vmem>>[vector<16xi32>, vector<16xi32>], vector<16xf32>,
        %parallel_loop3A_264 = arith.index_cast %parallel_loop3A_79 : i32 to index
        %parallel_loop3A_265 = arith.constant 64 : index
        %parallel_loop3A_266 = tpu.vector_load %arg10[%parallel_loop3A_264, %parallel_loop3A_265] {strides = array<i32>} : memref<40x128xi32, #tpu.memory_space<vmem>>, vector<16xi32>,
        %parallel_loop3A_267 = vector.broadcast %squeeze3A : i32 to vector<16xi32>
        %parallel_loop3A_268 = arith.andi %parallel_loop3A_266, %parallel_loop3A_267 : vector<16xi32>
        %parallel_loop3A_269 = arith.constant 14 : i32
        %parallel_loop3A_270 = vector.broadcast %parallel_loop3A_269 : i32 to vector<16xi32>
        %parallel_loop3A_271 = arith.shrui %parallel_loop3A_266, %parallel_loop3A_270 : vector<16xi32>
        %parallel_loop3A_272 = arith.constant 128 : i32
        %parallel_loop3A_273 = arith.muli %parallel_loop3A_79, %parallel_loop3A_272 : i32
        %parallel_loop3A_274 = arith.constant 64 : i32
        %parallel_loop3A_275 = arith.addi %parallel_loop3A_273, %parallel_loop3A_274 : i32
        %parallel_loop3A_276 = arith.index_cast %parallel_loop3A_275 : i32 to index
        %parallel_loop3A_277 = tpu.vector_load %arg11[%parallel_loop3A_276] {strides = array<i32>} : memref<5120xf32, #tpu.memory_space<vmem>>, vector<16xf32>,
        %parallel_loop3A_278 = arith.constant 0 : i32
        %parallel_loop3A_279 = vector.broadcast %parallel_loop3A_278 : i32 to vector<16xi32>
        %parallel_loop3A_280 = tpu.vector_load_idx %arg8[%parallel_loop3A_279, %parallel_loop3A_268] : memref<2x10000xi32, #tpu.memory_space<vmem>>[vector<16xi32>, vector<16xi32>], vector<16xi32>,
        %parallel_loop3A_281 = arith.constant 16 : i32
        %parallel_loop3A_282 = vector.broadcast %parallel_loop3A_281 : i32 to vector<16xi32>
        %parallel_loop3A_283 = arith.shli %parallel_loop3A_280, %parallel_loop3A_282 : vector<16xi32>
        %parallel_loop3A_284 = vector.bitcast %parallel_loop3A_283 : vector<16xi32> to vector<16xf32>
        %parallel_loop3A_285 = vector.broadcast %squeeze3A_5 : i32 to vector<16xi32>
        %parallel_loop3A_286 = arith.andi %parallel_loop3A_280, %parallel_loop3A_285 : vector<16xi32>
        %parallel_loop3A_287 = vector.bitcast %parallel_loop3A_286 : vector<16xi32> to vector<16xf32>
        %parallel_loop3A_288 = arith.constant 0 : i32
        %parallel_loop3A_289 = vector.broadcast %parallel_loop3A_288 : i32 to vector<16xi32>
        %parallel_loop3A_290 = arith.constant 1 : i32
        %parallel_loop3A_291 = vector.broadcast %parallel_loop3A_290 : i32 to vector<16xi32>
        %parallel_loop3A_292 = arith.mulf %parallel_loop3A_284, %parallel_loop3A_277 : vector<16xf32>
        tpu.vector_store_idx %arg9[%parallel_loop3A_289, %parallel_loop3A_271], %parallel_loop3A_292 {add = true} : memref<4x10000xf32, #tpu.memory_space<vmem>>[vector<16xi32>, vector<16xi32>], vector<16xf32>,
        %parallel_loop3A_293 = arith.mulf %parallel_loop3A_287, %parallel_loop3A_277 : vector<16xf32>
        tpu.vector_store_idx %arg9[%parallel_loop3A_291, %parallel_loop3A_271], %parallel_loop3A_293 {add = true} : memref<4x10000xf32, #tpu.memory_space<vmem>>[vector<16xi32>, vector<16xi32>], vector<16xf32>,
        %parallel_loop3A_294 = arith.constant 1 : i32
        %parallel_loop3A_295 = vector.broadcast %parallel_loop3A_294 : i32 to vector<16xi32>
        %parallel_loop3A_296 = tpu.vector_load_idx %arg8[%parallel_loop3A_295, %parallel_loop3A_268] : memref<2x10000xi32, #tpu.memory_space<vmem>>[vector<16xi32>, vector<16xi32>], vector<16xi32>,
        %parallel_loop3A_297 = arith.constant 16 : i32
        %parallel_loop3A_298 = vector.broadcast %parallel_loop3A_297 : i32 to vector<16xi32>
        %parallel_loop3A_299 = arith.shli %parallel_loop3A_296, %parallel_loop3A_298 : vector<16xi32>
        %parallel_loop3A_300 = vector.bitcast %parallel_loop3A_299 : vector<16xi32> to vector<16xf32>
        %parallel_loop3A_301 = vector.broadcast %squeeze3A_5 : i32 to vector<16xi32>
        %parallel_loop3A_302 = arith.andi %parallel_loop3A_296, %parallel_loop3A_301 : vector<16xi32>
        %parallel_loop3A_303 = vector.bitcast %parallel_loop3A_302 : vector<16xi32> to vector<16xf32>
        %parallel_loop3A_304 = arith.constant 2 : i32
        %parallel_loop3A_305 = vector.broadcast %parallel_loop3A_304 : i32 to vector<16xi32>
        %parallel_loop3A_306 = arith.constant 3 : i32
        %parallel_loop3A_307 = vector.broadcast %parallel_loop3A_306 : i32 to vector<16xi32>
        %parallel_loop3A_308 = arith.mulf %parallel_loop3A_300, %parallel_loop3A_277 : vector<16xf32>
        tpu.vector_store_idx %arg9[%parallel_loop3A_305, %parallel_loop3A_271], %parallel_loop3A_308 {add = true} : memref<4x10000xf32, #tpu.memory_space<vmem>>[vector<16xi32>, vector<16xi32>], vector<16xf32>,
        %parallel_loop3A_309 = arith.mulf %parallel_loop3A_303, %parallel_loop3A_277 : vector<16xf32>
        tpu.vector_store_idx %arg9[%parallel_loop3A_307, %parallel_loop3A_271], %parallel_loop3A_309 {add = true} : memref<4x10000xf32, #tpu.memory_space<vmem>>[vector<16xi32>, vector<16xi32>], vector<16xf32>,
        %parallel_loop3A_310 = arith.index_cast %parallel_loop3A_79 : i32 to index
        %parallel_loop3A_311 = arith.constant 80 : index
        %parallel_loop3A_312 = tpu.vector_load %arg10[%parallel_loop3A_310, %parallel_loop3A_311] {strides = array<i32>} : memref<40x128xi32, #tpu.memory_space<vmem>>, vector<16xi32>,
        %parallel_loop3A_313 = vector.broadcast %squeeze3A : i32 to vector<16xi32>
        %parallel_loop3A_314 = arith.andi %parallel_loop3A_312, %parallel_loop3A_313 : vector<16xi32>
        %parallel_loop3A_315 = arith.constant 14 : i32
        %parallel_loop3A_316 = vector.broadcast %parallel_loop3A_315 : i32 to vector<16xi32>
        %parallel_loop3A_317 = arith.shrui %parallel_loop3A_312, %parallel_loop3A_316 : vector<16xi32>
        %parallel_loop3A_318 = arith.constant 128 : i32
        %parallel_loop3A_319 = arith.muli %parallel_loop3A_79, %parallel_loop3A_318 : i32
        %parallel_loop3A_320 = arith.constant 80 : i32
        %parallel_loop3A_321 = arith.addi %parallel_loop3A_319, %parallel_loop3A_320 : i32
        %parallel_loop3A_322 = arith.index_cast %parallel_loop3A_321 : i32 to index
        %parallel_loop3A_323 = tpu.vector_load %arg11[%parallel_loop3A_322] {strides = array<i32>} : memref<5120xf32, #tpu.memory_space<vmem>>, vector<16xf32>,
        %parallel_loop3A_324 = arith.constant 0 : i32
        %parallel_loop3A_325 = vector.broadcast %parallel_loop3A_324 : i32 to vector<16xi32>
        %parallel_loop3A_326 = tpu.vector_load_idx %arg8[%parallel_loop3A_325, %parallel_loop3A_314] : memref<2x10000xi32, #tpu.memory_space<vmem>>[vector<16xi32>, vector<16xi32>], vector<16xi32>,
        %parallel_loop3A_327 = arith.constant 16 : i32
        %parallel_loop3A_328 = vector.broadcast %parallel_loop3A_327 : i32 to vector<16xi32>
        %parallel_loop3A_329 = arith.shli %parallel_loop3A_326, %parallel_loop3A_328 : vector<16xi32>
        %parallel_loop3A_330 = vector.bitcast %parallel_loop3A_329 : vector<16xi32> to vector<16xf32>
        %parallel_loop3A_331 = vector.broadcast %squeeze3A_5 : i32 to vector<16xi32>
        %parallel_loop3A_332 = arith.andi %parallel_loop3A_326, %parallel_loop3A_331 : vector<16xi32>
        %parallel_loop3A_333 = vector.bitcast %parallel_loop3A_332 : vector<16xi32> to vector<16xf32>
        %parallel_loop3A_334 = arith.constant 0 : i32
        %parallel_loop3A_335 = vector.broadcast %parallel_loop3A_334 : i32 to vector<16xi32>
        %parallel_loop3A_336 = arith.constant 1 : i32
        %parallel_loop3A_337 = vector.broadcast %parallel_loop3A_336 : i32 to vector<16xi32>
        %parallel_loop3A_338 = arith.mulf %parallel_loop3A_330, %parallel_loop3A_323 : vector<16xf32>
        tpu.vector_store_idx %arg9[%parallel_loop3A_335, %parallel_loop3A_317], %parallel_loop3A_338 {add = true} : memref<4x10000xf32, #tpu.memory_space<vmem>>[vector<16xi32>, vector<16xi32>], vector<16xf32>,
        %parallel_loop3A_339 = arith.mulf %parallel_loop3A_333, %parallel_loop3A_323 : vector<16xf32>
        tpu.vector_store_idx %arg9[%parallel_loop3A_337, %parallel_loop3A_317], %parallel_loop3A_339 {add = true} : memref<4x10000xf32, #tpu.memory_space<vmem>>[vector<16xi32>, vector<16xi32>], vector<16xf32>,
        %parallel_loop3A_340 = arith.constant 1 : i32
        %parallel_loop3A_341 = vector.broadcast %parallel_loop3A_340 : i32 to vector<16xi32>
        %parallel_loop3A_342 = tpu.vector_load_idx %arg8[%parallel_loop3A_341, %parallel_loop3A_314] : memref<2x10000xi32, #tpu.memory_space<vmem>>[vector<16xi32>, vector<16xi32>], vector<16xi32>,
        %parallel_loop3A_343 = arith.constant 16 : i32
        %parallel_loop3A_344 = vector.broadcast %parallel_loop3A_343 : i32 to vector<16xi32>
        %parallel_loop3A_345 = arith.shli %parallel_loop3A_342, %parallel_loop3A_344 : vector<16xi32>
        %parallel_loop3A_346 = vector.bitcast %parallel_loop3A_345 : vector<16xi32> to vector<16xf32>
        %parallel_loop3A_347 = vector.broadcast %squeeze3A_5 : i32 to vector<16xi32>
        %parallel_loop3A_348 = arith.andi %parallel_loop3A_342, %parallel_loop3A_347 : vector<16xi32>
        %parallel_loop3A_349 = vector.bitcast %parallel_loop3A_348 : vector<16xi32> to vector<16xf32>
        %parallel_loop3A_350 = arith.constant 2 : i32
        %parallel_loop3A_351 = vector.broadcast %parallel_loop3A_350 : i32 to vector<16xi32>
        %parallel_loop3A_352 = arith.constant 3 : i32
        %parallel_loop3A_353 = vector.broadcast %parallel_loop3A_352 : i32 to vector<16xi32>
        %parallel_loop3A_354 = arith.mulf %parallel_loop3A_346, %parallel_loop3A_323 : vector<16xf32>
        tpu.vector_store_idx %arg9[%parallel_loop3A_351, %parallel_loop3A_317], %parallel_loop3A_354 {add = true} : memref<4x10000xf32, #tpu.memory_space<vmem>>[vector<16xi32>, vector<16xi32>], vector<16xf32>,
        %parallel_loop3A_355 = arith.mulf %parallel_loop3A_349, %parallel_loop3A_323 : vector<16xf32>
        tpu.vector_store_idx %arg9[%parallel_loop3A_353, %parallel_loop3A_317], %parallel_loop3A_355 {add = true} : memref<4x10000xf32, #tpu.memory_space<vmem>>[vector<16xi32>, vector<16xi32>], vector<16xf32>,
        %parallel_loop3A_356 = arith.index_cast %parallel_loop3A_79 : i32 to index
        %parallel_loop3A_357 = arith.constant 96 : index
        %parallel_loop3A_358 = tpu.vector_load %arg10[%parallel_loop3A_356, %parallel_loop3A_357] {strides = array<i32>} : memref<40x128xi32, #tpu.memory_space<vmem>>, vector<16xi32>,
        %parallel_loop3A_359 = vector.broadcast %squeeze3A : i32 to vector<16xi32>
        %parallel_loop3A_360 = arith.andi %parallel_loop3A_358, %parallel_loop3A_359 : vector<16xi32>
        %parallel_loop3A_361 = arith.constant 14 : i32
        %parallel_loop3A_362 = vector.broadcast %parallel_loop3A_361 : i32 to vector<16xi32>
        %parallel_loop3A_363 = arith.shrui %parallel_loop3A_358, %parallel_loop3A_362 : vector<16xi32>
        %parallel_loop3A_364 = arith.constant 128 : i32
        %parallel_loop3A_365 = arith.muli %parallel_loop3A_79, %parallel_loop3A_364 : i32
        %parallel_loop3A_366 = arith.constant 96 : i32
        %parallel_loop3A_367 = arith.addi %parallel_loop3A_365, %parallel_loop3A_366 : i32
        %parallel_loop3A_368 = arith.index_cast %parallel_loop3A_367 : i32 to index
        %parallel_loop3A_369 = tpu.vector_load %arg11[%parallel_loop3A_368] {strides = array<i32>} : memref<5120xf32, #tpu.memory_space<vmem>>, vector<16xf32>,
        %parallel_loop3A_370 = arith.constant 0 : i32
        %parallel_loop3A_371 = vector.broadcast %parallel_loop3A_370 : i32 to vector<16xi32>
        %parallel_loop3A_372 = tpu.vector_load_idx %arg8[%parallel_loop3A_371, %parallel_loop3A_360] : memref<2x10000xi32, #tpu.memory_space<vmem>>[vector<16xi32>, vector<16xi32>], vector<16xi32>,
        %parallel_loop3A_373 = arith.constant 16 : i32
        %parallel_loop3A_374 = vector.broadcast %parallel_loop3A_373 : i32 to vector<16xi32>
        %parallel_loop3A_375 = arith.shli %parallel_loop3A_372, %parallel_loop3A_374 : vector<16xi32>
        %parallel_loop3A_376 = vector.bitcast %parallel_loop3A_375 : vector<16xi32> to vector<16xf32>
        %parallel_loop3A_377 = vector.broadcast %squeeze3A_5 : i32 to vector<16xi32>
        %parallel_loop3A_378 = arith.andi %parallel_loop3A_372, %parallel_loop3A_377 : vector<16xi32>
        %parallel_loop3A_379 = vector.bitcast %parallel_loop3A_378 : vector<16xi32> to vector<16xf32>
        %parallel_loop3A_380 = arith.constant 0 : i32
        %parallel_loop3A_381 = vector.broadcast %parallel_loop3A_380 : i32 to vector<16xi32>
        %parallel_loop3A_382 = arith.constant 1 : i32
        %parallel_loop3A_383 = vector.broadcast %parallel_loop3A_382 : i32 to vector<16xi32>
        %parallel_loop3A_384 = arith.mulf %parallel_loop3A_376, %parallel_loop3A_369 : vector<16xf32>
        tpu.vector_store_idx %arg9[%parallel_loop3A_381, %parallel_loop3A_363], %parallel_loop3A_384 {add = true} : memref<4x10000xf32, #tpu.memory_space<vmem>>[vector<16xi32>, vector<16xi32>], vector<16xf32>,
        %parallel_loop3A_385 = arith.mulf %parallel_loop3A_379, %parallel_loop3A_369 : vector<16xf32>
        tpu.vector_store_idx %arg9[%parallel_loop3A_383, %parallel_loop3A_363], %parallel_loop3A_385 {add = true} : memref<4x10000xf32, #tpu.memory_space<vmem>>[vector<16xi32>, vector<16xi32>], vector<16xf32>,
        %parallel_loop3A_386 = arith.constant 1 : i32
        %parallel_loop3A_387 = vector.broadcast %parallel_loop3A_386 : i32 to vector<16xi32>
        %parallel_loop3A_388 = tpu.vector_load_idx %arg8[%parallel_loop3A_387, %parallel_loop3A_360] : memref<2x10000xi32, #tpu.memory_space<vmem>>[vector<16xi32>, vector<16xi32>], vector<16xi32>,
        %parallel_loop3A_389 = arith.constant 16 : i32
        %parallel_loop3A_390 = vector.broadcast %parallel_loop3A_389 : i32 to vector<16xi32>
        %parallel_loop3A_391 = arith.shli %parallel_loop3A_388, %parallel_loop3A_390 : vector<16xi32>
        %parallel_loop3A_392 = vector.bitcast %parallel_loop3A_391 : vector<16xi32> to vector<16xf32>
        %parallel_loop3A_393 = vector.broadcast %squeeze3A_5 : i32 to vector<16xi32>
        %parallel_loop3A_394 = arith.andi %parallel_loop3A_388, %parallel_loop3A_393 : vector<16xi32>
        %parallel_loop3A_395 = vector.bitcast %parallel_loop3A_394 : vector<16xi32> to vector<16xf32>
        %parallel_loop3A_396 = arith.constant 2 : i32
        %parallel_loop3A_397 = vector.broadcast %parallel_loop3A_396 : i32 to vector<16xi32>
        %parallel_loop3A_398 = arith.constant 3 : i32
        %parallel_loop3A_399 = vector.broadcast %parallel_loop3A_398 : i32 to vector<16xi32>
        %parallel_loop3A_400 = arith.mulf %parallel_loop3A_392, %parallel_loop3A_369 : vector<16xf32>
        tpu.vector_store_idx %arg9[%parallel_loop3A_397, %parallel_loop3A_363], %parallel_loop3A_400 {add = true} : memref<4x10000xf32, #tpu.memory_space<vmem>>[vector<16xi32>, vector<16xi32>], vector<16xf32>,
        %parallel_loop3A_401 = arith.mulf %parallel_loop3A_395, %parallel_loop3A_369 : vector<16xf32>
        tpu.vector_store_idx %arg9[%parallel_loop3A_399, %parallel_loop3A_363], %parallel_loop3A_401 {add = true} : memref<4x10000xf32, #tpu.memory_space<vmem>>[vector<16xi32>, vector<16xi32>], vector<16xf32>,
        %parallel_loop3A_402 = arith.index_cast %parallel_loop3A_79 : i32 to index
        %parallel_loop3A_403 = arith.constant 112 : index
        %parallel_loop3A_404 = tpu.vector_load %arg10[%parallel_loop3A_402, %parallel_loop3A_403] {strides = array<i32>} : memref<40x128xi32, #tpu.memory_space<vmem>>, vector<16xi32>,
        %parallel_loop3A_405 = vector.broadcast %squeeze3A : i32 to vector<16xi32>
        %parallel_loop3A_406 = arith.andi %parallel_loop3A_404, %parallel_loop3A_405 : vector<16xi32>
        %parallel_loop3A_407 = arith.constant 14 : i32
        %parallel_loop3A_408 = vector.broadcast %parallel_loop3A_407 : i32 to vector<16xi32>
        %parallel_loop3A_409 = arith.shrui %parallel_loop3A_404, %parallel_loop3A_408 : vector<16xi32>
        %parallel_loop3A_410 = arith.constant 128 : i32
        %parallel_loop3A_411 = arith.muli %parallel_loop3A_79, %parallel_loop3A_410 : i32
        %parallel_loop3A_412 = arith.constant 112 : i32
        %parallel_loop3A_413 = arith.addi %parallel_loop3A_411, %parallel_loop3A_412 : i32
        %parallel_loop3A_414 = arith.index_cast %parallel_loop3A_413 : i32 to index
        %parallel_loop3A_415 = tpu.vector_load %arg11[%parallel_loop3A_414] {strides = array<i32>} : memref<5120xf32, #tpu.memory_space<vmem>>, vector<16xf32>,
        %parallel_loop3A_416 = arith.constant 0 : i32
        %parallel_loop3A_417 = vector.broadcast %parallel_loop3A_416 : i32 to vector<16xi32>
        %parallel_loop3A_418 = tpu.vector_load_idx %arg8[%parallel_loop3A_417, %parallel_loop3A_406] : memref<2x10000xi32, #tpu.memory_space<vmem>>[vector<16xi32>, vector<16xi32>], vector<16xi32>,
        %parallel_loop3A_419 = arith.constant 16 : i32
        %parallel_loop3A_420 = vector.broadcast %parallel_loop3A_419 : i32 to vector<16xi32>
        %parallel_loop3A_421 = arith.shli %parallel_loop3A_418, %parallel_loop3A_420 : vector<16xi32>
        %parallel_loop3A_422 = vector.bitcast %parallel_loop3A_421 : vector<16xi32> to vector<16xf32>
        %parallel_loop3A_423 = vector.broadcast %squeeze3A_5 : i32 to vector<16xi32>
        %parallel_loop3A_424 = arith.andi %parallel_loop3A_418, %parallel_loop3A_423 : vector<16xi32>
        %parallel_loop3A_425 = vector.bitcast %parallel_loop3A_424 : vector<16xi32> to vector<16xf32>
        %parallel_loop3A_426 = arith.constant 0 : i32
        %parallel_loop3A_427 = vector.broadcast %parallel_loop3A_426 : i32 to vector<16xi32>
        %parallel_loop3A_428 = arith.constant 1 : i32
        %parallel_loop3A_429 = vector.broadcast %parallel_loop3A_428 : i32 to vector<16xi32>
        %parallel_loop3A_430 = arith.mulf %parallel_loop3A_422, %parallel_loop3A_415 : vector<16xf32>
        tpu.vector_store_idx %arg9[%parallel_loop3A_427, %parallel_loop3A_409], %parallel_loop3A_430 {add = true} : memref<4x10000xf32, #tpu.memory_space<vmem>>[vector<16xi32>, vector<16xi32>], vector<16xf32>,
        %parallel_loop3A_431 = arith.mulf %parallel_loop3A_425, %parallel_loop3A_415 : vector<16xf32>
        tpu.vector_store_idx %arg9[%parallel_loop3A_429, %parallel_loop3A_409], %parallel_loop3A_431 {add = true} : memref<4x10000xf32, #tpu.memory_space<vmem>>[vector<16xi32>, vector<16xi32>], vector<16xf32>,
        %parallel_loop3A_432 = arith.constant 1 : i32
        %parallel_loop3A_433 = vector.broadcast %parallel_loop3A_432 : i32 to vector<16xi32>
        %parallel_loop3A_434 = tpu.vector_load_idx %arg8[%parallel_loop3A_433, %parallel_loop3A_406] : memref<2x10000xi32, #tpu.memory_space<vmem>>[vector<16xi32>, vector<16xi32>], vector<16xi32>,
        %parallel_loop3A_435 = arith.constant 16 : i32
        %parallel_loop3A_436 = vector.broadcast %parallel_loop3A_435 : i32 to vector<16xi32>
        %parallel_loop3A_437 = arith.shli %parallel_loop3A_434, %parallel_loop3A_436 : vector<16xi32>
        %parallel_loop3A_438 = vector.bitcast %parallel_loop3A_437 : vector<16xi32> to vector<16xf32>
        %parallel_loop3A_439 = vector.broadcast %squeeze3A_5 : i32 to vector<16xi32>
        %parallel_loop3A_440 = arith.andi %parallel_loop3A_434, %parallel_loop3A_439 : vector<16xi32>
        %parallel_loop3A_441 = vector.bitcast %parallel_loop3A_440 : vector<16xi32> to vector<16xf32>
        %parallel_loop3A_442 = arith.constant 2 : i32
        %parallel_loop3A_443 = vector.broadcast %parallel_loop3A_442 : i32 to vector<16xi32>
        %parallel_loop3A_444 = arith.constant 3 : i32
        %parallel_loop3A_445 = vector.broadcast %parallel_loop3A_444 : i32 to vector<16xi32>
        %parallel_loop3A_446 = arith.mulf %parallel_loop3A_438, %parallel_loop3A_415 : vector<16xf32>
        tpu.vector_store_idx %arg9[%parallel_loop3A_443, %parallel_loop3A_409], %parallel_loop3A_446 {add = true} : memref<4x10000xf32, #tpu.memory_space<vmem>>[vector<16xi32>, vector<16xi32>], vector<16xf32>,
        %parallel_loop3A_447 = arith.mulf %parallel_loop3A_441, %parallel_loop3A_415 : vector<16xf32>
        tpu.vector_store_idx %arg9[%parallel_loop3A_445, %parallel_loop3A_409], %parallel_loop3A_447 {add = true} : memref<4x10000xf32, #tpu.memory_space<vmem>>[vector<16xi32>, vector<16xi32>], vector<16xf32>,
      } {sc.loop_unroll_factor = 4 : i64, sc.parallel_access}
      %lt3A = arith.constant 30 : i32
      %lt3A_59 = arith.cmpi slt, %scan3A_44, %lt3A : i32
      %convert_element_type3A = arith.extui %lt3A_59 : i1 to i32
      %cond3A = arith.constant 0 : i32
      %cond3A_60 = arith.cmpi ne, %convert_element_type3A, %cond3A : i32
      scf.if %cond3A_60 {
        %add3A_79 = arith.constant 2 : i32
        %add3A_80 = arith.addi %mul3A_46, %add3A_79 : i32
        %mul3A_81 = arith.constant 40 : i32
        %mul3A_82 = arith.muli %add3A_80, %mul3A_81 : i32
        %dma_start3A_83 = arith.constant 0 : i32
        %dma_start3A_84 = tpu.memref_slice %arg3[%mul3A_82, %dma_start3A_83] : memref<2500x128xi32, #tpu.memory_space<hbm>> -> memref<40x128xi32, #tpu.memory_space<hbm>>
        %dma_start3A_85 = arith.constant 0 : i32
        %dma_start3A_86 = tpu.memref_slice %arg3[%mul3A_82, %dma_start3A_85] : memref<2500x128xi32, #tpu.memory_space<hbm>> -> memref<40x128xi32, #tpu.memory_space<hbm>>
        tpu.enqueue_dma source(%dma_start3A_86 : memref<40x128xi32, #tpu.memory_space<hbm>>) target(%arg10 : memref<40x128xi32, #tpu.memory_space<vmem>>) target_semaphore(%arg14 : memref<!tpu.dma_semaphore, #tpu.memory_space<semaphore_mem>>)
        %mul3A_87 = arith.constant 40 : i32
        %mul3A_88 = arith.muli %add3A_80, %mul3A_87 : i32
        %mul3A_89 = arith.constant 128 : i32
        %mul3A_90 = arith.muli %mul3A_88, %mul3A_89 : i32
        %dma_start3A_91 = tpu.memref_slice %arg4[%mul3A_90] : memref<320000xf32, #tpu.memory_space<hbm>> -> memref<5120xf32, #tpu.memory_space<hbm>>
        %dma_start3A_92 = tpu.memref_slice %arg4[%mul3A_90] : memref<320000xf32, #tpu.memory_space<hbm>> -> memref<5120xf32, #tpu.memory_space<hbm>>
        tpu.enqueue_dma source(%dma_start3A_92 : memref<5120xf32, #tpu.memory_space<hbm>>) target(%arg11 : memref<5120xf32, #tpu.memory_space<vmem>>) target_semaphore(%arg14 : memref<!tpu.dma_semaphore, #tpu.memory_space<semaphore_mem>>)
      } else {
      }
      %dma_wait3A_61 = arith.constant 0 : i32
      %dma_wait3A_62 = arith.constant 0 : i32
      %dma_wait3A_63 = tpu.memref_slice %arg3[%dma_wait3A_61, %dma_wait3A_62] : memref<2500x128xi32, #tpu.memory_space<hbm>> -> memref<40x128xi32, #tpu.memory_space<hbm>>
      %dma_wait3A_64 = arith.constant 0 : i32
      %dma_wait3A_65 = arith.constant 0 : i32
      %dma_wait3A_66 = tpu.memref_slice %arg3[%dma_wait3A_64, %dma_wait3A_65] : memref<2500x128xi32, #tpu.memory_space<hbm>> -> memref<40x128xi32, #tpu.memory_space<hbm>>
      tpu.wait_dma2 semaphore(%arg15 : memref<!tpu.dma_semaphore, #tpu.memory_space<semaphore_mem>>) src(%dma_wait3A_66 : memref<40x128xi32, #tpu.memory_space<hbm>>) dst(%arg12 : memref<40x128xi32, #tpu.memory_space<vmem>>)
      %dma_wait3A_67 = arith.constant 0 : i32
      %dma_wait3A_68 = tpu.memref_slice %arg4[%dma_wait3A_67] : memref<320000xf32, #tpu.memory_space<hbm>> -> memref<5120xf32, #tpu.memory_space<hbm>>
      %dma_wait3A_69 = arith.constant 0 : i32
      %dma_wait3A_70 = tpu.memref_slice %arg4[%dma_wait3A_69] : memref<320000xf32, #tpu.memory_space<hbm>> -> memref<5120xf32, #tpu.memory_space<hbm>>
      tpu.wait_dma2 semaphore(%arg15 : memref<!tpu.dma_semaphore, #tpu.memory_space<semaphore_mem>>) src(%dma_wait3A_70 : memref<5120xf32, #tpu.memory_space<hbm>>) dst(%arg13 : memref<5120xf32, #tpu.memory_space<vmem>>)
      %parallel_loop3A_71 = arith.constant 0 : i32
      %parallel_loop3A_72 = arith.constant 40 : i32
      %parallel_loop3A_73 = arith.constant 1 : i32
      scf.for %parallel_loop3A_79 = %parallel_loop3A_71 to %parallel_loop3A_72 step %parallel_loop3A_73  : i32 {
        %parallel_loop3A_80 = arith.index_cast %parallel_loop3A_79 : i32 to index
        %parallel_loop3A_81 = arith.constant 0 : index
        %parallel_loop3A_82 = tpu.vector_load %arg12[%parallel_loop3A_80, %parallel_loop3A_81] {strides = array<i32>} : memref<40x128xi32, #tpu.memory_space<vmem>>, vector<16xi32>,
        %parallel_loop3A_83 = vector.broadcast %squeeze3A : i32 to vector<16xi32>
        %parallel_loop3A_84 = arith.andi %parallel_loop3A_82, %parallel_loop3A_83 : vector<16xi32>
        %parallel_loop3A_85 = arith.constant 14 : i32
        %parallel_loop3A_86 = vector.broadcast %parallel_loop3A_85 : i32 to vector<16xi32>
        %parallel_loop3A_87 = arith.shrui %parallel_loop3A_82, %parallel_loop3A_86 : vector<16xi32>
        %parallel_loop3A_88 = arith.constant 128 : i32
        %parallel_loop3A_89 = arith.muli %parallel_loop3A_79, %parallel_loop3A_88 : i32
        %parallel_loop3A_90 = arith.constant 0 : i32
        %parallel_loop3A_91 = arith.addi %parallel_loop3A_89, %parallel_loop3A_90 : i32
        %parallel_loop3A_92 = arith.index_cast %parallel_loop3A_91 : i32 to index
        %parallel_loop3A_93 = tpu.vector_load %arg13[%parallel_loop3A_92] {strides = array<i32>} : memref<5120xf32, #tpu.memory_space<vmem>>, vector<16xf32>,
        %parallel_loop3A_94 = arith.constant 0 : i32
        %parallel_loop3A_95 = vector.broadcast %parallel_loop3A_94 : i32 to vector<16xi32>
        %parallel_loop3A_96 = tpu.vector_load_idx %arg8[%parallel_loop3A_95, %parallel_loop3A_84] : memref<2x10000xi32, #tpu.memory_space<vmem>>[vector<16xi32>, vector<16xi32>], vector<16xi32>,
        %parallel_loop3A_97 = arith.constant 16 : i32
        %parallel_loop3A_98 = vector.broadcast %parallel_loop3A_97 : i32 to vector<16xi32>
        %parallel_loop3A_99 = arith.shli %parallel_loop3A_96, %parallel_loop3A_98 : vector<16xi32>
        %parallel_loop3A_100 = vector.bitcast %parallel_loop3A_99 : vector<16xi32> to vector<16xf32>
        %parallel_loop3A_101 = vector.broadcast %squeeze3A_5 : i32 to vector<16xi32>
        %parallel_loop3A_102 = arith.andi %parallel_loop3A_96, %parallel_loop3A_101 : vector<16xi32>
        %parallel_loop3A_103 = vector.bitcast %parallel_loop3A_102 : vector<16xi32> to vector<16xf32>
        %parallel_loop3A_104 = arith.constant 0 : i32
        %parallel_loop3A_105 = vector.broadcast %parallel_loop3A_104 : i32 to vector<16xi32>
        %parallel_loop3A_106 = arith.constant 1 : i32
        %parallel_loop3A_107 = vector.broadcast %parallel_loop3A_106 : i32 to vector<16xi32>
        %parallel_loop3A_108 = arith.mulf %parallel_loop3A_100, %parallel_loop3A_93 : vector<16xf32>
        tpu.vector_store_idx %arg9[%parallel_loop3A_105, %parallel_loop3A_87], %parallel_loop3A_108 {add = true} : memref<4x10000xf32, #tpu.memory_space<vmem>>[vector<16xi32>, vector<16xi32>], vector<16xf32>,
        %parallel_loop3A_109 = arith.mulf %parallel_loop3A_103, %parallel_loop3A_93 : vector<16xf32>
        tpu.vector_store_idx %arg9[%parallel_loop3A_107, %parallel_loop3A_87], %parallel_loop3A_109 {add = true} : memref<4x10000xf32, #tpu.memory_space<vmem>>[vector<16xi32>, vector<16xi32>], vector<16xf32>,
        %parallel_loop3A_110 = arith.constant 1 : i32
        %parallel_loop3A_111 = vector.broadcast %parallel_loop3A_110 : i32 to vector<16xi32>
        %parallel_loop3A_112 = tpu.vector_load_idx %arg8[%parallel_loop3A_111, %parallel_loop3A_84] : memref<2x10000xi32, #tpu.memory_space<vmem>>[vector<16xi32>, vector<16xi32>], vector<16xi32>,
        %parallel_loop3A_113 = arith.constant 16 : i32
        %parallel_loop3A_114 = vector.broadcast %parallel_loop3A_113 : i32 to vector<16xi32>
        %parallel_loop3A_115 = arith.shli %parallel_loop3A_112, %parallel_loop3A_114 : vector<16xi32>
        %parallel_loop3A_116 = vector.bitcast %parallel_loop3A_115 : vector<16xi32> to vector<16xf32>
        %parallel_loop3A_117 = vector.broadcast %squeeze3A_5 : i32 to vector<16xi32>
        %parallel_loop3A_118 = arith.andi %parallel_loop3A_112, %parallel_loop3A_117 : vector<16xi32>
        %parallel_loop3A_119 = vector.bitcast %parallel_loop3A_118 : vector<16xi32> to vector<16xf32>
        %parallel_loop3A_120 = arith.constant 2 : i32
        %parallel_loop3A_121 = vector.broadcast %parallel_loop3A_120 : i32 to vector<16xi32>
        %parallel_loop3A_122 = arith.constant 3 : i32
        %parallel_loop3A_123 = vector.broadcast %parallel_loop3A_122 : i32 to vector<16xi32>
        %parallel_loop3A_124 = arith.mulf %parallel_loop3A_116, %parallel_loop3A_93 : vector<16xf32>
        tpu.vector_store_idx %arg9[%parallel_loop3A_121, %parallel_loop3A_87], %parallel_loop3A_124 {add = true} : memref<4x10000xf32, #tpu.memory_space<vmem>>[vector<16xi32>, vector<16xi32>], vector<16xf32>,
        %parallel_loop3A_125 = arith.mulf %parallel_loop3A_119, %parallel_loop3A_93 : vector<16xf32>
        tpu.vector_store_idx %arg9[%parallel_loop3A_123, %parallel_loop3A_87], %parallel_loop3A_125 {add = true} : memref<4x10000xf32, #tpu.memory_space<vmem>>[vector<16xi32>, vector<16xi32>], vector<16xf32>,
        %parallel_loop3A_126 = arith.index_cast %parallel_loop3A_79 : i32 to index
        %parallel_loop3A_127 = arith.constant 16 : index
        %parallel_loop3A_128 = tpu.vector_load %arg12[%parallel_loop3A_126, %parallel_loop3A_127] {strides = array<i32>} : memref<40x128xi32, #tpu.memory_space<vmem>>, vector<16xi32>,
        %parallel_loop3A_129 = vector.broadcast %squeeze3A : i32 to vector<16xi32>
        %parallel_loop3A_130 = arith.andi %parallel_loop3A_128, %parallel_loop3A_129 : vector<16xi32>
        %parallel_loop3A_131 = arith.constant 14 : i32
        %parallel_loop3A_132 = vector.broadcast %parallel_loop3A_131 : i32 to vector<16xi32>
        %parallel_loop3A_133 = arith.shrui %parallel_loop3A_128, %parallel_loop3A_132 : vector<16xi32>
        %parallel_loop3A_134 = arith.constant 128 : i32
        %parallel_loop3A_135 = arith.muli %parallel_loop3A_79, %parallel_loop3A_134 : i32
        %parallel_loop3A_136 = arith.constant 16 : i32
        %parallel_loop3A_137 = arith.addi %parallel_loop3A_135, %parallel_loop3A_136 : i32
        %parallel_loop3A_138 = arith.index_cast %parallel_loop3A_137 : i32 to index
        %parallel_loop3A_139 = tpu.vector_load %arg13[%parallel_loop3A_138] {strides = array<i32>} : memref<5120xf32, #tpu.memory_space<vmem>>, vector<16xf32>,
        %parallel_loop3A_140 = arith.constant 0 : i32
        %parallel_loop3A_141 = vector.broadcast %parallel_loop3A_140 : i32 to vector<16xi32>
        %parallel_loop3A_142 = tpu.vector_load_idx %arg8[%parallel_loop3A_141, %parallel_loop3A_130] : memref<2x10000xi32, #tpu.memory_space<vmem>>[vector<16xi32>, vector<16xi32>], vector<16xi32>,
        %parallel_loop3A_143 = arith.constant 16 : i32
        %parallel_loop3A_144 = vector.broadcast %parallel_loop3A_143 : i32 to vector<16xi32>
        %parallel_loop3A_145 = arith.shli %parallel_loop3A_142, %parallel_loop3A_144 : vector<16xi32>
        %parallel_loop3A_146 = vector.bitcast %parallel_loop3A_145 : vector<16xi32> to vector<16xf32>
        %parallel_loop3A_147 = vector.broadcast %squeeze3A_5 : i32 to vector<16xi32>
        %parallel_loop3A_148 = arith.andi %parallel_loop3A_142, %parallel_loop3A_147 : vector<16xi32>
        %parallel_loop3A_149 = vector.bitcast %parallel_loop3A_148 : vector<16xi32> to vector<16xf32>
        %parallel_loop3A_150 = arith.constant 0 : i32
        %parallel_loop3A_151 = vector.broadcast %parallel_loop3A_150 : i32 to vector<16xi32>
        %parallel_loop3A_152 = arith.constant 1 : i32
        %parallel_loop3A_153 = vector.broadcast %parallel_loop3A_152 : i32 to vector<16xi32>
        %parallel_loop3A_154 = arith.mulf %parallel_loop3A_146, %parallel_loop3A_139 : vector<16xf32>
        tpu.vector_store_idx %arg9[%parallel_loop3A_151, %parallel_loop3A_133], %parallel_loop3A_154 {add = true} : memref<4x10000xf32, #tpu.memory_space<vmem>>[vector<16xi32>, vector<16xi32>], vector<16xf32>,
        %parallel_loop3A_155 = arith.mulf %parallel_loop3A_149, %parallel_loop3A_139 : vector<16xf32>
        tpu.vector_store_idx %arg9[%parallel_loop3A_153, %parallel_loop3A_133], %parallel_loop3A_155 {add = true} : memref<4x10000xf32, #tpu.memory_space<vmem>>[vector<16xi32>, vector<16xi32>], vector<16xf32>,
        %parallel_loop3A_156 = arith.constant 1 : i32
        %parallel_loop3A_157 = vector.broadcast %parallel_loop3A_156 : i32 to vector<16xi32>
        %parallel_loop3A_158 = tpu.vector_load_idx %arg8[%parallel_loop3A_157, %parallel_loop3A_130] : memref<2x10000xi32, #tpu.memory_space<vmem>>[vector<16xi32>, vector<16xi32>], vector<16xi32>,
        %parallel_loop3A_159 = arith.constant 16 : i32
        %parallel_loop3A_160 = vector.broadcast %parallel_loop3A_159 : i32 to vector<16xi32>
        %parallel_loop3A_161 = arith.shli %parallel_loop3A_158, %parallel_loop3A_160 : vector<16xi32>
        %parallel_loop3A_162 = vector.bitcast %parallel_loop3A_161 : vector<16xi32> to vector<16xf32>
        %parallel_loop3A_163 = vector.broadcast %squeeze3A_5 : i32 to vector<16xi32>
        %parallel_loop3A_164 = arith.andi %parallel_loop3A_158, %parallel_loop3A_163 : vector<16xi32>
        %parallel_loop3A_165 = vector.bitcast %parallel_loop3A_164 : vector<16xi32> to vector<16xf32>
        %parallel_loop3A_166 = arith.constant 2 : i32
        %parallel_loop3A_167 = vector.broadcast %parallel_loop3A_166 : i32 to vector<16xi32>
        %parallel_loop3A_168 = arith.constant 3 : i32
        %parallel_loop3A_169 = vector.broadcast %parallel_loop3A_168 : i32 to vector<16xi32>
        %parallel_loop3A_170 = arith.mulf %parallel_loop3A_162, %parallel_loop3A_139 : vector<16xf32>
        tpu.vector_store_idx %arg9[%parallel_loop3A_167, %parallel_loop3A_133], %parallel_loop3A_170 {add = true} : memref<4x10000xf32, #tpu.memory_space<vmem>>[vector<16xi32>, vector<16xi32>], vector<16xf32>,
        %parallel_loop3A_171 = arith.mulf %parallel_loop3A_165, %parallel_loop3A_139 : vector<16xf32>
        tpu.vector_store_idx %arg9[%parallel_loop3A_169, %parallel_loop3A_133], %parallel_loop3A_171 {add = true} : memref<4x10000xf32, #tpu.memory_space<vmem>>[vector<16xi32>, vector<16xi32>], vector<16xf32>,
        %parallel_loop3A_172 = arith.index_cast %parallel_loop3A_79 : i32 to index
        %parallel_loop3A_173 = arith.constant 32 : index
        %parallel_loop3A_174 = tpu.vector_load %arg12[%parallel_loop3A_172, %parallel_loop3A_173] {strides = array<i32>} : memref<40x128xi32, #tpu.memory_space<vmem>>, vector<16xi32>,
        %parallel_loop3A_175 = vector.broadcast %squeeze3A : i32 to vector<16xi32>
        %parallel_loop3A_176 = arith.andi %parallel_loop3A_174, %parallel_loop3A_175 : vector<16xi32>
        %parallel_loop3A_177 = arith.constant 14 : i32
        %parallel_loop3A_178 = vector.broadcast %parallel_loop3A_177 : i32 to vector<16xi32>
        %parallel_loop3A_179 = arith.shrui %parallel_loop3A_174, %parallel_loop3A_178 : vector<16xi32>
        %parallel_loop3A_180 = arith.constant 128 : i32
        %parallel_loop3A_181 = arith.muli %parallel_loop3A_79, %parallel_loop3A_180 : i32
        %parallel_loop3A_182 = arith.constant 32 : i32
        %parallel_loop3A_183 = arith.addi %parallel_loop3A_181, %parallel_loop3A_182 : i32
        %parallel_loop3A_184 = arith.index_cast %parallel_loop3A_183 : i32 to index
        %parallel_loop3A_185 = tpu.vector_load %arg13[%parallel_loop3A_184] {strides = array<i32>} : memref<5120xf32, #tpu.memory_space<vmem>>, vector<16xf32>,
        %parallel_loop3A_186 = arith.constant 0 : i32
        %parallel_loop3A_187 = vector.broadcast %parallel_loop3A_186 : i32 to vector<16xi32>
        %parallel_loop3A_188 = tpu.vector_load_idx %arg8[%parallel_loop3A_187, %parallel_loop3A_176] : memref<2x10000xi32, #tpu.memory_space<vmem>>[vector<16xi32>, vector<16xi32>], vector<16xi32>,
        %parallel_loop3A_189 = arith.constant 16 : i32
        %parallel_loop3A_190 = vector.broadcast %parallel_loop3A_189 : i32 to vector<16xi32>
        %parallel_loop3A_191 = arith.shli %parallel_loop3A_188, %parallel_loop3A_190 : vector<16xi32>
        %parallel_loop3A_192 = vector.bitcast %parallel_loop3A_191 : vector<16xi32> to vector<16xf32>
        %parallel_loop3A_193 = vector.broadcast %squeeze3A_5 : i32 to vector<16xi32>
        %parallel_loop3A_194 = arith.andi %parallel_loop3A_188, %parallel_loop3A_193 : vector<16xi32>
        %parallel_loop3A_195 = vector.bitcast %parallel_loop3A_194 : vector<16xi32> to vector<16xf32>
        %parallel_loop3A_196 = arith.constant 0 : i32
        %parallel_loop3A_197 = vector.broadcast %parallel_loop3A_196 : i32 to vector<16xi32>
        %parallel_loop3A_198 = arith.constant 1 : i32
        %parallel_loop3A_199 = vector.broadcast %parallel_loop3A_198 : i32 to vector<16xi32>
        %parallel_loop3A_200 = arith.mulf %parallel_loop3A_192, %parallel_loop3A_185 : vector<16xf32>
        tpu.vector_store_idx %arg9[%parallel_loop3A_197, %parallel_loop3A_179], %parallel_loop3A_200 {add = true} : memref<4x10000xf32, #tpu.memory_space<vmem>>[vector<16xi32>, vector<16xi32>], vector<16xf32>,
        %parallel_loop3A_201 = arith.mulf %parallel_loop3A_195, %parallel_loop3A_185 : vector<16xf32>
        tpu.vector_store_idx %arg9[%parallel_loop3A_199, %parallel_loop3A_179], %parallel_loop3A_201 {add = true} : memref<4x10000xf32, #tpu.memory_space<vmem>>[vector<16xi32>, vector<16xi32>], vector<16xf32>,
        %parallel_loop3A_202 = arith.constant 1 : i32
        %parallel_loop3A_203 = vector.broadcast %parallel_loop3A_202 : i32 to vector<16xi32>
        %parallel_loop3A_204 = tpu.vector_load_idx %arg8[%parallel_loop3A_203, %parallel_loop3A_176] : memref<2x10000xi32, #tpu.memory_space<vmem>>[vector<16xi32>, vector<16xi32>], vector<16xi32>,
        %parallel_loop3A_205 = arith.constant 16 : i32
        %parallel_loop3A_206 = vector.broadcast %parallel_loop3A_205 : i32 to vector<16xi32>
        %parallel_loop3A_207 = arith.shli %parallel_loop3A_204, %parallel_loop3A_206 : vector<16xi32>
        %parallel_loop3A_208 = vector.bitcast %parallel_loop3A_207 : vector<16xi32> to vector<16xf32>
        %parallel_loop3A_209 = vector.broadcast %squeeze3A_5 : i32 to vector<16xi32>
        %parallel_loop3A_210 = arith.andi %parallel_loop3A_204, %parallel_loop3A_209 : vector<16xi32>
        %parallel_loop3A_211 = vector.bitcast %parallel_loop3A_210 : vector<16xi32> to vector<16xf32>
        %parallel_loop3A_212 = arith.constant 2 : i32
        %parallel_loop3A_213 = vector.broadcast %parallel_loop3A_212 : i32 to vector<16xi32>
        %parallel_loop3A_214 = arith.constant 3 : i32
        %parallel_loop3A_215 = vector.broadcast %parallel_loop3A_214 : i32 to vector<16xi32>
        %parallel_loop3A_216 = arith.mulf %parallel_loop3A_208, %parallel_loop3A_185 : vector<16xf32>
        tpu.vector_store_idx %arg9[%parallel_loop3A_213, %parallel_loop3A_179], %parallel_loop3A_216 {add = true} : memref<4x10000xf32, #tpu.memory_space<vmem>>[vector<16xi32>, vector<16xi32>], vector<16xf32>,
        %parallel_loop3A_217 = arith.mulf %parallel_loop3A_211, %parallel_loop3A_185 : vector<16xf32>
        tpu.vector_store_idx %arg9[%parallel_loop3A_215, %parallel_loop3A_179], %parallel_loop3A_217 {add = true} : memref<4x10000xf32, #tpu.memory_space<vmem>>[vector<16xi32>, vector<16xi32>], vector<16xf32>,
        %parallel_loop3A_218 = arith.index_cast %parallel_loop3A_79 : i32 to index
        %parallel_loop3A_219 = arith.constant 48 : index
        %parallel_loop3A_220 = tpu.vector_load %arg12[%parallel_loop3A_218, %parallel_loop3A_219] {strides = array<i32>} : memref<40x128xi32, #tpu.memory_space<vmem>>, vector<16xi32>,
        %parallel_loop3A_221 = vector.broadcast %squeeze3A : i32 to vector<16xi32>
        %parallel_loop3A_222 = arith.andi %parallel_loop3A_220, %parallel_loop3A_221 : vector<16xi32>
        %parallel_loop3A_223 = arith.constant 14 : i32
        %parallel_loop3A_224 = vector.broadcast %parallel_loop3A_223 : i32 to vector<16xi32>
        %parallel_loop3A_225 = arith.shrui %parallel_loop3A_220, %parallel_loop3A_224 : vector<16xi32>
        %parallel_loop3A_226 = arith.constant 128 : i32
        %parallel_loop3A_227 = arith.muli %parallel_loop3A_79, %parallel_loop3A_226 : i32
        %parallel_loop3A_228 = arith.constant 48 : i32
        %parallel_loop3A_229 = arith.addi %parallel_loop3A_227, %parallel_loop3A_228 : i32
        %parallel_loop3A_230 = arith.index_cast %parallel_loop3A_229 : i32 to index
        %parallel_loop3A_231 = tpu.vector_load %arg13[%parallel_loop3A_230] {strides = array<i32>} : memref<5120xf32, #tpu.memory_space<vmem>>, vector<16xf32>,
        %parallel_loop3A_232 = arith.constant 0 : i32
        %parallel_loop3A_233 = vector.broadcast %parallel_loop3A_232 : i32 to vector<16xi32>
        %parallel_loop3A_234 = tpu.vector_load_idx %arg8[%parallel_loop3A_233, %parallel_loop3A_222] : memref<2x10000xi32, #tpu.memory_space<vmem>>[vector<16xi32>, vector<16xi32>], vector<16xi32>,
        %parallel_loop3A_235 = arith.constant 16 : i32
        %parallel_loop3A_236 = vector.broadcast %parallel_loop3A_235 : i32 to vector<16xi32>
        %parallel_loop3A_237 = arith.shli %parallel_loop3A_234, %parallel_loop3A_236 : vector<16xi32>
        %parallel_loop3A_238 = vector.bitcast %parallel_loop3A_237 : vector<16xi32> to vector<16xf32>
        %parallel_loop3A_239 = vector.broadcast %squeeze3A_5 : i32 to vector<16xi32>
        %parallel_loop3A_240 = arith.andi %parallel_loop3A_234, %parallel_loop3A_239 : vector<16xi32>
        %parallel_loop3A_241 = vector.bitcast %parallel_loop3A_240 : vector<16xi32> to vector<16xf32>
        %parallel_loop3A_242 = arith.constant 0 : i32
        %parallel_loop3A_243 = vector.broadcast %parallel_loop3A_242 : i32 to vector<16xi32>
        %parallel_loop3A_244 = arith.constant 1 : i32
        %parallel_loop3A_245 = vector.broadcast %parallel_loop3A_244 : i32 to vector<16xi32>
        %parallel_loop3A_246 = arith.mulf %parallel_loop3A_238, %parallel_loop3A_231 : vector<16xf32>
        tpu.vector_store_idx %arg9[%parallel_loop3A_243, %parallel_loop3A_225], %parallel_loop3A_246 {add = true} : memref<4x10000xf32, #tpu.memory_space<vmem>>[vector<16xi32>, vector<16xi32>], vector<16xf32>,
        %parallel_loop3A_247 = arith.mulf %parallel_loop3A_241, %parallel_loop3A_231 : vector<16xf32>
        tpu.vector_store_idx %arg9[%parallel_loop3A_245, %parallel_loop3A_225], %parallel_loop3A_247 {add = true} : memref<4x10000xf32, #tpu.memory_space<vmem>>[vector<16xi32>, vector<16xi32>], vector<16xf32>,
        %parallel_loop3A_248 = arith.constant 1 : i32
        %parallel_loop3A_249 = vector.broadcast %parallel_loop3A_248 : i32 to vector<16xi32>
        %parallel_loop3A_250 = tpu.vector_load_idx %arg8[%parallel_loop3A_249, %parallel_loop3A_222] : memref<2x10000xi32, #tpu.memory_space<vmem>>[vector<16xi32>, vector<16xi32>], vector<16xi32>,
        %parallel_loop3A_251 = arith.constant 16 : i32
        %parallel_loop3A_252 = vector.broadcast %parallel_loop3A_251 : i32 to vector<16xi32>
        %parallel_loop3A_253 = arith.shli %parallel_loop3A_250, %parallel_loop3A_252 : vector<16xi32>
        %parallel_loop3A_254 = vector.bitcast %parallel_loop3A_253 : vector<16xi32> to vector<16xf32>
        %parallel_loop3A_255 = vector.broadcast %squeeze3A_5 : i32 to vector<16xi32>
        %parallel_loop3A_256 = arith.andi %parallel_loop3A_250, %parallel_loop3A_255 : vector<16xi32>
        %parallel_loop3A_257 = vector.bitcast %parallel_loop3A_256 : vector<16xi32> to vector<16xf32>
        %parallel_loop3A_258 = arith.constant 2 : i32
        %parallel_loop3A_259 = vector.broadcast %parallel_loop3A_258 : i32 to vector<16xi32>
        %parallel_loop3A_260 = arith.constant 3 : i32
        %parallel_loop3A_261 = vector.broadcast %parallel_loop3A_260 : i32 to vector<16xi32>
        %parallel_loop3A_262 = arith.mulf %parallel_loop3A_254, %parallel_loop3A_231 : vector<16xf32>
        tpu.vector_store_idx %arg9[%parallel_loop3A_259, %parallel_loop3A_225], %parallel_loop3A_262 {add = true} : memref<4x10000xf32, #tpu.memory_space<vmem>>[vector<16xi32>, vector<16xi32>], vector<16xf32>,
        %parallel_loop3A_263 = arith.mulf %parallel_loop3A_257, %parallel_loop3A_231 : vector<16xf32>
        tpu.vector_store_idx %arg9[%parallel_loop3A_261, %parallel_loop3A_225], %parallel_loop3A_263 {add = true} : memref<4x10000xf32, #tpu.memory_space<vmem>>[vector<16xi32>, vector<16xi32>], vector<16xf32>,
        %parallel_loop3A_264 = arith.index_cast %parallel_loop3A_79 : i32 to index
        %parallel_loop3A_265 = arith.constant 64 : index
        %parallel_loop3A_266 = tpu.vector_load %arg12[%parallel_loop3A_264, %parallel_loop3A_265] {strides = array<i32>} : memref<40x128xi32, #tpu.memory_space<vmem>>, vector<16xi32>,
        %parallel_loop3A_267 = vector.broadcast %squeeze3A : i32 to vector<16xi32>
        %parallel_loop3A_268 = arith.andi %parallel_loop3A_266, %parallel_loop3A_267 : vector<16xi32>
        %parallel_loop3A_269 = arith.constant 14 : i32
        %parallel_loop3A_270 = vector.broadcast %parallel_loop3A_269 : i32 to vector<16xi32>
        %parallel_loop3A_271 = arith.shrui %parallel_loop3A_266, %parallel_loop3A_270 : vector<16xi32>
        %parallel_loop3A_272 = arith.constant 128 : i32
        %parallel_loop3A_273 = arith.muli %parallel_loop3A_79, %parallel_loop3A_272 : i32
        %parallel_loop3A_274 = arith.constant 64 : i32
        %parallel_loop3A_275 = arith.addi %parallel_loop3A_273, %parallel_loop3A_274 : i32
        %parallel_loop3A_276 = arith.index_cast %parallel_loop3A_275 : i32 to index
        %parallel_loop3A_277 = tpu.vector_load %arg13[%parallel_loop3A_276] {strides = array<i32>} : memref<5120xf32, #tpu.memory_space<vmem>>, vector<16xf32>,
        %parallel_loop3A_278 = arith.constant 0 : i32
        %parallel_loop3A_279 = vector.broadcast %parallel_loop3A_278 : i32 to vector<16xi32>
        %parallel_loop3A_280 = tpu.vector_load_idx %arg8[%parallel_loop3A_279, %parallel_loop3A_268] : memref<2x10000xi32, #tpu.memory_space<vmem>>[vector<16xi32>, vector<16xi32>], vector<16xi32>,
        %parallel_loop3A_281 = arith.constant 16 : i32
        %parallel_loop3A_282 = vector.broadcast %parallel_loop3A_281 : i32 to vector<16xi32>
        %parallel_loop3A_283 = arith.shli %parallel_loop3A_280, %parallel_loop3A_282 : vector<16xi32>
        %parallel_loop3A_284 = vector.bitcast %parallel_loop3A_283 : vector<16xi32> to vector<16xf32>
        %parallel_loop3A_285 = vector.broadcast %squeeze3A_5 : i32 to vector<16xi32>
        %parallel_loop3A_286 = arith.andi %parallel_loop3A_280, %parallel_loop3A_285 : vector<16xi32>
        %parallel_loop3A_287 = vector.bitcast %parallel_loop3A_286 : vector<16xi32> to vector<16xf32>
        %parallel_loop3A_288 = arith.constant 0 : i32
        %parallel_loop3A_289 = vector.broadcast %parallel_loop3A_288 : i32 to vector<16xi32>
        %parallel_loop3A_290 = arith.constant 1 : i32
        %parallel_loop3A_291 = vector.broadcast %parallel_loop3A_290 : i32 to vector<16xi32>
        %parallel_loop3A_292 = arith.mulf %parallel_loop3A_284, %parallel_loop3A_277 : vector<16xf32>
        tpu.vector_store_idx %arg9[%parallel_loop3A_289, %parallel_loop3A_271], %parallel_loop3A_292 {add = true} : memref<4x10000xf32, #tpu.memory_space<vmem>>[vector<16xi32>, vector<16xi32>], vector<16xf32>,
        %parallel_loop3A_293 = arith.mulf %parallel_loop3A_287, %parallel_loop3A_277 : vector<16xf32>
        tpu.vector_store_idx %arg9[%parallel_loop3A_291, %parallel_loop3A_271], %parallel_loop3A_293 {add = true} : memref<4x10000xf32, #tpu.memory_space<vmem>>[vector<16xi32>, vector<16xi32>], vector<16xf32>,
        %parallel_loop3A_294 = arith.constant 1 : i32
        %parallel_loop3A_295 = vector.broadcast %parallel_loop3A_294 : i32 to vector<16xi32>
        %parallel_loop3A_296 = tpu.vector_load_idx %arg8[%parallel_loop3A_295, %parallel_loop3A_268] : memref<2x10000xi32, #tpu.memory_space<vmem>>[vector<16xi32>, vector<16xi32>], vector<16xi32>,
        %parallel_loop3A_297 = arith.constant 16 : i32
        %parallel_loop3A_298 = vector.broadcast %parallel_loop3A_297 : i32 to vector<16xi32>
        %parallel_loop3A_299 = arith.shli %parallel_loop3A_296, %parallel_loop3A_298 : vector<16xi32>
        %parallel_loop3A_300 = vector.bitcast %parallel_loop3A_299 : vector<16xi32> to vector<16xf32>
        %parallel_loop3A_301 = vector.broadcast %squeeze3A_5 : i32 to vector<16xi32>
        %parallel_loop3A_302 = arith.andi %parallel_loop3A_296, %parallel_loop3A_301 : vector<16xi32>
        %parallel_loop3A_303 = vector.bitcast %parallel_loop3A_302 : vector<16xi32> to vector<16xf32>
        %parallel_loop3A_304 = arith.constant 2 : i32
        %parallel_loop3A_305 = vector.broadcast %parallel_loop3A_304 : i32 to vector<16xi32>
        %parallel_loop3A_306 = arith.constant 3 : i32
        %parallel_loop3A_307 = vector.broadcast %parallel_loop3A_306 : i32 to vector<16xi32>
        %parallel_loop3A_308 = arith.mulf %parallel_loop3A_300, %parallel_loop3A_277 : vector<16xf32>
        tpu.vector_store_idx %arg9[%parallel_loop3A_305, %parallel_loop3A_271], %parallel_loop3A_308 {add = true} : memref<4x10000xf32, #tpu.memory_space<vmem>>[vector<16xi32>, vector<16xi32>], vector<16xf32>,
        %parallel_loop3A_309 = arith.mulf %parallel_loop3A_303, %parallel_loop3A_277 : vector<16xf32>
        tpu.vector_store_idx %arg9[%parallel_loop3A_307, %parallel_loop3A_271], %parallel_loop3A_309 {add = true} : memref<4x10000xf32, #tpu.memory_space<vmem>>[vector<16xi32>, vector<16xi32>], vector<16xf32>,
        %parallel_loop3A_310 = arith.index_cast %parallel_loop3A_79 : i32 to index
        %parallel_loop3A_311 = arith.constant 80 : index
        %parallel_loop3A_312 = tpu.vector_load %arg12[%parallel_loop3A_310, %parallel_loop3A_311] {strides = array<i32>} : memref<40x128xi32, #tpu.memory_space<vmem>>, vector<16xi32>,
        %parallel_loop3A_313 = vector.broadcast %squeeze3A : i32 to vector<16xi32>
        %parallel_loop3A_314 = arith.andi %parallel_loop3A_312, %parallel_loop3A_313 : vector<16xi32>
        %parallel_loop3A_315 = arith.constant 14 : i32
        %parallel_loop3A_316 = vector.broadcast %parallel_loop3A_315 : i32 to vector<16xi32>
        %parallel_loop3A_317 = arith.shrui %parallel_loop3A_312, %parallel_loop3A_316 : vector<16xi32>
        %parallel_loop3A_318 = arith.constant 128 : i32
        %parallel_loop3A_319 = arith.muli %parallel_loop3A_79, %parallel_loop3A_318 : i32
        %parallel_loop3A_320 = arith.constant 80 : i32
        %parallel_loop3A_321 = arith.addi %parallel_loop3A_319, %parallel_loop3A_320 : i32
        %parallel_loop3A_322 = arith.index_cast %parallel_loop3A_321 : i32 to index
        %parallel_loop3A_323 = tpu.vector_load %arg13[%parallel_loop3A_322] {strides = array<i32>} : memref<5120xf32, #tpu.memory_space<vmem>>, vector<16xf32>,
        %parallel_loop3A_324 = arith.constant 0 : i32
        %parallel_loop3A_325 = vector.broadcast %parallel_loop3A_324 : i32 to vector<16xi32>
        %parallel_loop3A_326 = tpu.vector_load_idx %arg8[%parallel_loop3A_325, %parallel_loop3A_314] : memref<2x10000xi32, #tpu.memory_space<vmem>>[vector<16xi32>, vector<16xi32>], vector<16xi32>,
        %parallel_loop3A_327 = arith.constant 16 : i32
        %parallel_loop3A_328 = vector.broadcast %parallel_loop3A_327 : i32 to vector<16xi32>
        %parallel_loop3A_329 = arith.shli %parallel_loop3A_326, %parallel_loop3A_328 : vector<16xi32>
        %parallel_loop3A_330 = vector.bitcast %parallel_loop3A_329 : vector<16xi32> to vector<16xf32>
        %parallel_loop3A_331 = vector.broadcast %squeeze3A_5 : i32 to vector<16xi32>
        %parallel_loop3A_332 = arith.andi %parallel_loop3A_326, %parallel_loop3A_331 : vector<16xi32>
        %parallel_loop3A_333 = vector.bitcast %parallel_loop3A_332 : vector<16xi32> to vector<16xf32>
        %parallel_loop3A_334 = arith.constant 0 : i32
        %parallel_loop3A_335 = vector.broadcast %parallel_loop3A_334 : i32 to vector<16xi32>
        %parallel_loop3A_336 = arith.constant 1 : i32
        %parallel_loop3A_337 = vector.broadcast %parallel_loop3A_336 : i32 to vector<16xi32>
        %parallel_loop3A_338 = arith.mulf %parallel_loop3A_330, %parallel_loop3A_323 : vector<16xf32>
        tpu.vector_store_idx %arg9[%parallel_loop3A_335, %parallel_loop3A_317], %parallel_loop3A_338 {add = true} : memref<4x10000xf32, #tpu.memory_space<vmem>>[vector<16xi32>, vector<16xi32>], vector<16xf32>,
        %parallel_loop3A_339 = arith.mulf %parallel_loop3A_333, %parallel_loop3A_323 : vector<16xf32>
        tpu.vector_store_idx %arg9[%parallel_loop3A_337, %parallel_loop3A_317], %parallel_loop3A_339 {add = true} : memref<4x10000xf32, #tpu.memory_space<vmem>>[vector<16xi32>, vector<16xi32>], vector<16xf32>,
        %parallel_loop3A_340 = arith.constant 1 : i32
        %parallel_loop3A_341 = vector.broadcast %parallel_loop3A_340 : i32 to vector<16xi32>
        %parallel_loop3A_342 = tpu.vector_load_idx %arg8[%parallel_loop3A_341, %parallel_loop3A_314] : memref<2x10000xi32, #tpu.memory_space<vmem>>[vector<16xi32>, vector<16xi32>], vector<16xi32>,
        %parallel_loop3A_343 = arith.constant 16 : i32
        %parallel_loop3A_344 = vector.broadcast %parallel_loop3A_343 : i32 to vector<16xi32>
        %parallel_loop3A_345 = arith.shli %parallel_loop3A_342, %parallel_loop3A_344 : vector<16xi32>
        %parallel_loop3A_346 = vector.bitcast %parallel_loop3A_345 : vector<16xi32> to vector<16xf32>
        %parallel_loop3A_347 = vector.broadcast %squeeze3A_5 : i32 to vector<16xi32>
        %parallel_loop3A_348 = arith.andi %parallel_loop3A_342, %parallel_loop3A_347 : vector<16xi32>
        %parallel_loop3A_349 = vector.bitcast %parallel_loop3A_348 : vector<16xi32> to vector<16xf32>
        %parallel_loop3A_350 = arith.constant 2 : i32
        %parallel_loop3A_351 = vector.broadcast %parallel_loop3A_350 : i32 to vector<16xi32>
        %parallel_loop3A_352 = arith.constant 3 : i32
        %parallel_loop3A_353 = vector.broadcast %parallel_loop3A_352 : i32 to vector<16xi32>
        %parallel_loop3A_354 = arith.mulf %parallel_loop3A_346, %parallel_loop3A_323 : vector<16xf32>
        tpu.vector_store_idx %arg9[%parallel_loop3A_351, %parallel_loop3A_317], %parallel_loop3A_354 {add = true} : memref<4x10000xf32, #tpu.memory_space<vmem>>[vector<16xi32>, vector<16xi32>], vector<16xf32>,
        %parallel_loop3A_355 = arith.mulf %parallel_loop3A_349, %parallel_loop3A_323 : vector<16xf32>
        tpu.vector_store_idx %arg9[%parallel_loop3A_353, %parallel_loop3A_317], %parallel_loop3A_355 {add = true} : memref<4x10000xf32, #tpu.memory_space<vmem>>[vector<16xi32>, vector<16xi32>], vector<16xf32>,
        %parallel_loop3A_356 = arith.index_cast %parallel_loop3A_79 : i32 to index
        %parallel_loop3A_357 = arith.constant 96 : index
        %parallel_loop3A_358 = tpu.vector_load %arg12[%parallel_loop3A_356, %parallel_loop3A_357] {strides = array<i32>} : memref<40x128xi32, #tpu.memory_space<vmem>>, vector<16xi32>,
        %parallel_loop3A_359 = vector.broadcast %squeeze3A : i32 to vector<16xi32>
        %parallel_loop3A_360 = arith.andi %parallel_loop3A_358, %parallel_loop3A_359 : vector<16xi32>
        %parallel_loop3A_361 = arith.constant 14 : i32
        %parallel_loop3A_362 = vector.broadcast %parallel_loop3A_361 : i32 to vector<16xi32>
        %parallel_loop3A_363 = arith.shrui %parallel_loop3A_358, %parallel_loop3A_362 : vector<16xi32>
        %parallel_loop3A_364 = arith.constant 128 : i32
        %parallel_loop3A_365 = arith.muli %parallel_loop3A_79, %parallel_loop3A_364 : i32
        %parallel_loop3A_366 = arith.constant 96 : i32
        %parallel_loop3A_367 = arith.addi %parallel_loop3A_365, %parallel_loop3A_366 : i32
        %parallel_loop3A_368 = arith.index_cast %parallel_loop3A_367 : i32 to index
        %parallel_loop3A_369 = tpu.vector_load %arg13[%parallel_loop3A_368] {strides = array<i32>} : memref<5120xf32, #tpu.memory_space<vmem>>, vector<16xf32>,
        %parallel_loop3A_370 = arith.constant 0 : i32
        %parallel_loop3A_371 = vector.broadcast %parallel_loop3A_370 : i32 to vector<16xi32>
        %parallel_loop3A_372 = tpu.vector_load_idx %arg8[%parallel_loop3A_371, %parallel_loop3A_360] : memref<2x10000xi32, #tpu.memory_space<vmem>>[vector<16xi32>, vector<16xi32>], vector<16xi32>,
        %parallel_loop3A_373 = arith.constant 16 : i32
        %parallel_loop3A_374 = vector.broadcast %parallel_loop3A_373 : i32 to vector<16xi32>
        %parallel_loop3A_375 = arith.shli %parallel_loop3A_372, %parallel_loop3A_374 : vector<16xi32>
        %parallel_loop3A_376 = vector.bitcast %parallel_loop3A_375 : vector<16xi32> to vector<16xf32>
        %parallel_loop3A_377 = vector.broadcast %squeeze3A_5 : i32 to vector<16xi32>
        %parallel_loop3A_378 = arith.andi %parallel_loop3A_372, %parallel_loop3A_377 : vector<16xi32>
        %parallel_loop3A_379 = vector.bitcast %parallel_loop3A_378 : vector<16xi32> to vector<16xf32>
        %parallel_loop3A_380 = arith.constant 0 : i32
        %parallel_loop3A_381 = vector.broadcast %parallel_loop3A_380 : i32 to vector<16xi32>
        %parallel_loop3A_382 = arith.constant 1 : i32
        %parallel_loop3A_383 = vector.broadcast %parallel_loop3A_382 : i32 to vector<16xi32>
        %parallel_loop3A_384 = arith.mulf %parallel_loop3A_376, %parallel_loop3A_369 : vector<16xf32>
        tpu.vector_store_idx %arg9[%parallel_loop3A_381, %parallel_loop3A_363], %parallel_loop3A_384 {add = true} : memref<4x10000xf32, #tpu.memory_space<vmem>>[vector<16xi32>, vector<16xi32>], vector<16xf32>,
        %parallel_loop3A_385 = arith.mulf %parallel_loop3A_379, %parallel_loop3A_369 : vector<16xf32>
        tpu.vector_store_idx %arg9[%parallel_loop3A_383, %parallel_loop3A_363], %parallel_loop3A_385 {add = true} : memref<4x10000xf32, #tpu.memory_space<vmem>>[vector<16xi32>, vector<16xi32>], vector<16xf32>,
        %parallel_loop3A_386 = arith.constant 1 : i32
        %parallel_loop3A_387 = vector.broadcast %parallel_loop3A_386 : i32 to vector<16xi32>
        %parallel_loop3A_388 = tpu.vector_load_idx %arg8[%parallel_loop3A_387, %parallel_loop3A_360] : memref<2x10000xi32, #tpu.memory_space<vmem>>[vector<16xi32>, vector<16xi32>], vector<16xi32>,
        %parallel_loop3A_389 = arith.constant 16 : i32
        %parallel_loop3A_390 = vector.broadcast %parallel_loop3A_389 : i32 to vector<16xi32>
        %parallel_loop3A_391 = arith.shli %parallel_loop3A_388, %parallel_loop3A_390 : vector<16xi32>
        %parallel_loop3A_392 = vector.bitcast %parallel_loop3A_391 : vector<16xi32> to vector<16xf32>
        %parallel_loop3A_393 = vector.broadcast %squeeze3A_5 : i32 to vector<16xi32>
        %parallel_loop3A_394 = arith.andi %parallel_loop3A_388, %parallel_loop3A_393 : vector<16xi32>
        %parallel_loop3A_395 = vector.bitcast %parallel_loop3A_394 : vector<16xi32> to vector<16xf32>
        %parallel_loop3A_396 = arith.constant 2 : i32
        %parallel_loop3A_397 = vector.broadcast %parallel_loop3A_396 : i32 to vector<16xi32>
        %parallel_loop3A_398 = arith.constant 3 : i32
        %parallel_loop3A_399 = vector.broadcast %parallel_loop3A_398 : i32 to vector<16xi32>
        %parallel_loop3A_400 = arith.mulf %parallel_loop3A_392, %parallel_loop3A_369 : vector<16xf32>
        tpu.vector_store_idx %arg9[%parallel_loop3A_397, %parallel_loop3A_363], %parallel_loop3A_400 {add = true} : memref<4x10000xf32, #tpu.memory_space<vmem>>[vector<16xi32>, vector<16xi32>], vector<16xf32>,
        %parallel_loop3A_401 = arith.mulf %parallel_loop3A_395, %parallel_loop3A_369 : vector<16xf32>
        tpu.vector_store_idx %arg9[%parallel_loop3A_399, %parallel_loop3A_363], %parallel_loop3A_401 {add = true} : memref<4x10000xf32, #tpu.memory_space<vmem>>[vector<16xi32>, vector<16xi32>], vector<16xf32>,
        %parallel_loop3A_402 = arith.index_cast %parallel_loop3A_79 : i32 to index
        %parallel_loop3A_403 = arith.constant 112 : index
        %parallel_loop3A_404 = tpu.vector_load %arg12[%parallel_loop3A_402, %parallel_loop3A_403] {strides = array<i32>} : memref<40x128xi32, #tpu.memory_space<vmem>>, vector<16xi32>,
        %parallel_loop3A_405 = vector.broadcast %squeeze3A : i32 to vector<16xi32>
        %parallel_loop3A_406 = arith.andi %parallel_loop3A_404, %parallel_loop3A_405 : vector<16xi32>
        %parallel_loop3A_407 = arith.constant 14 : i32
        %parallel_loop3A_408 = vector.broadcast %parallel_loop3A_407 : i32 to vector<16xi32>
        %parallel_loop3A_409 = arith.shrui %parallel_loop3A_404, %parallel_loop3A_408 : vector<16xi32>
        %parallel_loop3A_410 = arith.constant 128 : i32
        %parallel_loop3A_411 = arith.muli %parallel_loop3A_79, %parallel_loop3A_410 : i32
        %parallel_loop3A_412 = arith.constant 112 : i32
        %parallel_loop3A_413 = arith.addi %parallel_loop3A_411, %parallel_loop3A_412 : i32
        %parallel_loop3A_414 = arith.index_cast %parallel_loop3A_413 : i32 to index
        %parallel_loop3A_415 = tpu.vector_load %arg13[%parallel_loop3A_414] {strides = array<i32>} : memref<5120xf32, #tpu.memory_space<vmem>>, vector<16xf32>,
        %parallel_loop3A_416 = arith.constant 0 : i32
        %parallel_loop3A_417 = vector.broadcast %parallel_loop3A_416 : i32 to vector<16xi32>
        %parallel_loop3A_418 = tpu.vector_load_idx %arg8[%parallel_loop3A_417, %parallel_loop3A_406] : memref<2x10000xi32, #tpu.memory_space<vmem>>[vector<16xi32>, vector<16xi32>], vector<16xi32>,
        %parallel_loop3A_419 = arith.constant 16 : i32
        %parallel_loop3A_420 = vector.broadcast %parallel_loop3A_419 : i32 to vector<16xi32>
        %parallel_loop3A_421 = arith.shli %parallel_loop3A_418, %parallel_loop3A_420 : vector<16xi32>
        %parallel_loop3A_422 = vector.bitcast %parallel_loop3A_421 : vector<16xi32> to vector<16xf32>
        %parallel_loop3A_423 = vector.broadcast %squeeze3A_5 : i32 to vector<16xi32>
        %parallel_loop3A_424 = arith.andi %parallel_loop3A_418, %parallel_loop3A_423 : vector<16xi32>
        %parallel_loop3A_425 = vector.bitcast %parallel_loop3A_424 : vector<16xi32> to vector<16xf32>
        %parallel_loop3A_426 = arith.constant 0 : i32
        %parallel_loop3A_427 = vector.broadcast %parallel_loop3A_426 : i32 to vector<16xi32>
        %parallel_loop3A_428 = arith.constant 1 : i32
        %parallel_loop3A_429 = vector.broadcast %parallel_loop3A_428 : i32 to vector<16xi32>
        %parallel_loop3A_430 = arith.mulf %parallel_loop3A_422, %parallel_loop3A_415 : vector<16xf32>
        tpu.vector_store_idx %arg9[%parallel_loop3A_427, %parallel_loop3A_409], %parallel_loop3A_430 {add = true} : memref<4x10000xf32, #tpu.memory_space<vmem>>[vector<16xi32>, vector<16xi32>], vector<16xf32>,
        %parallel_loop3A_431 = arith.mulf %parallel_loop3A_425, %parallel_loop3A_415 : vector<16xf32>
        tpu.vector_store_idx %arg9[%parallel_loop3A_429, %parallel_loop3A_409], %parallel_loop3A_431 {add = true} : memref<4x10000xf32, #tpu.memory_space<vmem>>[vector<16xi32>, vector<16xi32>], vector<16xf32>,
        %parallel_loop3A_432 = arith.constant 1 : i32
        %parallel_loop3A_433 = vector.broadcast %parallel_loop3A_432 : i32 to vector<16xi32>
        %parallel_loop3A_434 = tpu.vector_load_idx %arg8[%parallel_loop3A_433, %parallel_loop3A_406] : memref<2x10000xi32, #tpu.memory_space<vmem>>[vector<16xi32>, vector<16xi32>], vector<16xi32>,
        %parallel_loop3A_435 = arith.constant 16 : i32
        %parallel_loop3A_436 = vector.broadcast %parallel_loop3A_435 : i32 to vector<16xi32>
        %parallel_loop3A_437 = arith.shli %parallel_loop3A_434, %parallel_loop3A_436 : vector<16xi32>
        %parallel_loop3A_438 = vector.bitcast %parallel_loop3A_437 : vector<16xi32> to vector<16xf32>
        %parallel_loop3A_439 = vector.broadcast %squeeze3A_5 : i32 to vector<16xi32>
        %parallel_loop3A_440 = arith.andi %parallel_loop3A_434, %parallel_loop3A_439 : vector<16xi32>
        %parallel_loop3A_441 = vector.bitcast %parallel_loop3A_440 : vector<16xi32> to vector<16xf32>
        %parallel_loop3A_442 = arith.constant 2 : i32
        %parallel_loop3A_443 = vector.broadcast %parallel_loop3A_442 : i32 to vector<16xi32>
        %parallel_loop3A_444 = arith.constant 3 : i32
        %parallel_loop3A_445 = vector.broadcast %parallel_loop3A_444 : i32 to vector<16xi32>
        %parallel_loop3A_446 = arith.mulf %parallel_loop3A_438, %parallel_loop3A_415 : vector<16xf32>
        tpu.vector_store_idx %arg9[%parallel_loop3A_443, %parallel_loop3A_409], %parallel_loop3A_446 {add = true} : memref<4x10000xf32, #tpu.memory_space<vmem>>[vector<16xi32>, vector<16xi32>], vector<16xf32>,
        %parallel_loop3A_447 = arith.mulf %parallel_loop3A_441, %parallel_loop3A_415 : vector<16xf32>
        tpu.vector_store_idx %arg9[%parallel_loop3A_445, %parallel_loop3A_409], %parallel_loop3A_447 {add = true} : memref<4x10000xf32, #tpu.memory_space<vmem>>[vector<16xi32>, vector<16xi32>], vector<16xf32>,
      } {sc.loop_unroll_factor = 4 : i64, sc.parallel_access}
      %lt3A_74 = arith.constant 30 : i32
      %lt3A_75 = arith.cmpi slt, %scan3A_44, %lt3A_74 : i32
      %convert_element_type3A_76 = arith.extui %lt3A_75 : i1 to i32
      %cond3A_77 = arith.constant 0 : i32
      %cond3A_78 = arith.cmpi ne, %convert_element_type3A_76, %cond3A_77 : i32
      scf.if %cond3A_78 {
        %add3A_79 = arith.constant 3 : i32
        %add3A_80 = arith.addi %mul3A_46, %add3A_79 : i32
        %mul3A_81 = arith.constant 40 : i32
        %mul3A_82 = arith.muli %add3A_80, %mul3A_81 : i32
        %dma_start3A_83 = arith.constant 0 : i32
        %dma_start3A_84 = tpu.memref_slice %arg3[%mul3A_82, %dma_start3A_83] : memref<2500x128xi32, #tpu.memory_space<hbm>> -> memref<40x128xi32, #tpu.memory_space<hbm>>
        %dma_start3A_85 = arith.constant 0 : i32
        %dma_start3A_86 = tpu.memref_slice %arg3[%mul3A_82, %dma_start3A_85] : memref<2500x128xi32, #tpu.memory_space<hbm>> -> memref<40x128xi32, #tpu.memory_space<hbm>>
        tpu.enqueue_dma source(%dma_start3A_86 : memref<40x128xi32, #tpu.memory_space<hbm>>) target(%arg12 : memref<40x128xi32, #tpu.memory_space<vmem>>) target_semaphore(%arg15 : memref<!tpu.dma_semaphore, #tpu.memory_space<semaphore_mem>>)
        %mul3A_87 = arith.constant 40 : i32
        %mul3A_88 = arith.muli %add3A_80, %mul3A_87 : i32
        %mul3A_89 = arith.constant 128 : i32
        %mul3A_90 = arith.muli %mul3A_88, %mul3A_89 : i32
        %dma_start3A_91 = tpu.memref_slice %arg4[%mul3A_90] : memref<320000xf32, #tpu.memory_space<hbm>> -> memref<5120xf32, #tpu.memory_space<hbm>>
        %dma_start3A_92 = tpu.memref_slice %arg4[%mul3A_90] : memref<320000xf32, #tpu.memory_space<hbm>> -> memref<5120xf32, #tpu.memory_space<hbm>>
        tpu.enqueue_dma source(%dma_start3A_92 : memref<5120xf32, #tpu.memory_space<hbm>>) target(%arg13 : memref<5120xf32, #tpu.memory_space<vmem>>) target_semaphore(%arg15 : memref<!tpu.dma_semaphore, #tpu.memory_space<semaphore_mem>>)
      } else {
      }
    }
    %scan3A_39 = arith.constant 31 : i32
    "tpu.region"() ({
      %run_scoped3A = tpu.sem_alloc : memref<!tpu.dma_semaphore, #tpu.memory_space<semaphore_mem>>
      %dma_start3A_44 = arith.constant 0 : i32
      %dma_start3A_45 = arith.constant 0 : i32
      %dma_start3A_46 = tpu.memref_slice %arg10[%dma_start3A_44, %dma_start3A_45] : memref<40x128xi32, #tpu.memory_space<vmem>> -> memref<20x128xi32, #tpu.memory_space<vmem>>
      %dma_start3A_47 = arith.constant 2480 : i32
      %dma_start3A_48 = arith.constant 0 : i32
      %dma_start3A_49 = tpu.memref_slice %arg3[%dma_start3A_47, %dma_start3A_48] : memref<2500x128xi32, #tpu.memory_space<hbm>> -> memref<20x128xi32, #tpu.memory_space<hbm>>
      %dma_start3A_50 = arith.constant 0 : i32
      %dma_start3A_51 = arith.constant 0 : i32
      %dma_start3A_52 = tpu.memref_slice %arg10[%dma_start3A_50, %dma_start3A_51] : memref<40x128xi32, #tpu.memory_space<vmem>> -> memref<20x128xi32, #tpu.memory_space<vmem>>
      %dma_start3A_53 = arith.constant 2480 : i32
      %dma_start3A_54 = arith.constant 0 : i32
      %dma_start3A_55 = tpu.memref_slice %arg3[%dma_start3A_53, %dma_start3A_54] : memref<2500x128xi32, #tpu.memory_space<hbm>> -> memref<20x128xi32, #tpu.memory_space<hbm>>
      tpu.enqueue_dma source(%dma_start3A_55 : memref<20x128xi32, #tpu.memory_space<hbm>>) target(%dma_start3A_52 : memref<20x128xi32, #tpu.memory_space<vmem>>) target_semaphore(%run_scoped3A : memref<!tpu.dma_semaphore, #tpu.memory_space<semaphore_mem>>)
      %dma_wait3A = arith.constant 0 : i32
      %dma_wait3A_56 = arith.constant 0 : i32
      %dma_wait3A_57 = tpu.memref_slice %arg10[%dma_wait3A, %dma_wait3A_56] : memref<40x128xi32, #tpu.memory_space<vmem>> -> memref<20x128xi32, #tpu.memory_space<vmem>>
      %dma_wait3A_58 = arith.constant 2480 : i32
      %dma_wait3A_59 = arith.constant 0 : i32
      %dma_wait3A_60 = tpu.memref_slice %arg3[%dma_wait3A_58, %dma_wait3A_59] : memref<2500x128xi32, #tpu.memory_space<hbm>> -> memref<20x128xi32, #tpu.memory_space<hbm>>
      %dma_wait3A_61 = arith.constant 0 : i32
      %dma_wait3A_62 = arith.constant 0 : i32
      %dma_wait3A_63 = tpu.memref_slice %arg10[%dma_wait3A_61, %dma_wait3A_62] : memref<40x128xi32, #tpu.memory_space<vmem>> -> memref<20x128xi32, #tpu.memory_space<vmem>>
      %dma_wait3A_64 = arith.constant 2480 : i32
      %dma_wait3A_65 = arith.constant 0 : i32
      %dma_wait3A_66 = tpu.memref_slice %arg3[%dma_wait3A_64, %dma_wait3A_65] : memref<2500x128xi32, #tpu.memory_space<hbm>> -> memref<20x128xi32, #tpu.memory_space<hbm>>
      tpu.wait_dma2 semaphore(%run_scoped3A : memref<!tpu.dma_semaphore, #tpu.memory_space<semaphore_mem>>) src(%dma_wait3A_66 : memref<20x128xi32, #tpu.memory_space<hbm>>) dst(%dma_wait3A_63 : memref<20x128xi32, #tpu.memory_space<vmem>>)
      tpu.yield
    }) : () -> ()
    "tpu.region"() ({
      %run_scoped3A = tpu.sem_alloc : memref<!tpu.dma_semaphore, #tpu.memory_space<semaphore_mem>>
      %dma_start3A_44 = arith.constant 0 : i32
      %dma_start3A_45 = tpu.memref_slice %arg11[%dma_start3A_44] : memref<5120xf32, #tpu.memory_space<vmem>> -> memref<2560xf32, #tpu.memory_space<vmem>>
      %dma_start3A_46 = arith.constant 317440 : i32
      %dma_start3A_47 = tpu.memref_slice %arg4[%dma_start3A_46] : memref<320000xf32, #tpu.memory_space<hbm>> -> memref<2560xf32, #tpu.memory_space<hbm>>
      %dma_start3A_48 = arith.constant 0 : i32
      %dma_start3A_49 = tpu.memref_slice %arg11[%dma_start3A_48] : memref<5120xf32, #tpu.memory_space<vmem>> -> memref<2560xf32, #tpu.memory_space<vmem>>
      %dma_start3A_50 = arith.constant 317440 : i32
      %dma_start3A_51 = tpu.memref_slice %arg4[%dma_start3A_50] : memref<320000xf32, #tpu.memory_space<hbm>> -> memref<2560xf32, #tpu.memory_space<hbm>>
      tpu.enqueue_dma source(%dma_start3A_51 : memref<2560xf32, #tpu.memory_space<hbm>>) target(%dma_start3A_49 : memref<2560xf32, #tpu.memory_space<vmem>>) target_semaphore(%run_scoped3A : memref<!tpu.dma_semaphore, #tpu.memory_space<semaphore_mem>>)
      %dma_wait3A = arith.constant 0 : i32
      %dma_wait3A_52 = tpu.memref_slice %arg11[%dma_wait3A] : memref<5120xf32, #tpu.memory_space<vmem>> -> memref<2560xf32, #tpu.memory_space<vmem>>
      %dma_wait3A_53 = arith.constant 317440 : i32
      %dma_wait3A_54 = tpu.memref_slice %arg4[%dma_wait3A_53] : memref<320000xf32, #tpu.memory_space<hbm>> -> memref<2560xf32, #tpu.memory_space<hbm>>
      %dma_wait3A_55 = arith.constant 0 : i32
      %dma_wait3A_56 = tpu.memref_slice %arg11[%dma_wait3A_55] : memref<5120xf32, #tpu.memory_space<vmem>> -> memref<2560xf32, #tpu.memory_space<vmem>>
      %dma_wait3A_57 = arith.constant 317440 : i32
      %dma_wait3A_58 = tpu.memref_slice %arg4[%dma_wait3A_57] : memref<320000xf32, #tpu.memory_space<hbm>> -> memref<2560xf32, #tpu.memory_space<hbm>>
      tpu.wait_dma2 semaphore(%run_scoped3A : memref<!tpu.dma_semaphore, #tpu.memory_space<semaphore_mem>>) src(%dma_wait3A_58 : memref<2560xf32, #tpu.memory_space<hbm>>) dst(%dma_wait3A_56 : memref<2560xf32, #tpu.memory_space<vmem>>)
      tpu.yield
    }) : () -> ()
    %parallel_loop3A = arith.constant 0 : i32
    %parallel_loop3A_40 = arith.constant 20 : i32
    %parallel_loop3A_41 = arith.constant 1 : i32
    scf.for %parallel_loop3A_44 = %parallel_loop3A to %parallel_loop3A_40 step %parallel_loop3A_41  : i32 {
      %parallel_loop3A_45 = arith.index_cast %parallel_loop3A_44 : i32 to index
      %parallel_loop3A_46 = arith.constant 0 : index
      %parallel_loop3A_47 = tpu.vector_load %arg10[%parallel_loop3A_45, %parallel_loop3A_46] {strides = array<i32>} : memref<40x128xi32, #tpu.memory_space<vmem>>, vector<16xi32>,
      %parallel_loop3A_48 = vector.broadcast %squeeze3A : i32 to vector<16xi32>
      %parallel_loop3A_49 = arith.andi %parallel_loop3A_47, %parallel_loop3A_48 : vector<16xi32>
      %parallel_loop3A_50 = arith.constant 14 : i32
      %parallel_loop3A_51 = vector.broadcast %parallel_loop3A_50 : i32 to vector<16xi32>
      %parallel_loop3A_52 = arith.shrui %parallel_loop3A_47, %parallel_loop3A_51 : vector<16xi32>
      %parallel_loop3A_53 = arith.constant 128 : i32
      %parallel_loop3A_54 = arith.muli %parallel_loop3A_44, %parallel_loop3A_53 : i32
      %parallel_loop3A_55 = arith.constant 0 : i32
      %parallel_loop3A_56 = arith.addi %parallel_loop3A_54, %parallel_loop3A_55 : i32
      %parallel_loop3A_57 = arith.index_cast %parallel_loop3A_56 : i32 to index
      %parallel_loop3A_58 = tpu.vector_load %arg11[%parallel_loop3A_57] {strides = array<i32>} : memref<5120xf32, #tpu.memory_space<vmem>>, vector<16xf32>,
      %parallel_loop3A_59 = arith.constant 0 : i32
      %parallel_loop3A_60 = vector.broadcast %parallel_loop3A_59 : i32 to vector<16xi32>
      %parallel_loop3A_61 = tpu.vector_load_idx %arg8[%parallel_loop3A_60, %parallel_loop3A_49] : memref<2x10000xi32, #tpu.memory_space<vmem>>[vector<16xi32>, vector<16xi32>], vector<16xi32>,
      %parallel_loop3A_62 = arith.constant 16 : i32
      %parallel_loop3A_63 = vector.broadcast %parallel_loop3A_62 : i32 to vector<16xi32>
      %parallel_loop3A_64 = arith.shli %parallel_loop3A_61, %parallel_loop3A_63 : vector<16xi32>
      %parallel_loop3A_65 = vector.bitcast %parallel_loop3A_64 : vector<16xi32> to vector<16xf32>
      %parallel_loop3A_66 = vector.broadcast %squeeze3A_5 : i32 to vector<16xi32>
      %parallel_loop3A_67 = arith.andi %parallel_loop3A_61, %parallel_loop3A_66 : vector<16xi32>
      %parallel_loop3A_68 = vector.bitcast %parallel_loop3A_67 : vector<16xi32> to vector<16xf32>
      %parallel_loop3A_69 = arith.constant 0 : i32
      %parallel_loop3A_70 = vector.broadcast %parallel_loop3A_69 : i32 to vector<16xi32>
      %parallel_loop3A_71 = arith.constant 1 : i32
      %parallel_loop3A_72 = vector.broadcast %parallel_loop3A_71 : i32 to vector<16xi32>
      %parallel_loop3A_73 = arith.mulf %parallel_loop3A_65, %parallel_loop3A_58 : vector<16xf32>
      tpu.vector_store_idx %arg9[%parallel_loop3A_70, %parallel_loop3A_52], %parallel_loop3A_73 {add = true} : memref<4x10000xf32, #tpu.memory_space<vmem>>[vector<16xi32>, vector<16xi32>], vector<16xf32>,
      %parallel_loop3A_74 = arith.mulf %parallel_loop3A_68, %parallel_loop3A_58 : vector<16xf32>
      tpu.vector_store_idx %arg9[%parallel_loop3A_72, %parallel_loop3A_52], %parallel_loop3A_74 {add = true} : memref<4x10000xf32, #tpu.memory_space<vmem>>[vector<16xi32>, vector<16xi32>], vector<16xf32>,
      %parallel_loop3A_75 = arith.constant 1 : i32
      %parallel_loop3A_76 = vector.broadcast %parallel_loop3A_75 : i32 to vector<16xi32>
      %parallel_loop3A_77 = tpu.vector_load_idx %arg8[%parallel_loop3A_76, %parallel_loop3A_49] : memref<2x10000xi32, #tpu.memory_space<vmem>>[vector<16xi32>, vector<16xi32>], vector<16xi32>,
      %parallel_loop3A_78 = arith.constant 16 : i32
      %parallel_loop3A_79 = vector.broadcast %parallel_loop3A_78 : i32 to vector<16xi32>
      %parallel_loop3A_80 = arith.shli %parallel_loop3A_77, %parallel_loop3A_79 : vector<16xi32>
      %parallel_loop3A_81 = vector.bitcast %parallel_loop3A_80 : vector<16xi32> to vector<16xf32>
      %parallel_loop3A_82 = vector.broadcast %squeeze3A_5 : i32 to vector<16xi32>
      %parallel_loop3A_83 = arith.andi %parallel_loop3A_77, %parallel_loop3A_82 : vector<16xi32>
      %parallel_loop3A_84 = vector.bitcast %parallel_loop3A_83 : vector<16xi32> to vector<16xf32>
      %parallel_loop3A_85 = arith.constant 2 : i32
      %parallel_loop3A_86 = vector.broadcast %parallel_loop3A_85 : i32 to vector<16xi32>
      %parallel_loop3A_87 = arith.constant 3 : i32
      %parallel_loop3A_88 = vector.broadcast %parallel_loop3A_87 : i32 to vector<16xi32>
      %parallel_loop3A_89 = arith.mulf %parallel_loop3A_81, %parallel_loop3A_58 : vector<16xf32>
      tpu.vector_store_idx %arg9[%parallel_loop3A_86, %parallel_loop3A_52], %parallel_loop3A_89 {add = true} : memref<4x10000xf32, #tpu.memory_space<vmem>>[vector<16xi32>, vector<16xi32>], vector<16xf32>,
      %parallel_loop3A_90 = arith.mulf %parallel_loop3A_84, %parallel_loop3A_58 : vector<16xf32>
      tpu.vector_store_idx %arg9[%parallel_loop3A_88, %parallel_loop3A_52], %parallel_loop3A_90 {add = true} : memref<4x10000xf32, #tpu.memory_space<vmem>>[vector<16xi32>, vector<16xi32>], vector<16xf32>,
      %parallel_loop3A_91 = arith.index_cast %parallel_loop3A_44 : i32 to index
      %parallel_loop3A_92 = arith.constant 16 : index
      %parallel_loop3A_93 = tpu.vector_load %arg10[%parallel_loop3A_91, %parallel_loop3A_92] {strides = array<i32>} : memref<40x128xi32, #tpu.memory_space<vmem>>, vector<16xi32>,
      %parallel_loop3A_94 = vector.broadcast %squeeze3A : i32 to vector<16xi32>
      %parallel_loop3A_95 = arith.andi %parallel_loop3A_93, %parallel_loop3A_94 : vector<16xi32>
      %parallel_loop3A_96 = arith.constant 14 : i32
      %parallel_loop3A_97 = vector.broadcast %parallel_loop3A_96 : i32 to vector<16xi32>
      %parallel_loop3A_98 = arith.shrui %parallel_loop3A_93, %parallel_loop3A_97 : vector<16xi32>
      %parallel_loop3A_99 = arith.constant 128 : i32
      %parallel_loop3A_100 = arith.muli %parallel_loop3A_44, %parallel_loop3A_99 : i32
      %parallel_loop3A_101 = arith.constant 16 : i32
      %parallel_loop3A_102 = arith.addi %parallel_loop3A_100, %parallel_loop3A_101 : i32
      %parallel_loop3A_103 = arith.index_cast %parallel_loop3A_102 : i32 to index
      %parallel_loop3A_104 = tpu.vector_load %arg11[%parallel_loop3A_103] {strides = array<i32>} : memref<5120xf32, #tpu.memory_space<vmem>>, vector<16xf32>,
      %parallel_loop3A_105 = arith.constant 0 : i32
      %parallel_loop3A_106 = vector.broadcast %parallel_loop3A_105 : i32 to vector<16xi32>
      %parallel_loop3A_107 = tpu.vector_load_idx %arg8[%parallel_loop3A_106, %parallel_loop3A_95] : memref<2x10000xi32, #tpu.memory_space<vmem>>[vector<16xi32>, vector<16xi32>], vector<16xi32>,
      %parallel_loop3A_108 = arith.constant 16 : i32
      %parallel_loop3A_109 = vector.broadcast %parallel_loop3A_108 : i32 to vector<16xi32>
      %parallel_loop3A_110 = arith.shli %parallel_loop3A_107, %parallel_loop3A_109 : vector<16xi32>
      %parallel_loop3A_111 = vector.bitcast %parallel_loop3A_110 : vector<16xi32> to vector<16xf32>
      %parallel_loop3A_112 = vector.broadcast %squeeze3A_5 : i32 to vector<16xi32>
      %parallel_loop3A_113 = arith.andi %parallel_loop3A_107, %parallel_loop3A_112 : vector<16xi32>
      %parallel_loop3A_114 = vector.bitcast %parallel_loop3A_113 : vector<16xi32> to vector<16xf32>
      %parallel_loop3A_115 = arith.constant 0 : i32
      %parallel_loop3A_116 = vector.broadcast %parallel_loop3A_115 : i32 to vector<16xi32>
      %parallel_loop3A_117 = arith.constant 1 : i32
      %parallel_loop3A_118 = vector.broadcast %parallel_loop3A_117 : i32 to vector<16xi32>
      %parallel_loop3A_119 = arith.mulf %parallel_loop3A_111, %parallel_loop3A_104 : vector<16xf32>
      tpu.vector_store_idx %arg9[%parallel_loop3A_116, %parallel_loop3A_98], %parallel_loop3A_119 {add = true} : memref<4x10000xf32, #tpu.memory_space<vmem>>[vector<16xi32>, vector<16xi32>], vector<16xf32>,
      %parallel_loop3A_120 = arith.mulf %parallel_loop3A_114, %parallel_loop3A_104 : vector<16xf32>
      tpu.vector_store_idx %arg9[%parallel_loop3A_118, %parallel_loop3A_98], %parallel_loop3A_120 {add = true} : memref<4x10000xf32, #tpu.memory_space<vmem>>[vector<16xi32>, vector<16xi32>], vector<16xf32>,
      %parallel_loop3A_121 = arith.constant 1 : i32
      %parallel_loop3A_122 = vector.broadcast %parallel_loop3A_121 : i32 to vector<16xi32>
      %parallel_loop3A_123 = tpu.vector_load_idx %arg8[%parallel_loop3A_122, %parallel_loop3A_95] : memref<2x10000xi32, #tpu.memory_space<vmem>>[vector<16xi32>, vector<16xi32>], vector<16xi32>,
      %parallel_loop3A_124 = arith.constant 16 : i32
      %parallel_loop3A_125 = vector.broadcast %parallel_loop3A_124 : i32 to vector<16xi32>
      %parallel_loop3A_126 = arith.shli %parallel_loop3A_123, %parallel_loop3A_125 : vector<16xi32>
      %parallel_loop3A_127 = vector.bitcast %parallel_loop3A_126 : vector<16xi32> to vector<16xf32>
      %parallel_loop3A_128 = vector.broadcast %squeeze3A_5 : i32 to vector<16xi32>
      %parallel_loop3A_129 = arith.andi %parallel_loop3A_123, %parallel_loop3A_128 : vector<16xi32>
      %parallel_loop3A_130 = vector.bitcast %parallel_loop3A_129 : vector<16xi32> to vector<16xf32>
      %parallel_loop3A_131 = arith.constant 2 : i32
      %parallel_loop3A_132 = vector.broadcast %parallel_loop3A_131 : i32 to vector<16xi32>
      %parallel_loop3A_133 = arith.constant 3 : i32
      %parallel_loop3A_134 = vector.broadcast %parallel_loop3A_133 : i32 to vector<16xi32>
      %parallel_loop3A_135 = arith.mulf %parallel_loop3A_127, %parallel_loop3A_104 : vector<16xf32>
      tpu.vector_store_idx %arg9[%parallel_loop3A_132, %parallel_loop3A_98], %parallel_loop3A_135 {add = true} : memref<4x10000xf32, #tpu.memory_space<vmem>>[vector<16xi32>, vector<16xi32>], vector<16xf32>,
      %parallel_loop3A_136 = arith.mulf %parallel_loop3A_130, %parallel_loop3A_104 : vector<16xf32>
      tpu.vector_store_idx %arg9[%parallel_loop3A_134, %parallel_loop3A_98], %parallel_loop3A_136 {add = true} : memref<4x10000xf32, #tpu.memory_space<vmem>>[vector<16xi32>, vector<16xi32>], vector<16xf32>,
      %parallel_loop3A_137 = arith.index_cast %parallel_loop3A_44 : i32 to index
      %parallel_loop3A_138 = arith.constant 32 : index
      %parallel_loop3A_139 = tpu.vector_load %arg10[%parallel_loop3A_137, %parallel_loop3A_138] {strides = array<i32>} : memref<40x128xi32, #tpu.memory_space<vmem>>, vector<16xi32>,
      %parallel_loop3A_140 = vector.broadcast %squeeze3A : i32 to vector<16xi32>
      %parallel_loop3A_141 = arith.andi %parallel_loop3A_139, %parallel_loop3A_140 : vector<16xi32>
      %parallel_loop3A_142 = arith.constant 14 : i32
      %parallel_loop3A_143 = vector.broadcast %parallel_loop3A_142 : i32 to vector<16xi32>
      %parallel_loop3A_144 = arith.shrui %parallel_loop3A_139, %parallel_loop3A_143 : vector<16xi32>
      %parallel_loop3A_145 = arith.constant 128 : i32
      %parallel_loop3A_146 = arith.muli %parallel_loop3A_44, %parallel_loop3A_145 : i32
      %parallel_loop3A_147 = arith.constant 32 : i32
      %parallel_loop3A_148 = arith.addi %parallel_loop3A_146, %parallel_loop3A_147 : i32
      %parallel_loop3A_149 = arith.index_cast %parallel_loop3A_148 : i32 to index
      %parallel_loop3A_150 = tpu.vector_load %arg11[%parallel_loop3A_149] {strides = array<i32>} : memref<5120xf32, #tpu.memory_space<vmem>>, vector<16xf32>,
      %parallel_loop3A_151 = arith.constant 0 : i32
      %parallel_loop3A_152 = vector.broadcast %parallel_loop3A_151 : i32 to vector<16xi32>
      %parallel_loop3A_153 = tpu.vector_load_idx %arg8[%parallel_loop3A_152, %parallel_loop3A_141] : memref<2x10000xi32, #tpu.memory_space<vmem>>[vector<16xi32>, vector<16xi32>], vector<16xi32>,
      %parallel_loop3A_154 = arith.constant 16 : i32
      %parallel_loop3A_155 = vector.broadcast %parallel_loop3A_154 : i32 to vector<16xi32>
      %parallel_loop3A_156 = arith.shli %parallel_loop3A_153, %parallel_loop3A_155 : vector<16xi32>
      %parallel_loop3A_157 = vector.bitcast %parallel_loop3A_156 : vector<16xi32> to vector<16xf32>
      %parallel_loop3A_158 = vector.broadcast %squeeze3A_5 : i32 to vector<16xi32>
      %parallel_loop3A_159 = arith.andi %parallel_loop3A_153, %parallel_loop3A_158 : vector<16xi32>
      %parallel_loop3A_160 = vector.bitcast %parallel_loop3A_159 : vector<16xi32> to vector<16xf32>
      %parallel_loop3A_161 = arith.constant 0 : i32
      %parallel_loop3A_162 = vector.broadcast %parallel_loop3A_161 : i32 to vector<16xi32>
      %parallel_loop3A_163 = arith.constant 1 : i32
      %parallel_loop3A_164 = vector.broadcast %parallel_loop3A_163 : i32 to vector<16xi32>
      %parallel_loop3A_165 = arith.mulf %parallel_loop3A_157, %parallel_loop3A_150 : vector<16xf32>
      tpu.vector_store_idx %arg9[%parallel_loop3A_162, %parallel_loop3A_144], %parallel_loop3A_165 {add = true} : memref<4x10000xf32, #tpu.memory_space<vmem>>[vector<16xi32>, vector<16xi32>], vector<16xf32>,
      %parallel_loop3A_166 = arith.mulf %parallel_loop3A_160, %parallel_loop3A_150 : vector<16xf32>
      tpu.vector_store_idx %arg9[%parallel_loop3A_164, %parallel_loop3A_144], %parallel_loop3A_166 {add = true} : memref<4x10000xf32, #tpu.memory_space<vmem>>[vector<16xi32>, vector<16xi32>], vector<16xf32>,
      %parallel_loop3A_167 = arith.constant 1 : i32
      %parallel_loop3A_168 = vector.broadcast %parallel_loop3A_167 : i32 to vector<16xi32>
      %parallel_loop3A_169 = tpu.vector_load_idx %arg8[%parallel_loop3A_168, %parallel_loop3A_141] : memref<2x10000xi32, #tpu.memory_space<vmem>>[vector<16xi32>, vector<16xi32>], vector<16xi32>,
      %parallel_loop3A_170 = arith.constant 16 : i32
      %parallel_loop3A_171 = vector.broadcast %parallel_loop3A_170 : i32 to vector<16xi32>
      %parallel_loop3A_172 = arith.shli %parallel_loop3A_169, %parallel_loop3A_171 : vector<16xi32>
      %parallel_loop3A_173 = vector.bitcast %parallel_loop3A_172 : vector<16xi32> to vector<16xf32>
      %parallel_loop3A_174 = vector.broadcast %squeeze3A_5 : i32 to vector<16xi32>
      %parallel_loop3A_175 = arith.andi %parallel_loop3A_169, %parallel_loop3A_174 : vector<16xi32>
      %parallel_loop3A_176 = vector.bitcast %parallel_loop3A_175 : vector<16xi32> to vector<16xf32>
      %parallel_loop3A_177 = arith.constant 2 : i32
      %parallel_loop3A_178 = vector.broadcast %parallel_loop3A_177 : i32 to vector<16xi32>
      %parallel_loop3A_179 = arith.constant 3 : i32
      %parallel_loop3A_180 = vector.broadcast %parallel_loop3A_179 : i32 to vector<16xi32>
      %parallel_loop3A_181 = arith.mulf %parallel_loop3A_173, %parallel_loop3A_150 : vector<16xf32>
      tpu.vector_store_idx %arg9[%parallel_loop3A_178, %parallel_loop3A_144], %parallel_loop3A_181 {add = true} : memref<4x10000xf32, #tpu.memory_space<vmem>>[vector<16xi32>, vector<16xi32>], vector<16xf32>,
      %parallel_loop3A_182 = arith.mulf %parallel_loop3A_176, %parallel_loop3A_150 : vector<16xf32>
      tpu.vector_store_idx %arg9[%parallel_loop3A_180, %parallel_loop3A_144], %parallel_loop3A_182 {add = true} : memref<4x10000xf32, #tpu.memory_space<vmem>>[vector<16xi32>, vector<16xi32>], vector<16xf32>,
      %parallel_loop3A_183 = arith.index_cast %parallel_loop3A_44 : i32 to index
      %parallel_loop3A_184 = arith.constant 48 : index
      %parallel_loop3A_185 = tpu.vector_load %arg10[%parallel_loop3A_183, %parallel_loop3A_184] {strides = array<i32>} : memref<40x128xi32, #tpu.memory_space<vmem>>, vector<16xi32>,
      %parallel_loop3A_186 = vector.broadcast %squeeze3A : i32 to vector<16xi32>
      %parallel_loop3A_187 = arith.andi %parallel_loop3A_185, %parallel_loop3A_186 : vector<16xi32>
      %parallel_loop3A_188 = arith.constant 14 : i32
      %parallel_loop3A_189 = vector.broadcast %parallel_loop3A_188 : i32 to vector<16xi32>
      %parallel_loop3A_190 = arith.shrui %parallel_loop3A_185, %parallel_loop3A_189 : vector<16xi32>
      %parallel_loop3A_191 = arith.constant 128 : i32
      %parallel_loop3A_192 = arith.muli %parallel_loop3A_44, %parallel_loop3A_191 : i32
      %parallel_loop3A_193 = arith.constant 48 : i32
      %parallel_loop3A_194 = arith.addi %parallel_loop3A_192, %parallel_loop3A_193 : i32
      %parallel_loop3A_195 = arith.index_cast %parallel_loop3A_194 : i32 to index
      %parallel_loop3A_196 = tpu.vector_load %arg11[%parallel_loop3A_195] {strides = array<i32>} : memref<5120xf32, #tpu.memory_space<vmem>>, vector<16xf32>,
      %parallel_loop3A_197 = arith.constant 0 : i32
      %parallel_loop3A_198 = vector.broadcast %parallel_loop3A_197 : i32 to vector<16xi32>
      %parallel_loop3A_199 = tpu.vector_load_idx %arg8[%parallel_loop3A_198, %parallel_loop3A_187] : memref<2x10000xi32, #tpu.memory_space<vmem>>[vector<16xi32>, vector<16xi32>], vector<16xi32>,
      %parallel_loop3A_200 = arith.constant 16 : i32
      %parallel_loop3A_201 = vector.broadcast %parallel_loop3A_200 : i32 to vector<16xi32>
      %parallel_loop3A_202 = arith.shli %parallel_loop3A_199, %parallel_loop3A_201 : vector<16xi32>
      %parallel_loop3A_203 = vector.bitcast %parallel_loop3A_202 : vector<16xi32> to vector<16xf32>
      %parallel_loop3A_204 = vector.broadcast %squeeze3A_5 : i32 to vector<16xi32>
      %parallel_loop3A_205 = arith.andi %parallel_loop3A_199, %parallel_loop3A_204 : vector<16xi32>
      %parallel_loop3A_206 = vector.bitcast %parallel_loop3A_205 : vector<16xi32> to vector<16xf32>
      %parallel_loop3A_207 = arith.constant 0 : i32
      %parallel_loop3A_208 = vector.broadcast %parallel_loop3A_207 : i32 to vector<16xi32>
      %parallel_loop3A_209 = arith.constant 1 : i32
      %parallel_loop3A_210 = vector.broadcast %parallel_loop3A_209 : i32 to vector<16xi32>
      %parallel_loop3A_211 = arith.mulf %parallel_loop3A_203, %parallel_loop3A_196 : vector<16xf32>
      tpu.vector_store_idx %arg9[%parallel_loop3A_208, %parallel_loop3A_190], %parallel_loop3A_211 {add = true} : memref<4x10000xf32, #tpu.memory_space<vmem>>[vector<16xi32>, vector<16xi32>], vector<16xf32>,
      %parallel_loop3A_212 = arith.mulf %parallel_loop3A_206, %parallel_loop3A_196 : vector<16xf32>
      tpu.vector_store_idx %arg9[%parallel_loop3A_210, %parallel_loop3A_190], %parallel_loop3A_212 {add = true} : memref<4x10000xf32, #tpu.memory_space<vmem>>[vector<16xi32>, vector<16xi32>], vector<16xf32>,
      %parallel_loop3A_213 = arith.constant 1 : i32
      %parallel_loop3A_214 = vector.broadcast %parallel_loop3A_213 : i32 to vector<16xi32>
      %parallel_loop3A_215 = tpu.vector_load_idx %arg8[%parallel_loop3A_214, %parallel_loop3A_187] : memref<2x10000xi32, #tpu.memory_space<vmem>>[vector<16xi32>, vector<16xi32>], vector<16xi32>,
      %parallel_loop3A_216 = arith.constant 16 : i32
      %parallel_loop3A_217 = vector.broadcast %parallel_loop3A_216 : i32 to vector<16xi32>
      %parallel_loop3A_218 = arith.shli %parallel_loop3A_215, %parallel_loop3A_217 : vector<16xi32>
      %parallel_loop3A_219 = vector.bitcast %parallel_loop3A_218 : vector<16xi32> to vector<16xf32>
      %parallel_loop3A_220 = vector.broadcast %squeeze3A_5 : i32 to vector<16xi32>
      %parallel_loop3A_221 = arith.andi %parallel_loop3A_215, %parallel_loop3A_220 : vector<16xi32>
      %parallel_loop3A_222 = vector.bitcast %parallel_loop3A_221 : vector<16xi32> to vector<16xf32>
      %parallel_loop3A_223 = arith.constant 2 : i32
      %parallel_loop3A_224 = vector.broadcast %parallel_loop3A_223 : i32 to vector<16xi32>
      %parallel_loop3A_225 = arith.constant 3 : i32
      %parallel_loop3A_226 = vector.broadcast %parallel_loop3A_225 : i32 to vector<16xi32>
      %parallel_loop3A_227 = arith.mulf %parallel_loop3A_219, %parallel_loop3A_196 : vector<16xf32>
      tpu.vector_store_idx %arg9[%parallel_loop3A_224, %parallel_loop3A_190], %parallel_loop3A_227 {add = true} : memref<4x10000xf32, #tpu.memory_space<vmem>>[vector<16xi32>, vector<16xi32>], vector<16xf32>,
      %parallel_loop3A_228 = arith.mulf %parallel_loop3A_222, %parallel_loop3A_196 : vector<16xf32>
      tpu.vector_store_idx %arg9[%parallel_loop3A_226, %parallel_loop3A_190], %parallel_loop3A_228 {add = true} : memref<4x10000xf32, #tpu.memory_space<vmem>>[vector<16xi32>, vector<16xi32>], vector<16xf32>,
      %parallel_loop3A_229 = arith.index_cast %parallel_loop3A_44 : i32 to index
      %parallel_loop3A_230 = arith.constant 64 : index
      %parallel_loop3A_231 = tpu.vector_load %arg10[%parallel_loop3A_229, %parallel_loop3A_230] {strides = array<i32>} : memref<40x128xi32, #tpu.memory_space<vmem>>, vector<16xi32>,
      %parallel_loop3A_232 = vector.broadcast %squeeze3A : i32 to vector<16xi32>
      %parallel_loop3A_233 = arith.andi %parallel_loop3A_231, %parallel_loop3A_232 : vector<16xi32>
      %parallel_loop3A_234 = arith.constant 14 : i32
      %parallel_loop3A_235 = vector.broadcast %parallel_loop3A_234 : i32 to vector<16xi32>
      %parallel_loop3A_236 = arith.shrui %parallel_loop3A_231, %parallel_loop3A_235 : vector<16xi32>
      %parallel_loop3A_237 = arith.constant 128 : i32
      %parallel_loop3A_238 = arith.muli %parallel_loop3A_44, %parallel_loop3A_237 : i32
      %parallel_loop3A_239 = arith.constant 64 : i32
      %parallel_loop3A_240 = arith.addi %parallel_loop3A_238, %parallel_loop3A_239 : i32
      %parallel_loop3A_241 = arith.index_cast %parallel_loop3A_240 : i32 to index
      %parallel_loop3A_242 = tpu.vector_load %arg11[%parallel_loop3A_241] {strides = array<i32>} : memref<5120xf32, #tpu.memory_space<vmem>>, vector<16xf32>,
      %parallel_loop3A_243 = arith.constant 0 : i32
      %parallel_loop3A_244 = vector.broadcast %parallel_loop3A_243 : i32 to vector<16xi32>
      %parallel_loop3A_245 = tpu.vector_load_idx %arg8[%parallel_loop3A_244, %parallel_loop3A_233] : memref<2x10000xi32, #tpu.memory_space<vmem>>[vector<16xi32>, vector<16xi32>], vector<16xi32>,
      %parallel_loop3A_246 = arith.constant 16 : i32
      %parallel_loop3A_247 = vector.broadcast %parallel_loop3A_246 : i32 to vector<16xi32>
      %parallel_loop3A_248 = arith.shli %parallel_loop3A_245, %parallel_loop3A_247 : vector<16xi32>
      %parallel_loop3A_249 = vector.bitcast %parallel_loop3A_248 : vector<16xi32> to vector<16xf32>
      %parallel_loop3A_250 = vector.broadcast %squeeze3A_5 : i32 to vector<16xi32>
      %parallel_loop3A_251 = arith.andi %parallel_loop3A_245, %parallel_loop3A_250 : vector<16xi32>
      %parallel_loop3A_252 = vector.bitcast %parallel_loop3A_251 : vector<16xi32> to vector<16xf32>
      %parallel_loop3A_253 = arith.constant 0 : i32
      %parallel_loop3A_254 = vector.broadcast %parallel_loop3A_253 : i32 to vector<16xi32>
      %parallel_loop3A_255 = arith.constant 1 : i32
      %parallel_loop3A_256 = vector.broadcast %parallel_loop3A_255 : i32 to vector<16xi32>
      %parallel_loop3A_257 = arith.mulf %parallel_loop3A_249, %parallel_loop3A_242 : vector<16xf32>
      tpu.vector_store_idx %arg9[%parallel_loop3A_254, %parallel_loop3A_236], %parallel_loop3A_257 {add = true} : memref<4x10000xf32, #tpu.memory_space<vmem>>[vector<16xi32>, vector<16xi32>], vector<16xf32>,
      %parallel_loop3A_258 = arith.mulf %parallel_loop3A_252, %parallel_loop3A_242 : vector<16xf32>
      tpu.vector_store_idx %arg9[%parallel_loop3A_256, %parallel_loop3A_236], %parallel_loop3A_258 {add = true} : memref<4x10000xf32, #tpu.memory_space<vmem>>[vector<16xi32>, vector<16xi32>], vector<16xf32>,
      %parallel_loop3A_259 = arith.constant 1 : i32
      %parallel_loop3A_260 = vector.broadcast %parallel_loop3A_259 : i32 to vector<16xi32>
      %parallel_loop3A_261 = tpu.vector_load_idx %arg8[%parallel_loop3A_260, %parallel_loop3A_233] : memref<2x10000xi32, #tpu.memory_space<vmem>>[vector<16xi32>, vector<16xi32>], vector<16xi32>,
      %parallel_loop3A_262 = arith.constant 16 : i32
      %parallel_loop3A_263 = vector.broadcast %parallel_loop3A_262 : i32 to vector<16xi32>
      %parallel_loop3A_264 = arith.shli %parallel_loop3A_261, %parallel_loop3A_263 : vector<16xi32>
      %parallel_loop3A_265 = vector.bitcast %parallel_loop3A_264 : vector<16xi32> to vector<16xf32>
      %parallel_loop3A_266 = vector.broadcast %squeeze3A_5 : i32 to vector<16xi32>
      %parallel_loop3A_267 = arith.andi %parallel_loop3A_261, %parallel_loop3A_266 : vector<16xi32>
      %parallel_loop3A_268 = vector.bitcast %parallel_loop3A_267 : vector<16xi32> to vector<16xf32>
      %parallel_loop3A_269 = arith.constant 2 : i32
      %parallel_loop3A_270 = vector.broadcast %parallel_loop3A_269 : i32 to vector<16xi32>
      %parallel_loop3A_271 = arith.constant 3 : i32
      %parallel_loop3A_272 = vector.broadcast %parallel_loop3A_271 : i32 to vector<16xi32>
      %parallel_loop3A_273 = arith.mulf %parallel_loop3A_265, %parallel_loop3A_242 : vector<16xf32>
      tpu.vector_store_idx %arg9[%parallel_loop3A_270, %parallel_loop3A_236], %parallel_loop3A_273 {add = true} : memref<4x10000xf32, #tpu.memory_space<vmem>>[vector<16xi32>, vector<16xi32>], vector<16xf32>,
      %parallel_loop3A_274 = arith.mulf %parallel_loop3A_268, %parallel_loop3A_242 : vector<16xf32>
      tpu.vector_store_idx %arg9[%parallel_loop3A_272, %parallel_loop3A_236], %parallel_loop3A_274 {add = true} : memref<4x10000xf32, #tpu.memory_space<vmem>>[vector<16xi32>, vector<16xi32>], vector<16xf32>,
      %parallel_loop3A_275 = arith.index_cast %parallel_loop3A_44 : i32 to index
      %parallel_loop3A_276 = arith.constant 80 : index
      %parallel_loop3A_277 = tpu.vector_load %arg10[%parallel_loop3A_275, %parallel_loop3A_276] {strides = array<i32>} : memref<40x128xi32, #tpu.memory_space<vmem>>, vector<16xi32>,
      %parallel_loop3A_278 = vector.broadcast %squeeze3A : i32 to vector<16xi32>
      %parallel_loop3A_279 = arith.andi %parallel_loop3A_277, %parallel_loop3A_278 : vector<16xi32>
      %parallel_loop3A_280 = arith.constant 14 : i32
      %parallel_loop3A_281 = vector.broadcast %parallel_loop3A_280 : i32 to vector<16xi32>
      %parallel_loop3A_282 = arith.shrui %parallel_loop3A_277, %parallel_loop3A_281 : vector<16xi32>
      %parallel_loop3A_283 = arith.constant 128 : i32
      %parallel_loop3A_284 = arith.muli %parallel_loop3A_44, %parallel_loop3A_283 : i32
      %parallel_loop3A_285 = arith.constant 80 : i32
      %parallel_loop3A_286 = arith.addi %parallel_loop3A_284, %parallel_loop3A_285 : i32
      %parallel_loop3A_287 = arith.index_cast %parallel_loop3A_286 : i32 to index
      %parallel_loop3A_288 = tpu.vector_load %arg11[%parallel_loop3A_287] {strides = array<i32>} : memref<5120xf32, #tpu.memory_space<vmem>>, vector<16xf32>,
      %parallel_loop3A_289 = arith.constant 0 : i32
      %parallel_loop3A_290 = vector.broadcast %parallel_loop3A_289 : i32 to vector<16xi32>
      %parallel_loop3A_291 = tpu.vector_load_idx %arg8[%parallel_loop3A_290, %parallel_loop3A_279] : memref<2x10000xi32, #tpu.memory_space<vmem>>[vector<16xi32>, vector<16xi32>], vector<16xi32>,
      %parallel_loop3A_292 = arith.constant 16 : i32
      %parallel_loop3A_293 = vector.broadcast %parallel_loop3A_292 : i32 to vector<16xi32>
      %parallel_loop3A_294 = arith.shli %parallel_loop3A_291, %parallel_loop3A_293 : vector<16xi32>
      %parallel_loop3A_295 = vector.bitcast %parallel_loop3A_294 : vector<16xi32> to vector<16xf32>
      %parallel_loop3A_296 = vector.broadcast %squeeze3A_5 : i32 to vector<16xi32>
      %parallel_loop3A_297 = arith.andi %parallel_loop3A_291, %parallel_loop3A_296 : vector<16xi32>
      %parallel_loop3A_298 = vector.bitcast %parallel_loop3A_297 : vector<16xi32> to vector<16xf32>
      %parallel_loop3A_299 = arith.constant 0 : i32
      %parallel_loop3A_300 = vector.broadcast %parallel_loop3A_299 : i32 to vector<16xi32>
      %parallel_loop3A_301 = arith.constant 1 : i32
      %parallel_loop3A_302 = vector.broadcast %parallel_loop3A_301 : i32 to vector<16xi32>
      %parallel_loop3A_303 = arith.mulf %parallel_loop3A_295, %parallel_loop3A_288 : vector<16xf32>
      tpu.vector_store_idx %arg9[%parallel_loop3A_300, %parallel_loop3A_282], %parallel_loop3A_303 {add = true} : memref<4x10000xf32, #tpu.memory_space<vmem>>[vector<16xi32>, vector<16xi32>], vector<16xf32>,
      %parallel_loop3A_304 = arith.mulf %parallel_loop3A_298, %parallel_loop3A_288 : vector<16xf32>
      tpu.vector_store_idx %arg9[%parallel_loop3A_302, %parallel_loop3A_282], %parallel_loop3A_304 {add = true} : memref<4x10000xf32, #tpu.memory_space<vmem>>[vector<16xi32>, vector<16xi32>], vector<16xf32>,
      %parallel_loop3A_305 = arith.constant 1 : i32
      %parallel_loop3A_306 = vector.broadcast %parallel_loop3A_305 : i32 to vector<16xi32>
      %parallel_loop3A_307 = tpu.vector_load_idx %arg8[%parallel_loop3A_306, %parallel_loop3A_279] : memref<2x10000xi32, #tpu.memory_space<vmem>>[vector<16xi32>, vector<16xi32>], vector<16xi32>,
      %parallel_loop3A_308 = arith.constant 16 : i32
      %parallel_loop3A_309 = vector.broadcast %parallel_loop3A_308 : i32 to vector<16xi32>
      %parallel_loop3A_310 = arith.shli %parallel_loop3A_307, %parallel_loop3A_309 : vector<16xi32>
      %parallel_loop3A_311 = vector.bitcast %parallel_loop3A_310 : vector<16xi32> to vector<16xf32>
      %parallel_loop3A_312 = vector.broadcast %squeeze3A_5 : i32 to vector<16xi32>
      %parallel_loop3A_313 = arith.andi %parallel_loop3A_307, %parallel_loop3A_312 : vector<16xi32>
      %parallel_loop3A_314 = vector.bitcast %parallel_loop3A_313 : vector<16xi32> to vector<16xf32>
      %parallel_loop3A_315 = arith.constant 2 : i32
      %parallel_loop3A_316 = vector.broadcast %parallel_loop3A_315 : i32 to vector<16xi32>
      %parallel_loop3A_317 = arith.constant 3 : i32
      %parallel_loop3A_318 = vector.broadcast %parallel_loop3A_317 : i32 to vector<16xi32>
      %parallel_loop3A_319 = arith.mulf %parallel_loop3A_311, %parallel_loop3A_288 : vector<16xf32>
      tpu.vector_store_idx %arg9[%parallel_loop3A_316, %parallel_loop3A_282], %parallel_loop3A_319 {add = true} : memref<4x10000xf32, #tpu.memory_space<vmem>>[vector<16xi32>, vector<16xi32>], vector<16xf32>,
      %parallel_loop3A_320 = arith.mulf %parallel_loop3A_314, %parallel_loop3A_288 : vector<16xf32>
      tpu.vector_store_idx %arg9[%parallel_loop3A_318, %parallel_loop3A_282], %parallel_loop3A_320 {add = true} : memref<4x10000xf32, #tpu.memory_space<vmem>>[vector<16xi32>, vector<16xi32>], vector<16xf32>,
      %parallel_loop3A_321 = arith.index_cast %parallel_loop3A_44 : i32 to index
      %parallel_loop3A_322 = arith.constant 96 : index
      %parallel_loop3A_323 = tpu.vector_load %arg10[%parallel_loop3A_321, %parallel_loop3A_322] {strides = array<i32>} : memref<40x128xi32, #tpu.memory_space<vmem>>, vector<16xi32>,
      %parallel_loop3A_324 = vector.broadcast %squeeze3A : i32 to vector<16xi32>
      %parallel_loop3A_325 = arith.andi %parallel_loop3A_323, %parallel_loop3A_324 : vector<16xi32>
      %parallel_loop3A_326 = arith.constant 14 : i32
      %parallel_loop3A_327 = vector.broadcast %parallel_loop3A_326 : i32 to vector<16xi32>
      %parallel_loop3A_328 = arith.shrui %parallel_loop3A_323, %parallel_loop3A_327 : vector<16xi32>
      %parallel_loop3A_329 = arith.constant 128 : i32
      %parallel_loop3A_330 = arith.muli %parallel_loop3A_44, %parallel_loop3A_329 : i32
      %parallel_loop3A_331 = arith.constant 96 : i32
      %parallel_loop3A_332 = arith.addi %parallel_loop3A_330, %parallel_loop3A_331 : i32
      %parallel_loop3A_333 = arith.index_cast %parallel_loop3A_332 : i32 to index
      %parallel_loop3A_334 = tpu.vector_load %arg11[%parallel_loop3A_333] {strides = array<i32>} : memref<5120xf32, #tpu.memory_space<vmem>>, vector<16xf32>,
      %parallel_loop3A_335 = arith.constant 0 : i32
      %parallel_loop3A_336 = vector.broadcast %parallel_loop3A_335 : i32 to vector<16xi32>
      %parallel_loop3A_337 = tpu.vector_load_idx %arg8[%parallel_loop3A_336, %parallel_loop3A_325] : memref<2x10000xi32, #tpu.memory_space<vmem>>[vector<16xi32>, vector<16xi32>], vector<16xi32>,
      %parallel_loop3A_338 = arith.constant 16 : i32
      %parallel_loop3A_339 = vector.broadcast %parallel_loop3A_338 : i32 to vector<16xi32>
      %parallel_loop3A_340 = arith.shli %parallel_loop3A_337, %parallel_loop3A_339 : vector<16xi32>
      %parallel_loop3A_341 = vector.bitcast %parallel_loop3A_340 : vector<16xi32> to vector<16xf32>
      %parallel_loop3A_342 = vector.broadcast %squeeze3A_5 : i32 to vector<16xi32>
      %parallel_loop3A_343 = arith.andi %parallel_loop3A_337, %parallel_loop3A_342 : vector<16xi32>
      %parallel_loop3A_344 = vector.bitcast %parallel_loop3A_343 : vector<16xi32> to vector<16xf32>
      %parallel_loop3A_345 = arith.constant 0 : i32
      %parallel_loop3A_346 = vector.broadcast %parallel_loop3A_345 : i32 to vector<16xi32>
      %parallel_loop3A_347 = arith.constant 1 : i32
      %parallel_loop3A_348 = vector.broadcast %parallel_loop3A_347 : i32 to vector<16xi32>
      %parallel_loop3A_349 = arith.mulf %parallel_loop3A_341, %parallel_loop3A_334 : vector<16xf32>
      tpu.vector_store_idx %arg9[%parallel_loop3A_346, %parallel_loop3A_328], %parallel_loop3A_349 {add = true} : memref<4x10000xf32, #tpu.memory_space<vmem>>[vector<16xi32>, vector<16xi32>], vector<16xf32>,
      %parallel_loop3A_350 = arith.mulf %parallel_loop3A_344, %parallel_loop3A_334 : vector<16xf32>
      tpu.vector_store_idx %arg9[%parallel_loop3A_348, %parallel_loop3A_328], %parallel_loop3A_350 {add = true} : memref<4x10000xf32, #tpu.memory_space<vmem>>[vector<16xi32>, vector<16xi32>], vector<16xf32>,
      %parallel_loop3A_351 = arith.constant 1 : i32
      %parallel_loop3A_352 = vector.broadcast %parallel_loop3A_351 : i32 to vector<16xi32>
      %parallel_loop3A_353 = tpu.vector_load_idx %arg8[%parallel_loop3A_352, %parallel_loop3A_325] : memref<2x10000xi32, #tpu.memory_space<vmem>>[vector<16xi32>, vector<16xi32>], vector<16xi32>,
      %parallel_loop3A_354 = arith.constant 16 : i32
      %parallel_loop3A_355 = vector.broadcast %parallel_loop3A_354 : i32 to vector<16xi32>
      %parallel_loop3A_356 = arith.shli %parallel_loop3A_353, %parallel_loop3A_355 : vector<16xi32>
      %parallel_loop3A_357 = vector.bitcast %parallel_loop3A_356 : vector<16xi32> to vector<16xf32>
      %parallel_loop3A_358 = vector.broadcast %squeeze3A_5 : i32 to vector<16xi32>
      %parallel_loop3A_359 = arith.andi %parallel_loop3A_353, %parallel_loop3A_358 : vector<16xi32>
      %parallel_loop3A_360 = vector.bitcast %parallel_loop3A_359 : vector<16xi32> to vector<16xf32>
      %parallel_loop3A_361 = arith.constant 2 : i32
      %parallel_loop3A_362 = vector.broadcast %parallel_loop3A_361 : i32 to vector<16xi32>
      %parallel_loop3A_363 = arith.constant 3 : i32
      %parallel_loop3A_364 = vector.broadcast %parallel_loop3A_363 : i32 to vector<16xi32>
      %parallel_loop3A_365 = arith.mulf %parallel_loop3A_357, %parallel_loop3A_334 : vector<16xf32>
      tpu.vector_store_idx %arg9[%parallel_loop3A_362, %parallel_loop3A_328], %parallel_loop3A_365 {add = true} : memref<4x10000xf32, #tpu.memory_space<vmem>>[vector<16xi32>, vector<16xi32>], vector<16xf32>,
      %parallel_loop3A_366 = arith.mulf %parallel_loop3A_360, %parallel_loop3A_334 : vector<16xf32>
      tpu.vector_store_idx %arg9[%parallel_loop3A_364, %parallel_loop3A_328], %parallel_loop3A_366 {add = true} : memref<4x10000xf32, #tpu.memory_space<vmem>>[vector<16xi32>, vector<16xi32>], vector<16xf32>,
      %parallel_loop3A_367 = arith.index_cast %parallel_loop3A_44 : i32 to index
      %parallel_loop3A_368 = arith.constant 112 : index
      %parallel_loop3A_369 = tpu.vector_load %arg10[%parallel_loop3A_367, %parallel_loop3A_368] {strides = array<i32>} : memref<40x128xi32, #tpu.memory_space<vmem>>, vector<16xi32>,
      %parallel_loop3A_370 = vector.broadcast %squeeze3A : i32 to vector<16xi32>
      %parallel_loop3A_371 = arith.andi %parallel_loop3A_369, %parallel_loop3A_370 : vector<16xi32>
      %parallel_loop3A_372 = arith.constant 14 : i32
      %parallel_loop3A_373 = vector.broadcast %parallel_loop3A_372 : i32 to vector<16xi32>
      %parallel_loop3A_374 = arith.shrui %parallel_loop3A_369, %parallel_loop3A_373 : vector<16xi32>
      %parallel_loop3A_375 = arith.constant 128 : i32
      %parallel_loop3A_376 = arith.muli %parallel_loop3A_44, %parallel_loop3A_375 : i32
      %parallel_loop3A_377 = arith.constant 112 : i32
      %parallel_loop3A_378 = arith.addi %parallel_loop3A_376, %parallel_loop3A_377 : i32
      %parallel_loop3A_379 = arith.index_cast %parallel_loop3A_378 : i32 to index
      %parallel_loop3A_380 = tpu.vector_load %arg11[%parallel_loop3A_379] {strides = array<i32>} : memref<5120xf32, #tpu.memory_space<vmem>>, vector<16xf32>,
      %parallel_loop3A_381 = arith.constant 0 : i32
      %parallel_loop3A_382 = vector.broadcast %parallel_loop3A_381 : i32 to vector<16xi32>
      %parallel_loop3A_383 = tpu.vector_load_idx %arg8[%parallel_loop3A_382, %parallel_loop3A_371] : memref<2x10000xi32, #tpu.memory_space<vmem>>[vector<16xi32>, vector<16xi32>], vector<16xi32>,
      %parallel_loop3A_384 = arith.constant 16 : i32
      %parallel_loop3A_385 = vector.broadcast %parallel_loop3A_384 : i32 to vector<16xi32>
      %parallel_loop3A_386 = arith.shli %parallel_loop3A_383, %parallel_loop3A_385 : vector<16xi32>
      %parallel_loop3A_387 = vector.bitcast %parallel_loop3A_386 : vector<16xi32> to vector<16xf32>
      %parallel_loop3A_388 = vector.broadcast %squeeze3A_5 : i32 to vector<16xi32>
      %parallel_loop3A_389 = arith.andi %parallel_loop3A_383, %parallel_loop3A_388 : vector<16xi32>
      %parallel_loop3A_390 = vector.bitcast %parallel_loop3A_389 : vector<16xi32> to vector<16xf32>
      %parallel_loop3A_391 = arith.constant 0 : i32
      %parallel_loop3A_392 = vector.broadcast %parallel_loop3A_391 : i32 to vector<16xi32>
      %parallel_loop3A_393 = arith.constant 1 : i32
      %parallel_loop3A_394 = vector.broadcast %parallel_loop3A_393 : i32 to vector<16xi32>
      %parallel_loop3A_395 = arith.mulf %parallel_loop3A_387, %parallel_loop3A_380 : vector<16xf32>
      tpu.vector_store_idx %arg9[%parallel_loop3A_392, %parallel_loop3A_374], %parallel_loop3A_395 {add = true} : memref<4x10000xf32, #tpu.memory_space<vmem>>[vector<16xi32>, vector<16xi32>], vector<16xf32>,
      %parallel_loop3A_396 = arith.mulf %parallel_loop3A_390, %parallel_loop3A_380 : vector<16xf32>
      tpu.vector_store_idx %arg9[%parallel_loop3A_394, %parallel_loop3A_374], %parallel_loop3A_396 {add = true} : memref<4x10000xf32, #tpu.memory_space<vmem>>[vector<16xi32>, vector<16xi32>], vector<16xf32>,
      %parallel_loop3A_397 = arith.constant 1 : i32
      %parallel_loop3A_398 = vector.broadcast %parallel_loop3A_397 : i32 to vector<16xi32>
      %parallel_loop3A_399 = tpu.vector_load_idx %arg8[%parallel_loop3A_398, %parallel_loop3A_371] : memref<2x10000xi32, #tpu.memory_space<vmem>>[vector<16xi32>, vector<16xi32>], vector<16xi32>,
      %parallel_loop3A_400 = arith.constant 16 : i32
      %parallel_loop3A_401 = vector.broadcast %parallel_loop3A_400 : i32 to vector<16xi32>
      %parallel_loop3A_402 = arith.shli %parallel_loop3A_399, %parallel_loop3A_401 : vector<16xi32>
      %parallel_loop3A_403 = vector.bitcast %parallel_loop3A_402 : vector<16xi32> to vector<16xf32>
      %parallel_loop3A_404 = vector.broadcast %squeeze3A_5 : i32 to vector<16xi32>
      %parallel_loop3A_405 = arith.andi %parallel_loop3A_399, %parallel_loop3A_404 : vector<16xi32>
      %parallel_loop3A_406 = vector.bitcast %parallel_loop3A_405 : vector<16xi32> to vector<16xf32>
      %parallel_loop3A_407 = arith.constant 2 : i32
      %parallel_loop3A_408 = vector.broadcast %parallel_loop3A_407 : i32 to vector<16xi32>
      %parallel_loop3A_409 = arith.constant 3 : i32
      %parallel_loop3A_410 = vector.broadcast %parallel_loop3A_409 : i32 to vector<16xi32>
      %parallel_loop3A_411 = arith.mulf %parallel_loop3A_403, %parallel_loop3A_380 : vector<16xf32>
      tpu.vector_store_idx %arg9[%parallel_loop3A_408, %parallel_loop3A_374], %parallel_loop3A_411 {add = true} : memref<4x10000xf32, #tpu.memory_space<vmem>>[vector<16xi32>, vector<16xi32>], vector<16xf32>,
      %parallel_loop3A_412 = arith.mulf %parallel_loop3A_406, %parallel_loop3A_380 : vector<16xf32>
      tpu.vector_store_idx %arg9[%parallel_loop3A_410, %parallel_loop3A_374], %parallel_loop3A_412 {add = true} : memref<4x10000xf32, #tpu.memory_space<vmem>>[vector<16xi32>, vector<16xi32>], vector<16xf32>,
    } {sc.loop_unroll_factor = 4 : i64, sc.parallel_access}
    %mul3A_42 = arith.constant 4 : i32
    %mul3A_43 = arith.muli %add3A, %mul3A_42 : i32
    "tpu.region"() ({
      %run_scoped3A = tpu.sem_alloc : memref<!tpu.dma_semaphore, #tpu.memory_space<semaphore_mem>>
      %dma_start3A_44 = arith.constant 0 : i32
      %dma_start3A_45 = tpu.memref_slice %arg7[%mul3A_43, %dma_start3A_44] : memref<128x10000xf32, #tpu.memory_space<hbm>> -> memref<4x10000xf32, #tpu.memory_space<hbm>>
      %dma_start3A_46 = arith.constant 0 : i32
      %dma_start3A_47 = tpu.memref_slice %arg7[%mul3A_43, %dma_start3A_46] : memref<128x10000xf32, #tpu.memory_space<hbm>> -> memref<4x10000xf32, #tpu.memory_space<hbm>>
      tpu.enqueue_dma source(%arg9 : memref<4x10000xf32, #tpu.memory_space<vmem>>) target(%dma_start3A_47 : memref<4x10000xf32, #tpu.memory_space<hbm>>) target_semaphore(%run_scoped3A : memref<!tpu.dma_semaphore, #tpu.memory_space<semaphore_mem>>)
      %dma_wait3A = arith.constant 0 : i32
      %dma_wait3A_48 = tpu.memref_slice %arg7[%mul3A_43, %dma_wait3A] : memref<128x10000xf32, #tpu.memory_space<hbm>> -> memref<4x10000xf32, #tpu.memory_space<hbm>>
      %dma_wait3A_49 = arith.constant 0 : i32
      %dma_wait3A_50 = tpu.memref_slice %arg7[%mul3A_43, %dma_wait3A_49] : memref<128x10000xf32, #tpu.memory_space<hbm>> -> memref<4x10000xf32, #tpu.memory_space<hbm>>
      tpu.wait_dma2 semaphore(%run_scoped3A : memref<!tpu.dma_semaphore, #tpu.memory_space<semaphore_mem>>) src(%arg9 : memref<4x10000xf32, #tpu.memory_space<vmem>>) dst(%dma_wait3A_50 : memref<4x10000xf32, #tpu.memory_space<hbm>>)
      tpu.yield
    }) : () -> ()
    return
  }
}

module attributes {stable_mosaic.version = 14 : i64} {
  func.func @body(%arg0: memref<128x10000xf32, #tpu.memory_space<vmem>>, %arg1: memref<128x128xf32, #tpu.memory_space<vmem>>, %arg2: memref<1x128xf32, #tpu.memory_space<vmem>>, %arg3: memref<10000x128xf32, #tpu.memory_space<vmem>>) attributes {dimension_semantics = [], scalar_prefetch = 0 : i64, scratch_operands = 0 : i64, tpu.core_type = #tpu.core_type<tc>} {
    %get3A = arith.constant 0 : index
    %get3A_0 = arith.constant 0 : index
    %get3A_1 = vector.load %arg0[%get3A, %get3A_0] : memref<128x10000xf32, #tpu.memory_space<vmem>>, vector<128x10000xf32>
    %get3A_2 = arith.constant 0 : index
    %get3A_3 = arith.constant 0 : index
    %get3A_4 = vector.load %arg1[%get3A_2, %get3A_3] : memref<128x128xf32, #tpu.memory_space<vmem>>, vector<128x128xf32>
    %dot_general3A = arith.constant dense<0.000000e+00> : vector<10000x128xf32>
    %dot_general3A_5 = tpu.matmul %get3A_1, %get3A_4, %dot_general3A {dimension_numbers = #tpu.dot_dimension_numbers<[0], [0], [1], [1], [0, 1, 1, 1], [], []>, transpose_lhs_hint = false} : vector<128x10000xf32>, vector<128x128xf32>, vector<10000x128xf32> -> vector<10000x128xf32>
    %get3A_6 = arith.constant 0 : index
    %get3A_7 = arith.constant 0 : index
    %get3A_8 = vector.load %arg2[%get3A_6, %get3A_7] : memref<1x128xf32, #tpu.memory_space<vmem>>, vector<1x128xf32>
    %add3A = vector.broadcast %get3A_8 : vector<1x128xf32> to vector<10000x128xf32>
    %add3A_9 = arith.addf %dot_general3A_5, %add3A : vector<10000x128xf32>
    %swap3A = arith.constant 0 : index
    %swap3A_10 = arith.constant 0 : index
    %swap3A_11 = vector.load %arg3[%swap3A, %swap3A_10] : memref<10000x128xf32, #tpu.memory_space<vmem>>, vector<10000x128xf32>
    tpu.vector_store %arg3[%swap3A, %swap3A_10], %add3A_9 {strides = array<i32>} : memref<10000x128xf32, #tpu.memory_space<vmem>>, vector<10000x128xf32>,
    return
  }
}

</mosaic_0001>

<sc_bundles>
// kernel: kernel.4.cloned.1.call-start
scs
__scs_entry_jumppad:
0x0: {  	(pc) =	sbr.rel $0x88, $3  }
0x1: {  	(tag) =	ssettag $0x0;
	lr =	simm.s32 $0x1  }
0x2: {  	[smem:$0x3F9C] =	sst lr;
	_ =	strace $0xD0000000  }
0x3: {  	_ = 	snop  }
0x4: {  	_ = 	snop  }
0x5: {  	_ = 	snop  }
0x6: {  	_ = 	snop  }
0x7: {  	_ = 	snop  }
__scs_overlays_trampoline_lowered:
0x8: {  	[smem:$0x3FAB] =	sst s0  }
0x9: {  	[smem:$0x3FAC] =	sst s1  }
0xa: {  	[smem:$0x3FAD] =	sst s2  }
0xb: {  	[smem:$0x3FAE] =	sst s3  }
0xc: {  	[smem:$0x3FAF] =	sst s4  }
0xd: {  	[smem:$0x3FB0] =	sst s5  }
0xe: {  	[smem:$0x3FB1] =	sst s6  }
0xf: {  	[smem:$0x3FB2] =	sst s7  }
0x10: {  	[smem:$0x3FB3] =	sst s8  }
0x11: {  	[smem:$0x3FB4] =	sst s9;
	s0 =	simm.s32 @!p0 $0x0  }
0x12: {  	s1 =	sld [smem:$0x3F9A];
	s0 =	simm.s32 @p0 $0x1  }
0x13: {  	[smem:$0x3FB5] =	sst s0;
	s0 =	simm.s32 @!p1 $0x0  }
0x14: {  	s2 =	sld [smem:$0x3F99];
	s0 =	simm.s32 @p1 $0x1  }
0x15: {  	[smem:$0x3FB6] =	sst s0;
	s0 =	simm.s32 @!p2 $0x0  }
0x16: {  	s3 =	sld [smem:$0x3FDB];
	s0 =	simm.s32 @p2 $0x1  }
0x17: {  	s4 =	simm.s32 $0x1BF5;
	[smem:$0x3FB8] =	sst s0  }
0x18: {  	s0 =	sld [smem:$0x3F9B];
	_ =	swait.ge [sflag:s4], $0x0  }
0x19: {  	s7 =	sld [smem:$0x3F9C]  }
0x1a: {  	s8 =	sadd.s32 $0xFFFFE003, lr  }
0x1b: {  	s9 =	sadd.s32 $0xFFFFFEF7, lr;
	s5 =	simm.s32 $0xFFFFFFFF;
	p2 =	slt.u32 s8, $0xFFFFF086  }
0x1c: {  	p1 =	slt.u32 s9, $0xF7A;
	s5 =	simm.s32 @!p2 $0x0  }
0x1d: {  	s5 =	simm.s32 @p1 $0x1;
	p0 =	seq.s32 s7, s2  }
0x1e: {  	s7 =	smul.u32 @!p0 $0xF7A, s2;
	p2 =	seq.s32 @!p0 s5, $0x0  }
0x1f: {  	s9 =	smul.u32 $0xF7A, s1;
	s8 =	simm.s32 @!p0 $0x1BF5;
	p2 =	por !p2, p0  }
0x20: {  	[sflag:s8] =	ssyncset.s32 @!p0 $0xFFFFF086;
	s6 =	sadd.s32 @!p0 s3, s7;
	s7 =	simm.s32 @!p0 $0x108  }
0x21: {  	s3 =	sadd.s32 s3, s9;
	s6 =	sadd.s32 @!p0 $0x88, s6;
	s7 =	simm.s32 @p2 $0x1082  }
0x22: {  	[simem:s7], [sflag:s8] =	dma.local @!p0 [hbm:s6], $0xF7A  }
0x23: {  	s9 =	sor.u32 $0xD0000000, s2;
	s6 =	simm.s32 $0x108;
	_ =	swait.ge @!p0 [sflag:s8], $0x0  }
0x24: {  	s3 =	sadd.s32 $0x88, s3;
	s6 =	simm.s32 @!p1 $0x1082;
	[sflag:s4] =	ssyncset.s32 $0xFFFFF086  }
0x25: {  	[simem:s6], [sflag:s4] =	dma.local [hbm:s3], $0xF7A  }
0x26: {  	[smem:$0x3F9C] =	sst s1;
	(tag) =	ssettag s2;
	_ =	strace s9  }
0x27: {  	s1 =	sld [smem:$0x3FAC]  }
0x28: {  	s2 =	sld [smem:$0x3FAD]  }
0x29: {  	s4 =	sld [smem:$0x3FAF]  }
0x2a: {  	p0 =	seq.s32 s5, $0x0;
	s5 =	sld [smem:$0x3FB0]  }
0x2b: {  	s6 =	sld [smem:$0x3FB1]  }
0x2c: {  	s7 =	sld [smem:$0x3FB2]  }
0x2d: {  	s3 =	simm.s32 $0x108;
	s8 =	sld [smem:$0x3FB3]  }
0x2e: {  	s3 =	simm.s32 @!p0 $0x1082;
	s9 =	sld [smem:$0x3FB4]  }
0x2f: {  	lr =	sadd.s32 s0, s3;
	s0 =	sld [smem:$0x3FAB]  }
0x30: {  	s3 =	sld [smem:$0x3FAE]  }
0x31: {  	[smem:$0x3FB7] =	sst s10  }
0x32: {  	s10 =	sld [smem:$0x3FB5];
	_ =	sdelay $0x3  }
0x33: {  	p0 =	seq.s32 s10, $0x1;
	s10 =	sld [smem:$0x3FB7];
	_ =	sdelay $0x3  }
0x34: {  	[smem:$0x3FB7] =	sst s10  }
0x35: {  	s10 =	sld [smem:$0x3FB6];
	_ =	sdelay $0x3  }
0x36: {  	p1 =	seq.s32 s10, $0x1;
	s10 =	sld [smem:$0x3FB7];
	_ =	sdelay $0x3  }
0x37: {  	[smem:$0x3FB7] =	sst s10  }
0x38: {  	s10 =	sld [smem:$0x3FB8]  }
0x39: {  	_ = 	snop;
	(pc) =	sbr.ind lr, $3  }
0x3a: {  	_ = 	snop  }
0x3b: {  	_ = 	snop  }
0x3c: {  	p2 =	seq.s32 s10, $0x1;
	s10 =	sld [smem:$0x3FB7]  }
0x3d: {  	_ =	shalt  }
0x3e: {  	_ =	shalt  }
0x3f: {  	_ =	shalt  }
0x40: {  	_ =	shalt  }
0x41: {  	_ =	shalt  }
0x42: {  	_ =	shalt  }
0x43: {  	_ =	shalt  }
0x44: {  	_ =	shalt  }
0x45: {  	_ =	shalt  }
0x46: {  	_ =	shalt  }
0x47: {  	_ =	shalt  }
0x48: {  	_ =	shalt  }
0x49: {  	_ =	shalt  }
0x4a: {  	_ =	shalt  }
0x4b: {  	_ =	shalt  }
0x4c: {  	_ =	shalt  }
0x4d: {  	_ =	shalt  }
0x4e: {  	_ =	shalt  }
0x4f: {  	_ =	shalt  }
0x50: {  	_ =	shalt  }
0x51: {  	_ =	shalt  }
0x52: {  	_ =	shalt  }
0x53: {  	_ =	shalt  }
0x54: {  	_ =	shalt  }
0x55: {  	_ =	shalt  }
0x56: {  	_ =	shalt  }
0x57: {  	_ =	shalt  }
0x58: {  	_ =	shalt  }
0x59: {  	_ =	shalt  }
0x5a: {  	_ =	shalt  }
0x5b: {  	_ =	shalt  }
0x5c: {  	_ =	shalt  }
0x5d: {  	_ =	shalt  }
0x5e: {  	_ =	shalt  }
0x5f: {  	_ =	shalt  }
0x60: {  	_ =	shalt  }
0x61: {  	_ =	shalt  }
0x62: {  	_ =	shalt  }
0x63: {  	_ =	shalt  }
0x64: {  	_ =	shalt  }
0x65: {  	_ =	shalt  }
0x66: {  	_ =	shalt  }
0x67: {  	_ =	shalt  }
0x68: {  	_ =	shalt  }
0x69: {  	_ =	shalt  }
0x6a: {  	_ =	shalt  }
0x6b: {  	_ =	shalt  }
0x6c: {  	_ =	shalt  }
0x6d: {  	_ =	shalt  }
0x6e: {  	_ =	shalt  }
0x6f: {  	_ =	shalt  }
0x70: {  	_ =	shalt  }
0x71: {  	_ =	shalt  }
0x72: {  	_ =	shalt  }
0x73: {  	_ =	shalt  }
0x74: {  	_ =	shalt  }
0x75: {  	_ =	shalt  }
0x76: {  	_ =	shalt  }
0x77: {  	_ =	shalt  }
0x78: {  	_ =	shalt  }
0x79: {  	_ =	shalt  }
0x7a: {  	_ =	shalt  }
0x7b: {  	_ =	shalt  }
0x7c: {  	_ =	shalt  }
0x7d: {  	_ =	shalt  }
0x7e: {  	_ =	shalt  }
0x7f: {  	_ =	shalt  }
0x80: {  	_ =	shalt  }
0x81: {  	_ =	shalt  }
0x82: {  	_ =	shalt  }
0x83: {  	_ =	shalt  }
0x84: {  	_ =	shalt  }
0x85: {  	_ =	shalt  }
0x86: {  	_ =	shalt  }
0x87: {  	_ =	shalt  }
.Lfunc_end0:
.L_simem_size_0:
called_computation_lowered:
.L_overlay_start_0:
0x88: {  	s2 =	sld [smem:$0x3FD9]  }
0x89: {  	s3 =	sld [smem:$0x3FFE];
	_ =	sdelay $0x1  }
0x8a: {  	s1 =	srdreg.scid  }
0x8b: {  	s0 =	sand.u32 $0x1, s1  }
0x8c: {  	s17 =	sshll.u32 s0, $0xA;
	s2 =	sadd.s32 s3, s2  }
0x8d: {  	s2 =	sadd.s32 s2, s17  }
0x8e: {  	[smem:$0x3FC3] =	sst s2  }
0x8f: {  	_ = 	snop  }
0x90: {  	s2 =	sld [smem:$0x3FC7]  }
0x91: {  	s18 =	sld [smem:$0x3FD0];
	(tm) =	ssettm $0x1  }
0x92: {  	s4 =	sld [smem:$0x3FFB];
	_ =	sdelay $0x3  }
0x93: {  	_ =	strace s4  }
0x94: {  	s4 =	sld [smem:$0x3FFC];
	_ =	sdelay $0x3  }
0x95: {  	_ =	strace s4  }
0x96: {  	s4 =	sld [smem:$0x3FFD];
	_ =	sdelay $0x3  }
0x97: {  	_ =	strace s4  }
0x98: {  	_ =	strace $0x8FFFFFFF  }
0x99: {  	s19 =	sld [smem:$0x3FDB];
	_ =	sdelay $0x1  }
0x9a: {  	s5 =	simm.s32 $_scs_section_size  }
0x9b: {  	s6 =	simm.s32 $_size__tile_overlayer_lowered;
	s7 =	simm.s32 $_tile_overlayer_lowered  }
0x9c: {  	s22 =	simm.s32 $0x1BFF;
	s21 =	sshll.u32 s7, $0x1;
	s4 =	sadd.s32 s5, s19  }
0x9d: {  	s8 =	simm.s32 $0x0;
	s20 =	sshll.u32 s6, $0x1;
	s6 =	sadd.s32 s21, s4  }
0x9e: {  	[timem:s8], [sflag:s22] =	dma.local [hbm:s6], s20  }
0x9f: {  	_ =	swait.ge [sflag:s22], s20  }
0xa0: {  	s5 =	ssub.s32 $0x0, s20;
	[sflag:s22] =	ssyncset.done $0x0  }
0xa1: {  	[sflag:s22] =	ssyncadd.s32 s5;
	_ =	sdelay $0x1  }
0xa2: {  	s23 =	simm.s32 $0x1B8B  }
0xa3: {  	_ =	swait.ge [sflag:s23], $0x1  }
0xa4: {  	[sflag:s23] =	ssyncset.done $0x0  }
0xa5: {  	s25 =	simm.s32 $0x1B8E;
	s24 =	sld [smem:$0x3FFE];
	[sflag:s23] =	ssyncadd.s32 $0xFFFFFFFF  }
0xa6: {  	s26 =	simm.s32 $execute0_lowered;
	[smem:$0x3FD2] =	sst s25  }
0xa7: {  	s6 =	sshll.u32 s26, $0x1;
	_ =	strace $0x80000046;
	[dreg:$0x1] =	wrdreg $0xFFFFFFFF  }
0xa8: {  	s28 =	simm.s32 $_size_execute0_lowered;
	s4 =	sadd.s32 s4, s6;
	[dreg:$0x0] =	wrdreg $0x0  }
0xa9: {  	s6 =	sshll.u32 s28, $0x1;
	[dreg:$0x2] =	wrdreg s4  }
0xaa: {  	[dreg:$0x3] =	wrdreg s6  }
0xab: {  	[dreg:$0x4] =	wrdreg $0xC0  }
0xac: {  	_ =	task [dreg:s8], $0x5FFFF  }
0xad: {  	[dreg:$0x1] =	wrdreg $0xFFFFFFFF  }
0xae: {  	[dreg:$0x0] =	wrdreg $0x60  }
0xaf: {  	[dreg:$0x2] =	wrdreg s24  }
0xb0: {  	[dreg:$0x3] =	wrdreg s2  }
0xb1: {  	[dreg:$0x4] =	wrdreg s18  }
0xb2: {  	[dreg:$0x5] =	wrdreg $0x9  }
0xb3: {  	_ =	task.clear_ibuf [dreg:s8], $0x6FFFF;
	_ =	strace $0x90000046  }
0xb4: {  	s29 =	simm.s32 $0x9;
	_ =	strace $0x80000048  }
0xb5: {  	_ =	swait.ge [sflag:s29], $0x1  }
0xb6: {  	[sflag:s29] =	ssyncadd.s32 $0xFFFFFFFF  }
0xb7: {  	_ =	strace $0x90000048  }
0xb8: {  	_ =	sfence  }
0xb9: {  	s30 =	sld [smem:$0x0];
	_ =	sdelay $0x2  }
0xba: {  	s31 =	sshll.u32 s1, $0xD;
	s1 =	sshrl.u32 s1, $0x2  }
0xbb: {  	s3 =	sand.u32 $0x4000, s31;
	s1 =	sadd.s32 s1, s30  }
0xbc: {  	s0 =	sor.u32 s3, s0;
	s1 =	sshll.u32 s1, $0x11  }
0xbd: {  	s0 =	sor.u32 s1, s0  }
0xbe: {  	s0 =	sadd.s32 $0x8F2B, s0  }
0xbf: {  	[sflag:s0] =	ssyncadd.remote.s32 $0x1  }
0xc0: {  	_ =	sfence.sel $0xFFFF  }
0xc1: {  	[dreg:$0x0] =	wrdreg $0xFFFFFFFF;
	(pc) =	sbr.abs _section_cstart, $3  }
0xc2: {  	[dreg:$0x1] =	wrdreg $0xFFFFFFFF  }
0xc3: {  	_ =	task.clear_ibuf [dreg:s8], $0x2FFFF;
	_ =	strace $0x9FFFFFFF  }
0xc4: {  	(tm) =	ssettm $0x7FFFFFFF  }
0xc5: {  	_ =	shalt  }
tec
execute0_lowered:
.L_overlay_start_1:
0x0: {  	(tag) =	ssettag $0x1  }
0x1: {  	s10 =	rddreg [dreg:$0x0]  }
0x2: {  	s1 =	rddreg [dreg:$0x1]  }
0x3: {  	s12 =	rddreg [dreg:$0x2]  }
0x4: {  	s0 =	rddreg [dreg:$0x3];
	s3 =	simm.s32 $0x0  }
0x5: {  	s4 =	srdreg.scid;
	s2 =	stileid.u32;
	s15 =	simm.s32 $0x13A70  }
0x6: {  	s16 =	simm.s32 $0x3;
	s17 =	simm.s32 $0xEA60;
	s18 =	simm.s32 $0xFE60  }
0x7: {  	s19 =	simm.s32 $0x11260;
	s20 =	simm.s32 $0x12660;
	s21 =	simm.s32 $0x1  }
0x8: {  	s22 =	simm.s32 $0x4E20;
	s23 =	simm.s32 $0x2;
	s24 =	simm.s32 $0x0  }
0x9: {  	[smem:$0x7FF] =	sst s3;
	s5 =	sand.u32 $0x1, s4;
	s6 =	sshll.u32 s2, $0x1  }
0xa: {  	s4 =	sadd.s32 $0x13A00, s10;
	_ =	strace $0x80000047;
	s8 =	sor.u32 s5, s6  }
0xb: {  	s7 =	ssub.s32 $0x2, s5;
	s5 =	sadd.s32 $0x1DA00, s10;
	s11 =	smul.u32 $0x9C4, s8  }
0xc: {  	s6 =	sadd.s32 $0x1D800, s10;
	s9 =	sshrl.u32 s7, $0x1;
	s14 =	smul.u32 $0x1388, s8  }
0xd: {  	s8 =	sadd.s32 $0x13C80, s10;
	s13 =	ssub.s32 s7, s9;
	s9 =	sadd.s32 $0x280, s1  }
0xe: {  	s7 =	sadd.s32 s10, s11;
	s10 =	sadd.s32 $0x1D500, s10;
	s11 =	sadd.s32 $0x9B00, s1  }
0xf: {  	v0 =	vimm.f32 $0.0e+00;
	s12 =	sadd.s32 s12, s14;
	s13 =	smax.u32 s13, $0x1;
	s14 =	simm.s32 $0x13A60  }
.LBB2_1:
0x10: {  	[tilespmem:s14], [sflag:$0x3] =	stream.linear.gather [hbm4b:s5+s3], $0x1, $0x38;
	[tilespmem:$0x13A80] =	vst v63  }
0x11: {  	_ = 	snop  }
0x12: {  	[tilespmem:s15], [sflag:$0x3] =	stream.linear.gather [hbm4b:s6+s3], $0x1, $0x38;
	[tilespmem:$0x13A80] =	vst v63  }
0x13: {  	_ =	swait.ge [sflag:s16], $0x1  }
0x14: {  	[sflag:s16] =	ssyncset.done $0x0  }
0x15: {  	[sflag:s16] =	ssyncadd.s32 $0xFFFFFFFF  }
0x16: {  	_ =	swait.ge [sflag:s16], $0x1  }
0x17: {  	[sflag:s16] =	ssyncset.done $0x0  }
0x18: {  	[sflag:s16] =	ssyncadd.s32 $0xFFFFFFFF  }
0x19: {  	v1 =	vld [tilespmem:$0x13A60]  }
0x1a: {  	v3 =	vld [tilespmem:$0x13A70];
	[tilespmem:s3], [sflag:$0x3] =	stream.linear.gather [hbm4b:s7+s3], $0x4E20, $0x38  }
0x1b: {  	_ =	swait.ge [sflag:s16], $0x4E20  }
0x1c: {  	[sflag:s16] =	ssyncset.done $0x0  }
0x1d: {  	s26 =	simm.s32 $0x40;
	s25 =	simm.s32 $0x0;
	[sflag:s16] =	ssyncadd.s32 $0xFFFFB1E0  }
.LBB2_2:
0x1e: {  	p0 =	sne.s32 s26, $0x9C00;
	[tilespmem:s25+$0xC350] =	vst v0;
	s28 =	smov.u32 s26;
	s26 =	sadd.s32 $0x40, s26  }
.Ltmp0:
0x1f: {  	[tilespmem:s25+$0x9C40] =	vst v0;
	(pc) =	sbr.rel @p0 .LBB2_2-.Ltmp0, $3  }
0x20: {  	[tilespmem:s25+$0x4E20] =	vst v0  }
0x21: {  	[tilespmem:s25+$0x7530] =	vst v0;
	_ =	sdelay $0x1  }
0x22: {  	s25 =	sshra.s32 s28, $0x2  }
0x23: {  	[tilespmem:s25+$0xC350] =	vst v0  }
0x24: {  	[tilespmem:s25+$0x9C40] =	vst v0  }
0x25: {  	[tilespmem:s25+$0x4E20] =	vst v0  }
0x26: {  	[tilespmem:s25+$0x7530] =	vst v0;
	s25 =	simm.s32 $0x0  }
0x27: {  	[tilespmem:s17], [sflag:$0x1] =	stream.linear.gather [hbm4b:s4+s25], $0x1400, $0x38;
	[tilespmem:$0x13A80] =	vst v63  }
0x28: {  	_ = 	snop  }
0x29: {  	[tilespmem:s18], [sflag:$0x1] =	stream.linear.gather [hbm4b:s1+s25], $0x1400, $0x38;
	[tilespmem:$0x13A80] =	vst v63  }
0x2a: {  	_ = 	snop  }
0x2b: {  	[tilespmem:s19], [sflag:$0x2] =	stream.linear.gather [hbm4b:s8+s25], $0x1400, $0x38;
	[tilespmem:$0x13A80] =	vst v63  }
0x2c: {  	_ = 	snop  }
0x2d: {  	v2 =	vbroadcast v1, $0x0;
	v1 =	vbroadcast v3, $0x0;
	[tilespmem:s20], [sflag:$0x2] =	stream.linear.gather [hbm4b:s9+s25], $0x1400, $0x38;
	[tilespmem:$0x13A80] =	vst v63  }
.LBB2_4:
0x2e: {  	_ =	swait.ge [sflag:s21], $0x1400  }
0x2f: {  	[sflag:s21] =	ssyncset.done $0x0  }
0x30: {  	[sflag:s21] =	ssyncadd.s32 $0xFFFFEC00  }
0x31: {  	_ =	swait.ge [sflag:s21], $0x1400  }
0x32: {  	[sflag:s21] =	ssyncset.done $0x0  }
0x33: {  	s30 =	simm.s32 $0xEB60;
	[sflag:s21] =	ssyncadd.s32 $0xFFFFEC00  }
0x34: {  	v3 =	vld [tilespmem:s30+$0x80];
	_ =	sdelay $0x4  }
0x35: {  	v4 =	vand.u32 v2, v3;
	_ =	sdelay $0x4  }
0x36: {  	s29 =	simm.s32 $0xFF60;
	v5 =	vld.idx.msk [tilespmem:v4+s3+$0x0], $0xffff  }
0x37: {  	v6 =	vld [tilespmem:s29+$0x80];
	_ =	sdelay $0x1  }
0x38: {  	v3 =	vshrl.u32 v3, $0xE  }
0x39: {  	v7 =	vadd.s32 $0x2710, v3  }
0x3a: {  	v4 =	vadd.s32 $0x2710, v4;
	v8 =	vshll.u32 v5, $0x10  }
0x3b: {  	v5 =	vand.u32 v1, v5;
	v8 =	vmul.f32 v8, v6  }
0x3c: {  	v9 =	vld [tilespmem:s30+$0xFFFFFF00];
	v5 =	vmul.f32 v5, v6  }
0x3d: {  	[tilespmem:v3+s22+$0x0] =	vst.idx.add.f32.msk $0xffff, v8  }
0x3e: {  	[tilespmem:v7+s22+$0x0] =	vst.idx.add.f32.msk $0xffff, v5  }
0x3f: {  	v4 =	vld.idx.msk [tilespmem:v4+s3+$0x0], $0xffff  }
0x40: {  	v5 =	vld [tilespmem:s30+$0xFFFFFF80]  }
0x41: {  	v7 =	vand.u32 v2, v9  }
0x42: {  	v8 =	vadd.s32 $0x4E20, v3  }
0x43: {  	v3 =	vadd.s32 $0x7530, v3  }
0x44: {  	v10 =	vld [tilespmem:s30+$0x0];
	v11 =	vshll.u32 v4, $0x10  }
0x45: {  	v14 =	vld [tilespmem:s29+$0xFFFFFF00];
	v12 =	vand.u32 v2, v5;
	v4 =	vand.u32 v1, v4;
	v11 =	vmul.f32 v11, v6  }
0x46: {  	v13 =	vld.idx.msk [tilespmem:v7+s3+$0x0], $0xffff;
	v4 =	vmul.f32 v4, v6  }
0x47: {  	[tilespmem:v8+s22+$0x0] =	vst.idx.add.f32.msk $0xffff, v11  }
0x48: {  	[tilespmem:v3+s22+$0x0] =	vst.idx.add.f32.msk $0xffff, v4  }
0x49: {  	v4 =	vld [tilespmem:s30+$0x90]  }
0x4a: {  	v3 =	vand.u32 v2, v10;
	v6 =	vld.idx.msk [tilespmem:v12+s3+$0x0], $0xffff  }
0x4b: {  	v8 =	vshrl.u32 v9, $0xE;
	v9 =	vld [tilespmem:s29+$0xFFFFFF80]  }
0x4c: {  	v11 =	vadd.s32 $0x2710, v8  }
0x4d: {  	v5 =	vshrl.u32 v5, $0xE;
	v15 =	vshll.u32 v13, $0x10  }
0x4e: {  	v19 =	vld [tilespmem:s29+$0x0];
	v13 =	vand.u32 v1, v13;
	v15 =	vmul.f32 v15, v14;
	v17 =	vand.u32 v2, v4  }
0x4f: {  	v13 =	vmul.f32 v13, v14;
	v16 =	vld.idx.msk [tilespmem:v3+s3+$0x0], $0xffff;
	v18 =	vshll.u32 v6, $0x10  }
0x50: {  	v7 =	vadd.s32 $0x2710, v7;
	[tilespmem:v8+s22+$0x0] =	vst.idx.add.f32.msk $0xffff, v15;
	v18 =	vmul.f32 v18, v9  }
0x51: {  	v20 =	vadd.s32 $0x2710, v5;
	[tilespmem:v11+s22+$0x0] =	vst.idx.add.f32.msk $0xffff, v13  }
0x52: {  	v10 =	vshrl.u32 v10, $0xE;
	[tilespmem:v5+s22+$0x0] =	vst.idx.add.f32.msk $0xffff, v18  }
0x53: {  	v6 =	vand.u32 v1, v6;
	v11 =	vadd.s32 $0x2710, v12;
	v12 =	vld.idx.msk [tilespmem:v17+s3+$0x0], $0xffff  }
0x54: {  	v13 =	vadd.s32 $0x2710, v10;
	v6 =	vmul.f32 v6, v9;
	v18 =	vld [tilespmem:s29+$0x90];
	v15 =	vshll.u32 v16, $0x10  }
0x55: {  	v3 =	vadd.s32 $0x2710, v3;
	v7 =	vld.idx.msk [tilespmem:v7+s3+$0x0], $0xffff;
	v15 =	vmul.f32 v15, v19  }
0x56: {  	v4 =	vshrl.u32 v4, $0xE;
	[tilespmem:v20+s22+$0x0] =	vst.idx.add.f32.msk $0xffff, v6;
	v6 =	vand.u32 v1, v16  }
0x57: {  	v6 =	vmul.f32 v6, v19;
	[tilespmem:v10+s22+$0x0] =	vst.idx.add.f32.msk $0xffff, v15;
	v15 =	vadd.s32 $0x2710, v4  }
0x58: {  	v11 =	vld.idx.msk [tilespmem:v11+s3+$0x0], $0xffff;
	v17 =	vadd.s32 $0x2710, v17;
	v16 =	vshll.u32 v12, $0x10  }
0x59: {  	v51 =	vadd.s32 $0x4E20, v8;
	[tilespmem:v13+s22+$0x0] =	vst.idx.add.f32.msk $0xffff, v6;
	v6 =	vand.u32 v1, v12;
	v12 =	vmul.f32 v16, v18  }
0x5a: {  	v8 =	vadd.s32 $0x7530, v8;
	v3 =	vld.idx.msk [tilespmem:v3+s3+$0x0], $0xffff;
	v6 =	vmul.f32 v6, v18  }
0x5b: {  	v13 =	vadd.s32 $0x4E20, v5;
	v16 =	vshll.u32 v7, $0x10;
	[tilespmem:v4+s22+$0x0] =	vst.idx.add.f32.msk $0xffff, v12  }
0x5c: {  	v5 =	vadd.s32 $0x7530, v5;
	v7 =	vand.u32 v1, v7;
	v12 =	vmul.f32 v16, v14;
	[tilespmem:v15+s22+$0x0] =	vst.idx.add.f32.msk $0xffff, v6  }
0x5d: {  	v7 =	vmul.f32 v7, v14;
	v6 =	vshll.u32 v11, $0x10;
	v14 =	vld.idx.msk [tilespmem:v17+s3+$0x0], $0xffff  }
0x5e: {  	v15 =	vadd.s32 $0x4E20, v10;
	v11 =	vand.u32 v1, v11;
	v6 =	vmul.f32 v6, v9;
	[tilespmem:v51+s22+$0x0] =	vst.idx.add.f32.msk $0xffff, v12  }
0x5f: {  	v9 =	vmul.f32 v11, v9;
	[tilespmem:v8+s22+$0x0] =	vst.idx.add.f32.msk $0xffff, v7  }
0x60: {  	v7 =	vadd.s32 $0x4E20, v4;
	[tilespmem:v13+s22+$0x0] =	vst.idx.add.f32.msk $0xffff, v6;
	v6 =	vshll.u32 v3, $0x10  }
0x61: {  	v4 =	vadd.s32 $0x7530, v4;
	[tilespmem:v5+s22+$0x0] =	vst.idx.add.f32.msk $0xffff, v9;
	v5 =	vmul.f32 v6, v19  }
0x62: {  	v6 =	vld [tilespmem:s30+$0xFFFFFF10];
	v8 =	vshll.u32 v14, $0x10  }
0x63: {  	v9 =	vadd.s32 $0x7530, v10;
	[tilespmem:v15+s22+$0x0] =	vst.idx.add.f32.msk $0xffff, v5;
	v5 =	vand.u32 v1, v14;
	v8 =	vmul.f32 v8, v18  }
0x64: {  	v10 =	vld [tilespmem:s30+$0xFFFFFF90];
	v5 =	vmul.f32 v5, v18  }
0x65: {  	v3 =	vand.u32 v1, v3;
	[tilespmem:v7+s22+$0x0] =	vst.idx.add.f32.msk $0xffff, v8  }
0x66: {  	v3 =	vmul.f32 v3, v19;
	[tilespmem:v4+s22+$0x0] =	vst.idx.add.f32.msk $0xffff, v5  }
0x67: {  	v4 =	vand.u32 v2, v6;
	v5 =	vld [tilespmem:s30+$0xA0]  }
0x68: {  	[tilespmem:v9+s22+$0x0] =	vst.idx.add.f32.msk $0xffff, v3  }
0x69: {  	v3 =	vld [tilespmem:s30+$0x10];
	v7 =	vand.u32 v2, v10;
	_ =	sdelay $0x2  }
0x6a: {  	v8 =	vld.idx.msk [tilespmem:v4+s3+$0x0], $0xffff;
	v9 =	vand.u32 v2, v5  }
0x6b: {  	v11 =	vld [tilespmem:s29+$0xFFFFFF10]  }
0x6c: {  	v12 =	vand.u32 v2, v3;
	v13 =	vld.idx.msk [tilespmem:v7+s3+$0x0], $0xffff  }
0x6d: {  	v14 =	vld [tilespmem:s29+$0xFFFFFF90];
	v6 =	vshrl.u32 v6, $0xE  }
0x6e: {  	v16 =	vld [tilespmem:s29+$0x10];
	v15 =	vadd.s32 $0x2710, v6  }
0x6f: {  	v10 =	vshrl.u32 v10, $0xE;
	v17 =	vshll.u32 v8, $0x10;
	v18 =	vld.idx.msk [tilespmem:v9+s3+$0x0], $0xffff  }
0x70: {  	v19 =	vadd.s32 $0x2710, v10;
	v52 =	vld [tilespmem:s29+$0xA0];
	v8 =	vand.u32 v1, v8;
	v17 =	vmul.f32 v17, v11  }
0x71: {  	v4 =	vadd.s32 $0x2710, v4;
	v21 =	vld.idx.msk [tilespmem:v12+s3+$0x0], $0xffff;
	v22 =	vshll.u32 v13, $0x10;
	v8 =	vmul.f32 v8, v11  }
0x72: {  	v5 =	vshrl.u32 v5, $0xE;
	v13 =	vand.u32 v1, v13;
	v22 =	vmul.f32 v22, v14;
	[tilespmem:v6+s22+$0x0] =	vst.idx.add.f32.msk $0xffff, v17  }
0x73: {  	v13 =	vmul.f32 v13, v14;
	[tilespmem:v15+s22+$0x0] =	vst.idx.add.f32.msk $0xffff, v8;
	v8 =	vadd.s32 $0x2710, v5  }
0x74: {  	v9 =	vadd.s32 $0x2710, v9;
	[tilespmem:v10+s22+$0x0] =	vst.idx.add.f32.msk $0xffff, v22;
	v15 =	vshll.u32 v18, $0x10  }
0x75: {  	v3 =	vshrl.u32 v3, $0xE;
	[tilespmem:v19+s22+$0x0] =	vst.idx.add.f32.msk $0xffff, v13;
	v13 =	vand.u32 v1, v18;
	v15 =	vmul.f32 v15, v52  }
0x76: {  	v17 =	vadd.s32 $0x2710, v3;
	v4 =	vld.idx.msk [tilespmem:v4+s3+$0x0], $0xffff;
	v13 =	vmul.f32 v13, v52  }
0x77: {  	v7 =	vadd.s32 $0x2710, v7;
	v18 =	vshll.u32 v21, $0x10;
	[tilespmem:v5+s22+$0x0] =	vst.idx.add.f32.msk $0xffff, v15  }
0x78: {  	v12 =	vadd.s32 $0x2710, v12;
	v18 =	vmul.f32 v18, v16;
	v15 =	vand.u32 v1, v21;
	[tilespmem:v8+s22+$0x0] =	vst.idx.add.f32.msk $0xffff, v13  }
0x79: {  	v8 =	vadd.s32 $0x4E20, v6;
	v13 =	vmul.f32 v15, v16;
	v9 =	vld.idx.msk [tilespmem:v9+s3+$0x0], $0xffff  }
0x7a: {  	[tilespmem:v3+s22+$0x0] =	vst.idx.add.f32.msk $0xffff, v18;
	v6 =	vadd.s32 $0x7530, v6  }
0x7b: {  	[tilespmem:v17+s22+$0x0] =	vst.idx.add.f32.msk $0xffff, v13;
	v13 =	vshll.u32 v4, $0x10  }
0x7c: {  	v7 =	vld.idx.msk [tilespmem:v7+s3+$0x0], $0xffff;
	v15 =	vadd.s32 $0x4E20, v5;
	v4 =	vand.u32 v1, v4;
	v13 =	vmul.f32 v13, v11  }
0x7d: {  	v5 =	vadd.s32 $0x7530, v5;
	v12 =	vld.idx.msk [tilespmem:v12+s3+$0x0], $0xffff;
	v4 =	vmul.f32 v4, v11  }
0x7e: {  	[tilespmem:v8+s22+$0x0] =	vst.idx.add.f32.msk $0xffff, v13;
	v8 =	vshll.u32 v9, $0x10  }
0x7f: {  	v11 =	vadd.s32 $0x4E20, v10;
	[tilespmem:v6+s22+$0x0] =	vst.idx.add.f32.msk $0xffff, v4;
	v4 =	vand.u32 v1, v9;
	v6 =	vmul.f32 v8, v52  }
0x80: {  	v8 =	vadd.s32 $0x7530, v10;
	v9 =	vld [tilespmem:s30+$0xFFFFFF20];
	v4 =	vmul.f32 v4, v52  }
0x81: {  	v13 =	vshll.u32 v7, $0x10;
	v10 =	vadd.s32 $0x4E20, v3;
	[tilespmem:v15+s22+$0x0] =	vst.idx.add.f32.msk $0xffff, v6  }
0x82: {  	v6 =	vand.u32 v1, v7;
	v7 =	vmul.f32 v13, v14;
	[tilespmem:v5+s22+$0x0] =	vst.idx.add.f32.msk $0xffff, v4  }
0x83: {  	v3 =	vadd.s32 $0x7530, v3;
	v4 =	vshll.u32 v12, $0x10;
	v5 =	vmul.f32 v6, v14;
	v6 =	vld [tilespmem:s30+$0xB0]  }
0x84: {  	v4 =	vmul.f32 v4, v16;
	[tilespmem:v11+s22+$0x0] =	vst.idx.add.f32.msk $0xffff, v7  }
0x85: {  	v7 =	vand.u32 v1, v12;
	[tilespmem:v8+s22+$0x0] =	vst.idx.add.f32.msk $0xffff, v5  }
0x86: {  	v5 =	vmul.f32 v7, v16;
	[tilespmem:v10+s22+$0x0] =	vst.idx.add.f32.msk $0xffff, v4  }
0x87: {  	v7 =	vand.u32 v2, v9;
	v4 =	vld [tilespmem:s30+$0xFFFFFFA0]  }
0x88: {  	[tilespmem:v3+s22+$0x0] =	vst.idx.add.f32.msk $0xffff, v5;
	v3 =	vand.u32 v2, v6  }
0x89: {  	v5 =	vld [tilespmem:s30+$0x20];
	_ =	sdelay $0x1  }
0x8a: {  	v8 =	vld [tilespmem:s29+$0xFFFFFF20]  }
0x8b: {  	v11 =	vld.idx.msk [tilespmem:v7+s3+$0x0], $0xffff;
	v10 =	vand.u32 v2, v4  }
0x8c: {  	v12 =	vld.idx.msk [tilespmem:v3+s3+$0x0], $0xffff  }
0x8d: {  	v14 =	vld [tilespmem:s29+$0xB0];
	v13 =	vand.u32 v2, v5  }
0x8e: {  	v9 =	vshrl.u32 v9, $0xE  }
0x8f: {  	v15 =	vld [tilespmem:s29+$0xFFFFFFA0];
	v6 =	vshrl.u32 v6, $0xE  }
0x90: {  	v18 =	vadd.s32 $0x2710, v6;
	v17 =	vshll.u32 v11, $0x10;
	v16 =	vld.idx.msk [tilespmem:v10+s3+$0x0], $0xffff  }
0x91: {  	v19 =	vld [tilespmem:s29+$0x20];
	v3 =	vadd.s32 $0x2710, v3;
	v17 =	vmul.f32 v17, v8;
	v53 =	vshll.u32 v12, $0x10  }
0x92: {  	v54 =	vadd.s32 $0x2710, v9;
	v55 =	vld.idx.msk [tilespmem:v13+s3+$0x0], $0xffff;
	v12 =	vand.u32 v1, v12;
	v20 =	vmul.f32 v53, v14  }
0x93: {  	v4 =	vshrl.u32 v4, $0xE;
	[tilespmem:v9+s22+$0x0] =	vst.idx.add.f32.msk $0xffff, v17;
	v12 =	vmul.f32 v12, v14  }
0x94: {  	v11 =	vand.u32 v1, v11;
	v17 =	vadd.s32 $0x2710, v4;
	[tilespmem:v6+s22+$0x0] =	vst.idx.add.f32.msk $0xffff, v20  }
0x95: {  	v5 =	vshrl.u32 v5, $0xE;
	v11 =	vmul.f32 v11, v8;
	v56 =	vshll.u32 v16, $0x10;
	[tilespmem:v18+s22+$0x0] =	vst.idx.add.f32.msk $0xffff, v12  }
0x96: {  	v16 =	vand.u32 v1, v16;
	v12 =	vadd.s32 $0x2710, v5;
	v18 =	vmul.f32 v56, v15;
	v3 =	vld.idx.msk [tilespmem:v3+s3+$0x0], $0xffff  }
0x97: {  	v7 =	vadd.s32 $0x2710, v7;
	[tilespmem:v54+s22+$0x0] =	vst.idx.add.f32.msk $0xffff, v11;
	v16 =	vmul.f32 v16, v15;
	v57 =	vshll.u32 v55, $0x10  }
0x98: {  	v10 =	vadd.s32 $0x2710, v10;
	v11 =	vand.u32 v1, v55;
	v20 =	vmul.f32 v57, v19;
	[tilespmem:v4+s22+$0x0] =	vst.idx.add.f32.msk $0xffff, v18  }
0x99: {  	v11 =	vmul.f32 v11, v19;
	[tilespmem:v17+s22+$0x0] =	vst.idx.add.f32.msk $0xffff, v16;
	v16 =	vadd.s32 $0x4E20, v6  }
0x9a: {  	[tilespmem:v5+s22+$0x0] =	vst.idx.add.f32.msk $0xffff, v20;
	v6 =	vadd.s32 $0x7530, v6  }
0x9b: {  	[tilespmem:v12+s22+$0x0] =	vst.idx.add.f32.msk $0xffff, v11;
	v12 =	vadd.s32 $0x2710, v13;
	v11 =	vshll.u32 v3, $0x10  }
0x9c: {  	v7 =	vld.idx.msk [tilespmem:v7+s3+$0x0], $0xffff;
	v3 =	vand.u32 v1, v3;
	v11 =	vmul.f32 v11, v14  }
0x9d: {  	v10 =	vld.idx.msk [tilespmem:v10+s3+$0x0], $0xffff;
	v3 =	vmul.f32 v3, v14  }
0x9e: {  	[tilespmem:v16+s22+$0x0] =	vst.idx.add.f32.msk $0xffff, v11  }
0x9f: {  	v11 =	vadd.s32 $0x4E20, v9;
	[tilespmem:v6+s22+$0x0] =	vst.idx.add.f32.msk $0xffff, v3  }
0xa0: {  	v3 =	vadd.s32 $0x7530, v9;
	v12 =	vld.idx.msk [tilespmem:v12+s3+$0x0], $0xffff  }
0xa1: {  	v13 =	vshll.u32 v7, $0x10;
	v9 =	vadd.s32 $0x4E20, v4;
	v6 =	vld [tilespmem:s30+$0xC0]  }
0xa2: {  	v7 =	vand.u32 v1, v7;
	v13 =	vmul.f32 v13, v8  }
0xa3: {  	v7 =	vmul.f32 v7, v8;
	v14 =	vshll.u32 v10, $0x10;
	v4 =	vadd.s32 $0x7530, v4  }
0xa4: {  	v8 =	vadd.s32 $0x4E20, v5;
	v14 =	vmul.f32 v14, v15;
	[tilespmem:v11+s22+$0x0] =	vst.idx.add.f32.msk $0xffff, v13  }
0xa5: {  	v10 =	vand.u32 v1, v10;
	[tilespmem:v3+s22+$0x0] =	vst.idx.add.f32.msk $0xffff, v7  }
0xa6: {  	v10 =	vmul.f32 v10, v15;
	v7 =	vshll.u32 v12, $0x10;
	[tilespmem:v9+s22+$0x0] =	vst.idx.add.f32.msk $0xffff, v14;
	v3 =	vand.u32 v2, v6  }
0xa7: {  	v5 =	vadd.s32 $0x7530, v5;
	v7 =	vmul.f32 v7, v19;
	v9 =	vld [tilespmem:s30+$0xFFFFFF30]  }
0xa8: {  	[tilespmem:v4+s22+$0x0] =	vst.idx.add.f32.msk $0xffff, v10  }
0xa9: {  	v4 =	vand.u32 v1, v12;
	[tilespmem:v8+s22+$0x0] =	vst.idx.add.f32.msk $0xffff, v7  }
0xaa: {  	v4 =	vmul.f32 v4, v19;
	v8 =	vld [tilespmem:s29+$0xC0]  }
0xab: {  	v7 =	vld.idx.msk [tilespmem:v3+s3+$0x0], $0xffff  }
0xac: {  	[tilespmem:v5+s22+$0x0] =	vst.idx.add.f32.msk $0xffff, v4  }
0xad: {  	v5 =	vld [tilespmem:s30+$0xFFFFFFB0];
	v4 =	vand.u32 v2, v9  }
0xae: {  	v6 =	vshrl.u32 v6, $0xE  }
0xaf: {  	v11 =	vadd.s32 $0x2710, v6;
	v10 =	vld [tilespmem:s30+$0x30]  }
0xb0: {  	v3 =	vadd.s32 $0x2710, v3;
	v12 =	vshll.u32 v7, $0x10  }
0xb1: {  	v13 =	vld [tilespmem:s29+$0xFFFFFF30];
	v7 =	vand.u32 v1, v7;
	v12 =	vmul.f32 v12, v8  }
0xb2: {  	v15 =	vand.u32 v2, v5;
	v14 =	vld.idx.msk [tilespmem:v4+s3+$0x0], $0xffff;
	v7 =	vmul.f32 v7, v8  }
0xb3: {  	[tilespmem:v6+s22+$0x0] =	vst.idx.add.f32.msk $0xffff, v12  }
0xb4: {  	v12 =	vand.u32 v2, v10;
	[tilespmem:v11+s22+$0x0] =	vst.idx.add.f32.msk $0xffff, v7  }
0xb5: {  	v7 =	vshrl.u32 v9, $0xE;
	v3 =	vld.idx.msk [tilespmem:v3+s3+$0x0], $0xffff  }
0xb6: {  	v16 =	vld [tilespmem:s29+$0x30];
	v9 =	vadd.s32 $0x2710, v7  }
0xb7: {  	v4 =	vadd.s32 $0x2710, v4;
	v18 =	vld.idx.msk [tilespmem:v15+s3+$0x0], $0xffff;
	v17 =	vshll.u32 v14, $0x10  }
0xb8: {  	v19 =	vadd.s32 $0x4E20, v6;
	v11 =	vld [tilespmem:s29+$0xFFFFFFB0];
	v14 =	vand.u32 v1, v14;
	v17 =	vmul.f32 v17, v13  }
0xb9: {  	v6 =	vadd.s32 $0x7530, v6;
	v14 =	vmul.f32 v14, v13;
	v20 =	vld.idx.msk [tilespmem:v12+s3+$0x0], $0xffff  }
0xba: {  	[tilespmem:v7+s22+$0x0] =	vst.idx.add.f32.msk $0xffff, v17;
	v17 =	vshll.u32 v3, $0x10  }
0xbb: {  	v5 =	vshrl.u32 v5, $0xE;
	[tilespmem:v9+s22+$0x0] =	vst.idx.add.f32.msk $0xffff, v14;
	v3 =	vand.u32 v1, v3;
	v9 =	vmul.f32 v17, v8  }
0xbc: {  	v14 =	vadd.s32 $0x2710, v5;
	v4 =	vld.idx.msk [tilespmem:v4+s3+$0x0], $0xffff;
	v3 =	vmul.f32 v3, v8  }
0xbd: {  	v8 =	vshrl.u32 v10, $0xE;
	v10 =	vshll.u32 v18, $0x10;
	[tilespmem:v19+s22+$0x0] =	vst.idx.add.f32.msk $0xffff, v9  }
0xbe: {  	v10 =	vmul.f32 v10, v11;
	v9 =	vadd.s32 $0x2710, v15;
	v15 =	vand.u32 v1, v18;
	[tilespmem:v6+s22+$0x0] =	vst.idx.add.f32.msk $0xffff, v3  }
0xbf: {  	v3 =	vadd.s32 $0x2710, v8;
	v6 =	vmul.f32 v15, v11;
	v15 =	vshll.u32 v20, $0x10;
	v17 =	vld [tilespmem:s30+$0xD0]  }
0xc0: {  	v12 =	vadd.s32 $0x2710, v12;
	[tilespmem:v5+s22+$0x0] =	vst.idx.add.f32.msk $0xffff, v10;
	v10 =	vmul.f32 v15, v16  }
0xc1: {  	v18 =	vand.u32 v1, v20;
	v15 =	vadd.s32 $0x4E20, v7;
	[tilespmem:v14+s22+$0x0] =	vst.idx.add.f32.msk $0xffff, v6  }
0xc2: {  	v6 =	vadd.s32 $0x7530, v7;
	v7 =	vmul.f32 v18, v16;
	[tilespmem:v8+s22+$0x0] =	vst.idx.add.f32.msk $0xffff, v10  }
0xc3: {  	v10 =	vshll.u32 v4, $0x10;
	v4 =	vand.u32 v1, v4;
	v9 =	vld.idx.msk [tilespmem:v9+s3+$0x0], $0xffff  }
0xc4: {  	[tilespmem:v3+s22+$0x0] =	vst.idx.add.f32.msk $0xffff, v7;
	v3 =	vmul.f32 v10, v13;
	v7 =	vand.u32 v2, v17  }
0xc5: {  	v4 =	vmul.f32 v4, v13;
	v10 =	vld.idx.msk [tilespmem:v12+s3+$0x0], $0xffff  }
0xc6: {  	v12 =	vadd.s32 $0x4E20, v5;
	[tilespmem:v15+s22+$0x0] =	vst.idx.add.f32.msk $0xffff, v3  }
0xc7: {  	v3 =	vadd.s32 $0x7530, v5;
	[tilespmem:v6+s22+$0x0] =	vst.idx.add.f32.msk $0xffff, v4  }
0xc8: {  	v4 =	vadd.s32 $0x4E20, v8;
	v5 =	vld [tilespmem:s30+$0xFFFFFF40];
	v6 =	vshll.u32 v9, $0x10  }
0xc9: {  	v8 =	vadd.s32 $0x7530, v8;
	v9 =	vand.u32 v1, v9;
	v6 =	vmul.f32 v6, v11;
	v13 =	vld.idx.msk [tilespmem:v7+s3+$0x0], $0xffff  }
0xca: {  	v9 =	vmul.f32 v9, v11;
	v11 =	vld [tilespmem:s29+$0xD0];
	v14 =	vshll.u32 v10, $0x10  }
0xcb: {  	v10 =	vand.u32 v1, v10;
	v14 =	vmul.f32 v14, v16;
	[tilespmem:v12+s22+$0x0] =	vst.idx.add.f32.msk $0xffff, v6  }
0xcc: {  	v6 =	vmul.f32 v10, v16;
	[tilespmem:v3+s22+$0x0] =	vst.idx.add.f32.msk $0xffff, v9;
	v3 =	vshrl.u32 v17, $0xE  }
0xcd: {  	[tilespmem:v4+s22+$0x0] =	vst.idx.add.f32.msk $0xffff, v14;
	v4 =	vadd.s32 $0x2710, v3  }
0xce: {  	v7 =	vadd.s32 $0x2710, v7;
	[tilespmem:v8+s22+$0x0] =	vst.idx.add.f32.msk $0xffff, v6;
	v6 =	vshll.u32 v13, $0x10  }
0xcf: {  	v8 =	vld [tilespmem:s30+$0xFFFFFFC0];
	v9 =	vand.u32 v1, v13;
	v6 =	vmul.f32 v6, v11  }
0xd0: {  	v10 =	vld [tilespmem:s30+$0x40];
	v9 =	vmul.f32 v9, v11  }
0xd1: {  	[tilespmem:v3+s22+$0x0] =	vst.idx.add.f32.msk $0xffff, v6  }
0xd2: {  	[tilespmem:v4+s22+$0x0] =	vst.idx.add.f32.msk $0xffff, v9  }
0xd3: {  	v6 =	vand.u32 v2, v5;
	v4 =	vld.idx.msk [tilespmem:v7+s3+$0x0], $0xffff  }
0xd4: {  	s28 =	simm.s32 $0x10160;
	v7 =	vand.u32 v2, v8  }
0xd5: {  	v62 =	vld [tilespmem:s28+$0x80];
	v9 =	vand.u32 v2, v10  }
0xd6: {  	v12 =	vld [tilespmem:s29+$0xFFFFFF40];
	v13 =	vadd.s32 $0x4E20, v3  }
0xd7: {  	v15 =	vld [tilespmem:s29+$0xFFFFFFC0];
	v3 =	vadd.s32 $0x7530, v3  }
0xd8: {  	v14 =	vld.idx.msk [tilespmem:v6+s3+$0x0], $0xffff;
	v16 =	vshll.u32 v4, $0x10  }
0xd9: {  	v17 =	vld.idx.msk [tilespmem:v7+s3+$0x0], $0xffff;
	v4 =	vand.u32 v1, v4;
	v16 =	vmul.f32 v16, v11  }
0xda: {  	v18 =	vld.idx.msk [tilespmem:v9+s3+$0x0], $0xffff;
	v4 =	vmul.f32 v4, v11  }
0xdb: {  	v5 =	vshrl.u32 v5, $0xE;
	[tilespmem:v13+s22+$0x0] =	vst.idx.add.f32.msk $0xffff, v16  }
0xdc: {  	v11 =	vadd.s32 $0x2710, v5;
	[tilespmem:v3+s22+$0x0] =	vst.idx.add.f32.msk $0xffff, v4  }
0xdd: {  	v3 =	vadd.s32 $0x2710, v6;
	v4 =	vshll.u32 v14, $0x10;
	v6 =	vld [tilespmem:s30+$0xE0]  }
0xde: {  	v8 =	vshrl.u32 v8, $0xE;
	v13 =	vld [tilespmem:s29+$0x40];
	v14 =	vand.u32 v1, v14;
	v4 =	vmul.f32 v4, v12  }
0xdf: {  	v25 =	vld [tilespmem:s28+$0xFFFFFF00];
	v16 =	vadd.s32 $0x2710, v8;
	v14 =	vmul.f32 v14, v12  }
0xe0: {  	v10 =	vshrl.u32 v10, $0xE;
	[tilespmem:v5+s22+$0x0] =	vst.idx.add.f32.msk $0xffff, v4;
	v4 =	vshll.u32 v17, $0x10  }
0xe1: {  	v19 =	vadd.s32 $0x2710, v10;
	v17 =	vand.u32 v1, v17;
	[tilespmem:v11+s22+$0x0] =	vst.idx.add.f32.msk $0xffff, v14;
	v4 =	vmul.f32 v4, v15  }
0xe2: {  	v11 =	vshll.u32 v18, $0x10;
	v14 =	vmul.f32 v17, v15;
	v3 =	vld.idx.msk [tilespmem:v3+s3+$0x0], $0xffff;
	v17 =	vand.u32 v2, v6  }
0xe3: {  	v18 =	vand.u32 v1, v18;
	v11 =	vmul.f32 v11, v13;
	[tilespmem:v8+s22+$0x0] =	vst.idx.add.f32.msk $0xffff, v4  }
0xe4: {  	v9 =	vadd.s32 $0x2710, v9;
	v4 =	vadd.s32 $0x2710, v7;
	v7 =	vmul.f32 v18, v13;
	[tilespmem:v16+s22+$0x0] =	vst.idx.add.f32.msk $0xffff, v14  }
0xe5: {  	[tilespmem:v10+s22+$0x0] =	vst.idx.add.f32.msk $0xffff, v11  }
0xe6: {  	v11 =	vadd.s32 $0x4E20, v5;
	[tilespmem:v19+s22+$0x0] =	vst.idx.add.f32.msk $0xffff, v7  }
0xe7: {  	v5 =	vadd.s32 $0x7530, v5;
	v7 =	vld.idx.msk [tilespmem:v17+s3+$0x0], $0xffff  }
0xe8: {  	v16 =	vld [tilespmem:s29+$0xE0];
	v14 =	vshll.u32 v3, $0x10  }
0xe9: {  	v9 =	vld.idx.msk [tilespmem:v9+s3+$0x0], $0xffff;
	v3 =	vand.u32 v1, v3;
	v14 =	vmul.f32 v14, v12  }
0xea: {  	v6 =	vshrl.u32 v6, $0xE;
	v4 =	vld.idx.msk [tilespmem:v4+s3+$0x0], $0xffff;
	v3 =	vmul.f32 v3, v12  }
0xeb: {  	[tilespmem:v11+s22+$0x0] =	vst.idx.add.f32.msk $0xffff, v14;
	v11 =	vadd.s32 $0x2710, v6  }
0xec: {  	[tilespmem:v5+s22+$0x0] =	vst.idx.add.f32.msk $0xffff, v3;
	v5 =	vadd.s32 $0x2710, v17;
	v3 =	vshll.u32 v7, $0x10  }
0xed: {  	v12 =	vadd.s32 $0x4E20, v8;
	v14 =	vld [tilespmem:s30+$0xFFFFFF50];
	v7 =	vand.u32 v1, v7;
	v3 =	vmul.f32 v3, v16  }
0xee: {  	v8 =	vadd.s32 $0x7530, v8;
	v17 =	vld [tilespmem:s29+$0xFFFFFF50];
	v7 =	vmul.f32 v7, v16  }
0xef: {  	v18 =	vadd.s32 $0x4E20, v10;
	v19 =	vshll.u32 v4, $0x10;
	[tilespmem:v6+s22+$0x0] =	vst.idx.add.f32.msk $0xffff, v3  }
0xf0: {  	v3 =	vand.u32 v1, v4;
	v4 =	vmul.f32 v19, v15;
	[tilespmem:v11+s22+$0x0] =	vst.idx.add.f32.msk $0xffff, v7  }
0xf1: {  	v7 =	vadd.s32 $0x7530, v10;
	v10 =	vshll.u32 v9, $0x10;
	v3 =	vmul.f32 v3, v15;
	v5 =	vld.idx.msk [tilespmem:v5+s3+$0x0], $0xffff  }
0xf2: {  	[tilespmem:v12+s22+$0x0] =	vst.idx.add.f32.msk $0xffff, v4;
	v4 =	vmul.f32 v10, v13  }
0xf3: {  	v9 =	vand.u32 v1, v9;
	v10 =	vand.u32 v2, v14;
	[tilespmem:v8+s22+$0x0] =	vst.idx.add.f32.msk $0xffff, v3  }
0xf4: {  	v3 =	vmul.f32 v9, v13;
	[tilespmem:v18+s22+$0x0] =	vst.idx.add.f32.msk $0xffff, v4;
	v4 =	vadd.s32 $0x4E20, v6  }
0xf5: {  	v8 =	vld [tilespmem:s30+$0xFFFFFFD0];
	v6 =	vadd.s32 $0x7530, v6  }
0xf6: {  	[tilespmem:v7+s22+$0x0] =	vst.idx.add.f32.msk $0xffff, v3;
	v3 =	vshll.u32 v5, $0x10  }
0xf7: {  	v7 =	vld [tilespmem:s30+$0x50];
	v5 =	vand.u32 v1, v5;
	v3 =	vmul.f32 v3, v16  }
0xf8: {  	v9 =	vld.idx.msk [tilespmem:v10+s3+$0x0], $0xffff;
	v5 =	vmul.f32 v5, v16  }
0xf9: {  	[tilespmem:v4+s22+$0x0] =	vst.idx.add.f32.msk $0xffff, v3  }
0xfa: {  	v3 =	vand.u32 v2, v8;
	[tilespmem:v6+s22+$0x0] =	vst.idx.add.f32.msk $0xffff, v5  }
0xfb: {  	v4 =	vld [tilespmem:s30+$0xF0]  }
0xfc: {  	v27 =	vld [tilespmem:s28+$0xFFFFFF80];
	v5 =	vand.u32 v2, v7  }
0xfd: {  	v29 =	vld [tilespmem:s28+$0x0];
	v6 =	vshrl.u32 v14, $0xE  }
0xfe: {  	v12 =	vld [tilespmem:s29+$0xFFFFFFD0];
	v11 =	vadd.s32 $0x2710, v6  }
0xff: {  	v10 =	vadd.s32 $0x2710, v10;
	v13 =	vshll.u32 v9, $0x10;
	v14 =	vld.idx.msk [tilespmem:v3+s3+$0x0], $0xffff  }
0x100: {  	v15 =	vld [tilespmem:s29+$0x50];
	v9 =	vand.u32 v1, v9;
	v13 =	vmul.f32 v13, v17;
	v16 =	vand.u32 v2, v4  }
0x101: {  	v9 =	vmul.f32 v9, v17;
	v18 =	vld.idx.msk [tilespmem:v5+s3+$0x0], $0xffff  }
0x102: {  	v8 =	vshrl.u32 v8, $0xE;
	[tilespmem:v6+s22+$0x0] =	vst.idx.add.f32.msk $0xffff, v13  }
0x103: {  	v13 =	vadd.s32 $0x2710, v8;
	[tilespmem:v11+s22+$0x0] =	vst.idx.add.f32.msk $0xffff, v9  }
0x104: {  	v7 =	vshrl.u32 v7, $0xE;
	v9 =	vld.idx.msk [tilespmem:v10+s3+$0x0], $0xffff;
	v10 =	vshll.u32 v14, $0x10  }
0x105: {  	v11 =	vadd.s32 $0x2710, v7;
	v14 =	vand.u32 v1, v14;
	v10 =	vmul.f32 v10, v12;
	v19 =	vld.idx.msk [tilespmem:v16+s3+$0x0], $0xffff  }
0x106: {  	v59 =	vld [tilespmem:s29+$0xF0];
	v3 =	vadd.s32 $0x2710, v3;
	v14 =	vmul.f32 v14, v12;
	v58 =	vshll.u32 v18, $0x10  }
0x107: {  	v5 =	vadd.s32 $0x2710, v5;
	v18 =	vand.u32 v1, v18;
	v20 =	vmul.f32 v58, v15;
	[tilespmem:v8+s22+$0x0] =	vst.idx.add.f32.msk $0xffff, v10  }
0x108: {  	v4 =	vshrl.u32 v4, $0xE;
	v10 =	vmul.f32 v18, v15;
	[tilespmem:v13+s22+$0x0] =	vst.idx.add.f32.msk $0xffff, v14  }
0x109: {  	v13 =	vadd.s32 $0x2710, v4;
	[tilespmem:v7+s22+$0x0] =	vst.idx.add.f32.msk $0xffff, v20  }
0x10a: {  	[tilespmem:v11+s22+$0x0] =	vst.idx.add.f32.msk $0xffff, v10;
	v11 =	vadd.s32 $0x2710, v16;
	v10 =	vshll.u32 v19, $0x10  }
0x10b: {  	v14 =	vadd.s32 $0x4E20, v6;
	v3 =	vld.idx.msk [tilespmem:v3+s3+$0x0], $0xffff;
	v16 =	vand.u32 v1, v19;
	v10 =	vmul.f32 v10, v59  }
0x10c: {  	v6 =	vadd.s32 $0x7530, v6;
	v5 =	vld.idx.msk [tilespmem:v5+s3+$0x0], $0xffff;
	v16 =	vmul.f32 v16, v59  }
0x10d: {  	v18 =	vshll.u32 v9, $0x10;
	[tilespmem:v4+s22+$0x0] =	vst.idx.add.f32.msk $0xffff, v10  }
0x10e: {  	v9 =	vand.u32 v1, v9;
	v10 =	vmul.f32 v18, v17;
	[tilespmem:v13+s22+$0x0] =	vst.idx.add.f32.msk $0xffff, v16  }
0x10f: {  	v9 =	vmul.f32 v9, v17;
	v13 =	vadd.s32 $0x4E20, v8;
	v11 =	vld.idx.msk [tilespmem:v11+s3+$0x0], $0xffff  }
0x110: {  	v8 =	vadd.s32 $0x7530, v8;
	[tilespmem:v14+s22+$0x0] =	vst.idx.add.f32.msk $0xffff, v10  }
0x111: {  	v10 =	vadd.s32 $0x4E20, v7;
	[tilespmem:v6+s22+$0x0] =	vst.idx.add.f32.msk $0xffff, v9;
	v6 =	vshll.u32 v3, $0x10  }
0x112: {  	v9 =	vand.u32 v1, v3;
	v14 =	vld [tilespmem:s30+$0xFFFFFF60];
	v6 =	vmul.f32 v6, v12  }
0x113: {  	v16 =	vshll.u32 v5, $0x10;
	v3 =	vld [tilespmem:s29+$0xFFFFFF60];
	v9 =	vmul.f32 v9, v12  }
0x114: {  	v16 =	vmul.f32 v16, v15;
	[tilespmem:v13+s22+$0x0] =	vst.idx.add.f32.msk $0xffff, v6  }
0x115: {  	v7 =	vadd.s32 $0x7530, v7;
	[tilespmem:v8+s22+$0x0] =	vst.idx.add.f32.msk $0xffff, v9  }
0x116: {  	s26 =	simm.s32 $0xED60;
	[tilespmem:v10+s22+$0x0] =	vst.idx.add.f32.msk $0xffff, v16  }
0x117: {  	v5 =	vand.u32 v1, v5;
	v8 =	vld [tilespmem:s26+$0x80]  }
0x118: {  	v5 =	vmul.f32 v5, v15;
	v12 =	vadd.s32 $0x4E20, v4;
	v10 =	vld [tilespmem:s26+$0xFFFFFF00]  }
0x119: {  	v9 =	vld [tilespmem:s26+$0xFFFFFF80]  }
0x11a: {  	v4 =	vadd.s32 $0x7530, v4;
	v6 =	vshll.u32 v11, $0x10;
	[tilespmem:v7+s22+$0x0] =	vst.idx.add.f32.msk $0xffff, v5  }
0x11b: {  	v6 =	vmul.f32 v6, v59;
	v5 =	vand.u32 v1, v11;
	v11 =	vld [tilespmem:s26+$0x0]  }
0x11c: {  	v15 =	vld [tilespmem:s30+$0x60];
	v13 =	vand.u32 v2, v8  }
0x11d: {  	v5 =	vmul.f32 v5, v59;
	[tilespmem:v12+s22+$0x0] =	vst.idx.add.f32.msk $0xffff, v6;
	v18 =	vand.u32 v2, v10  }
0x11e: {  	v12 =	vld [tilespmem:s30+$0xFFFFFFE0]  }
0x11f: {  	v7 =	vand.u32 v2, v14;
	[tilespmem:v4+s22+$0x0] =	vst.idx.add.f32.msk $0xffff, v5  }
0x120: {  	v5 =	vld [tilespmem:s29+$0xFFFFFFE0];
	v16 =	vand.u32 v2, v9  }
0x121: {  	v19 =	vand.u32 v2, v11;
	v60 =	vld.idx.msk [tilespmem:v13+s3+$0x0], $0xffff  }
0x122: {  	v43 =	vand.u32 v2, v15;
	v23 =	vld.idx.msk [tilespmem:v18+s3+$0x0], $0xffff  }
0x123: {  	v4 =	vld [tilespmem:s29+$0x60];
	v6 =	vand.u32 v2, v12  }
0x124: {  	v8 =	vshrl.u32 v8, $0xE;
	v17 =	vld.idx.msk [tilespmem:v7+s3+$0x0], $0xffff  }
0x125: {  	v10 =	vshrl.u32 v10, $0xE;
	v61 =	vld.idx.msk [tilespmem:v16+s3+$0x0], $0xffff  }
0x126: {  	v26 =	vadd.s32 $0x2710, v8;
	v24 =	vld.idx.msk [tilespmem:v19+s3+$0x0], $0xffff;
	v28 =	vshll.u32 v60, $0x10  }
0x127: {  	v13 =	vadd.s32 $0x2710, v13;
	v47 =	vld.idx.msk [tilespmem:v43+s3+$0x0], $0xffff;
	v32 =	vshll.u32 v23, $0x10;
	v28 =	vmul.f32 v28, v62  }
0x128: {  	v30 =	vadd.s32 $0x2710, v10;
	v31 =	vld.idx.msk [tilespmem:v6+s3+$0x0], $0xffff;
	v20 =	vand.u32 v1, v60;
	v32 =	vmul.f32 v32, v25  }
0x129: {  	v11 =	vshrl.u32 v11, $0xE;
	v20 =	vmul.f32 v20, v62;
	[tilespmem:v8+s22+$0x0] =	vst.idx.add.f32.msk $0xffff, v28  }
0x12a: {  	v36 =	vadd.s32 $0x2710, v11;
	v23 =	vand.u32 v1, v23;
	[tilespmem:v10+s22+$0x0] =	vst.idx.add.f32.msk $0xffff, v32  }
0x12b: {  	v18 =	vadd.s32 $0x2710, v18;
	v23 =	vmul.f32 v23, v25;
	v37 =	vshll.u32 v24, $0x10;
	[tilespmem:v26+s22+$0x0] =	vst.idx.add.f32.msk $0xffff, v20  }
0x12c: {  	v9 =	vshrl.u32 v9, $0xE;
	v38 =	vand.u32 v1, v24;
	v39 =	vmul.f32 v37, v29;
	v13 =	vld.idx.msk [tilespmem:v13+s3+$0x0], $0xffff  }
0x12d: {  	v63 =	vadd.s32 $0x2710, v9;
	v40 =	vmul.f32 v38, v29;
	[tilespmem:v30+s22+$0x0] =	vst.idx.add.f32.msk $0xffff, v23  }
0x12e: {  	v16 =	vadd.s32 $0x2710, v16;
	v35 =	vshll.u32 v61, $0x10;
	[tilespmem:v11+s22+$0x0] =	vst.idx.add.f32.msk $0xffff, v39  }
0x12f: {  	v41 =	vadd.s32 $0x4E20, v8;
	v21 =	vand.u32 v1, v61;
	v20 =	vmul.f32 v35, v27;
	[tilespmem:v36+s22+$0x0] =	vst.idx.add.f32.msk $0xffff, v40  }
0x130: {  	v21 =	vmul.f32 v21, v27;
	v8 =	vadd.s32 $0x7530, v8;
	v18 =	vld.idx.msk [tilespmem:v18+s3+$0x0], $0xffff  }
0x131: {  	v19 =	vadd.s32 $0x2710, v19;
	[tilespmem:v9+s22+$0x0] =	vst.idx.add.f32.msk $0xffff, v20;
	v42 =	vshll.u32 v13, $0x10  }
0x132: {  	[tilespmem:v63+s22+$0x0] =	vst.idx.add.f32.msk $0xffff, v21;
	v13 =	vand.u32 v1, v13;
	v20 =	vmul.f32 v42, v62  }
0x133: {  	v14 =	vshrl.u32 v14, $0xE;
	v16 =	vld.idx.msk [tilespmem:v16+s3+$0x0], $0xffff;
	v13 =	vmul.f32 v13, v62  }
0x134: {  	v44 =	vadd.s32 $0x2710, v14;
	[tilespmem:v41+s22+$0x0] =	vst.idx.add.f32.msk $0xffff, v20  }
0x135: {  	[tilespmem:v8+s22+$0x0] =	vst.idx.add.f32.msk $0xffff, v13;
	v8 =	vadd.s32 $0x4E20, v10;
	v13 =	vshll.u32 v17, $0x10  }
0x136: {  	v7 =	vadd.s32 $0x2710, v7;
	v19 =	vld.idx.msk [tilespmem:v19+s3+$0x0], $0xffff;
	v17 =	vand.u32 v1, v17;
	v13 =	vmul.f32 v13, v3  }
0x137: {  	v46 =	vshll.u32 v18, $0x10;
	v10 =	vadd.s32 $0x7530, v10;
	v21 =	vld [tilespmem:s26+$0x90];
	v17 =	vmul.f32 v17, v3  }
0x138: {  	v45 =	vadd.s32 $0x4E20, v9;
	v24 =	vmul.f32 v46, v25;
	[tilespmem:v14+s22+$0x0] =	vst.idx.add.f32.msk $0xffff, v13  }
0x139: {  	v9 =	vadd.s32 $0x7530, v9;
	v18 =	vand.u32 v1, v18;
	[tilespmem:v44+s22+$0x0] =	vst.idx.add.f32.msk $0xffff, v17  }
0x13a: {  	v18 =	vmul.f32 v18, v25;
	v13 =	vshll.u32 v16, $0x10;
	[tilespmem:v8+s22+$0x0] =	vst.idx.add.f32.msk $0xffff, v24  }
0x13b: {  	v16 =	vand.u32 v1, v16;
	v13 =	vmul.f32 v13, v27;
	v17 =	vadd.s32 $0x4E20, v11;
	v7 =	vld.idx.msk [tilespmem:v7+s3+$0x0], $0xffff  }
0x13c: {  	v16 =	vmul.f32 v16, v27;
	v8 =	vand.u32 v2, v21;
	[tilespmem:v10+s22+$0x0] =	vst.idx.add.f32.msk $0xffff, v18  }
0x13d: {  	[tilespmem:v45+s22+$0x0] =	vst.idx.add.f32.msk $0xffff, v13;
	v10 =	vadd.s32 $0x7530, v11;
	v11 =	vshll.u32 v19, $0x10  }
0x13e: {  	[tilespmem:v9+s22+$0x0] =	vst.idx.add.f32.msk $0xffff, v16;
	v9 =	vmul.f32 v11, v29  }
0x13f: {  	v11 =	vld [tilespmem:s26+$0xFFFFFF10]  }
0x140: {  	v13 =	vand.u32 v1, v19;
	[tilespmem:v17+s22+$0x0] =	vst.idx.add.f32.msk $0xffff, v9  }
0x141: {  	v13 =	vmul.f32 v13, v29;
	v16 =	vld.idx.msk [tilespmem:v8+s3+$0x0], $0xffff  }
0x142: {  	v17 =	vld [tilespmem:s28+$0x90]  }
0x143: {  	[tilespmem:v10+s22+$0x0] =	vst.idx.add.f32.msk $0xffff, v13  }
0x144: {  	v10 =	vld [tilespmem:s26+$0xFFFFFF90];
	v13 =	vshrl.u32 v21, $0xE  }
0x145: {  	v18 =	vld [tilespmem:s26+$0x10];
	v9 =	vadd.s32 $0x2710, v13  }
0x146: {  	v19 =	vld [tilespmem:s28+$0xFFFFFF10];
	v50 =	vand.u32 v2, v11;
	v48 =	vshll.u32 v16, $0x10  }
0x147: {  	v49 =	vadd.s32 $0x2710, v8;
	v51 =	vld [tilespmem:s28+$0xFFFFFF90];
	v16 =	vand.u32 v1, v16;
	v20 =	vmul.f32 v48, v17  }
0x148: {  	v8 =	vshrl.u32 v12, $0xE;
	v12 =	vld [tilespmem:s28+$0x10];
	v16 =	vmul.f32 v16, v17  }
0x149: {  	v52 =	vand.u32 v2, v10;
	[tilespmem:v13+s22+$0x0] =	vst.idx.add.f32.msk $0xffff, v20  }
0x14a: {  	v53 =	vshll.u32 v31, $0x10;
	v54 =	vand.u32 v2, v18;
	[tilespmem:v9+s22+$0x0] =	vst.idx.add.f32.msk $0xffff, v16  }
0x14b: {  	v20 =	vmul.f32 v53, v5;
	v16 =	vadd.s32 $0x2710, v8;
	v9 =	vshrl.u32 v15, $0xE;
	v15 =	vld.idx.msk [tilespmem:v50+s3+$0x0], $0xffff  }
0x14c: {  	v21 =	vld.idx.msk [tilespmem:v49+s3+$0x0], $0xffff  }
0x14d: {  	v56 =	vand.u32 v1, v31;
	v55 =	vadd.s32 $0x2710, v9;
	[tilespmem:v8+s22+$0x0] =	vst.idx.add.f32.msk $0xffff, v20  }
0x14e: {  	v6 =	vadd.s32 $0x2710, v6;
	v58 =	vshll.u32 v47, $0x10;
	v57 =	vmul.f32 v56, v5;
	v59 =	vld.idx.msk [tilespmem:v52+s3+$0x0], $0xffff  }
0x14f: {  	v26 =	vand.u32 v1, v47;
	v29 =	vmul.f32 v58, v4;
	v11 =	vshrl.u32 v11, $0xE;
	v60 =	vld.idx.msk [tilespmem:v54+s3+$0x0], $0xffff  }
0x150: {  	v26 =	vmul.f32 v26, v4;
	v61 =	vadd.s32 $0x4E20, v13;
	[tilespmem:v16+s22+$0x0] =	vst.idx.add.f32.msk $0xffff, v57  }
0x151: {  	v13 =	vadd.s32 $0x7530, v13;
	[tilespmem:v9+s22+$0x0] =	vst.idx.add.f32.msk $0xffff, v29;
	v33 =	vshll.u32 v15, $0x10  }
0x152: {  	v39 =	vadd.s32 $0x2710, v43;
	v16 =	vshll.u32 v21, $0x10;
	[tilespmem:v55+s22+$0x0] =	vst.idx.add.f32.msk $0xffff, v26;
	v20 =	vmul.f32 v33, v19  }
0x153: {  	v40 =	vadd.s32 $0x4E20, v14;
	v62 =	vand.u32 v1, v21;
	v43 =	vld.idx.msk [tilespmem:v6+s3+$0x0], $0xffff;
	v16 =	vmul.f32 v16, v17  }
0x154: {  	v63 =	vadd.s32 $0x2710, v11;
	v17 =	vmul.f32 v62, v17;
	[tilespmem:v11+s22+$0x0] =	vst.idx.add.f32.msk $0xffff, v20  }
0x155: {  	v14 =	vadd.s32 $0x7530, v14;
	v42 =	vshll.u32 v7, $0x10;
	v15 =	vand.u32 v1, v15;
	[tilespmem:v61+s22+$0x0] =	vst.idx.add.f32.msk $0xffff, v16  }
0x156: {  	v10 =	vshrl.u32 v10, $0xE;
	v6 =	vand.u32 v1, v7;
	v7 =	vmul.f32 v42, v3;
	[tilespmem:v13+s22+$0x0] =	vst.idx.add.f32.msk $0xffff, v17  }
0x157: {  	v15 =	vmul.f32 v15, v19;
	v16 =	vadd.s32 $0x2710, v10;
	v13 =	vshrl.u32 v18, $0xE;
	v18 =	vld [tilespmem:s26+$0xA0]  }
0x158: {  	v36 =	vadd.s32 $0x2710, v50;
	v3 =	vmul.f32 v6, v3;
	[tilespmem:v40+s22+$0x0] =	vst.idx.add.f32.msk $0xffff, v7;
	v17 =	vshll.u32 v59, $0x10  }
0x159: {  	v35 =	vand.u32 v1, v59;
	[tilespmem:v63+s22+$0x0] =	vst.idx.add.f32.msk $0xffff, v15;
	v17 =	vmul.f32 v17, v51  }
0x15a: {  	v28 =	vmul.f32 v35, v51;
	[tilespmem:v14+s22+$0x0] =	vst.idx.add.f32.msk $0xffff, v3;
	v34 =	vadd.s32 $0x2710, v13  }
0x15b: {  	v37 =	vshll.u32 v60, $0x10;
	v38 =	vand.u32 v1, v60;
	[tilespmem:v10+s22+$0x0] =	vst.idx.add.f32.msk $0xffff, v17  }
0x15c: {  	v22 =	vmul.f32 v37, v12;
	[tilespmem:v16+s22+$0x0] =	vst.idx.add.f32.msk $0xffff, v28;
	v16 =	vand.u32 v2, v18  }
0x15d: {  	v21 =	vmul.f32 v38, v12;
	v20 =	vld.idx.msk [tilespmem:v36+s3+$0x0], $0xffff  }
0x15e: {  	v15 =	vadd.s32 $0x2710, v52;
	[tilespmem:v13+s22+$0x0] =	vst.idx.add.f32.msk $0xffff, v22  }
0x15f: {  	[tilespmem:v34+s22+$0x0] =	vst.idx.add.f32.msk $0xffff, v21  }
0x160: {  	v17 =	vadd.s32 $0x2710, v54;
	v21 =	vld.idx.msk [tilespmem:v39+s3+$0x0], $0xffff  }
0x161: {  	v45 =	vadd.s32 $0x4E20, v11;
	v41 =	vld.idx.msk [tilespmem:v16+s3+$0x0], $0xffff  }
0x162: {  	v11 =	vadd.s32 $0x7530, v11;
	v44 =	vld [tilespmem:s28+$0xA0]  }
0x163: {  	v52 =	vadd.s32 $0x4E20, v9;
	v15 =	vld.idx.msk [tilespmem:v15+s3+$0x0], $0xffff;
	v6 =	vshll.u32 v20, $0x10  }
0x164: {  	v20 =	vand.u32 v1, v20;
	v18 =	vshrl.u32 v18, $0xE;
	v14 =	vmul.f32 v6, v19;
	v6 =	vld [tilespmem:s30+$0xFFFFFF70]  }
0x165: {  	v19 =	vmul.f32 v20, v19;
	v7 =	vadd.s32 $0x2710, v18;
	v17 =	vld.idx.msk [tilespmem:v17+s3+$0x0], $0xffff;
	v54 =	vshll.u32 v21, $0x10  }
0x166: {  	[tilespmem:v45+s22+$0x0] =	vst.idx.add.f32.msk $0xffff, v14;
	v16 =	vadd.s32 $0x2710, v16;
	v24 =	vmul.f32 v54, v4;
	v3 =	vshll.u32 v41, $0x10  }
0x167: {  	v48 =	vadd.s32 $0x4E20, v10;
	[tilespmem:v11+s22+$0x0] =	vst.idx.add.f32.msk $0xffff, v19;
	v46 =	vand.u32 v1, v41;
	v47 =	vmul.f32 v3, v44  }
0x168: {  	v10 =	vadd.s32 $0x7530, v10;
	[tilespmem:v52+s22+$0x0] =	vst.idx.add.f32.msk $0xffff, v24;
	v14 =	vmul.f32 v46, v44  }
0x169: {  	v49 =	vadd.s32 $0x4E20, v13;
	v50 =	vshll.u32 v15, $0x10;
	[tilespmem:v18+s22+$0x0] =	vst.idx.add.f32.msk $0xffff, v47  }
0x16a: {  	[tilespmem:v7+s22+$0x0] =	vst.idx.add.f32.msk $0xffff, v14;
	v7 =	vadd.s32 $0x7530, v13;
	v13 =	vand.u32 v1, v15;
	v14 =	vmul.f32 v50, v51  }
0x16b: {  	v15 =	vld.idx.msk [tilespmem:v16+s3+$0x0], $0xffff;
	v16 =	vshll.u32 v17, $0x10;
	v13 =	vmul.f32 v13, v51  }
0x16c: {  	v9 =	vadd.s32 $0x7530, v9;
	v11 =	vand.u32 v1, v17;
	v16 =	vmul.f32 v16, v12;
	[tilespmem:v48+s22+$0x0] =	vst.idx.add.f32.msk $0xffff, v14  }
0x16d: {  	v11 =	vmul.f32 v11, v12;
	[tilespmem:v10+s22+$0x0] =	vst.idx.add.f32.msk $0xffff, v13  }
0x16e: {  	v21 =	vand.u32 v1, v21;
	[tilespmem:v49+s22+$0x0] =	vst.idx.add.f32.msk $0xffff, v16  }
0x16f: {  	v4 =	vmul.f32 v21, v4;
	v10 =	vadd.s32 $0x4E20, v18;
	[tilespmem:v7+s22+$0x0] =	vst.idx.add.f32.msk $0xffff, v11  }
0x170: {  	v7 =	vadd.s32 $0x7530, v18;
	v11 =	vld [tilespmem:s26+$0xFFFFFF20]  }
0x171: {  	[tilespmem:v9+s22+$0x0] =	vst.idx.add.f32.msk $0xffff, v4;
	v12 =	vshll.u32 v15, $0x10  }
0x172: {  	v13 =	vld [tilespmem:s26+$0xFFFFFFA0];
	v14 =	vand.u32 v1, v15;
	v12 =	vmul.f32 v12, v44  }
0x173: {  	v15 =	vld [tilespmem:s26+$0x20];
	v14 =	vmul.f32 v14, v44  }
0x174: {  	[tilespmem:v10+s22+$0x0] =	vst.idx.add.f32.msk $0xffff, v12;
	v10 =	vadd.s32 $0x4E20, v8  }
0x175: {  	[tilespmem:v7+s22+$0x0] =	vst.idx.add.f32.msk $0xffff, v14;
	v7 =	vand.u32 v2, v11  }
0x176: {  	v14 =	vshll.u32 v43, $0x10;
	v12 =	vld [tilespmem:s26+$0xB0]  }
0x177: {  	v3 =	vld [tilespmem:s29+$0xFFFFFF70];
	v17 =	vand.u32 v2, v13;
	v14 =	vmul.f32 v14, v5  }
0x178: {  	v16 =	vld [tilespmem:s28+$0xFFFFFF20];
	v8 =	vadd.s32 $0x7530, v8  }
0x179: {  	[tilespmem:v10+s22+$0x0] =	vst.idx.add.f32.msk $0xffff, v14  }
0x17a: {  	v19 =	vand.u32 v2, v15;
	v10 =	vand.u32 v1, v43;
	v14 =	vld.idx.msk [tilespmem:v7+s3+$0x0], $0xffff  }
0x17b: {  	v18 =	vld [tilespmem:s28+$0xFFFFFFA0];
	v5 =	vmul.f32 v10, v5;
	v53 =	vand.u32 v2, v12  }
0x17c: {  	v10 =	vld.idx.msk [tilespmem:v17+s3+$0x0], $0xffff  }
0x17d: {  	[tilespmem:v8+s22+$0x0] =	vst.idx.add.f32.msk $0xffff, v5;
	v5 =	vshrl.u32 v11, $0xE  }
0x17e: {  	v51 =	vld [tilespmem:s28+$0x20];
	v8 =	vadd.s32 $0x2710, v5  }
0x17f: {  	v13 =	vshrl.u32 v13, $0xE;
	v55 =	vld.idx.msk [tilespmem:v19+s3+$0x0], $0xffff;
	v56 =	vshll.u32 v14, $0x10  }
0x180: {  	v4 =	vadd.s32 $0x2710, v13;
	v9 =	vand.u32 v1, v14;
	v11 =	vld.idx.msk [tilespmem:v53+s3+$0x0], $0xffff;
	v14 =	vmul.f32 v56, v16  }
0x181: {  	v57 =	vld [tilespmem:s28+$0xB0];
	v58 =	vshll.u32 v10, $0x10;
	v9 =	vmul.f32 v9, v16  }
0x182: {  	v15 =	vshrl.u32 v15, $0xE;
	v10 =	vand.u32 v1, v10;
	[tilespmem:v5+s22+$0x0] =	vst.idx.add.f32.msk $0xffff, v14;
	v14 =	vmul.f32 v58, v18  }
0x183: {  	v12 =	vshrl.u32 v12, $0xE;
	v10 =	vmul.f32 v10, v18;
	[tilespmem:v8+s22+$0x0] =	vst.idx.add.f32.msk $0xffff, v9  }
0x184: {  	v62 =	vadd.s32 $0x2710, v15;
	v60 =	vshll.u32 v55, $0x10;
	v8 =	vadd.s32 $0x2710, v12;
	[tilespmem:v13+s22+$0x0] =	vst.idx.add.f32.msk $0xffff, v14  }
0x185: {  	v61 =	vadd.s32 $0x2710, v53;
	v9 =	vmul.f32 v60, v51;
	v14 =	vshll.u32 v11, $0x10;
	[tilespmem:v4+s22+$0x0] =	vst.idx.add.f32.msk $0xffff, v10  }
0x186: {  	v59 =	vld [tilespmem:s30+$0xFFFFFFF0];
	v4 =	vand.u32 v1, v11;
	v11 =	vand.u32 v2, v6;
	v10 =	vmul.f32 v14, v57  }
0x187: {  	[tilespmem:v15+s22+$0x0] =	vst.idx.add.f32.msk $0xffff, v9;
	v14 =	vadd.s32 $0x2710, v7;
	v4 =	vmul.f32 v4, v57;
	v7 =	vand.u32 v1, v55  }
0x188: {  	v7 =	vmul.f32 v7, v51;
	[tilespmem:v12+s22+$0x0] =	vst.idx.add.f32.msk $0xffff, v10  }
0x189: {  	v9 =	vadd.s32 $0x2710, v17;
	[tilespmem:v8+s22+$0x0] =	vst.idx.add.f32.msk $0xffff, v4  }
0x18a: {  	[tilespmem:v62+s22+$0x0] =	vst.idx.add.f32.msk $0xffff, v7  }
0x18b: {  	v10 =	vadd.s32 $0x2710, v19;
	v4 =	vld.idx.msk [tilespmem:v61+s3+$0x0], $0xffff  }
0x18c: {  	v7 =	vand.u32 v2, v59;
	v63 =	vld.idx.msk [tilespmem:v11+s3+$0x0], $0xffff  }
0x18d: {  	v8 =	vld.idx.msk [tilespmem:v14+s3+$0x0], $0xffff  }
0x18e: {  	v17 =	vadd.s32 $0x4E20, v12;
	v14 =	vld.idx.msk [tilespmem:v9+s3+$0x0], $0xffff  }
0x18f: {  	v12 =	vadd.s32 $0x7530, v12;
	v9 =	vld [tilespmem:s30+$0x70]  }
0x190: {  	v10 =	vld.idx.msk [tilespmem:v10+s3+$0x0], $0xffff;
	v19 =	vshll.u32 v4, $0x10  }
0x191: {  	v35 =	vadd.s32 $0x4E20, v5;
	v25 =	vld.idx.msk [tilespmem:v7+s3+$0x0], $0xffff;
	v4 =	vand.u32 v1, v4;
	v19 =	vmul.f32 v19, v57  }
0x192: {  	v5 =	vadd.s32 $0x7530, v5;
	v21 =	vmul.f32 v4, v57;
	v4 =	vld [tilespmem:s29+$0xFFFFFFF0]  }
0x193: {  	v36 =	vadd.s32 $0x4E20, v13;
	v37 =	vshll.u32 v8, $0x10;
	[tilespmem:v17+s22+$0x0] =	vst.idx.add.f32.msk $0xffff, v19  }
0x194: {  	v8 =	vand.u32 v1, v8;
	v17 =	vmul.f32 v37, v16;
	[tilespmem:v12+s22+$0x0] =	vst.idx.add.f32.msk $0xffff, v21  }
0x195: {  	v13 =	vadd.s32 $0x7530, v13;
	v8 =	vmul.f32 v8, v16;
	v19 =	vshll.u32 v14, $0x10;
	v16 =	vld [tilespmem:s26+$0xC0]  }
0x196: {  	v19 =	vmul.f32 v19, v18;
	[tilespmem:v35+s22+$0x0] =	vst.idx.add.f32.msk $0xffff, v17  }
0x197: {  	v14 =	vand.u32 v1, v14;
	v12 =	vadd.s32 $0x4E20, v15;
	[tilespmem:v5+s22+$0x0] =	vst.idx.add.f32.msk $0xffff, v8  }
0x198: {  	v14 =	vmul.f32 v14, v18;
	[tilespmem:v36+s22+$0x0] =	vst.idx.add.f32.msk $0xffff, v19  }
0x199: {  	v15 =	vadd.s32 $0x7530, v15;
	v17 =	vshll.u32 v10, $0x10;
	v19 =	vld [tilespmem:s28+$0xC0]  }
0x19a: {  	v8 =	vmul.f32 v17, v51;
	[tilespmem:v13+s22+$0x0] =	vst.idx.add.f32.msk $0xffff, v14  }
0x19b: {  	v5 =	vand.u32 v1, v10;
	v13 =	vld [tilespmem:s26+$0xFFFFFFB0]  }
0x19c: {  	v5 =	vmul.f32 v5, v51;
	[tilespmem:v12+s22+$0x0] =	vst.idx.add.f32.msk $0xffff, v8  }
0x19d: {  	v12 =	vld [tilespmem:s26+$0xFFFFFF30];
	v8 =	vand.u32 v2, v16  }
0x19e: {  	[tilespmem:v15+s22+$0x0] =	vst.idx.add.f32.msk $0xffff, v5  }
0x19f: {  	v14 =	vld [tilespmem:s26+$0x30]  }
0x1a0: {  	v10 =	vand.u32 v2, v9;
	v17 =	vld [tilespmem:s28+$0xFFFFFF30]  }
0x1a1: {  	v39 =	vld [tilespmem:s28+$0xFFFFFFB0];
	v38 =	vand.u32 v2, v13  }
0x1a2: {  	v18 =	vand.u32 v2, v12;
	v15 =	vld.idx.msk [tilespmem:v8+s3+$0x0], $0xffff  }
0x1a3: {  	v5 =	vld [tilespmem:s29+$0x70];
	v44 =	vadd.s32 $0x2710, v8;
	v8 =	vshrl.u32 v6, $0xE  }
0x1a4: {  	v40 =	vld [tilespmem:s28+$0x30];
	v45 =	vand.u32 v2, v14  }
0x1a5: {  	v48 =	vshll.u32 v63, $0x10;
	v16 =	vshrl.u32 v16, $0xE;
	v42 =	vld.idx.msk [tilespmem:v10+s3+$0x0], $0xffff  }
0x1a6: {  	v49 =	vmul.f32 v48, v3;
	v41 =	vadd.s32 $0x2710, v16;
	v47 =	vld.idx.msk [tilespmem:v38+s3+$0x0], $0xffff  }
0x1a7: {  	v6 =	vshrl.u32 v59, $0xE;
	v46 =	vld.idx.msk [tilespmem:v18+s3+$0x0], $0xffff;
	v43 =	vshll.u32 v15, $0x10  }
0x1a8: {  	v15 =	vand.u32 v1, v15;
	[tilespmem:v8+s22+$0x0] =	vst.idx.add.f32.msk $0xffff, v49;
	v28 =	vmul.f32 v43, v19  }
0x1a9: {  	v51 =	vshll.u32 v25, $0x10;
	v33 =	vadd.s32 $0x2710, v8;
	v15 =	vmul.f32 v15, v19;
	v53 =	vld.idx.msk [tilespmem:v45+s3+$0x0], $0xffff  }
0x1aa: {  	v26 =	vmul.f32 v51, v4;
	v12 =	vshrl.u32 v12, $0xE;
	[tilespmem:v16+s22+$0x0] =	vst.idx.add.f32.msk $0xffff, v28  }
0x1ab: {  	v52 =	vadd.s32 $0x2710, v12;
	[tilespmem:v41+s22+$0x0] =	vst.idx.add.f32.msk $0xffff, v15;
	v15 =	vand.u32 v1, v63  }
0x1ac: {  	v11 =	vadd.s32 $0x2710, v11;
	[tilespmem:v6+s22+$0x0] =	vst.idx.add.f32.msk $0xffff, v26;
	v34 =	vshll.u32 v46, $0x10;
	v15 =	vmul.f32 v15, v3  }
0x1ad: {  	v18 =	vadd.s32 $0x2710, v18;
	v54 =	vand.u32 v1, v46;
	v50 =	vld.idx.msk [tilespmem:v44+s3+$0x0], $0xffff;
	v55 =	vmul.f32 v34, v17  }
0x1ae: {  	v14 =	vshrl.u32 v14, $0xE;
	v22 =	vmul.f32 v54, v17;
	[tilespmem:v33+s22+$0x0] =	vst.idx.add.f32.msk $0xffff, v15  }
0x1af: {  	v13 =	vshrl.u32 v13, $0xE;
	[tilespmem:v12+s22+$0x0] =	vst.idx.add.f32.msk $0xffff, v55  }
0x1b0: {  	v58 =	vadd.s32 $0x2710, v13;
	v61 =	vshll.u32 v53, $0x10;
	[tilespmem:v52+s22+$0x0] =	vst.idx.add.f32.msk $0xffff, v22  }
0x1b1: {  	v56 =	vadd.s32 $0x4E20, v16;
	v15 =	vshll.u32 v47, $0x10;
	v24 =	vmul.f32 v61, v40;
	v11 =	vld.idx.msk [tilespmem:v11+s3+$0x0], $0xffff  }
0x1b2: {  	v16 =	vadd.s32 $0x7530, v16;
	v59 =	vand.u32 v1, v47;
	v15 =	vmul.f32 v15, v39;
	v18 =	vld.idx.msk [tilespmem:v18+s3+$0x0], $0xffff  }
0x1b3: {  	v60 =	vmul.f32 v59, v39;
	[tilespmem:v14+s22+$0x0] =	vst.idx.add.f32.msk $0xffff, v24;
	v57 =	vshll.u32 v50, $0x10  }
0x1b4: {  	[tilespmem:v13+s22+$0x0] =	vst.idx.add.f32.msk $0xffff, v15;
	v15 =	vand.u32 v1, v50;
	v22 =	vmul.f32 v57, v19  }
0x1b5: {  	v15 =	vmul.f32 v15, v19;
	v19 =	vadd.s32 $0x2710, v14;
	[tilespmem:v58+s22+$0x0] =	vst.idx.add.f32.msk $0xffff, v60  }
0x1b6: {  	v20 =	vadd.s32 $0x2710, v38;
	[tilespmem:v56+s22+$0x0] =	vst.idx.add.f32.msk $0xffff, v22  }
0x1b7: {  	[tilespmem:v16+s22+$0x0] =	vst.idx.add.f32.msk $0xffff, v15;
	v15 =	vadd.s32 $0x2710, v45;
	v16 =	vand.u32 v1, v53  }
0x1b8: {  	v63 =	vadd.s32 $0x4E20, v12;
	v62 =	vld [tilespmem:s26+$0xD0];
	v16 =	vmul.f32 v16, v40  }
0x1b9: {  	v12 =	vadd.s32 $0x7530, v12;
	v37 =	vld [tilespmem:s28+$0xD0]  }
0x1ba: {  	v31 =	vshll.u32 v18, $0x10;
	[tilespmem:v19+s22+$0x0] =	vst.idx.add.f32.msk $0xffff, v16  }
0x1bb: {  	v16 =	vand.u32 v1, v18;
	v18 =	vmul.f32 v31, v17;
	v19 =	vld.idx.msk [tilespmem:v20+s3+$0x0], $0xffff  }
0x1bc: {  	v32 =	vadd.s32 $0x2710, v6;
	v16 =	vmul.f32 v16, v17;
	v15 =	vld.idx.msk [tilespmem:v15+s3+$0x0], $0xffff  }
0x1bd: {  	v7 =	vadd.s32 $0x2710, v7;
	[tilespmem:v63+s22+$0x0] =	vst.idx.add.f32.msk $0xffff, v18  }
0x1be: {  	v17 =	vand.u32 v2, v62;
	[tilespmem:v12+s22+$0x0] =	vst.idx.add.f32.msk $0xffff, v16;
	v12 =	vand.u32 v1, v25  }
0x1bf: {  	v16 =	vadd.s32 $0x4E20, v13;
	v18 =	vld [tilespmem:s26+$0xFFFFFF40];
	v12 =	vmul.f32 v12, v4  }
0x1c0: {  	v13 =	vadd.s32 $0x7530, v13;
	v33 =	vld [tilespmem:s28+$0xFFFFFF40]  }
0x1c1: {  	v34 =	vadd.s32 $0x4E20, v14;
	v35 =	vshll.u32 v19, $0x10;
	[tilespmem:v32+s22+$0x0] =	vst.idx.add.f32.msk $0xffff, v12  }
0x1c2: {  	v14 =	vadd.s32 $0x7530, v14;
	v19 =	vand.u32 v1, v19;
	v25 =	vmul.f32 v35, v39;
	v50 =	vld.idx.msk [tilespmem:v7+s3+$0x0], $0xffff  }
0x1c3: {  	v19 =	vmul.f32 v19, v39;
	v12 =	vshll.u32 v15, $0x10;
	v36 =	vld.idx.msk [tilespmem:v17+s3+$0x0], $0xffff  }
0x1c4: {  	v15 =	vand.u32 v1, v15;
	v12 =	vmul.f32 v12, v40;
	[tilespmem:v16+s22+$0x0] =	vst.idx.add.f32.msk $0xffff, v25  }
0x1c5: {  	v15 =	vmul.f32 v15, v40;
	[tilespmem:v13+s22+$0x0] =	vst.idx.add.f32.msk $0xffff, v19  }
0x1c6: {  	v13 =	vshrl.u32 v62, $0xE;
	[tilespmem:v34+s22+$0x0] =	vst.idx.add.f32.msk $0xffff, v12  }
0x1c7: {  	v12 =	vadd.s32 $0x2710, v13;
	[tilespmem:v14+s22+$0x0] =	vst.idx.add.f32.msk $0xffff, v15  }
0x1c8: {  	v15 =	vadd.s32 $0x2710, v17;
	v17 =	vld [tilespmem:s26+$0xFFFFFFC0];
	v14 =	vshll.u32 v36, $0x10  }
0x1c9: {  	v16 =	vand.u32 v2, v18;
	v38 =	vld [tilespmem:s26+$0x40];
	v19 =	vand.u32 v1, v36;
	v14 =	vmul.f32 v14, v37  }
0x1ca: {  	v25 =	vld [tilespmem:s28+$0xFFFFFFC0];
	v19 =	vmul.f32 v19, v37  }
0x1cb: {  	v9 =	vshrl.u32 v9, $0xE;
	[tilespmem:v13+s22+$0x0] =	vst.idx.add.f32.msk $0xffff, v14  }
0x1cc: {  	[tilespmem:v12+s22+$0x0] =	vst.idx.add.f32.msk $0xffff, v19;
	v12 =	vadd.s32 $0x2710, v9  }
0x1cd: {  	v39 =	vand.u32 v2, v17;
	v14 =	vld.idx.msk [tilespmem:v15+s3+$0x0], $0xffff;
	v15 =	vshll.u32 v42, $0x10  }
0x1ce: {  	v40 =	vand.u32 v1, v42;
	v19 =	vld.idx.msk [tilespmem:v16+s3+$0x0], $0xffff;
	v41 =	vand.u32 v2, v38;
	v15 =	vmul.f32 v15, v5  }
0x1cf: {  	v7 =	vadd.s32 $0x2710, v10;
	v24 =	vmul.f32 v40, v5;
	v42 =	vld [tilespmem:s28+$0x40]  }
0x1d0: {  	v28 =	vadd.s32 $0x4E20, v13;
	[tilespmem:v9+s22+$0x0] =	vst.idx.add.f32.msk $0xffff, v15  }
0x1d1: {  	v13 =	vadd.s32 $0x7530, v13;
	[tilespmem:v12+s22+$0x0] =	vst.idx.add.f32.msk $0xffff, v24  }
0x1d2: {  	v12 =	vld.idx.msk [tilespmem:v39+s3+$0x0], $0xffff;
	v15 =	vshll.u32 v14, $0x10  }
0x1d3: {  	v18 =	vshrl.u32 v18, $0xE;
	v43 =	vld.idx.msk [tilespmem:v41+s3+$0x0], $0xffff;
	v14 =	vand.u32 v1, v14;
	v15 =	vmul.f32 v15, v37  }
0x1d4: {  	v44 =	vadd.s32 $0x2710, v18;
	v7 =	vld.idx.msk [tilespmem:v7+s3+$0x0], $0xffff;
	v14 =	vmul.f32 v14, v37  }
0x1d5: {  	v16 =	vadd.s32 $0x2710, v16;
	v45 =	vshll.u32 v19, $0x10;
	[tilespmem:v28+s22+$0x0] =	vst.idx.add.f32.msk $0xffff, v15  }
0x1d6: {  	v15 =	vshrl.u32 v17, $0xE;
	v17 =	vand.u32 v1, v19;
	v19 =	vmul.f32 v45, v33;
	[tilespmem:v13+s22+$0x0] =	vst.idx.add.f32.msk $0xffff, v14  }
0x1d7: {  	v13 =	vadd.s32 $0x2710, v15;
	v14 =	vmul.f32 v17, v33;
	v17 =	vld [tilespmem:s26+$0xE0]  }
0x1d8: {  	v46 =	vshrl.u32 v38, $0xE;
	[tilespmem:v18+s22+$0x0] =	vst.idx.add.f32.msk $0xffff, v19;
	v19 =	vshll.u32 v12, $0x10  }
0x1d9: {  	v21 =	vadd.s32 $0x2710, v46;
	v12 =	vand.u32 v1, v12;
	[tilespmem:v44+s22+$0x0] =	vst.idx.add.f32.msk $0xffff, v14;
	v14 =	vmul.f32 v19, v25  }
0x1da: {  	v47 =	vshll.u32 v43, $0x10;
	v19 =	vadd.s32 $0x2710, v39;
	v12 =	vmul.f32 v12, v25;
	v16 =	vld.idx.msk [tilespmem:v16+s3+$0x0], $0xffff  }
0x1db: {  	v26 =	vadd.s32 $0x2710, v41;
	v24 =	vand.u32 v1, v43;
	v23 =	vmul.f32 v47, v42;
	[tilespmem:v15+s22+$0x0] =	vst.idx.add.f32.msk $0xffff, v14  }
0x1dc: {  	v14 =	vmul.f32 v24, v42;
	[tilespmem:v13+s22+$0x0] =	vst.idx.add.f32.msk $0xffff, v12;
	v12 =	vand.u32 v2, v17  }
0x1dd: {  	[tilespmem:v46+s22+$0x0] =	vst.idx.add.f32.msk $0xffff, v23  }
0x1de: {  	v13 =	vadd.s32 $0x4E20, v18;
	[tilespmem:v21+s22+$0x0] =	vst.idx.add.f32.msk $0xffff, v14  }
0x1df: {  	v18 =	vadd.s32 $0x7530, v18;
	v14 =	vld.idx.msk [tilespmem:v19+s3+$0x0], $0xffff  }
0x1e0: {  	v19 =	vld.idx.msk [tilespmem:v26+s3+$0x0], $0xffff;
	v48 =	vshll.u32 v16, $0x10  }
0x1e1: {  	v16 =	vand.u32 v1, v16;
	v21 =	vmul.f32 v48, v33;
	v49 =	vld.idx.msk [tilespmem:v12+s3+$0x0], $0xffff  }
0x1e2: {  	v51 =	vadd.s32 $0x4E20, v15;
	v10 =	vmul.f32 v16, v33;
	v16 =	vld [tilespmem:s28+$0xE0]  }
0x1e3: {  	v15 =	vadd.s32 $0x7530, v15;
	[tilespmem:v13+s22+$0x0] =	vst.idx.add.f32.msk $0xffff, v21  }
0x1e4: {  	[tilespmem:v18+s22+$0x0] =	vst.idx.add.f32.msk $0xffff, v10;
	v10 =	vshrl.u32 v17, $0xE;
	v13 =	vshll.u32 v14, $0x10  }
0x1e5: {  	v14 =	vand.u32 v1, v14;
	v17 =	vld [tilespmem:s26+$0xFFFFFF50];
	v18 =	vadd.s32 $0x2710, v10;
	v13 =	vmul.f32 v13, v25  }
0x1e6: {  	v12 =	vadd.s32 $0x2710, v12;
	v21 =	vld [tilespmem:s28+$0xFFFFFF50];
	v14 =	vmul.f32 v14, v25;
	v52 =	vshll.u32 v49, $0x10  }
0x1e7: {  	[tilespmem:v51+s22+$0x0] =	vst.idx.add.f32.msk $0xffff, v13;
	v23 =	vand.u32 v1, v49;
	v26 =	vmul.f32 v52, v16  }
0x1e8: {  	v53 =	vadd.s32 $0x4E20, v46;
	[tilespmem:v15+s22+$0x0] =	vst.idx.add.f32.msk $0xffff, v14;
	v13 =	vmul.f32 v23, v16  }
0x1e9: {  	v20 =	vadd.s32 $0x7530, v46;
	[tilespmem:v10+s22+$0x0] =	vst.idx.add.f32.msk $0xffff, v26  }
0x1ea: {  	v54 =	vshll.u32 v19, $0x10;
	[tilespmem:v18+s22+$0x0] =	vst.idx.add.f32.msk $0xffff, v13  }
0x1eb: {  	v13 =	vand.u32 v1, v19;
	v18 =	vmul.f32 v54, v42;
	v12 =	vld.idx.msk [tilespmem:v12+s3+$0x0], $0xffff  }
0x1ec: {  	v57 =	vld [tilespmem:s28+$0xFFFFFFD0];
	v13 =	vmul.f32 v13, v42  }
0x1ed: {  	v19 =	vand.u32 v2, v17;
	[tilespmem:v53+s22+$0x0] =	vst.idx.add.f32.msk $0xffff, v18  }
0x1ee: {  	v14 =	vadd.s32 $0x4E20, v10;
	[tilespmem:v20+s22+$0x0] =	vst.idx.add.f32.msk $0xffff, v13  }
0x1ef: {  	v10 =	vadd.s32 $0x7530, v10;
	v13 =	vld [tilespmem:s26+$0xFFFFFFD0]  }
0x1f0: {  	v15 =	vld [tilespmem:s26+$0x50];
	v55 =	vshll.u32 v12, $0x10  }
0x1f1: {  	v56 =	vadd.s32 $0x4E20, v8;
	v58 =	vld [tilespmem:s28+$0x50];
	v12 =	vand.u32 v1, v12;
	v20 =	vmul.f32 v55, v16  }
0x1f2: {  	v18 =	vld.idx.msk [tilespmem:v19+s3+$0x0], $0xffff;
	v12 =	vmul.f32 v12, v16  }
0x1f3: {  	v8 =	vadd.s32 $0x7530, v8;
	v16 =	vshll.u32 v11, $0x10;
	v11 =	vand.u32 v1, v11;
	[tilespmem:v14+s22+$0x0] =	vst.idx.add.f32.msk $0xffff, v20  }
0x1f4: {  	v59 =	vand.u32 v2, v13;
	v14 =	vmul.f32 v16, v3;
	[tilespmem:v10+s22+$0x0] =	vst.idx.add.f32.msk $0xffff, v12  }
0x1f5: {  	v16 =	vand.u32 v2, v15;
	v3 =	vmul.f32 v11, v3;
	v11 =	vld [tilespmem:s26+$0xF0]  }
0x1f6: {  	v10 =	vshrl.u32 v17, $0xE;
	[tilespmem:v56+s22+$0x0] =	vst.idx.add.f32.msk $0xffff, v14  }
0x1f7: {  	v12 =	vadd.s32 $0x2710, v10;
	v63 =	vld [tilespmem:s28+$0xF0]  }
0x1f8: {  	v17 =	vshll.u32 v18, $0x10;
	v14 =	vadd.s32 $0x2710, v19;
	[tilespmem:v8+s22+$0x0] =	vst.idx.add.f32.msk $0xffff, v3  }
0x1f9: {  	v17 =	vmul.f32 v17, v21;
	v3 =	vadd.s32 $0x4E20, v6;
	v8 =	vand.u32 v1, v18;
	v18 =	vld.idx.msk [tilespmem:v59+s3+$0x0], $0xffff  }
0x1fa: {  	v6 =	vadd.s32 $0x7530, v6;
	v8 =	vmul.f32 v8, v21;
	v19 =	vld.idx.msk [tilespmem:v16+s3+$0x0], $0xffff  }
0x1fb: {  	v60 =	vshll.u32 v50, $0x10;
	[tilespmem:v10+s22+$0x0] =	vst.idx.add.f32.msk $0xffff, v17;
	v17 =	vand.u32 v2, v11  }
0x1fc: {  	v61 =	vadd.s32 $0x4E20, v9;
	v24 =	vand.u32 v1, v50;
	v20 =	vmul.f32 v60, v4;
	[tilespmem:v12+s22+$0x0] =	vst.idx.add.f32.msk $0xffff, v8  }
0x1fd: {  	v13 =	vshrl.u32 v13, $0xE;
	v4 =	vmul.f32 v24, v4;
	v12 =	vshll.u32 v7, $0x10;
	v8 =	vld.idx.msk [tilespmem:v14+s3+$0x0], $0xffff  }
0x1fe: {  	[tilespmem:v3+s22+$0x0] =	vst.idx.add.f32.msk $0xffff, v20;
	v3 =	vmul.f32 v12, v5;
	v12 =	vadd.s32 $0x2710, v13  }
0x1ff: {  	[tilespmem:v6+s22+$0x0] =	vst.idx.add.f32.msk $0xffff, v4;
	v4 =	vshrl.u32 v15, $0xE;
	v6 =	vshll.u32 v18, $0x10  }
0x200: {  	v18 =	vand.u32 v1, v18;
	v15 =	vadd.s32 $0x2710, v4;
	v6 =	vmul.f32 v6, v57;
	v14 =	vld.idx.msk [tilespmem:v17+s3+$0x0], $0xffff  }
0x201: {  	[tilespmem:v61+s22+$0x0] =	vst.idx.add.f32.msk $0xffff, v3;
	v3 =	vadd.s32 $0x2710, v59;
	v62 =	vshll.u32 v19, $0x10;
	v18 =	vmul.f32 v18, v57  }
0x202: {  	v16 =	vadd.s32 $0x2710, v16;
	v19 =	vand.u32 v1, v19;
	v20 =	vmul.f32 v62, v58;
	[tilespmem:v13+s22+$0x0] =	vst.idx.add.f32.msk $0xffff, v6  }
0x203: {  	v11 =	vshrl.u32 v11, $0xE;
	v6 =	vmul.f32 v19, v58;
	[tilespmem:v12+s22+$0x0] =	vst.idx.add.f32.msk $0xffff, v18  }
0x204: {  	v12 =	vadd.s32 $0x2710, v11;
	[tilespmem:v4+s22+$0x0] =	vst.idx.add.f32.msk $0xffff, v20  }
0x205: {  	[tilespmem:v15+s22+$0x0] =	vst.idx.add.f32.msk $0xffff, v6;
	v15 =	vadd.s32 $0x2710, v17;
	v6 =	vshll.u32 v14, $0x10  }
0x206: {  	v17 =	vadd.s32 $0x4E20, v10;
	v3 =	vld.idx.msk [tilespmem:v3+s3+$0x0], $0xffff;
	v14 =	vand.u32 v1, v14;
	v6 =	vmul.f32 v6, v63  }
0x207: {  	v10 =	vadd.s32 $0x7530, v10;
	v16 =	vld.idx.msk [tilespmem:v16+s3+$0x0], $0xffff;
	v14 =	vmul.f32 v14, v63  }
0x208: {  	v18 =	vshll.u32 v8, $0x10;
	[tilespmem:v11+s22+$0x0] =	vst.idx.add.f32.msk $0xffff, v6  }
0x209: {  	v6 =	vand.u32 v1, v8;
	v8 =	vmul.f32 v18, v21;
	[tilespmem:v12+s22+$0x0] =	vst.idx.add.f32.msk $0xffff, v14  }
0x20a: {  	v12 =	vadd.s32 $0x4E20, v13;
	v6 =	vmul.f32 v6, v21;
	v14 =	vld.idx.msk [tilespmem:v15+s3+$0x0], $0xffff  }
0x20b: {  	v13 =	vadd.s32 $0x7530, v13;
	[tilespmem:v17+s22+$0x0] =	vst.idx.add.f32.msk $0xffff, v8  }
0x20c: {  	v8 =	vadd.s32 $0x4E20, v4;
	[tilespmem:v10+s22+$0x0] =	vst.idx.add.f32.msk $0xffff, v6;
	v6 =	vshll.u32 v3, $0x10  }
0x20d: {  	v10 =	vadd.s32 $0x7530, v4;
	v3 =	vand.u32 v1, v3;
	v17 =	vld [tilespmem:s26+$0xFFFFFF60];
	v6 =	vmul.f32 v6, v57  }
0x20e: {  	v18 =	vadd.s32 $0x4E20, v11;
	v15 =	vshll.u32 v16, $0x10;
	v4 =	vld [tilespmem:s28+$0xFFFFFF60];
	v3 =	vmul.f32 v3, v57  }
0x20f: {  	v16 =	vand.u32 v1, v16;
	v15 =	vmul.f32 v15, v58;
	[tilespmem:v12+s22+$0x0] =	vst.idx.add.f32.msk $0xffff, v6;
	v12 =	vadd.s32 $0x7530, v11  }
0x210: {  	v6 =	vmul.f32 v16, v58;
	[tilespmem:v13+s22+$0x0] =	vst.idx.add.f32.msk $0xffff, v3;
	v11 =	vshll.u32 v14, $0x10  }
0x211: {  	v3 =	vadd.s32 $0x7530, v9;
	[tilespmem:v8+s22+$0x0] =	vst.idx.add.f32.msk $0xffff, v15;
	v8 =	vand.u32 v1, v14;
	v9 =	vmul.f32 v11, v63  }
0x212: {  	v7 =	vand.u32 v1, v7;
	[tilespmem:v10+s22+$0x0] =	vst.idx.add.f32.msk $0xffff, v6;
	v8 =	vmul.f32 v8, v63;
	v15 =	vshrl.u32 v17, $0xE  }
0x213: {  	v11 =	vmul.f32 v7, v5;
	v7 =	vand.u32 v2, v17;
	v16 =	vadd.s32 $0x2710, v15;
	[tilespmem:v18+s22+$0x0] =	vst.idx.add.f32.msk $0xffff, v9  }
0x214: {  	s31 =	simm.s32 $0xEF60;
	s30 =	simm.s32 $0x4;
	s29 =	simm.s32 $0x10160;
	v9 =	vadd.s32 $0x2710, v7;
	v6 =	vadd.s32 $0x4E20, v15;
	v5 =	vadd.s32 $0x7530, v15;
	[tilespmem:v12+s22+$0x0] =	vst.idx.add.f32.msk $0xffff, v8  }
.LBB2_5:
0x215: {  	v10 =	vld [tilespmem:s31+$0x80]  }
0x216: {  	v8 =	vld [tilespmem:s31+$0xFFFFFF80]  }
0x217: {  	v12 =	vld [tilespmem:s31+$0x0]  }
0x218: {  	v13 =	vld [tilespmem:s31+$0xFFFFFF00]  }
0x219: {  	v14 =	vld [tilespmem:s26+$0xFFFFFFE0]  }
0x21a: {  	v19 =	vand.u32 v2, v10;
	v17 =	vld [tilespmem:s26+$0x60]  }
0x21b: {  	v18 =	vand.u32 v2, v8;
	v23 =	vshrl.u32 v8, $0xE;
	v20 =	vld.idx.msk [tilespmem:v7+s3+$0x0], $0xffff  }
0x21c: {  	v24 =	vadd.s32 $0x2710, v23;
	v25 =	vand.u32 v2, v12;
	v26 =	vshrl.u32 v12, $0xE;
	v8 =	vld [tilespmem:s28+$0xFFFFFFE0]  }
0x21d: {  	v12 =	vand.u32 v2, v13;
	v27 =	vshrl.u32 v13, $0xE;
	v28 =	vadd.s32 $0x2710, v26;
	v7 =	vld [tilespmem:s28+$0x60]  }
0x21e: {  	v31 =	vadd.s32 $0x2710, v18;
	v29 =	vadd.s32 $0x2710, v27;
	v30 =	vadd.s32 $0x2710, v12;
	[tilespmem:v3+s22+$0x0] =	vst.idx.add.f32.msk $0xffff, v11  }
0x21f: {  	v34 =	vadd.s32 $0x2710, v25;
	v32 =	vadd.s32 $0x4E20, v27;
	v33 =	vadd.s32 $0x7530, v27;
	v3 =	vld.idx.msk [tilespmem:v19+s3+$0x0], $0xffff  }
0x220: {  	v35 =	vadd.s32 $0x4E20, v23;
	v36 =	vadd.s32 $0x7530, v23;
	v22 =	vadd.s32 $0x4E20, v26;
	s28 =	sadd.s32 $0x200, s28;
	v11 =	vld.idx.msk [tilespmem:v18+s3+$0x0], $0xffff  }
0x221: {  	v21 =	vadd.s32 $0x7530, v26;
	v13 =	vand.u32 v2, v14;
	v38 =	vand.u32 v2, v17;
	v37 =	vld [tilespmem:s28+$0x80]  }
0x222: {  	v39 =	vshll.u32 v20, $0x10;
	v20 =	vand.u32 v1, v20;
	v18 =	vshrl.u32 v14, $0xE;
	v12 =	vld.idx.msk [tilespmem:v12+s3+$0x0], $0xffff  }
0x223: {  	v40 =	vshrl.u32 v10, $0xE;
	v39 =	vmul.f32 v39, v4;
	v41 =	vmul.f32 v20, v4;
	v25 =	vld.idx.msk [tilespmem:v25+s3+$0x0], $0xffff  }
0x224: {  	v10 =	vadd.s32 $0x2710, v40;
	v17 =	vshrl.u32 v17, $0xE;
	v20 =	vadd.s32 $0x2710, v18;
	v42 =	vld [tilespmem:s28+$0xFFFFFF00]  }
0x225: {  	s30 =	sadd.s32 $0x4, s30;
	v44 =	vadd.s32 $0x2710, v19;
	v19 =	vadd.s32 $0x2710, v17;
	v14 =	vshll.u32 v3, $0x10;
	v43 =	vld [tilespmem:s28+$0xFFFFFF80]  }
0x226: {  	p0 =	slt.u32 s30, $0x24;
	v3 =	vand.u32 v1, v3;
	v45 =	vshll.u32 v11, $0x10;
	v46 =	vld [tilespmem:s28+$0x0];
	v47 =	vmul.f32 v14, v37  }
0x227: {  	v11 =	vand.u32 v1, v11;
	v3 =	vmul.f32 v3, v37;
	v14 =	vadd.s32 $0x2710, v13;
	v48 =	vld.idx.msk [tilespmem:v13+s3+$0x0], $0xffff  }
0x228: {  	v49 =	vshll.u32 v12, $0x10;
	v12 =	vand.u32 v1, v12;
	v13 =	vadd.s32 $0x2710, v38;
	[tilespmem:v40+s22+$0x0] =	vst.idx.add.f32.msk $0xffff, v47  }
0x229: {  	v47 =	vmul.f32 v49, v42;
	v49 =	vshll.u32 v25, $0x10;
	v25 =	vand.u32 v1, v25;
	[tilespmem:v10+s22+$0x0] =	vst.idx.add.f32.msk $0xffff, v3  }
0x22a: {  	v3 =	vmul.f32 v12, v42;
	v12 =	vadd.s32 $0x4E20, v18;
	v45 =	vmul.f32 v45, v43;
	v44 =	vld.idx.msk [tilespmem:v44+s3+$0x0], $0xffff  }
0x22b: {  	v10 =	vadd.s32 $0x7530, v18;
	[tilespmem:v27+s22+$0x0] =	vst.idx.add.f32.msk $0xffff, v47;
	v27 =	vmul.f32 v11, v43;
	v47 =	vmul.f32 v49, v46  }
0x22c: {  	v25 =	vmul.f32 v25, v46;
	v11 =	vadd.s32 $0x4E20, v17;
	[tilespmem:v29+s22+$0x0] =	vst.idx.add.f32.msk $0xffff, v3;
	v3 =	vadd.s32 $0x7530, v17  }
0x22d: {  	v29 =	vand.u32 v1, v48;
	[tilespmem:v23+s22+$0x0] =	vst.idx.add.f32.msk $0xffff, v45;
	v23 =	vshll.u32 v48, $0x10  }
0x22e: {  	[tilespmem:v24+s22+$0x0] =	vst.idx.add.f32.msk $0xffff, v27;
	v24 =	vadd.s32 $0x4E20, v40;
	v23 =	vmul.f32 v23, v8;
	v27 =	vmul.f32 v29, v8  }
0x22f: {  	[tilespmem:v26+s22+$0x0] =	vst.idx.add.f32.msk $0xffff, v47;
	v26 =	vadd.s32 $0x7530, v40  }
0x230: {  	[tilespmem:v28+s22+$0x0] =	vst.idx.add.f32.msk $0xffff, v25;
	v25 =	vshll.u32 v44, $0x10  }
0x231: {  	v29 =	vand.u32 v1, v44;
	v28 =	vld.idx.msk [tilespmem:v30+s3+$0x0], $0xffff;
	v25 =	vmul.f32 v25, v37  }
0x232: {  	v29 =	vmul.f32 v29, v37;
	v30 =	vld.idx.msk [tilespmem:v31+s3+$0x0], $0xffff  }
0x233: {  	[tilespmem:v24+s22+$0x0] =	vst.idx.add.f32.msk $0xffff, v25  }
0x234: {  	[tilespmem:v26+s22+$0x0] =	vst.idx.add.f32.msk $0xffff, v29  }
0x235: {  	v24 =	vld [tilespmem:s31+$0x90]  }
0x236: {  	v25 =	vld.idx.msk [tilespmem:v34+s3+$0x0], $0xffff  }
0x237: {  	v26 =	vshll.u32 v28, $0x10;
	v28 =	vand.u32 v1, v28;
	v29 =	vld.idx.msk [tilespmem:v38+s3+$0x0], $0xffff  }
0x238: {  	v26 =	vmul.f32 v26, v42;
	v31 =	vshll.u32 v30, $0x10;
	v30 =	vand.u32 v1, v30;
	[tilespmem:v15+s22+$0x0] =	vst.idx.add.f32.msk $0xffff, v39  }
0x239: {  	v15 =	vmul.f32 v28, v42;
	v28 =	vmul.f32 v31, v43;
	[tilespmem:v16+s22+$0x0] =	vst.idx.add.f32.msk $0xffff, v41  }
0x23a: {  	v16 =	vmul.f32 v30, v43;
	[tilespmem:v32+s22+$0x0] =	vst.idx.add.f32.msk $0xffff, v26;
	v26 =	vand.u32 v2, v24  }
0x23b: {  	[tilespmem:v33+s22+$0x0] =	vst.idx.add.f32.msk $0xffff, v15  }
0x23c: {  	v15 =	vshll.u32 v25, $0x10;
	v25 =	vand.u32 v1, v25;
	[tilespmem:v35+s22+$0x0] =	vst.idx.add.f32.msk $0xffff, v28  }
0x23d: {  	v15 =	vmul.f32 v15, v46;
	[tilespmem:v36+s22+$0x0] =	vst.idx.add.f32.msk $0xffff, v16;
	v16 =	vmul.f32 v25, v46;
	v25 =	vshll.u32 v29, $0x10  }
0x23e: {  	v29 =	vand.u32 v1, v29;
	v28 =	vld [tilespmem:s31+$0xFFFFFF10];
	v25 =	vmul.f32 v25, v7  }
0x23f: {  	v29 =	vmul.f32 v29, v7;
	v30 =	vld.idx.msk [tilespmem:v26+s3+$0x0], $0xffff  }
0x240: {  	[tilespmem:v22+s22+$0x0] =	vst.idx.add.f32.msk $0xffff, v15  }
0x241: {  	v22 =	vld [tilespmem:s28+$0x90]  }
0x242: {  	[tilespmem:v21+s22+$0x0] =	vst.idx.add.f32.msk $0xffff, v16  }
0x243: {  	v24 =	vshrl.u32 v24, $0xE;
	v16 =	vand.u32 v2, v28;
	v21 =	vshrl.u32 v28, $0xE;
	v28 =	vld [tilespmem:s31+$0xFFFFFF90]  }
0x244: {  	v34 =	vadd.s32 $0x2710, v24;
	v31 =	vadd.s32 $0x2710, v21;
	v32 =	vadd.s32 $0x2710, v16;
	v33 =	vld [tilespmem:s31+$0x10]  }
0x245: {  	v26 =	vadd.s32 $0x2710, v26;
	v36 =	vadd.s32 $0x4E20, v21;
	v37 =	vshll.u32 v30, $0x10;
	v35 =	vld [tilespmem:s28+$0xFFFFFF10]  }
0x246: {  	v15 =	vadd.s32 $0x7530, v21;
	v30 =	vand.u32 v1, v30;
	v38 =	vld [tilespmem:s28+$0xFFFFFF90];
	v37 =	vmul.f32 v37, v22  }
0x247: {  	v30 =	vmul.f32 v30, v22;
	v39 =	vld [tilespmem:s28+$0x10]  }
0x248: {  	v40 =	vand.u32 v2, v28;
	v28 =	vshrl.u32 v28, $0xE;
	[tilespmem:v24+s22+$0x0] =	vst.idx.add.f32.msk $0xffff, v37  }
0x249: {  	v37 =	vadd.s32 $0x2710, v28;
	v41 =	vand.u32 v2, v33;
	v33 =	vshrl.u32 v33, $0xE;
	[tilespmem:v34+s22+$0x0] =	vst.idx.add.f32.msk $0xffff, v30  }
0x24a: {  	v30 =	vadd.s32 $0x2710, v40;
	v34 =	vadd.s32 $0x2710, v33;
	v42 =	vadd.s32 $0x2710, v41;
	v26 =	vld.idx.msk [tilespmem:v26+s3+$0x0], $0xffff  }
0x24b: {  	v43 =	vadd.s32 $0x4E20, v28;
	v44 =	vadd.s32 $0x7530, v28;
	v45 =	vadd.s32 $0x4E20, v33;
	v16 =	vld.idx.msk [tilespmem:v16+s3+$0x0], $0xffff  }
0x24c: {  	v46 =	vadd.s32 $0x7530, v33;
	[tilespmem:v18+s22+$0x0] =	vst.idx.add.f32.msk $0xffff, v23  }
0x24d: {  	v18 =	vld.idx.msk [tilespmem:v40+s3+$0x0], $0xffff  }
0x24e: {  	v40 =	vadd.s32 $0x4E20, v24;
	v23 =	vld.idx.msk [tilespmem:v41+s3+$0x0], $0xffff  }
0x24f: {  	v24 =	vadd.s32 $0x7530, v24;
	[tilespmem:v20+s22+$0x0] =	vst.idx.add.f32.msk $0xffff, v27  }
0x250: {  	v20 =	vshll.u32 v26, $0x10;
	[tilespmem:v17+s22+$0x0] =	vst.idx.add.f32.msk $0xffff, v25  }
0x251: {  	v17 =	vshll.u32 v16, $0x10;
	v25 =	vand.u32 v1, v26;
	v20 =	vmul.f32 v20, v22;
	[tilespmem:v19+s22+$0x0] =	vst.idx.add.f32.msk $0xffff, v29  }
0x252: {  	v16 =	vand.u32 v1, v16;
	v17 =	vmul.f32 v17, v35;
	v19 =	vmul.f32 v25, v22;
	v9 =	vld.idx.msk [tilespmem:v9+s3+$0x0], $0xffff  }
0x253: {  	v16 =	vmul.f32 v16, v35;
	v22 =	vshll.u32 v18, $0x10;
	v18 =	vand.u32 v1, v18;
	[tilespmem:v40+s22+$0x0] =	vst.idx.add.f32.msk $0xffff, v20  }
0x254: {  	v20 =	vmul.f32 v22, v38;
	v22 =	vshll.u32 v23, $0x10;
	v23 =	vand.u32 v1, v23;
	[tilespmem:v24+s22+$0x0] =	vst.idx.add.f32.msk $0xffff, v19  }
0x255: {  	v18 =	vmul.f32 v18, v38;
	v19 =	vmul.f32 v22, v39;
	v22 =	vld [tilespmem:s31+$0xA0]  }
0x256: {  	[tilespmem:v21+s22+$0x0] =	vst.idx.add.f32.msk $0xffff, v17;
	v17 =	vmul.f32 v23, v39  }
0x257: {  	[tilespmem:v31+s22+$0x0] =	vst.idx.add.f32.msk $0xffff, v16  }
0x258: {  	v16 =	vshll.u32 v9, $0x10;
	v9 =	vand.u32 v1, v9;
	[tilespmem:v28+s22+$0x0] =	vst.idx.add.f32.msk $0xffff, v20  }
0x259: {  	v16 =	vmul.f32 v16, v4;
	v4 =	vmul.f32 v9, v4;
	[tilespmem:v37+s22+$0x0] =	vst.idx.add.f32.msk $0xffff, v18  }
0x25a: {  	[tilespmem:v33+s22+$0x0] =	vst.idx.add.f32.msk $0xffff, v19;
	v9 =	vand.u32 v2, v22  }
0x25b: {  	[tilespmem:v34+s22+$0x0] =	vst.idx.add.f32.msk $0xffff, v17  }
0x25c: {  	v17 =	vld.idx.msk [tilespmem:v32+s3+$0x0], $0xffff  }
0x25d: {  	v18 =	vld.idx.msk [tilespmem:v30+s3+$0x0], $0xffff  }
0x25e: {  	v19 =	vld.idx.msk [tilespmem:v42+s3+$0x0], $0xffff  }
0x25f: {  	v20 =	vld.idx.msk [tilespmem:v9+s3+$0x0], $0xffff  }
0x260: {  	v14 =	vld.idx.msk [tilespmem:v14+s3+$0x0], $0xffff  }
0x261: {  	v21 =	vld [tilespmem:s28+$0xA0]  }
0x262: {  	v23 =	vshll.u32 v17, $0x10;
	v17 =	vand.u32 v1, v17;
	v13 =	vld.idx.msk [tilespmem:v13+s3+$0x0], $0xffff  }
0x263: {  	v22 =	vshrl.u32 v22, $0xE;
	v24 =	vshll.u32 v18, $0x10;
	v18 =	vand.u32 v1, v18;
	[tilespmem:v6+s22+$0x0] =	vst.idx.add.f32.msk $0xffff, v16  }
0x264: {  	v25 =	vadd.s32 $0x2710, v22;
	v16 =	vshll.u32 v19, $0x10;
	v19 =	vand.u32 v1, v19;
	[tilespmem:v5+s22+$0x0] =	vst.idx.add.f32.msk $0xffff, v4  }
0x265: {  	v9 =	vadd.s32 $0x2710, v9;
	v4 =	vmul.f32 v23, v35;
	v5 =	vshll.u32 v20, $0x10;
	v23 =	vld [tilespmem:s26+$0xFFFFFF70]  }
0x266: {  	v17 =	vmul.f32 v17, v35;
	v20 =	vand.u32 v1, v20;
	v5 =	vmul.f32 v5, v21;
	v6 =	vld [tilespmem:s29+$0xFFFFFF70]  }
0x267: {  	v20 =	vmul.f32 v20, v21;
	[tilespmem:v36+s22+$0x0] =	vst.idx.add.f32.msk $0xffff, v4;
	v4 =	vmul.f32 v24, v38;
	v24 =	vshll.u32 v14, $0x10  }
0x268: {  	v18 =	vmul.f32 v18, v38;
	v26 =	vmul.f32 v16, v39;
	[tilespmem:v22+s22+$0x0] =	vst.idx.add.f32.msk $0xffff, v5;
	v5 =	vshll.u32 v13, $0x10  }
0x269: {  	v19 =	vmul.f32 v19, v39;
	v14 =	vand.u32 v1, v14;
	[tilespmem:v25+s22+$0x0] =	vst.idx.add.f32.msk $0xffff, v20  }
0x26a: {  	v24 =	vmul.f32 v24, v8;
	v8 =	vmul.f32 v14, v8;
	v20 =	vld.idx.msk [tilespmem:v9+s3+$0x0], $0xffff;
	v9 =	vand.u32 v1, v13  }
0x26b: {  	v14 =	vmul.f32 v5, v7;
	[tilespmem:v15+s22+$0x0] =	vst.idx.add.f32.msk $0xffff, v17;
	v15 =	vshrl.u32 v23, $0xE;
	v7 =	vmul.f32 v9, v7  }
0x26c: {  	v13 =	vand.u32 v2, v23;
	[tilespmem:v43+s22+$0x0] =	vst.idx.add.f32.msk $0xffff, v4;
	v16 =	vadd.s32 $0x2710, v15;
	v5 =	vadd.s32 $0x4E20, v15  }
0x26d: {  	v9 =	vadd.s32 $0x2710, v13;
	v4 =	vadd.s32 $0x7530, v15;
	[tilespmem:v44+s22+$0x0] =	vst.idx.add.f32.msk $0xffff, v18  }
0x26e: {  	v17 =	vadd.s32 $0x4E20, v22;
	[tilespmem:v45+s22+$0x0] =	vst.idx.add.f32.msk $0xffff, v26  }
0x26f: {  	v18 =	vadd.s32 $0x7530, v22;
	[tilespmem:v46+s22+$0x0] =	vst.idx.add.f32.msk $0xffff, v19  }
0x270: {  	v22 =	vshll.u32 v20, $0x10;
	v19 =	vld [tilespmem:s31+$0xFFFFFF20]  }
0x271: {  	v20 =	vand.u32 v1, v20;
	v22 =	vmul.f32 v22, v21;
	v23 =	vld [tilespmem:s31+$0xFFFFFFA0]  }
0x272: {  	v20 =	vmul.f32 v20, v21;
	v25 =	vld [tilespmem:s31+$0x20]  }
0x273: {  	[tilespmem:v17+s22+$0x0] =	vst.idx.add.f32.msk $0xffff, v22  }
0x274: {  	[tilespmem:v18+s22+$0x0] =	vst.idx.add.f32.msk $0xffff, v20  }
0x275: {  	v17 =	vand.u32 v2, v19;
	v18 =	vshrl.u32 v19, $0xE;
	v19 =	vld [tilespmem:s31+$0xB0]  }
0x276: {  	v21 =	vld [tilespmem:s28+$0xFFFFFF20];
	v20 =	vadd.s32 $0x2710, v18;
	v22 =	vand.u32 v2, v23;
	v23 =	vshrl.u32 v23, $0xE  }
0x277: {  	v26 =	vld [tilespmem:s28+$0xFFFFFFA0];
	v27 =	vadd.s32 $0x2710, v23;
	v28 =	vand.u32 v2, v25;
	v25 =	vshrl.u32 v25, $0xE  }
0x278: {  	v29 =	vadd.s32 $0x2710, v17;
	v30 =	vadd.s32 $0x2710, v22;
	v31 =	vld [tilespmem:s28+$0x20];
	v32 =	vadd.s32 $0x2710, v25  }
0x279: {  	v33 =	vadd.s32 $0x4E20, v18;
	v34 =	vadd.s32 $0x7530, v18;
	v35 =	vadd.s32 $0x2710, v28;
	[tilespmem:v12+s22+$0x0] =	vst.idx.add.f32.msk $0xffff, v24  }
0x27a: {  	v36 =	vadd.s32 $0x7530, v23;
	v24 =	vadd.s32 $0x4E20, v23;
	v12 =	vld.idx.msk [tilespmem:v17+s3+$0x0], $0xffff;
	v17 =	vand.u32 v2, v19  }
0x27b: {  	v37 =	vadd.s32 $0x4E20, v25;
	v38 =	vadd.s32 $0x7530, v25;
	v22 =	vld.idx.msk [tilespmem:v22+s3+$0x0], $0xffff  }
0x27c: {  	v28 =	vld.idx.msk [tilespmem:v28+s3+$0x0], $0xffff  }
0x27d: {  	[tilespmem:v10+s22+$0x0] =	vst.idx.add.f32.msk $0xffff, v8  }
0x27e: {  	[tilespmem:v11+s22+$0x0] =	vst.idx.add.f32.msk $0xffff, v14  }
0x27f: {  	v8 =	vld.idx.msk [tilespmem:v17+s3+$0x0], $0xffff  }
0x280: {  	v10 =	vshll.u32 v12, $0x10;
	v11 =	vand.u32 v1, v12;
	[tilespmem:v3+s22+$0x0] =	vst.idx.add.f32.msk $0xffff, v7  }
0x281: {  	v3 =	vmul.f32 v10, v21;
	v7 =	vshll.u32 v22, $0x10;
	v10 =	vand.u32 v1, v22;
	v14 =	vld [tilespmem:s28+$0xB0]  }
0x282: {  	v11 =	vmul.f32 v11, v21;
	v12 =	vshll.u32 v28, $0x10;
	v22 =	vand.u32 v1, v28;
	v28 =	vld [tilespmem:s26+$0xFFFFFFF0]  }
0x283: {  	[tilespmem:v18+s22+$0x0] =	vst.idx.add.f32.msk $0xffff, v3;
	v3 =	vmul.f32 v7, v26;
	v7 =	vmul.f32 v10, v26;
	v10 =	vshrl.u32 v19, $0xE  }
0x284: {  	v18 =	vmul.f32 v22, v31;
	[tilespmem:v20+s22+$0x0] =	vst.idx.add.f32.msk $0xffff, v11;
	v11 =	vmul.f32 v12, v31;
	v19 =	vadd.s32 $0x2710, v10  }
0x285: {  	v22 =	vadd.s32 $0x2710, v17;
	[tilespmem:v23+s22+$0x0] =	vst.idx.add.f32.msk $0xffff, v3;
	v3 =	vshll.u32 v8, $0x10  }
0x286: {  	[tilespmem:v27+s22+$0x0] =	vst.idx.add.f32.msk $0xffff, v7;
	v7 =	vand.u32 v1, v8;
	v3 =	vmul.f32 v3, v14  }
0x287: {  	[tilespmem:v25+s22+$0x0] =	vst.idx.add.f32.msk $0xffff, v11;
	v7 =	vmul.f32 v7, v14;
	v11 =	vand.u32 v2, v28;
	v20 =	vshrl.u32 v28, $0xE  }
0x288: {  	[tilespmem:v10+s22+$0x0] =	vst.idx.add.f32.msk $0xffff, v3;
	v17 =	vadd.s32 $0x2710, v20;
	v12 =	vadd.s32 $0x2710, v11;
	v8 =	vadd.s32 $0x4E20, v20  }
0x289: {  	[tilespmem:v19+s22+$0x0] =	vst.idx.add.f32.msk $0xffff, v7;
	v7 =	vadd.s32 $0x7530, v20  }
0x28a: {  	v3 =	vld.idx.msk [tilespmem:v22+s3+$0x0], $0xffff  }
0x28b: {  	[tilespmem:v32+s22+$0x0] =	vst.idx.add.f32.msk $0xffff, v18  }
0x28c: {  	v18 =	vld.idx.msk [tilespmem:v29+s3+$0x0], $0xffff  }
0x28d: {  	v19 =	vld.idx.msk [tilespmem:v30+s3+$0x0], $0xffff  }
0x28e: {  	v23 =	vadd.s32 $0x4E20, v10;
	v22 =	vld.idx.msk [tilespmem:v35+s3+$0x0], $0xffff  }
0x28f: {  	v10 =	vadd.s32 $0x7530, v10;
	v25 =	vld [tilespmem:s26+$0x70];
	s26 =	smov.u32 s31  }
0x290: {  	v27 =	vshll.u32 v3, $0x10;
	v13 =	vld.idx.msk [tilespmem:v13+s3+$0x0], $0xffff  }
0x291: {  	v3 =	vand.u32 v1, v3;
	v27 =	vmul.f32 v27, v14;
	v28 =	vld.idx.msk [tilespmem:v11+s3+$0x0], $0xffff  }
0x292: {  	v3 =	vmul.f32 v3, v14;
	v29 =	vshll.u32 v18, $0x10;
	v18 =	vand.u32 v1, v18;
	v11 =	vld [tilespmem:s29+$0xFFFFFFF0]  }
0x293: {  	v14 =	vmul.f32 v29, v21;
	v29 =	vshll.u32 v19, $0x10;
	v19 =	vand.u32 v1, v19;
	[tilespmem:v23+s22+$0x0] =	vst.idx.add.f32.msk $0xffff, v27  }
0x294: {  	v18 =	vmul.f32 v18, v21;
	v21 =	vshll.u32 v22, $0x10;
	v22 =	vand.u32 v1, v22;
	[tilespmem:v10+s22+$0x0] =	vst.idx.add.f32.msk $0xffff, v3  }
0x295: {  	v3 =	vmul.f32 v29, v26;
	v10 =	vmul.f32 v19, v26;
	v26 =	vand.u32 v2, v25;
	v23 =	vld [tilespmem:s31+$0xC0]  }
0x296: {  	v22 =	vmul.f32 v22, v31;
	v19 =	vshll.u32 v13, $0x10;
	[tilespmem:v33+s22+$0x0] =	vst.idx.add.f32.msk $0xffff, v14;
	v14 =	vmul.f32 v21, v31  }
0x297: {  	v13 =	vand.u32 v1, v13;
	v21 =	vshll.u32 v28, $0x10;
	v27 =	vand.u32 v1, v28;
	[tilespmem:v34+s22+$0x0] =	vst.idx.add.f32.msk $0xffff, v18  }
0x298: {  	v28 =	vmul.f32 v13, v6;
	v18 =	vshrl.u32 v25, $0xE;
	[tilespmem:v24+s22+$0x0] =	vst.idx.add.f32.msk $0xffff, v3;
	v24 =	vmul.f32 v19, v6  }
0x299: {  	v25 =	vmul.f32 v21, v11;
	v21 =	vmul.f32 v27, v11;
	v19 =	vadd.s32 $0x2710, v18;
	[tilespmem:v36+s22+$0x0] =	vst.idx.add.f32.msk $0xffff, v10  }
0x29a: {  	v13 =	vadd.s32 $0x2710, v26;
	v10 =	vadd.s32 $0x4E20, v18;
	[tilespmem:v37+s22+$0x0] =	vst.idx.add.f32.msk $0xffff, v14;
	v14 =	vand.u32 v2, v23  }
0x29b: {  	v3 =	vadd.s32 $0x7530, v18;
	[tilespmem:v38+s22+$0x0] =	vst.idx.add.f32.msk $0xffff, v22  }
0x29c: {  	v22 =	vld [tilespmem:s31+$0xFFFFFF30]  }
0x29d: {  	v27 =	vld [tilespmem:s31+$0xFFFFFFB0]  }
0x29e: {  	v29 =	vld [tilespmem:s31+$0x30]  }
0x29f: {  	v30 =	vld.idx.msk [tilespmem:v14+s3+$0x0], $0xffff  }
0x2a0: {  	v31 =	vld [tilespmem:s28+$0xFFFFFF30]  }
0x2a1: {  	v32 =	vand.u32 v2, v22;
	v33 =	vshrl.u32 v22, $0xE;
	v34 =	vld [tilespmem:s28+$0xC0]  }
0x2a2: {  	v35 =	vadd.s32 $0x2710, v33;
	v22 =	vand.u32 v2, v27;
	v27 =	vshrl.u32 v27, $0xE;
	v36 =	vld [tilespmem:s28+$0xFFFFFFB0]  }
0x2a3: {  	v23 =	vshrl.u32 v23, $0xE;
	v37 =	vand.u32 v2, v29;
	v29 =	vshrl.u32 v29, $0xE;
	v38 =	vld [tilespmem:s28+$0x30]  }
0x2a4: {  	v41 =	vadd.s32 $0x2710, v23;
	v39 =	vadd.s32 $0x2710, v27;
	v40 =	vadd.s32 $0x2710, v29;
	v26 =	vld.idx.msk [tilespmem:v26+s3+$0x0], $0xffff  }
0x2a5: {  	v44 =	vadd.s32 $0x2710, v14;
	v42 =	vadd.s32 $0x2710, v32;
	v43 =	vshll.u32 v30, $0x10;
	v14 =	vld [tilespmem:s29+$0x70];
	s29 =	smov.u32 s28  }
0x2a6: {  	v45 =	vadd.s32 $0x2710, v22;
	v30 =	vand.u32 v1, v30;
	v32 =	vld.idx.msk [tilespmem:v32+s3+$0x0], $0xffff;
	v43 =	vmul.f32 v43, v34  }
0x2a7: {  	v46 =	vadd.s32 $0x4E20, v33;
	v48 =	vadd.s32 $0x2710, v37;
	v47 =	vld.idx.msk [tilespmem:v22+s3+$0x0], $0xffff;
	v22 =	vmul.f32 v30, v34  }
0x2a8: {  	v49 =	vadd.s32 $0x4E20, v27;
	v50 =	vadd.s32 $0x7530, v27;
	v30 =	vadd.s32 $0x7530, v33;
	[tilespmem:v23+s22+$0x0] =	vst.idx.add.f32.msk $0xffff, v43  }
0x2a9: {  	v51 =	vadd.s32 $0x7530, v29;
	v43 =	vadd.s32 $0x4E20, v29;
	[tilespmem:v41+s22+$0x0] =	vst.idx.add.f32.msk $0xffff, v22  }
0x2aa: {  	v22 =	vshll.u32 v26, $0x10;
	v26 =	vand.u32 v1, v26;
	v41 =	vld.idx.msk [tilespmem:v44+s3+$0x0], $0xffff  }
0x2ab: {  	v44 =	vmul.f32 v22, v14;
	v22 =	vmul.f32 v26, v14;
	v37 =	vld.idx.msk [tilespmem:v37+s3+$0x0], $0xffff  }
0x2ac: {  	v26 =	vshll.u32 v32, $0x10;
	v32 =	vand.u32 v1, v32;
	[tilespmem:v15+s22+$0x0] =	vst.idx.add.f32.msk $0xffff, v24  }
0x2ad: {  	v15 =	vmul.f32 v26, v31;
	v24 =	vshll.u32 v47, $0x10;
	v26 =	vand.u32 v1, v47;
	[tilespmem:v16+s22+$0x0] =	vst.idx.add.f32.msk $0xffff, v28  }
0x2ae: {  	v16 =	vmul.f32 v32, v31;
	v24 =	vmul.f32 v24, v36;
	v28 =	vadd.s32 $0x4E20, v23;
	[tilespmem:v20+s22+$0x0] =	vst.idx.add.f32.msk $0xffff, v25  }
0x2af: {  	v20 =	vadd.s32 $0x7530, v23;
	[tilespmem:v33+s22+$0x0] =	vst.idx.add.f32.msk $0xffff, v15;
	v15 =	vmul.f32 v26, v36  }
0x2b0: {  	[tilespmem:v35+s22+$0x0] =	vst.idx.add.f32.msk $0xffff, v16;
	v16 =	vshll.u32 v41, $0x10  }
0x2b1: {  	v23 =	vshll.u32 v37, $0x10;
	[tilespmem:v27+s22+$0x0] =	vst.idx.add.f32.msk $0xffff, v24;
	v24 =	vand.u32 v1, v41;
	v16 =	vmul.f32 v16, v34  }
0x2b2: {  	v26 =	vand.u32 v1, v37;
	v23 =	vmul.f32 v23, v38;
	v25 =	vld.idx.msk [tilespmem:v42+s3+$0x0], $0xffff;
	v24 =	vmul.f32 v24, v34  }
0x2b3: {  	v26 =	vmul.f32 v26, v38;
	[tilespmem:v28+s22+$0x0] =	vst.idx.add.f32.msk $0xffff, v16  }
0x2b4: {  	[tilespmem:v20+s22+$0x0] =	vst.idx.add.f32.msk $0xffff, v24  }
0x2b5: {  	v16 =	vld [tilespmem:s31+$0xD0]  }
0x2b6: {  	[tilespmem:v39+s22+$0x0] =	vst.idx.add.f32.msk $0xffff, v15  }
0x2b7: {  	[tilespmem:v29+s22+$0x0] =	vst.idx.add.f32.msk $0xffff, v23  }
0x2b8: {  	v15 =	vshll.u32 v25, $0x10;
	v20 =	vand.u32 v1, v25;
	[tilespmem:v40+s22+$0x0] =	vst.idx.add.f32.msk $0xffff, v26  }
0x2b9: {  	v15 =	vmul.f32 v15, v31;
	v20 =	vmul.f32 v20, v31;
	v23 =	vld.idx.msk [tilespmem:v45+s3+$0x0], $0xffff  }
0x2ba: {  	v24 =	vld.idx.msk [tilespmem:v48+s3+$0x0], $0xffff;
	v25 =	vand.u32 v2, v16  }
0x2bb: {  	[tilespmem:v46+s22+$0x0] =	vst.idx.add.f32.msk $0xffff, v15  }
0x2bc: {  	[tilespmem:v30+s22+$0x0] =	vst.idx.add.f32.msk $0xffff, v20  }
0x2bd: {  	v15 =	vld [tilespmem:s31+$0xFFFFFF40]  }
0x2be: {  	v20 =	vld [tilespmem:s28+$0xFFFFFF40]  }
0x2bf: {  	v26 =	vshll.u32 v23, $0x10;
	v23 =	vand.u32 v1, v23;
	v27 =	vld.idx.msk [tilespmem:v25+s3+$0x0], $0xffff  }
0x2c0: {  	v26 =	vmul.f32 v26, v36;
	v28 =	vshll.u32 v24, $0x10;
	v24 =	vand.u32 v1, v24;
	[tilespmem:v17+s22+$0x0] =	vst.idx.add.f32.msk $0xffff, v21  }
0x2c1: {  	v17 =	vmul.f32 v23, v36;
	v21 =	vmul.f32 v28, v38;
	v23 =	vld [tilespmem:s28+$0xD0]  }
0x2c2: {  	v24 =	vmul.f32 v24, v38;
	v28 =	vand.u32 v2, v15;
	v15 =	vshrl.u32 v15, $0xE;
	[tilespmem:v49+s22+$0x0] =	vst.idx.add.f32.msk $0xffff, v26  }
0x2c3: {  	v16 =	vshrl.u32 v16, $0xE;
	v26 =	vadd.s32 $0x2710, v15;
	v29 =	vadd.s32 $0x2710, v28;
	[tilespmem:v50+s22+$0x0] =	vst.idx.add.f32.msk $0xffff, v17  }
0x2c4: {  	v17 =	vadd.s32 $0x4E20, v15;
	v30 =	vadd.s32 $0x7530, v15;
	[tilespmem:v43+s22+$0x0] =	vst.idx.add.f32.msk $0xffff, v21;
	v21 =	vadd.s32 $0x2710, v16  }
0x2c5: {  	v25 =	vadd.s32 $0x2710, v25;
	[tilespmem:v51+s22+$0x0] =	vst.idx.add.f32.msk $0xffff, v24;
	v24 =	vshll.u32 v27, $0x10  }
0x2c6: {  	v27 =	vand.u32 v1, v27;
	v31 =	vld [tilespmem:s31+$0xFFFFFFC0];
	v24 =	vmul.f32 v24, v23  }
0x2c7: {  	v27 =	vmul.f32 v27, v23;
	v32 =	vld [tilespmem:s31+$0x40]  }
0x2c8: {  	[tilespmem:v16+s22+$0x0] =	vst.idx.add.f32.msk $0xffff, v24  }
0x2c9: {  	[tilespmem:v21+s22+$0x0] =	vst.idx.add.f32.msk $0xffff, v27  }
0x2ca: {  	v21 =	vld.idx.msk [tilespmem:v25+s3+$0x0], $0xffff  }
0x2cb: {  	v24 =	vld.idx.msk [tilespmem:v28+s3+$0x0], $0xffff;
	v25 =	vand.u32 v2, v31;
	v27 =	vshrl.u32 v31, $0xE  }
0x2cc: {  	v28 =	vld [tilespmem:s28+$0xFFFFFFC0];
	v31 =	vadd.s32 $0x2710, v27;
	v33 =	vand.u32 v2, v32;
	v32 =	vshrl.u32 v32, $0xE  }
0x2cd: {  	v34 =	vadd.s32 $0x2710, v25;
	v35 =	vld [tilespmem:s28+$0x40];
	v36 =	vadd.s32 $0x2710, v32;
	v37 =	vadd.s32 $0x2710, v33  }
0x2ce: {  	v40 =	vadd.s32 $0x4E20, v16;
	v38 =	vadd.s32 $0x4E20, v27;
	v39 =	vadd.s32 $0x7530, v27;
	[tilespmem:v18+s22+$0x0] =	vst.idx.add.f32.msk $0xffff, v44  }
0x2cf: {  	v16 =	vadd.s32 $0x7530, v16;
	v41 =	vadd.s32 $0x7530, v32;
	v18 =	vadd.s32 $0x4E20, v32;
	[tilespmem:v19+s22+$0x0] =	vst.idx.add.f32.msk $0xffff, v22  }
0x2d0: {  	v22 =	vshll.u32 v21, $0x10;
	v19 =	vld.idx.msk [tilespmem:v25+s3+$0x0], $0xffff  }
0x2d1: {  	v21 =	vand.u32 v1, v21;
	v25 =	vshll.u32 v24, $0x10;
	v22 =	vmul.f32 v22, v23;
	v33 =	vld.idx.msk [tilespmem:v33+s3+$0x0], $0xffff  }
0x2d2: {  	v24 =	vand.u32 v1, v24;
	v21 =	vmul.f32 v21, v23;
	v25 =	vmul.f32 v25, v20;
	v9 =	vld.idx.msk [tilespmem:v9+s3+$0x0], $0xffff  }
0x2d3: {  	v23 =	vmul.f32 v24, v20;
	[tilespmem:v40+s22+$0x0] =	vst.idx.add.f32.msk $0xffff, v22  }
0x2d4: {  	[tilespmem:v16+s22+$0x0] =	vst.idx.add.f32.msk $0xffff, v21  }
0x2d5: {  	v16 =	vld [tilespmem:s31+$0xE0]  }
0x2d6: {  	[tilespmem:v15+s22+$0x0] =	vst.idx.add.f32.msk $0xffff, v25;
	v15 =	vshll.u32 v19, $0x10;
	v19 =	vand.u32 v1, v19  }
0x2d7: {  	v21 =	vshll.u32 v33, $0x10;
	v22 =	vand.u32 v1, v33;
	[tilespmem:v26+s22+$0x0] =	vst.idx.add.f32.msk $0xffff, v23;
	v15 =	vmul.f32 v15, v28  }
0x2d8: {  	v19 =	vmul.f32 v19, v28;
	v21 =	vmul.f32 v21, v35;
	v24 =	vshll.u32 v9, $0x10;
	v23 =	vld.idx.msk [tilespmem:v29+s3+$0x0], $0xffff  }
0x2d9: {  	v9 =	vand.u32 v1, v9;
	[tilespmem:v27+s22+$0x0] =	vst.idx.add.f32.msk $0xffff, v15;
	v15 =	vmul.f32 v22, v35  }
0x2da: {  	v22 =	vmul.f32 v24, v6;
	[tilespmem:v31+s22+$0x0] =	vst.idx.add.f32.msk $0xffff, v19;
	v19 =	vand.u32 v2, v16  }
0x2db: {  	v6 =	vmul.f32 v9, v6;
	[tilespmem:v32+s22+$0x0] =	vst.idx.add.f32.msk $0xffff, v21  }
0x2dc: {  	[tilespmem:v36+s22+$0x0] =	vst.idx.add.f32.msk $0xffff, v15  }
0x2dd: {  	v9 =	vld.idx.msk [tilespmem:v34+s3+$0x0], $0xffff  }
0x2de: {  	v15 =	vshll.u32 v23, $0x10;
	v21 =	vand.u32 v1, v23;
	v23 =	vld.idx.msk [tilespmem:v37+s3+$0x0], $0xffff  }
0x2df: {  	v15 =	vmul.f32 v15, v20;
	v20 =	vmul.f32 v21, v20;
	v21 =	vld.idx.msk [tilespmem:v19+s3+$0x0], $0xffff  }
0x2e0: {  	v12 =	vld.idx.msk [tilespmem:v12+s3+$0x0], $0xffff  }
0x2e1: {  	v24 =	vld [tilespmem:s28+$0xE0]  }
0x2e2: {  	[tilespmem:v17+s22+$0x0] =	vst.idx.add.f32.msk $0xffff, v15  }
0x2e3: {  	v16 =	vshrl.u32 v16, $0xE;
	v15 =	vshll.u32 v9, $0x10;
	v9 =	vand.u32 v1, v9;
	[tilespmem:v30+s22+$0x0] =	vst.idx.add.f32.msk $0xffff, v20  }
0x2e4: {  	v25 =	vadd.s32 $0x2710, v16;
	v20 =	vshll.u32 v23, $0x10;
	v23 =	vand.u32 v1, v23;
	v17 =	vld [tilespmem:s31+$0xFFFFFF50]  }
0x2e5: {  	v19 =	vadd.s32 $0x2710, v19;
	v15 =	vmul.f32 v15, v28;
	v27 =	vshll.u32 v21, $0x10;
	v26 =	vld [tilespmem:s28+$0xFFFFFF50]  }
0x2e6: {  	v9 =	vmul.f32 v9, v28;
	v21 =	vand.u32 v1, v21;
	v27 =	vmul.f32 v27, v24;
	v13 =	vld.idx.msk [tilespmem:v13+s3+$0x0], $0xffff  }
0x2e7: {  	[tilespmem:v38+s22+$0x0] =	vst.idx.add.f32.msk $0xffff, v15;
	v15 =	vmul.f32 v20, v35;
	v20 =	vmul.f32 v21, v24;
	v21 =	vshll.u32 v12, $0x10  }
0x2e8: {  	v23 =	vmul.f32 v23, v35;
	v12 =	vand.u32 v1, v12;
	[tilespmem:v16+s22+$0x0] =	vst.idx.add.f32.msk $0xffff, v27  }
0x2e9: {  	v27 =	vand.u32 v2, v17;
	v17 =	vshrl.u32 v17, $0xE;
	[tilespmem:v25+s22+$0x0] =	vst.idx.add.f32.msk $0xffff, v20;
	v20 =	vmul.f32 v21, v11  }
0x2ea: {  	v21 =	vadd.s32 $0x2710, v17;
	v25 =	vadd.s32 $0x2710, v27;
	v28 =	vadd.s32 $0x4E20, v17;
	v19 =	vld.idx.msk [tilespmem:v19+s3+$0x0], $0xffff  }
0x2eb: {  	v29 =	vadd.s32 $0x7530, v17;
	[tilespmem:v39+s22+$0x0] =	vst.idx.add.f32.msk $0xffff, v9;
	v9 =	vmul.f32 v12, v11  }
0x2ec: {  	v11 =	vshll.u32 v13, $0x10;
	v12 =	vand.u32 v1, v13;
	[tilespmem:v18+s22+$0x0] =	vst.idx.add.f32.msk $0xffff, v15  }
0x2ed: {  	v13 =	vmul.f32 v11, v14;
	v11 =	vmul.f32 v12, v14;
	[tilespmem:v41+s22+$0x0] =	vst.idx.add.f32.msk $0xffff, v23  }
0x2ee: {  	v14 =	vadd.s32 $0x4E20, v16;
	v12 =	vld [tilespmem:s31+$0xFFFFFFD0]  }
0x2ef: {  	v16 =	vadd.s32 $0x7530, v16;
	v15 =	vld [tilespmem:s31+$0x50]  }
0x2f0: {  	v23 =	vshll.u32 v19, $0x10;
	v18 =	vld.idx.msk [tilespmem:v27+s3+$0x0], $0xffff  }
0x2f1: {  	v19 =	vand.u32 v1, v19;
	v23 =	vmul.f32 v23, v24;
	v27 =	vld [tilespmem:s28+$0xFFFFFFD0]  }
0x2f2: {  	v19 =	vmul.f32 v19, v24;
	v30 =	vld [tilespmem:s28+$0x50]  }
0x2f3: {  	v24 =	vand.u32 v2, v12;
	v12 =	vshrl.u32 v12, $0xE;
	[tilespmem:v14+s22+$0x0] =	vst.idx.add.f32.msk $0xffff, v23  }
0x2f4: {  	v14 =	vadd.s32 $0x2710, v12;
	v23 =	vand.u32 v2, v15;
	v15 =	vshrl.u32 v15, $0xE;
	[tilespmem:v16+s22+$0x0] =	vst.idx.add.f32.msk $0xffff, v19  }
0x2f5: {  	v16 =	vadd.s32 $0x2710, v24;
	v19 =	vadd.s32 $0x2710, v15;
	v31 =	vadd.s32 $0x2710, v23;
	v32 =	vld [tilespmem:s31+$0xF0]  }
0x2f6: {  	v34 =	vadd.s32 $0x4E20, v12;
	v33 =	vshll.u32 v18, $0x10;
	v18 =	vand.u32 v1, v18;
	[tilespmem:v5+s22+$0x0] =	vst.idx.add.f32.msk $0xffff, v22  }
0x2f7: {  	v5 =	vmul.f32 v33, v26;
	v18 =	vmul.f32 v18, v26;
	v22 =	vadd.s32 $0x7530, v12;
	[tilespmem:v4+s22+$0x0] =	vst.idx.add.f32.msk $0xffff, v6  }
0x2f8: {  	v6 =	vadd.s32 $0x4E20, v15;
	v4 =	vld.idx.msk [tilespmem:v24+s3+$0x0], $0xffff;
	v24 =	vadd.s32 $0x7530, v15  }
0x2f9: {  	v23 =	vld.idx.msk [tilespmem:v23+s3+$0x0], $0xffff  }
0x2fa: {  	[tilespmem:v17+s22+$0x0] =	vst.idx.add.f32.msk $0xffff, v5;
	v5 =	vand.u32 v2, v32  }
0x2fb: {  	[tilespmem:v21+s22+$0x0] =	vst.idx.add.f32.msk $0xffff, v18  }
0x2fc: {  	v17 =	vld.idx.msk [tilespmem:v25+s3+$0x0], $0xffff  }
0x2fd: {  	[tilespmem:v8+s22+$0x0] =	vst.idx.add.f32.msk $0xffff, v20  }
0x2fe: {  	v8 =	vshll.u32 v4, $0x10;
	v4 =	vand.u32 v1, v4;
	[tilespmem:v7+s22+$0x0] =	vst.idx.add.f32.msk $0xffff, v9  }
0x2ff: {  	v7 =	vmul.f32 v8, v27;
	v8 =	vshll.u32 v23, $0x10;
	v9 =	vand.u32 v1, v23;
	v18 =	vld.idx.msk [tilespmem:v5+s3+$0x0], $0xffff  }
0x300: {  	v4 =	vmul.f32 v4, v27;
	v8 =	vmul.f32 v8, v30;
	[tilespmem:v10+s22+$0x0] =	vst.idx.add.f32.msk $0xffff, v13  }
0x301: {  	v9 =	vmul.f32 v9, v30;
	v10 =	vld [tilespmem:s28+$0xF0]  }
0x302: {  	v13 =	vshll.u32 v17, $0x10;
	v17 =	vand.u32 v1, v17;
	[tilespmem:v12+s22+$0x0] =	vst.idx.add.f32.msk $0xffff, v7  }
0x303: {  	v7 =	vmul.f32 v13, v26;
	v12 =	vmul.f32 v17, v26;
	v13 =	vshrl.u32 v32, $0xE;
	[tilespmem:v14+s22+$0x0] =	vst.idx.add.f32.msk $0xffff, v4  }
0x304: {  	v4 =	vadd.s32 $0x2710, v13;
	[tilespmem:v15+s22+$0x0] =	vst.idx.add.f32.msk $0xffff, v8  }
0x305: {  	v5 =	vadd.s32 $0x2710, v5;
	v8 =	vshll.u32 v18, $0x10;
	[tilespmem:v19+s22+$0x0] =	vst.idx.add.f32.msk $0xffff, v9  }
0x306: {  	v14 =	vand.u32 v1, v18;
	v9 =	vld.idx.msk [tilespmem:v16+s3+$0x0], $0xffff;
	v8 =	vmul.f32 v8, v10  }
0x307: {  	v14 =	vmul.f32 v14, v10;
	v15 =	vld.idx.msk [tilespmem:v31+s3+$0x0], $0xffff  }
0x308: {  	[tilespmem:v13+s22+$0x0] =	vst.idx.add.f32.msk $0xffff, v8  }
0x309: {  	[tilespmem:v4+s22+$0x0] =	vst.idx.add.f32.msk $0xffff, v14  }
0x30a: {  	v5 =	vld.idx.msk [tilespmem:v5+s3+$0x0], $0xffff  }
0x30b: {  	[tilespmem:v28+s22+$0x0] =	vst.idx.add.f32.msk $0xffff, v7  }
0x30c: {  	v4 =	vshll.u32 v9, $0x10;
	v7 =	vand.u32 v1, v9;
	[tilespmem:v29+s22+$0x0] =	vst.idx.add.f32.msk $0xffff, v12  }
0x30d: {  	v9 =	vmul.f32 v4, v27;
	v12 =	vshll.u32 v15, $0x10;
	v14 =	vand.u32 v1, v15;
	v8 =	vld [tilespmem:s31+$0xFFFFFF60]  }
0x30e: {  	v17 =	vadd.s32 $0x4E20, v13;
	v7 =	vmul.f32 v7, v27;
	v12 =	vmul.f32 v12, v30;
	v4 =	vld [tilespmem:s28+$0xFFFFFF60]  }
0x30f: {  	v13 =	vadd.s32 $0x7530, v13;
	[tilespmem:v34+s22+$0x0] =	vst.idx.add.f32.msk $0xffff, v9;
	v9 =	vmul.f32 v14, v30  }
.Ltmp1:
0x310: {  	[tilespmem:v22+s22+$0x0] =	vst.idx.add.f32.msk $0xffff, v7;
	v7 =	vshll.u32 v5, $0x10;
	(pc) =	sbr.rel @p0 .LBB2_5-.Ltmp1, $4  }
0x311: {  	v5 =	vand.u32 v1, v5;
	[tilespmem:v6+s22+$0x0] =	vst.idx.add.f32.msk $0xffff, v12;
	v12 =	vmul.f32 v7, v10  }
0x312: {  	v7 =	vand.u32 v2, v8;
	v15 =	vshrl.u32 v8, $0xE;
	[tilespmem:v24+s22+$0x0] =	vst.idx.add.f32.msk $0xffff, v9;
	v8 =	vmul.f32 v5, v10  }
0x313: {  	v16 =	vadd.s32 $0x2710, v15;
	v9 =	vadd.s32 $0x2710, v7;
	v6 =	vadd.s32 $0x4E20, v15;
	[tilespmem:v17+s22+$0x0] =	vst.idx.add.f32.msk $0xffff, v12  }
0x314: {  	s31 =	sadd.s32 $0x200, s31;
	v5 =	vadd.s32 $0x7530, v15;
	[tilespmem:v13+s22+$0x0] =	vst.idx.add.f32.msk $0xffff, v8  }
0x315: {  	v8 =	vld [tilespmem:s26+$0xFFFFFFE0];
	_ =	sdelay $0x2  }
0x316: {  	v10 =	vld [tilespmem:s26+$0x60];
	_ =	sdelay $0x1  }
0x317: {  	v12 =	vand.u32 v2, v8;
	_ =	sdelay $0x1  }
0x318: {  	v7 =	vld.idx.msk [tilespmem:v7+s3+$0x0], $0xffff  }
0x319: {  	v13 =	vand.u32 v2, v10;
	_ =	sdelay $0x1  }
0x31a: {  	v14 =	vld.idx.msk [tilespmem:v12+s3+$0x0], $0xffff  }
0x31b: {  	v17 =	vld [tilespmem:s28+$0xFFFFFFE0]  }
0x31c: {  	v18 =	vshll.u32 v7, $0x10  }
0x31d: {  	v7 =	vand.u32 v1, v7;
	v8 =	vshrl.u32 v8, $0xE;
	v18 =	vmul.f32 v18, v4;
	v19 =	vld.idx.msk [tilespmem:v13+s3+$0x0], $0xffff  }
0x31e: {  	v20 =	vld [tilespmem:s28+$0x60];
	v7 =	vmul.f32 v7, v4;
	v21 =	vadd.s32 $0x2710, v8  }
0x31f: {  	[tilespmem:v15+s22+$0x0] =	vst.idx.add.f32.msk $0xffff, v18;
	v12 =	vadd.s32 $0x2710, v12;
	v22 =	vshll.u32 v14, $0x10  }
0x320: {  	v10 =	vshrl.u32 v10, $0xE;
	[tilespmem:v16+s22+$0x0] =	vst.idx.add.f32.msk $0xffff, v7;
	v14 =	vand.u32 v1, v14;
	v15 =	vmul.f32 v22, v17  }
0x321: {  	v7 =	vadd.s32 $0x2710, v10;
	v9 =	vld.idx.msk [tilespmem:v9+s3+$0x0], $0xffff;
	v14 =	vmul.f32 v14, v17  }
0x322: {  	v13 =	vadd.s32 $0x2710, v13;
	v16 =	vshll.u32 v19, $0x10;
	[tilespmem:v8+s22+$0x0] =	vst.idx.add.f32.msk $0xffff, v15  }
0x323: {  	v16 =	vmul.f32 v16, v20;
	v15 =	vand.u32 v1, v19;
	[tilespmem:v21+s22+$0x0] =	vst.idx.add.f32.msk $0xffff, v14  }
0x324: {  	v14 =	vmul.f32 v15, v20;
	v12 =	vld.idx.msk [tilespmem:v12+s3+$0x0], $0xffff  }
0x325: {  	[tilespmem:v10+s22+$0x0] =	vst.idx.add.f32.msk $0xffff, v16  }
0x326: {  	[tilespmem:v7+s22+$0x0] =	vst.idx.add.f32.msk $0xffff, v14;
	v7 =	vshll.u32 v9, $0x10  }
0x327: {  	v14 =	vadd.s32 $0x4E20, v8;
	v9 =	vand.u32 v1, v9;
	v7 =	vmul.f32 v7, v4;
	v13 =	vld.idx.msk [tilespmem:v13+s3+$0x0], $0xffff  }
0x328: {  	[tilespmem:v3+s22+$0x0] =	vst.idx.add.f32.msk $0xffff, v11;
	v3 =	vadd.s32 $0x7530, v8;
	v4 =	vmul.f32 v9, v4  }
0x329: {  	[tilespmem:v6+s22+$0x0] =	vst.idx.add.f32.msk $0xffff, v7;
	v6 =	vshll.u32 v12, $0x10  }
0x32a: {  	v7 =	vadd.s32 $0x4E20, v10;
	[tilespmem:v5+s22+$0x0] =	vst.idx.add.f32.msk $0xffff, v4;
	v4 =	vand.u32 v1, v12;
	v5 =	vmul.f32 v6, v17  }
0x32b: {  	v6 =	vadd.s32 $0x7530, v10;
	v8 =	vld [tilespmem:s26+$0xFFFFFF70];
	v4 =	vmul.f32 v4, v17  }
0x32c: {  	v9 =	vshll.u32 v13, $0x10;
	[tilespmem:v14+s22+$0x0] =	vst.idx.add.f32.msk $0xffff, v5  }
0x32d: {  	v5 =	vand.u32 v1, v13;
	v9 =	vmul.f32 v9, v20;
	[tilespmem:v3+s22+$0x0] =	vst.idx.add.f32.msk $0xffff, v4  }
0x32e: {  	v3 =	vmul.f32 v5, v20;
	v4 =	vld [tilespmem:s26+$0xFFFFFFF0]  }
0x32f: {  	[tilespmem:v7+s22+$0x0] =	vst.idx.add.f32.msk $0xffff, v9  }
0x330: {  	[tilespmem:v6+s22+$0x0] =	vst.idx.add.f32.msk $0xffff, v3  }
0x331: {  	v3 =	vand.u32 v2, v8;
	v5 =	vld [tilespmem:s26+$0x70];
	_ =	sdelay $0x2  }
0x332: {  	v6 =	vand.u32 v2, v4;
	_ =	sdelay $0x1  }
0x333: {  	v7 =	vld.idx.msk [tilespmem:v3+s3+$0x0], $0xffff;
	v9 =	vand.u32 v2, v5  }
0x334: {  	v10 =	vld [tilespmem:s29+$0xFFFFFF70];
	_ =	sdelay $0x1  }
0x335: {  	v8 =	vshrl.u32 v8, $0xE;
	v11 =	vld.idx.msk [tilespmem:v6+s3+$0x0], $0xffff  }
0x336: {  	v12 =	vld [tilespmem:s29+$0xFFFFFFF0];
	v13 =	vadd.s32 $0x2710, v8  }
0x337: {  	v3 =	vadd.s32 $0x2710, v3;
	v14 =	vshll.u32 v7, $0x10;
	v15 =	vld.idx.msk [tilespmem:v9+s3+$0x0], $0xffff  }
0x338: {  	v17 =	vld [tilespmem:s29+$0x70];
	v4 =	vshrl.u32 v4, $0xE;
	v7 =	vand.u32 v1, v7;
	v14 =	vmul.f32 v14, v10  }
0x339: {  	v16 =	vadd.s32 $0x2710, v4;
	v7 =	vmul.f32 v7, v10  }
0x33a: {  	v5 =	vshrl.u32 v5, $0xE;
	[tilespmem:v8+s22+$0x0] =	vst.idx.add.f32.msk $0xffff, v14;
	v18 =	vshll.u32 v11, $0x10  }
0x33b: {  	v6 =	vadd.s32 $0x2710, v6;
	v11 =	vand.u32 v1, v11;
	[tilespmem:v13+s22+$0x0] =	vst.idx.add.f32.msk $0xffff, v7;
	v18 =	vmul.f32 v18, v12  }
0x33c: {  	v7 =	vadd.s32 $0x2710, v5;
	v11 =	vmul.f32 v11, v12;
	v3 =	vld.idx.msk [tilespmem:v3+s3+$0x0], $0xffff;
	v13 =	vshll.u32 v15, $0x10  }
0x33d: {  	v9 =	vadd.s32 $0x2710, v9;
	[tilespmem:v4+s22+$0x0] =	vst.idx.add.f32.msk $0xffff, v18;
	v13 =	vmul.f32 v13, v17  }
0x33e: {  	[tilespmem:v16+s22+$0x0] =	vst.idx.add.f32.msk $0xffff, v11;
	v11 =	vand.u32 v1, v15  }
0x33f: {  	v11 =	vmul.f32 v11, v17;
	[tilespmem:v5+s22+$0x0] =	vst.idx.add.f32.msk $0xffff, v13  }
0x340: {  	v6 =	vld.idx.msk [tilespmem:v6+s3+$0x0], $0xffff  }
0x341: {  	v13 =	vadd.s32 $0x4E20, v8;
	[tilespmem:v7+s22+$0x0] =	vst.idx.add.f32.msk $0xffff, v11  }
0x342: {  	v7 =	vadd.s32 $0x7530, v8;
	v8 =	vld.idx.msk [tilespmem:v9+s3+$0x0], $0xffff  }
0x343: {  	v11 =	vshll.u32 v3, $0x10;
	v9 =	vadd.s32 $0x4E20, v4  }
0x344: {  	v3 =	vand.u32 v1, v3;
	v4 =	vadd.s32 $0x7530, v4;
	v11 =	vmul.f32 v11, v10  }
0x345: {  	v14 =	vadd.s32 $0x4E20, v5;
	v3 =	vmul.f32 v3, v10;
	v10 =	vshll.u32 v6, $0x10  }
0x346: {  	v5 =	vadd.s32 $0x7530, v5;
	v6 =	vand.u32 v1, v6;
	[tilespmem:v13+s22+$0x0] =	vst.idx.add.f32.msk $0xffff, v11;
	v10 =	vmul.f32 v10, v12  }
0x347: {  	p0 =	seq.s32 s25, $0x1E;
	v6 =	vmul.f32 v6, v12;
	[tilespmem:v7+s22+$0x0] =	vst.idx.add.f32.msk $0xffff, v3;
	v11 =	vshll.u32 v8, $0x10  }
0x348: {  	s26 =	smul.u32 @!p0 $0x500, s25;
	v3 =	vand.u32 v1, v8;
	[tilespmem:v9+s22+$0x0] =	vst.idx.add.f32.msk $0xffff, v10;
	v7 =	vmul.f32 v11, v17  }
0x349: {  	v3 =	vmul.f32 v3, v17;
	[tilespmem:v4+s22+$0x0] =	vst.idx.add.f32.msk $0xffff, v6  }
0x34a: {  	s26 =	sadd.s32 @!p0 $0x500, s26;
	[tilespmem:v14+s22+$0x0] =	vst.idx.add.f32.msk $0xffff, v7  }
0x34b: {  	s30 =	simm.s32 @!p0 $0xEA60;
	s29 =	simm.s32 @!p0 $0x0;
	s28 =	sadd.s32 @!p0 s4, s26;
	[tilespmem:v5+s22+$0x0] =	vst.idx.add.f32.msk $0xffff, v3  }
0x34c: {  	[tilespmem:s30], [sflag:$0x1] =	stream.linear.gather @!p0 [hbm4b:s28+s29], $0x1400, $0x38;
	[tilespmem:$0x13A80] =	vst v63  }
0x34d: {  	s26 =	sadd.s32 @!p0 s1, s26;
	s28 =	simm.s32 @!p0 $0xFE60  }
0x34e: {  	[tilespmem:s28], [sflag:$0x1] =	stream.linear.gather @!p0 [hbm4b:s26+s29], $0x1400, $0x38;
	[tilespmem:$0x13A80] =	vst v63  }
0x34f: {  	_ =	swait.ge [sflag:s23], $0x1400  }
0x350: {  	[sflag:s23] =	ssyncset.done $0x0  }
0x351: {  	[sflag:s23] =	ssyncadd.s32 $0xFFFFEC00  }
0x352: {  	_ =	swait.ge [sflag:s23], $0x1400  }
0x353: {  	[sflag:s23] =	ssyncset.done $0x0  }
0x354: {  	s30 =	simm.s32 $0x11360;
	[sflag:s23] =	ssyncadd.s32 $0xFFFFEC00  }
0x355: {  	v3 =	vld [tilespmem:s30+$0x80];
	_ =	sdelay $0x4  }
0x356: {  	v4 =	vand.u32 v2, v3;
	_ =	sdelay $0x4  }
0x357: {  	s29 =	simm.s32 $0x12760;
	v5 =	vld.idx.msk [tilespmem:v4+s3+$0x0], $0xffff  }
0x358: {  	v6 =	vld [tilespmem:s29+$0x80];
	_ =	sdelay $0x1  }
0x359: {  	v3 =	vshrl.u32 v3, $0xE  }
0x35a: {  	v7 =	vadd.s32 $0x2710, v3  }
0x35b: {  	v4 =	vadd.s32 $0x2710, v4;
	v8 =	vshll.u32 v5, $0x10  }
0x35c: {  	v5 =	vand.u32 v1, v5;
	v8 =	vmul.f32 v8, v6  }
0x35d: {  	v9 =	vld [tilespmem:s30+$0xFFFFFF00];
	v5 =	vmul.f32 v5, v6  }
0x35e: {  	[tilespmem:v3+s22+$0x0] =	vst.idx.add.f32.msk $0xffff, v8  }
0x35f: {  	[tilespmem:v7+s22+$0x0] =	vst.idx.add.f32.msk $0xffff, v5  }
0x360: {  	v4 =	vld.idx.msk [tilespmem:v4+s3+$0x0], $0xffff  }
0x361: {  	v5 =	vld [tilespmem:s30+$0xFFFFFF80]  }
0x362: {  	v7 =	vand.u32 v2, v9  }
0x363: {  	v8 =	vadd.s32 $0x4E20, v3  }
0x364: {  	v3 =	vadd.s32 $0x7530, v3  }
0x365: {  	v10 =	vld [tilespmem:s30+$0x0];
	v11 =	vshll.u32 v4, $0x10  }
0x366: {  	v14 =	vld [tilespmem:s29+$0xFFFFFF00];
	v12 =	vand.u32 v2, v5;
	v4 =	vand.u32 v1, v4;
	v11 =	vmul.f32 v11, v6  }
0x367: {  	v13 =	vld.idx.msk [tilespmem:v7+s3+$0x0], $0xffff;
	v4 =	vmul.f32 v4, v6  }
0x368: {  	[tilespmem:v8+s22+$0x0] =	vst.idx.add.f32.msk $0xffff, v11  }
0x369: {  	[tilespmem:v3+s22+$0x0] =	vst.idx.add.f32.msk $0xffff, v4  }
0x36a: {  	v4 =	vld [tilespmem:s30+$0x90]  }
0x36b: {  	v3 =	vand.u32 v2, v10;
	v6 =	vld.idx.msk [tilespmem:v12+s3+$0x0], $0xffff  }
0x36c: {  	v8 =	vshrl.u32 v9, $0xE;
	v9 =	vld [tilespmem:s29+$0xFFFFFF80]  }
0x36d: {  	v11 =	vadd.s32 $0x2710, v8  }
0x36e: {  	v5 =	vshrl.u32 v5, $0xE;
	v15 =	vshll.u32 v13, $0x10  }
0x36f: {  	v19 =	vld [tilespmem:s29+$0x0];
	v13 =	vand.u32 v1, v13;
	v15 =	vmul.f32 v15, v14;
	v17 =	vand.u32 v2, v4  }
0x370: {  	v13 =	vmul.f32 v13, v14;
	v16 =	vld.idx.msk [tilespmem:v3+s3+$0x0], $0xffff;
	v18 =	vshll.u32 v6, $0x10  }
0x371: {  	v7 =	vadd.s32 $0x2710, v7;
	[tilespmem:v8+s22+$0x0] =	vst.idx.add.f32.msk $0xffff, v15;
	v18 =	vmul.f32 v18, v9  }
0x372: {  	v48 =	vadd.s32 $0x2710, v5;
	[tilespmem:v11+s22+$0x0] =	vst.idx.add.f32.msk $0xffff, v13  }
0x373: {  	v10 =	vshrl.u32 v10, $0xE;
	[tilespmem:v5+s22+$0x0] =	vst.idx.add.f32.msk $0xffff, v18  }
0x374: {  	v6 =	vand.u32 v1, v6;
	v11 =	vadd.s32 $0x2710, v12;
	v12 =	vld.idx.msk [tilespmem:v17+s3+$0x0], $0xffff  }
0x375: {  	v13 =	vadd.s32 $0x2710, v10;
	v6 =	vmul.f32 v6, v9;
	v18 =	vld [tilespmem:s29+$0x90];
	v15 =	vshll.u32 v16, $0x10  }
0x376: {  	v3 =	vadd.s32 $0x2710, v3;
	v7 =	vld.idx.msk [tilespmem:v7+s3+$0x0], $0xffff;
	v15 =	vmul.f32 v15, v19  }
0x377: {  	v4 =	vshrl.u32 v4, $0xE;
	[tilespmem:v48+s22+$0x0] =	vst.idx.add.f32.msk $0xffff, v6;
	v6 =	vand.u32 v1, v16  }
0x378: {  	v6 =	vmul.f32 v6, v19;
	[tilespmem:v10+s22+$0x0] =	vst.idx.add.f32.msk $0xffff, v15;
	v15 =	vadd.s32 $0x2710, v4  }
0x379: {  	v11 =	vld.idx.msk [tilespmem:v11+s3+$0x0], $0xffff;
	v17 =	vadd.s32 $0x2710, v17;
	v16 =	vshll.u32 v12, $0x10  }
0x37a: {  	v49 =	vadd.s32 $0x4E20, v8;
	[tilespmem:v13+s22+$0x0] =	vst.idx.add.f32.msk $0xffff, v6;
	v6 =	vand.u32 v1, v12;
	v12 =	vmul.f32 v16, v18  }
0x37b: {  	v8 =	vadd.s32 $0x7530, v8;
	v3 =	vld.idx.msk [tilespmem:v3+s3+$0x0], $0xffff;
	v6 =	vmul.f32 v6, v18  }
0x37c: {  	v13 =	vadd.s32 $0x4E20, v5;
	v16 =	vshll.u32 v7, $0x10;
	[tilespmem:v4+s22+$0x0] =	vst.idx.add.f32.msk $0xffff, v12  }
0x37d: {  	v5 =	vadd.s32 $0x7530, v5;
	v7 =	vand.u32 v1, v7;
	v12 =	vmul.f32 v16, v14;
	[tilespmem:v15+s22+$0x0] =	vst.idx.add.f32.msk $0xffff, v6  }
0x37e: {  	v7 =	vmul.f32 v7, v14;
	v6 =	vshll.u32 v11, $0x10;
	v14 =	vld.idx.msk [tilespmem:v17+s3+$0x0], $0xffff  }
0x37f: {  	v15 =	vadd.s32 $0x4E20, v10;
	v11 =	vand.u32 v1, v11;
	v6 =	vmul.f32 v6, v9;
	[tilespmem:v49+s22+$0x0] =	vst.idx.add.f32.msk $0xffff, v12  }
0x380: {  	v9 =	vmul.f32 v11, v9;
	[tilespmem:v8+s22+$0x0] =	vst.idx.add.f32.msk $0xffff, v7  }
0x381: {  	v7 =	vadd.s32 $0x4E20, v4;
	[tilespmem:v13+s22+$0x0] =	vst.idx.add.f32.msk $0xffff, v6;
	v6 =	vshll.u32 v3, $0x10  }
0x382: {  	v4 =	vadd.s32 $0x7530, v4;
	[tilespmem:v5+s22+$0x0] =	vst.idx.add.f32.msk $0xffff, v9;
	v5 =	vmul.f32 v6, v19  }
0x383: {  	v6 =	vld [tilespmem:s30+$0xFFFFFF10];
	v8 =	vshll.u32 v14, $0x10  }
0x384: {  	v9 =	vadd.s32 $0x7530, v10;
	[tilespmem:v15+s22+$0x0] =	vst.idx.add.f32.msk $0xffff, v5;
	v5 =	vand.u32 v1, v14;
	v8 =	vmul.f32 v8, v18  }
0x385: {  	v10 =	vld [tilespmem:s30+$0xFFFFFF90];
	v5 =	vmul.f32 v5, v18  }
0x386: {  	v3 =	vand.u32 v1, v3;
	[tilespmem:v7+s22+$0x0] =	vst.idx.add.f32.msk $0xffff, v8  }
0x387: {  	v3 =	vmul.f32 v3, v19;
	[tilespmem:v4+s22+$0x0] =	vst.idx.add.f32.msk $0xffff, v5  }
0x388: {  	v4 =	vand.u32 v2, v6;
	v5 =	vld [tilespmem:s30+$0xA0]  }
0x389: {  	[tilespmem:v9+s22+$0x0] =	vst.idx.add.f32.msk $0xffff, v3  }
0x38a: {  	v3 =	vld [tilespmem:s30+$0x10];
	v7 =	vand.u32 v2, v10;
	_ =	sdelay $0x2  }
0x38b: {  	v8 =	vld.idx.msk [tilespmem:v4+s3+$0x0], $0xffff;
	v9 =	vand.u32 v2, v5  }
0x38c: {  	v11 =	vld [tilespmem:s29+$0xFFFFFF10]  }
0x38d: {  	v12 =	vand.u32 v2, v3;
	v13 =	vld.idx.msk [tilespmem:v7+s3+$0x0], $0xffff  }
0x38e: {  	v14 =	vld [tilespmem:s29+$0xFFFFFF90];
	v6 =	vshrl.u32 v6, $0xE  }
0x38f: {  	v16 =	vld [tilespmem:s29+$0x10];
	v15 =	vadd.s32 $0x2710, v6  }
0x390: {  	v10 =	vshrl.u32 v10, $0xE;
	v17 =	vshll.u32 v8, $0x10;
	v18 =	vld.idx.msk [tilespmem:v9+s3+$0x0], $0xffff  }
0x391: {  	v19 =	vadd.s32 $0x2710, v10;
	v50 =	vld [tilespmem:s29+$0xA0];
	v8 =	vand.u32 v1, v8;
	v17 =	vmul.f32 v17, v11  }
0x392: {  	v4 =	vadd.s32 $0x2710, v4;
	v51 =	vld.idx.msk [tilespmem:v12+s3+$0x0], $0xffff;
	v52 =	vshll.u32 v13, $0x10;
	v8 =	vmul.f32 v8, v11  }
0x393: {  	v5 =	vshrl.u32 v5, $0xE;
	v13 =	vand.u32 v1, v13;
	v22 =	vmul.f32 v52, v14;
	[tilespmem:v6+s22+$0x0] =	vst.idx.add.f32.msk $0xffff, v17  }
0x394: {  	v13 =	vmul.f32 v13, v14;
	[tilespmem:v15+s22+$0x0] =	vst.idx.add.f32.msk $0xffff, v8;
	v8 =	vadd.s32 $0x2710, v5  }
0x395: {  	v9 =	vadd.s32 $0x2710, v9;
	[tilespmem:v10+s22+$0x0] =	vst.idx.add.f32.msk $0xffff, v22;
	v15 =	vshll.u32 v18, $0x10  }
0x396: {  	v3 =	vshrl.u32 v3, $0xE;
	[tilespmem:v19+s22+$0x0] =	vst.idx.add.f32.msk $0xffff, v13;
	v13 =	vand.u32 v1, v18;
	v15 =	vmul.f32 v15, v50  }
0x397: {  	v17 =	vadd.s32 $0x2710, v3;
	v4 =	vld.idx.msk [tilespmem:v4+s3+$0x0], $0xffff;
	v13 =	vmul.f32 v13, v50  }
0x398: {  	v7 =	vadd.s32 $0x2710, v7;
	v18 =	vshll.u32 v51, $0x10;
	[tilespmem:v5+s22+$0x0] =	vst.idx.add.f32.msk $0xffff, v15  }
0x399: {  	v12 =	vadd.s32 $0x2710, v12;
	v18 =	vmul.f32 v18, v16;
	v15 =	vand.u32 v1, v51;
	[tilespmem:v8+s22+$0x0] =	vst.idx.add.f32.msk $0xffff, v13  }
0x39a: {  	v8 =	vadd.s32 $0x4E20, v6;
	v13 =	vmul.f32 v15, v16;
	v9 =	vld.idx.msk [tilespmem:v9+s3+$0x0], $0xffff  }
0x39b: {  	[tilespmem:v3+s22+$0x0] =	vst.idx.add.f32.msk $0xffff, v18;
	v6 =	vadd.s32 $0x7530, v6  }
0x39c: {  	[tilespmem:v17+s22+$0x0] =	vst.idx.add.f32.msk $0xffff, v13;
	v13 =	vshll.u32 v4, $0x10  }
0x39d: {  	v7 =	vld.idx.msk [tilespmem:v7+s3+$0x0], $0xffff;
	v15 =	vadd.s32 $0x4E20, v5;
	v4 =	vand.u32 v1, v4;
	v13 =	vmul.f32 v13, v11  }
0x39e: {  	v5 =	vadd.s32 $0x7530, v5;
	v12 =	vld.idx.msk [tilespmem:v12+s3+$0x0], $0xffff;
	v4 =	vmul.f32 v4, v11  }
0x39f: {  	[tilespmem:v8+s22+$0x0] =	vst.idx.add.f32.msk $0xffff, v13;
	v8 =	vshll.u32 v9, $0x10  }
0x3a0: {  	v11 =	vadd.s32 $0x4E20, v10;
	[tilespmem:v6+s22+$0x0] =	vst.idx.add.f32.msk $0xffff, v4;
	v4 =	vand.u32 v1, v9;
	v6 =	vmul.f32 v8, v50  }
0x3a1: {  	v8 =	vadd.s32 $0x7530, v10;
	v9 =	vld [tilespmem:s30+$0xFFFFFF20];
	v4 =	vmul.f32 v4, v50  }
0x3a2: {  	v13 =	vshll.u32 v7, $0x10;
	v10 =	vadd.s32 $0x4E20, v3;
	[tilespmem:v15+s22+$0x0] =	vst.idx.add.f32.msk $0xffff, v6  }
0x3a3: {  	v6 =	vand.u32 v1, v7;
	v7 =	vmul.f32 v13, v14;
	[tilespmem:v5+s22+$0x0] =	vst.idx.add.f32.msk $0xffff, v4  }
0x3a4: {  	v3 =	vadd.s32 $0x7530, v3;
	v4 =	vshll.u32 v12, $0x10;
	v5 =	vmul.f32 v6, v14;
	v6 =	vld [tilespmem:s30+$0xB0]  }
0x3a5: {  	v4 =	vmul.f32 v4, v16;
	[tilespmem:v11+s22+$0x0] =	vst.idx.add.f32.msk $0xffff, v7  }
0x3a6: {  	v7 =	vand.u32 v1, v12;
	[tilespmem:v8+s22+$0x0] =	vst.idx.add.f32.msk $0xffff, v5  }
0x3a7: {  	v5 =	vmul.f32 v7, v16;
	[tilespmem:v10+s22+$0x0] =	vst.idx.add.f32.msk $0xffff, v4  }
0x3a8: {  	v7 =	vand.u32 v2, v9;
	v4 =	vld [tilespmem:s30+$0xFFFFFFA0]  }
0x3a9: {  	[tilespmem:v3+s22+$0x0] =	vst.idx.add.f32.msk $0xffff, v5;
	v3 =	vand.u32 v2, v6  }
0x3aa: {  	v5 =	vld [tilespmem:s30+$0x20];
	_ =	sdelay $0x1  }
0x3ab: {  	v8 =	vld [tilespmem:s29+$0xFFFFFF20]  }
0x3ac: {  	v11 =	vld.idx.msk [tilespmem:v7+s3+$0x0], $0xffff;
	v10 =	vand.u32 v2, v4  }
0x3ad: {  	v12 =	vld.idx.msk [tilespmem:v3+s3+$0x0], $0xffff  }
0x3ae: {  	v14 =	vld [tilespmem:s29+$0xB0];
	v13 =	vand.u32 v2, v5  }
0x3af: {  	v9 =	vshrl.u32 v9, $0xE  }
0x3b0: {  	v15 =	vld [tilespmem:s29+$0xFFFFFFA0];
	v6 =	vshrl.u32 v6, $0xE  }
0x3b1: {  	v18 =	vadd.s32 $0x2710, v6;
	v17 =	vshll.u32 v11, $0x10;
	v16 =	vld.idx.msk [tilespmem:v10+s3+$0x0], $0xffff  }
0x3b2: {  	v19 =	vld [tilespmem:s29+$0x20];
	v3 =	vadd.s32 $0x2710, v3;
	v17 =	vmul.f32 v17, v8;
	v53 =	vshll.u32 v12, $0x10  }
0x3b3: {  	v54 =	vadd.s32 $0x2710, v9;
	v55 =	vld.idx.msk [tilespmem:v13+s3+$0x0], $0xffff;
	v12 =	vand.u32 v1, v12;
	v20 =	vmul.f32 v53, v14  }
0x3b4: {  	v4 =	vshrl.u32 v4, $0xE;
	[tilespmem:v9+s22+$0x0] =	vst.idx.add.f32.msk $0xffff, v17;
	v12 =	vmul.f32 v12, v14  }
0x3b5: {  	v11 =	vand.u32 v1, v11;
	v17 =	vadd.s32 $0x2710, v4;
	[tilespmem:v6+s22+$0x0] =	vst.idx.add.f32.msk $0xffff, v20  }
0x3b6: {  	v5 =	vshrl.u32 v5, $0xE;
	v11 =	vmul.f32 v11, v8;
	v56 =	vshll.u32 v16, $0x10;
	[tilespmem:v18+s22+$0x0] =	vst.idx.add.f32.msk $0xffff, v12  }
0x3b7: {  	v16 =	vand.u32 v1, v16;
	v12 =	vadd.s32 $0x2710, v5;
	v18 =	vmul.f32 v56, v15;
	v3 =	vld.idx.msk [tilespmem:v3+s3+$0x0], $0xffff  }
0x3b8: {  	v7 =	vadd.s32 $0x2710, v7;
	[tilespmem:v54+s22+$0x0] =	vst.idx.add.f32.msk $0xffff, v11;
	v16 =	vmul.f32 v16, v15;
	v57 =	vshll.u32 v55, $0x10  }
0x3b9: {  	v10 =	vadd.s32 $0x2710, v10;
	v11 =	vand.u32 v1, v55;
	v20 =	vmul.f32 v57, v19;
	[tilespmem:v4+s22+$0x0] =	vst.idx.add.f32.msk $0xffff, v18  }
0x3ba: {  	v11 =	vmul.f32 v11, v19;
	[tilespmem:v17+s22+$0x0] =	vst.idx.add.f32.msk $0xffff, v16;
	v16 =	vadd.s32 $0x4E20, v6  }
0x3bb: {  	[tilespmem:v5+s22+$0x0] =	vst.idx.add.f32.msk $0xffff, v20;
	v6 =	vadd.s32 $0x7530, v6  }
0x3bc: {  	[tilespmem:v12+s22+$0x0] =	vst.idx.add.f32.msk $0xffff, v11;
	v12 =	vadd.s32 $0x2710, v13;
	v11 =	vshll.u32 v3, $0x10  }
0x3bd: {  	v7 =	vld.idx.msk [tilespmem:v7+s3+$0x0], $0xffff;
	v3 =	vand.u32 v1, v3;
	v11 =	vmul.f32 v11, v14  }
0x3be: {  	v10 =	vld.idx.msk [tilespmem:v10+s3+$0x0], $0xffff;
	v3 =	vmul.f32 v3, v14  }
0x3bf: {  	[tilespmem:v16+s22+$0x0] =	vst.idx.add.f32.msk $0xffff, v11  }
0x3c0: {  	v11 =	vadd.s32 $0x4E20, v9;
	[tilespmem:v6+s22+$0x0] =	vst.idx.add.f32.msk $0xffff, v3  }
0x3c1: {  	v3 =	vadd.s32 $0x7530, v9;
	v12 =	vld.idx.msk [tilespmem:v12+s3+$0x0], $0xffff  }
0x3c2: {  	v13 =	vshll.u32 v7, $0x10;
	v9 =	vadd.s32 $0x4E20, v4;
	v6 =	vld [tilespmem:s30+$0xC0]  }
0x3c3: {  	v7 =	vand.u32 v1, v7;
	v13 =	vmul.f32 v13, v8  }
0x3c4: {  	v7 =	vmul.f32 v7, v8;
	v14 =	vshll.u32 v10, $0x10;
	v4 =	vadd.s32 $0x7530, v4  }
0x3c5: {  	v8 =	vadd.s32 $0x4E20, v5;
	v14 =	vmul.f32 v14, v15;
	[tilespmem:v11+s22+$0x0] =	vst.idx.add.f32.msk $0xffff, v13  }
0x3c6: {  	v10 =	vand.u32 v1, v10;
	[tilespmem:v3+s22+$0x0] =	vst.idx.add.f32.msk $0xffff, v7  }
0x3c7: {  	v10 =	vmul.f32 v10, v15;
	v7 =	vshll.u32 v12, $0x10;
	[tilespmem:v9+s22+$0x0] =	vst.idx.add.f32.msk $0xffff, v14;
	v3 =	vand.u32 v2, v6  }
0x3c8: {  	v5 =	vadd.s32 $0x7530, v5;
	v7 =	vmul.f32 v7, v19;
	v9 =	vld [tilespmem:s30+$0xFFFFFF30]  }
0x3c9: {  	[tilespmem:v4+s22+$0x0] =	vst.idx.add.f32.msk $0xffff, v10  }
0x3ca: {  	v4 =	vand.u32 v1, v12;
	[tilespmem:v8+s22+$0x0] =	vst.idx.add.f32.msk $0xffff, v7  }
0x3cb: {  	v4 =	vmul.f32 v4, v19;
	v8 =	vld [tilespmem:s29+$0xC0]  }
0x3cc: {  	v7 =	vld.idx.msk [tilespmem:v3+s3+$0x0], $0xffff  }
0x3cd: {  	[tilespmem:v5+s22+$0x0] =	vst.idx.add.f32.msk $0xffff, v4  }
0x3ce: {  	v5 =	vld [tilespmem:s30+$0xFFFFFFB0];
	v4 =	vand.u32 v2, v9  }
0x3cf: {  	v6 =	vshrl.u32 v6, $0xE  }
0x3d0: {  	v11 =	vadd.s32 $0x2710, v6;
	v10 =	vld [tilespmem:s30+$0x30]  }
0x3d1: {  	v3 =	vadd.s32 $0x2710, v3;
	v12 =	vshll.u32 v7, $0x10  }
0x3d2: {  	v13 =	vld [tilespmem:s29+$0xFFFFFF30];
	v7 =	vand.u32 v1, v7;
	v12 =	vmul.f32 v12, v8  }
0x3d3: {  	v15 =	vand.u32 v2, v5;
	v14 =	vld.idx.msk [tilespmem:v4+s3+$0x0], $0xffff;
	v7 =	vmul.f32 v7, v8  }
0x3d4: {  	[tilespmem:v6+s22+$0x0] =	vst.idx.add.f32.msk $0xffff, v12  }
0x3d5: {  	v12 =	vand.u32 v2, v10;
	[tilespmem:v11+s22+$0x0] =	vst.idx.add.f32.msk $0xffff, v7  }
0x3d6: {  	v7 =	vshrl.u32 v9, $0xE;
	v3 =	vld.idx.msk [tilespmem:v3+s3+$0x0], $0xffff  }
0x3d7: {  	v16 =	vld [tilespmem:s29+$0x30];
	v9 =	vadd.s32 $0x2710, v7  }
0x3d8: {  	v4 =	vadd.s32 $0x2710, v4;
	v18 =	vld.idx.msk [tilespmem:v15+s3+$0x0], $0xffff;
	v17 =	vshll.u32 v14, $0x10  }
0x3d9: {  	v19 =	vadd.s32 $0x4E20, v6;
	v11 =	vld [tilespmem:s29+$0xFFFFFFB0];
	v14 =	vand.u32 v1, v14;
	v17 =	vmul.f32 v17, v13  }
0x3da: {  	v6 =	vadd.s32 $0x7530, v6;
	v14 =	vmul.f32 v14, v13;
	v20 =	vld.idx.msk [tilespmem:v12+s3+$0x0], $0xffff  }
0x3db: {  	[tilespmem:v7+s22+$0x0] =	vst.idx.add.f32.msk $0xffff, v17;
	v17 =	vshll.u32 v3, $0x10  }
0x3dc: {  	v5 =	vshrl.u32 v5, $0xE;
	[tilespmem:v9+s22+$0x0] =	vst.idx.add.f32.msk $0xffff, v14;
	v3 =	vand.u32 v1, v3;
	v9 =	vmul.f32 v17, v8  }
0x3dd: {  	v14 =	vadd.s32 $0x2710, v5;
	v4 =	vld.idx.msk [tilespmem:v4+s3+$0x0], $0xffff;
	v3 =	vmul.f32 v3, v8  }
0x3de: {  	v8 =	vshrl.u32 v10, $0xE;
	v10 =	vshll.u32 v18, $0x10;
	[tilespmem:v19+s22+$0x0] =	vst.idx.add.f32.msk $0xffff, v9  }
0x3df: {  	v10 =	vmul.f32 v10, v11;
	v9 =	vadd.s32 $0x2710, v15;
	v15 =	vand.u32 v1, v18;
	[tilespmem:v6+s22+$0x0] =	vst.idx.add.f32.msk $0xffff, v3  }
0x3e0: {  	v3 =	vadd.s32 $0x2710, v8;
	v6 =	vmul.f32 v15, v11;
	v15 =	vshll.u32 v20, $0x10;
	v17 =	vld [tilespmem:s30+$0xD0]  }
0x3e1: {  	v12 =	vadd.s32 $0x2710, v12;
	[tilespmem:v5+s22+$0x0] =	vst.idx.add.f32.msk $0xffff, v10;
	v10 =	vmul.f32 v15, v16  }
0x3e2: {  	v18 =	vand.u32 v1, v20;
	v15 =	vadd.s32 $0x4E20, v7;
	[tilespmem:v14+s22+$0x0] =	vst.idx.add.f32.msk $0xffff, v6  }
0x3e3: {  	v6 =	vadd.s32 $0x7530, v7;
	v7 =	vmul.f32 v18, v16;
	[tilespmem:v8+s22+$0x0] =	vst.idx.add.f32.msk $0xffff, v10  }
0x3e4: {  	v10 =	vshll.u32 v4, $0x10;
	v4 =	vand.u32 v1, v4;
	v9 =	vld.idx.msk [tilespmem:v9+s3+$0x0], $0xffff  }
0x3e5: {  	[tilespmem:v3+s22+$0x0] =	vst.idx.add.f32.msk $0xffff, v7;
	v3 =	vmul.f32 v10, v13;
	v7 =	vand.u32 v2, v17  }
0x3e6: {  	v4 =	vmul.f32 v4, v13;
	v10 =	vld.idx.msk [tilespmem:v12+s3+$0x0], $0xffff  }
0x3e7: {  	v12 =	vadd.s32 $0x4E20, v5;
	[tilespmem:v15+s22+$0x0] =	vst.idx.add.f32.msk $0xffff, v3  }
0x3e8: {  	v3 =	vadd.s32 $0x7530, v5;
	[tilespmem:v6+s22+$0x0] =	vst.idx.add.f32.msk $0xffff, v4  }
0x3e9: {  	v4 =	vadd.s32 $0x4E20, v8;
	v5 =	vld [tilespmem:s30+$0xFFFFFF40];
	v6 =	vshll.u32 v9, $0x10  }
0x3ea: {  	v8 =	vadd.s32 $0x7530, v8;
	v9 =	vand.u32 v1, v9;
	v6 =	vmul.f32 v6, v11;
	v13 =	vld.idx.msk [tilespmem:v7+s3+$0x0], $0xffff  }
0x3eb: {  	v9 =	vmul.f32 v9, v11;
	v11 =	vld [tilespmem:s29+$0xD0];
	v14 =	vshll.u32 v10, $0x10  }
0x3ec: {  	v10 =	vand.u32 v1, v10;
	v14 =	vmul.f32 v14, v16;
	[tilespmem:v12+s22+$0x0] =	vst.idx.add.f32.msk $0xffff, v6  }
0x3ed: {  	v6 =	vmul.f32 v10, v16;
	[tilespmem:v3+s22+$0x0] =	vst.idx.add.f32.msk $0xffff, v9;
	v3 =	vshrl.u32 v17, $0xE  }
0x3ee: {  	[tilespmem:v4+s22+$0x0] =	vst.idx.add.f32.msk $0xffff, v14;
	v4 =	vadd.s32 $0x2710, v3  }
0x3ef: {  	v7 =	vadd.s32 $0x2710, v7;
	[tilespmem:v8+s22+$0x0] =	vst.idx.add.f32.msk $0xffff, v6;
	v6 =	vshll.u32 v13, $0x10  }
0x3f0: {  	v8 =	vld [tilespmem:s30+$0xFFFFFFC0];
	v9 =	vand.u32 v1, v13;
	v6 =	vmul.f32 v6, v11  }
0x3f1: {  	v10 =	vld [tilespmem:s30+$0x40];
	v9 =	vmul.f32 v9, v11  }
0x3f2: {  	[tilespmem:v3+s22+$0x0] =	vst.idx.add.f32.msk $0xffff, v6  }
0x3f3: {  	[tilespmem:v4+s22+$0x0] =	vst.idx.add.f32.msk $0xffff, v9  }
0x3f4: {  	v6 =	vand.u32 v2, v5;
	v4 =	vld.idx.msk [tilespmem:v7+s3+$0x0], $0xffff  }
0x3f5: {  	s28 =	simm.s32 $0x12960;
	v7 =	vand.u32 v2, v8  }
0x3f6: {  	v62 =	vld [tilespmem:s28+$0x80];
	v9 =	vand.u32 v2, v10  }
0x3f7: {  	v12 =	vld [tilespmem:s29+$0xFFFFFF40];
	v13 =	vadd.s32 $0x4E20, v3  }
0x3f8: {  	v15 =	vld [tilespmem:s29+$0xFFFFFFC0];
	v3 =	vadd.s32 $0x7530, v3  }
0x3f9: {  	v14 =	vld.idx.msk [tilespmem:v6+s3+$0x0], $0xffff;
	v16 =	vshll.u32 v4, $0x10  }
0x3fa: {  	v17 =	vld.idx.msk [tilespmem:v7+s3+$0x0], $0xffff;
	v4 =	vand.u32 v1, v4;
	v16 =	vmul.f32 v16, v11  }
0x3fb: {  	v18 =	vld.idx.msk [tilespmem:v9+s3+$0x0], $0xffff;
	v4 =	vmul.f32 v4, v11  }
0x3fc: {  	v5 =	vshrl.u32 v5, $0xE;
	[tilespmem:v13+s22+$0x0] =	vst.idx.add.f32.msk $0xffff, v16  }
0x3fd: {  	v11 =	vadd.s32 $0x2710, v5;
	[tilespmem:v3+s22+$0x0] =	vst.idx.add.f32.msk $0xffff, v4  }
0x3fe: {  	v3 =	vadd.s32 $0x2710, v6;
	v4 =	vshll.u32 v14, $0x10;
	v6 =	vld [tilespmem:s30+$0xE0]  }
0x3ff: {  	v8 =	vshrl.u32 v8, $0xE;
	v13 =	vld [tilespmem:s29+$0x40];
	v14 =	vand.u32 v1, v14;
	v4 =	vmul.f32 v4, v12  }
0x400: {  	v25 =	vld [tilespmem:s28+$0xFFFFFF00];
	v16 =	vadd.s32 $0x2710, v8;
	v14 =	vmul.f32 v14, v12  }
0x401: {  	v10 =	vshrl.u32 v10, $0xE;
	[tilespmem:v5+s22+$0x0] =	vst.idx.add.f32.msk $0xffff, v4;
	v4 =	vshll.u32 v17, $0x10  }
0x402: {  	v19 =	vadd.s32 $0x2710, v10;
	v17 =	vand.u32 v1, v17;
	[tilespmem:v11+s22+$0x0] =	vst.idx.add.f32.msk $0xffff, v14;
	v4 =	vmul.f32 v4, v15  }
0x403: {  	v11 =	vshll.u32 v18, $0x10;
	v14 =	vmul.f32 v17, v15;
	v3 =	vld.idx.msk [tilespmem:v3+s3+$0x0], $0xffff;
	v17 =	vand.u32 v2, v6  }
0x404: {  	v18 =	vand.u32 v1, v18;
	v11 =	vmul.f32 v11, v13;
	[tilespmem:v8+s22+$0x0] =	vst.idx.add.f32.msk $0xffff, v4  }
0x405: {  	v9 =	vadd.s32 $0x2710, v9;
	v4 =	vadd.s32 $0x2710, v7;
	v7 =	vmul.f32 v18, v13;
	[tilespmem:v16+s22+$0x0] =	vst.idx.add.f32.msk $0xffff, v14  }
0x406: {  	[tilespmem:v10+s22+$0x0] =	vst.idx.add.f32.msk $0xffff, v11  }
0x407: {  	v11 =	vadd.s32 $0x4E20, v5;
	[tilespmem:v19+s22+$0x0] =	vst.idx.add.f32.msk $0xffff, v7  }
0x408: {  	v5 =	vadd.s32 $0x7530, v5;
	v7 =	vld.idx.msk [tilespmem:v17+s3+$0x0], $0xffff  }
0x409: {  	v16 =	vld [tilespmem:s29+$0xE0];
	v14 =	vshll.u32 v3, $0x10  }
0x40a: {  	v9 =	vld.idx.msk [tilespmem:v9+s3+$0x0], $0xffff;
	v3 =	vand.u32 v1, v3;
	v14 =	vmul.f32 v14, v12  }
0x40b: {  	v6 =	vshrl.u32 v6, $0xE;
	v4 =	vld.idx.msk [tilespmem:v4+s3+$0x0], $0xffff;
	v3 =	vmul.f32 v3, v12  }
0x40c: {  	[tilespmem:v11+s22+$0x0] =	vst.idx.add.f32.msk $0xffff, v14;
	v11 =	vadd.s32 $0x2710, v6  }
0x40d: {  	[tilespmem:v5+s22+$0x0] =	vst.idx.add.f32.msk $0xffff, v3;
	v5 =	vadd.s32 $0x2710, v17;
	v3 =	vshll.u32 v7, $0x10  }
0x40e: {  	v12 =	vadd.s32 $0x4E20, v8;
	v14 =	vld [tilespmem:s30+$0xFFFFFF50];
	v7 =	vand.u32 v1, v7;
	v3 =	vmul.f32 v3, v16  }
0x40f: {  	v8 =	vadd.s32 $0x7530, v8;
	v17 =	vld [tilespmem:s29+$0xFFFFFF50];
	v7 =	vmul.f32 v7, v16  }
0x410: {  	v18 =	vadd.s32 $0x4E20, v10;
	v19 =	vshll.u32 v4, $0x10;
	[tilespmem:v6+s22+$0x0] =	vst.idx.add.f32.msk $0xffff, v3  }
0x411: {  	v3 =	vand.u32 v1, v4;
	v4 =	vmul.f32 v19, v15;
	[tilespmem:v11+s22+$0x0] =	vst.idx.add.f32.msk $0xffff, v7  }
0x412: {  	v7 =	vadd.s32 $0x7530, v10;
	v10 =	vshll.u32 v9, $0x10;
	v3 =	vmul.f32 v3, v15;
	v5 =	vld.idx.msk [tilespmem:v5+s3+$0x0], $0xffff  }
0x413: {  	[tilespmem:v12+s22+$0x0] =	vst.idx.add.f32.msk $0xffff, v4;
	v4 =	vmul.f32 v10, v13  }
0x414: {  	v9 =	vand.u32 v1, v9;
	v10 =	vand.u32 v2, v14;
	[tilespmem:v8+s22+$0x0] =	vst.idx.add.f32.msk $0xffff, v3  }
0x415: {  	v3 =	vmul.f32 v9, v13;
	[tilespmem:v18+s22+$0x0] =	vst.idx.add.f32.msk $0xffff, v4;
	v4 =	vadd.s32 $0x4E20, v6  }
0x416: {  	v8 =	vld [tilespmem:s30+$0xFFFFFFD0];
	v6 =	vadd.s32 $0x7530, v6  }
0x417: {  	[tilespmem:v7+s22+$0x0] =	vst.idx.add.f32.msk $0xffff, v3;
	v3 =	vshll.u32 v5, $0x10  }
0x418: {  	v7 =	vld [tilespmem:s30+$0x50];
	v5 =	vand.u32 v1, v5;
	v3 =	vmul.f32 v3, v16  }
0x419: {  	v9 =	vld.idx.msk [tilespmem:v10+s3+$0x0], $0xffff;
	v5 =	vmul.f32 v5, v16  }
0x41a: {  	[tilespmem:v4+s22+$0x0] =	vst.idx.add.f32.msk $0xffff, v3  }
0x41b: {  	v3 =	vand.u32 v2, v8;
	[tilespmem:v6+s22+$0x0] =	vst.idx.add.f32.msk $0xffff, v5  }
0x41c: {  	v4 =	vld [tilespmem:s30+$0xF0]  }
0x41d: {  	v27 =	vld [tilespmem:s28+$0xFFFFFF80];
	v5 =	vand.u32 v2, v7  }
0x41e: {  	v29 =	vld [tilespmem:s28+$0x0];
	v6 =	vshrl.u32 v14, $0xE  }
0x41f: {  	v12 =	vld [tilespmem:s29+$0xFFFFFFD0];
	v11 =	vadd.s32 $0x2710, v6  }
0x420: {  	v10 =	vadd.s32 $0x2710, v10;
	v13 =	vshll.u32 v9, $0x10;
	v14 =	vld.idx.msk [tilespmem:v3+s3+$0x0], $0xffff  }
0x421: {  	v15 =	vld [tilespmem:s29+$0x50];
	v9 =	vand.u32 v1, v9;
	v13 =	vmul.f32 v13, v17;
	v16 =	vand.u32 v2, v4  }
0x422: {  	v9 =	vmul.f32 v9, v17;
	v18 =	vld.idx.msk [tilespmem:v5+s3+$0x0], $0xffff  }
0x423: {  	v8 =	vshrl.u32 v8, $0xE;
	[tilespmem:v6+s22+$0x0] =	vst.idx.add.f32.msk $0xffff, v13  }
0x424: {  	v13 =	vadd.s32 $0x2710, v8;
	[tilespmem:v11+s22+$0x0] =	vst.idx.add.f32.msk $0xffff, v9  }
0x425: {  	v7 =	vshrl.u32 v7, $0xE;
	v9 =	vld.idx.msk [tilespmem:v10+s3+$0x0], $0xffff;
	v10 =	vshll.u32 v14, $0x10  }
0x426: {  	v11 =	vadd.s32 $0x2710, v7;
	v14 =	vand.u32 v1, v14;
	v10 =	vmul.f32 v10, v12;
	v19 =	vld.idx.msk [tilespmem:v16+s3+$0x0], $0xffff  }
0x427: {  	v59 =	vld [tilespmem:s29+$0xF0];
	v3 =	vadd.s32 $0x2710, v3;
	v14 =	vmul.f32 v14, v12;
	v58 =	vshll.u32 v18, $0x10  }
0x428: {  	v5 =	vadd.s32 $0x2710, v5;
	v18 =	vand.u32 v1, v18;
	v20 =	vmul.f32 v58, v15;
	[tilespmem:v8+s22+$0x0] =	vst.idx.add.f32.msk $0xffff, v10  }
0x429: {  	v4 =	vshrl.u32 v4, $0xE;
	v10 =	vmul.f32 v18, v15;
	[tilespmem:v13+s22+$0x0] =	vst.idx.add.f32.msk $0xffff, v14  }
0x42a: {  	v13 =	vadd.s32 $0x2710, v4;
	[tilespmem:v7+s22+$0x0] =	vst.idx.add.f32.msk $0xffff, v20  }
0x42b: {  	[tilespmem:v11+s22+$0x0] =	vst.idx.add.f32.msk $0xffff, v10;
	v11 =	vadd.s32 $0x2710, v16;
	v10 =	vshll.u32 v19, $0x10  }
0x42c: {  	v14 =	vadd.s32 $0x4E20, v6;
	v3 =	vld.idx.msk [tilespmem:v3+s3+$0x0], $0xffff;
	v16 =	vand.u32 v1, v19;
	v10 =	vmul.f32 v10, v59  }
0x42d: {  	v6 =	vadd.s32 $0x7530, v6;
	v5 =	vld.idx.msk [tilespmem:v5+s3+$0x0], $0xffff;
	v16 =	vmul.f32 v16, v59  }
0x42e: {  	v18 =	vshll.u32 v9, $0x10;
	[tilespmem:v4+s22+$0x0] =	vst.idx.add.f32.msk $0xffff, v10  }
0x42f: {  	v9 =	vand.u32 v1, v9;
	v10 =	vmul.f32 v18, v17;
	[tilespmem:v13+s22+$0x0] =	vst.idx.add.f32.msk $0xffff, v16  }
0x430: {  	v9 =	vmul.f32 v9, v17;
	v13 =	vadd.s32 $0x4E20, v8;
	v11 =	vld.idx.msk [tilespmem:v11+s3+$0x0], $0xffff  }
0x431: {  	v8 =	vadd.s32 $0x7530, v8;
	[tilespmem:v14+s22+$0x0] =	vst.idx.add.f32.msk $0xffff, v10  }
0x432: {  	v10 =	vadd.s32 $0x4E20, v7;
	[tilespmem:v6+s22+$0x0] =	vst.idx.add.f32.msk $0xffff, v9;
	v6 =	vshll.u32 v3, $0x10  }
0x433: {  	v9 =	vand.u32 v1, v3;
	v14 =	vld [tilespmem:s30+$0xFFFFFF60];
	v6 =	vmul.f32 v6, v12  }
0x434: {  	v16 =	vshll.u32 v5, $0x10;
	v3 =	vld [tilespmem:s29+$0xFFFFFF60];
	v9 =	vmul.f32 v9, v12  }
0x435: {  	v16 =	vmul.f32 v16, v15;
	[tilespmem:v13+s22+$0x0] =	vst.idx.add.f32.msk $0xffff, v6  }
0x436: {  	v7 =	vadd.s32 $0x7530, v7;
	[tilespmem:v8+s22+$0x0] =	vst.idx.add.f32.msk $0xffff, v9  }
0x437: {  	s26 =	simm.s32 $0x11560;
	[tilespmem:v10+s22+$0x0] =	vst.idx.add.f32.msk $0xffff, v16  }
0x438: {  	v5 =	vand.u32 v1, v5;
	v8 =	vld [tilespmem:s26+$0x80]  }
0x439: {  	v5 =	vmul.f32 v5, v15;
	v12 =	vadd.s32 $0x4E20, v4;
	v10 =	vld [tilespmem:s26+$0xFFFFFF00]  }
0x43a: {  	v9 =	vld [tilespmem:s26+$0xFFFFFF80]  }
0x43b: {  	v4 =	vadd.s32 $0x7530, v4;
	v6 =	vshll.u32 v11, $0x10;
	[tilespmem:v7+s22+$0x0] =	vst.idx.add.f32.msk $0xffff, v5  }
0x43c: {  	v6 =	vmul.f32 v6, v59;
	v5 =	vand.u32 v1, v11;
	v11 =	vld [tilespmem:s26+$0x0]  }
0x43d: {  	v15 =	vld [tilespmem:s30+$0x60];
	v13 =	vand.u32 v2, v8  }
0x43e: {  	v5 =	vmul.f32 v5, v59;
	[tilespmem:v12+s22+$0x0] =	vst.idx.add.f32.msk $0xffff, v6;
	v18 =	vand.u32 v2, v10  }
0x43f: {  	v12 =	vld [tilespmem:s30+$0xFFFFFFE0]  }
0x440: {  	v7 =	vand.u32 v2, v14;
	[tilespmem:v4+s22+$0x0] =	vst.idx.add.f32.msk $0xffff, v5  }
0x441: {  	v5 =	vld [tilespmem:s29+$0xFFFFFFE0];
	v16 =	vand.u32 v2, v9  }
0x442: {  	v19 =	vand.u32 v2, v11;
	v60 =	vld.idx.msk [tilespmem:v13+s3+$0x0], $0xffff  }
0x443: {  	v43 =	vand.u32 v2, v15;
	v23 =	vld.idx.msk [tilespmem:v18+s3+$0x0], $0xffff  }
0x444: {  	v4 =	vld [tilespmem:s29+$0x60];
	v6 =	vand.u32 v2, v12  }
0x445: {  	v8 =	vshrl.u32 v8, $0xE;
	v17 =	vld.idx.msk [tilespmem:v7+s3+$0x0], $0xffff  }
0x446: {  	v10 =	vshrl.u32 v10, $0xE;
	v61 =	vld.idx.msk [tilespmem:v16+s3+$0x0], $0xffff  }
0x447: {  	v26 =	vadd.s32 $0x2710, v8;
	v24 =	vld.idx.msk [tilespmem:v19+s3+$0x0], $0xffff;
	v28 =	vshll.u32 v60, $0x10  }
0x448: {  	v13 =	vadd.s32 $0x2710, v13;
	v47 =	vld.idx.msk [tilespmem:v43+s3+$0x0], $0xffff;
	v32 =	vshll.u32 v23, $0x10;
	v28 =	vmul.f32 v28, v62  }
0x449: {  	v30 =	vadd.s32 $0x2710, v10;
	v31 =	vld.idx.msk [tilespmem:v6+s3+$0x0], $0xffff;
	v20 =	vand.u32 v1, v60;
	v32 =	vmul.f32 v32, v25  }
0x44a: {  	v11 =	vshrl.u32 v11, $0xE;
	v20 =	vmul.f32 v20, v62;
	[tilespmem:v8+s22+$0x0] =	vst.idx.add.f32.msk $0xffff, v28  }
0x44b: {  	v36 =	vadd.s32 $0x2710, v11;
	v23 =	vand.u32 v1, v23;
	[tilespmem:v10+s22+$0x0] =	vst.idx.add.f32.msk $0xffff, v32  }
0x44c: {  	v18 =	vadd.s32 $0x2710, v18;
	v23 =	vmul.f32 v23, v25;
	v37 =	vshll.u32 v24, $0x10;
	[tilespmem:v26+s22+$0x0] =	vst.idx.add.f32.msk $0xffff, v20  }
0x44d: {  	v9 =	vshrl.u32 v9, $0xE;
	v38 =	vand.u32 v1, v24;
	v39 =	vmul.f32 v37, v29;
	v13 =	vld.idx.msk [tilespmem:v13+s3+$0x0], $0xffff  }
0x44e: {  	v63 =	vadd.s32 $0x2710, v9;
	v40 =	vmul.f32 v38, v29;
	[tilespmem:v30+s22+$0x0] =	vst.idx.add.f32.msk $0xffff, v23  }
0x44f: {  	v16 =	vadd.s32 $0x2710, v16;
	v35 =	vshll.u32 v61, $0x10;
	[tilespmem:v11+s22+$0x0] =	vst.idx.add.f32.msk $0xffff, v39  }
0x450: {  	v41 =	vadd.s32 $0x4E20, v8;
	v21 =	vand.u32 v1, v61;
	v20 =	vmul.f32 v35, v27;
	[tilespmem:v36+s22+$0x0] =	vst.idx.add.f32.msk $0xffff, v40  }
0x451: {  	v21 =	vmul.f32 v21, v27;
	v8 =	vadd.s32 $0x7530, v8;
	v18 =	vld.idx.msk [tilespmem:v18+s3+$0x0], $0xffff  }
0x452: {  	v19 =	vadd.s32 $0x2710, v19;
	[tilespmem:v9+s22+$0x0] =	vst.idx.add.f32.msk $0xffff, v20;
	v42 =	vshll.u32 v13, $0x10  }
0x453: {  	[tilespmem:v63+s22+$0x0] =	vst.idx.add.f32.msk $0xffff, v21;
	v13 =	vand.u32 v1, v13;
	v20 =	vmul.f32 v42, v62  }
0x454: {  	v14 =	vshrl.u32 v14, $0xE;
	v16 =	vld.idx.msk [tilespmem:v16+s3+$0x0], $0xffff;
	v13 =	vmul.f32 v13, v62  }
0x455: {  	v44 =	vadd.s32 $0x2710, v14;
	[tilespmem:v41+s22+$0x0] =	vst.idx.add.f32.msk $0xffff, v20  }
0x456: {  	[tilespmem:v8+s22+$0x0] =	vst.idx.add.f32.msk $0xffff, v13;
	v8 =	vadd.s32 $0x4E20, v10;
	v13 =	vshll.u32 v17, $0x10  }
0x457: {  	v7 =	vadd.s32 $0x2710, v7;
	v19 =	vld.idx.msk [tilespmem:v19+s3+$0x0], $0xffff;
	v17 =	vand.u32 v1, v17;
	v13 =	vmul.f32 v13, v3  }
0x458: {  	v46 =	vshll.u32 v18, $0x10;
	v10 =	vadd.s32 $0x7530, v10;
	v21 =	vld [tilespmem:s26+$0x90];
	v17 =	vmul.f32 v17, v3  }
0x459: {  	v45 =	vadd.s32 $0x4E20, v9;
	v24 =	vmul.f32 v46, v25;
	[tilespmem:v14+s22+$0x0] =	vst.idx.add.f32.msk $0xffff, v13  }
0x45a: {  	v9 =	vadd.s32 $0x7530, v9;
	v18 =	vand.u32 v1, v18;
	[tilespmem:v44+s22+$0x0] =	vst.idx.add.f32.msk $0xffff, v17  }
0x45b: {  	v18 =	vmul.f32 v18, v25;
	v13 =	vshll.u32 v16, $0x10;
	[tilespmem:v8+s22+$0x0] =	vst.idx.add.f32.msk $0xffff, v24  }
0x45c: {  	v16 =	vand.u32 v1, v16;
	v13 =	vmul.f32 v13, v27;
	v17 =	vadd.s32 $0x4E20, v11;
	v7 =	vld.idx.msk [tilespmem:v7+s3+$0x0], $0xffff  }
0x45d: {  	v16 =	vmul.f32 v16, v27;
	v8 =	vand.u32 v2, v21;
	[tilespmem:v10+s22+$0x0] =	vst.idx.add.f32.msk $0xffff, v18  }
0x45e: {  	[tilespmem:v45+s22+$0x0] =	vst.idx.add.f32.msk $0xffff, v13;
	v10 =	vadd.s32 $0x7530, v11;
	v11 =	vshll.u32 v19, $0x10  }
0x45f: {  	[tilespmem:v9+s22+$0x0] =	vst.idx.add.f32.msk $0xffff, v16;
	v9 =	vmul.f32 v11, v29  }
0x460: {  	v11 =	vld [tilespmem:s26+$0xFFFFFF10]  }
0x461: {  	v13 =	vand.u32 v1, v19;
	[tilespmem:v17+s22+$0x0] =	vst.idx.add.f32.msk $0xffff, v9  }
0x462: {  	v13 =	vmul.f32 v13, v29;
	v16 =	vld.idx.msk [tilespmem:v8+s3+$0x0], $0xffff  }
0x463: {  	v17 =	vld [tilespmem:s28+$0x90]  }
0x464: {  	[tilespmem:v10+s22+$0x0] =	vst.idx.add.f32.msk $0xffff, v13  }
0x465: {  	v10 =	vld [tilespmem:s26+$0xFFFFFF90];
	v13 =	vshrl.u32 v21, $0xE  }
0x466: {  	v18 =	vld [tilespmem:s26+$0x10];
	v9 =	vadd.s32 $0x2710, v13  }
0x467: {  	v19 =	vld [tilespmem:s28+$0xFFFFFF10];
	v50 =	vand.u32 v2, v11;
	v48 =	vshll.u32 v16, $0x10  }
0x468: {  	v49 =	vadd.s32 $0x2710, v8;
	v51 =	vld [tilespmem:s28+$0xFFFFFF90];
	v16 =	vand.u32 v1, v16;
	v20 =	vmul.f32 v48, v17  }
0x469: {  	v8 =	vshrl.u32 v12, $0xE;
	v12 =	vld [tilespmem:s28+$0x10];
	v16 =	vmul.f32 v16, v17  }
0x46a: {  	v52 =	vand.u32 v2, v10;
	[tilespmem:v13+s22+$0x0] =	vst.idx.add.f32.msk $0xffff, v20  }
0x46b: {  	v53 =	vshll.u32 v31, $0x10;
	v54 =	vand.u32 v2, v18;
	[tilespmem:v9+s22+$0x0] =	vst.idx.add.f32.msk $0xffff, v16  }
0x46c: {  	v20 =	vmul.f32 v53, v5;
	v16 =	vadd.s32 $0x2710, v8;
	v9 =	vshrl.u32 v15, $0xE;
	v15 =	vld.idx.msk [tilespmem:v50+s3+$0x0], $0xffff  }
0x46d: {  	v21 =	vld.idx.msk [tilespmem:v49+s3+$0x0], $0xffff  }
0x46e: {  	v56 =	vand.u32 v1, v31;
	v55 =	vadd.s32 $0x2710, v9;
	[tilespmem:v8+s22+$0x0] =	vst.idx.add.f32.msk $0xffff, v20  }
0x46f: {  	v6 =	vadd.s32 $0x2710, v6;
	v58 =	vshll.u32 v47, $0x10;
	v57 =	vmul.f32 v56, v5;
	v59 =	vld.idx.msk [tilespmem:v52+s3+$0x0], $0xffff  }
0x470: {  	v26 =	vand.u32 v1, v47;
	v29 =	vmul.f32 v58, v4;
	v11 =	vshrl.u32 v11, $0xE;
	v60 =	vld.idx.msk [tilespmem:v54+s3+$0x0], $0xffff  }
0x471: {  	v26 =	vmul.f32 v26, v4;
	v61 =	vadd.s32 $0x4E20, v13;
	[tilespmem:v16+s22+$0x0] =	vst.idx.add.f32.msk $0xffff, v57  }
0x472: {  	v13 =	vadd.s32 $0x7530, v13;
	[tilespmem:v9+s22+$0x0] =	vst.idx.add.f32.msk $0xffff, v29;
	v33 =	vshll.u32 v15, $0x10  }
0x473: {  	v39 =	vadd.s32 $0x2710, v43;
	v16 =	vshll.u32 v21, $0x10;
	[tilespmem:v55+s22+$0x0] =	vst.idx.add.f32.msk $0xffff, v26;
	v20 =	vmul.f32 v33, v19  }
0x474: {  	v40 =	vadd.s32 $0x4E20, v14;
	v62 =	vand.u32 v1, v21;
	v43 =	vld.idx.msk [tilespmem:v6+s3+$0x0], $0xffff;
	v16 =	vmul.f32 v16, v17  }
0x475: {  	v63 =	vadd.s32 $0x2710, v11;
	v17 =	vmul.f32 v62, v17;
	[tilespmem:v11+s22+$0x0] =	vst.idx.add.f32.msk $0xffff, v20  }
0x476: {  	v14 =	vadd.s32 $0x7530, v14;
	v42 =	vshll.u32 v7, $0x10;
	v15 =	vand.u32 v1, v15;
	[tilespmem:v61+s22+$0x0] =	vst.idx.add.f32.msk $0xffff, v16  }
0x477: {  	v10 =	vshrl.u32 v10, $0xE;
	v6 =	vand.u32 v1, v7;
	v7 =	vmul.f32 v42, v3;
	[tilespmem:v13+s22+$0x0] =	vst.idx.add.f32.msk $0xffff, v17  }
0x478: {  	v15 =	vmul.f32 v15, v19;
	v16 =	vadd.s32 $0x2710, v10;
	v13 =	vshrl.u32 v18, $0xE;
	v18 =	vld [tilespmem:s26+$0xA0]  }
0x479: {  	v36 =	vadd.s32 $0x2710, v50;
	v3 =	vmul.f32 v6, v3;
	[tilespmem:v40+s22+$0x0] =	vst.idx.add.f32.msk $0xffff, v7;
	v17 =	vshll.u32 v59, $0x10  }
0x47a: {  	v35 =	vand.u32 v1, v59;
	[tilespmem:v63+s22+$0x0] =	vst.idx.add.f32.msk $0xffff, v15;
	v17 =	vmul.f32 v17, v51  }
0x47b: {  	v28 =	vmul.f32 v35, v51;
	[tilespmem:v14+s22+$0x0] =	vst.idx.add.f32.msk $0xffff, v3;
	v34 =	vadd.s32 $0x2710, v13  }
0x47c: {  	v37 =	vshll.u32 v60, $0x10;
	v38 =	vand.u32 v1, v60;
	[tilespmem:v10+s22+$0x0] =	vst.idx.add.f32.msk $0xffff, v17  }
0x47d: {  	v22 =	vmul.f32 v37, v12;
	[tilespmem:v16+s22+$0x0] =	vst.idx.add.f32.msk $0xffff, v28;
	v16 =	vand.u32 v2, v18  }
0x47e: {  	v21 =	vmul.f32 v38, v12;
	v20 =	vld.idx.msk [tilespmem:v36+s3+$0x0], $0xffff  }
0x47f: {  	v15 =	vadd.s32 $0x2710, v52;
	[tilespmem:v13+s22+$0x0] =	vst.idx.add.f32.msk $0xffff, v22  }
0x480: {  	[tilespmem:v34+s22+$0x0] =	vst.idx.add.f32.msk $0xffff, v21  }
0x481: {  	v17 =	vadd.s32 $0x2710, v54;
	v21 =	vld.idx.msk [tilespmem:v39+s3+$0x0], $0xffff  }
0x482: {  	v45 =	vadd.s32 $0x4E20, v11;
	v41 =	vld.idx.msk [tilespmem:v16+s3+$0x0], $0xffff  }
0x483: {  	v11 =	vadd.s32 $0x7530, v11;
	v44 =	vld [tilespmem:s28+$0xA0]  }
0x484: {  	v52 =	vadd.s32 $0x4E20, v9;
	v15 =	vld.idx.msk [tilespmem:v15+s3+$0x0], $0xffff;
	v6 =	vshll.u32 v20, $0x10  }
0x485: {  	v20 =	vand.u32 v1, v20;
	v18 =	vshrl.u32 v18, $0xE;
	v14 =	vmul.f32 v6, v19;
	v6 =	vld [tilespmem:s30+$0xFFFFFF70]  }
0x486: {  	v19 =	vmul.f32 v20, v19;
	v7 =	vadd.s32 $0x2710, v18;
	v17 =	vld.idx.msk [tilespmem:v17+s3+$0x0], $0xffff;
	v54 =	vshll.u32 v21, $0x10  }
0x487: {  	[tilespmem:v45+s22+$0x0] =	vst.idx.add.f32.msk $0xffff, v14;
	v16 =	vadd.s32 $0x2710, v16;
	v24 =	vmul.f32 v54, v4;
	v3 =	vshll.u32 v41, $0x10  }
0x488: {  	v48 =	vadd.s32 $0x4E20, v10;
	[tilespmem:v11+s22+$0x0] =	vst.idx.add.f32.msk $0xffff, v19;
	v46 =	vand.u32 v1, v41;
	v47 =	vmul.f32 v3, v44  }
0x489: {  	v10 =	vadd.s32 $0x7530, v10;
	[tilespmem:v52+s22+$0x0] =	vst.idx.add.f32.msk $0xffff, v24;
	v14 =	vmul.f32 v46, v44  }
0x48a: {  	v49 =	vadd.s32 $0x4E20, v13;
	v50 =	vshll.u32 v15, $0x10;
	[tilespmem:v18+s22+$0x0] =	vst.idx.add.f32.msk $0xffff, v47  }
0x48b: {  	[tilespmem:v7+s22+$0x0] =	vst.idx.add.f32.msk $0xffff, v14;
	v7 =	vadd.s32 $0x7530, v13;
	v13 =	vand.u32 v1, v15;
	v14 =	vmul.f32 v50, v51  }
0x48c: {  	v15 =	vld.idx.msk [tilespmem:v16+s3+$0x0], $0xffff;
	v16 =	vshll.u32 v17, $0x10;
	v13 =	vmul.f32 v13, v51  }
0x48d: {  	v9 =	vadd.s32 $0x7530, v9;
	v11 =	vand.u32 v1, v17;
	v16 =	vmul.f32 v16, v12;
	[tilespmem:v48+s22+$0x0] =	vst.idx.add.f32.msk $0xffff, v14  }
0x48e: {  	v11 =	vmul.f32 v11, v12;
	[tilespmem:v10+s22+$0x0] =	vst.idx.add.f32.msk $0xffff, v13  }
0x48f: {  	v21 =	vand.u32 v1, v21;
	[tilespmem:v49+s22+$0x0] =	vst.idx.add.f32.msk $0xffff, v16  }
0x490: {  	v4 =	vmul.f32 v21, v4;
	v10 =	vadd.s32 $0x4E20, v18;
	[tilespmem:v7+s22+$0x0] =	vst.idx.add.f32.msk $0xffff, v11  }
0x491: {  	v7 =	vadd.s32 $0x7530, v18;
	v11 =	vld [tilespmem:s26+$0xFFFFFF20]  }
0x492: {  	[tilespmem:v9+s22+$0x0] =	vst.idx.add.f32.msk $0xffff, v4;
	v12 =	vshll.u32 v15, $0x10  }
0x493: {  	v13 =	vld [tilespmem:s26+$0xFFFFFFA0];
	v14 =	vand.u32 v1, v15;
	v12 =	vmul.f32 v12, v44  }
0x494: {  	v15 =	vld [tilespmem:s26+$0x20];
	v14 =	vmul.f32 v14, v44  }
0x495: {  	[tilespmem:v10+s22+$0x0] =	vst.idx.add.f32.msk $0xffff, v12;
	v10 =	vadd.s32 $0x4E20, v8  }
0x496: {  	[tilespmem:v7+s22+$0x0] =	vst.idx.add.f32.msk $0xffff, v14;
	v7 =	vand.u32 v2, v11  }
0x497: {  	v14 =	vshll.u32 v43, $0x10;
	v12 =	vld [tilespmem:s26+$0xB0]  }
0x498: {  	v3 =	vld [tilespmem:s29+$0xFFFFFF70];
	v17 =	vand.u32 v2, v13;
	v14 =	vmul.f32 v14, v5  }
0x499: {  	v16 =	vld [tilespmem:s28+$0xFFFFFF20];
	v8 =	vadd.s32 $0x7530, v8  }
0x49a: {  	[tilespmem:v10+s22+$0x0] =	vst.idx.add.f32.msk $0xffff, v14  }
0x49b: {  	v19 =	vand.u32 v2, v15;
	v10 =	vand.u32 v1, v43;
	v14 =	vld.idx.msk [tilespmem:v7+s3+$0x0], $0xffff  }
0x49c: {  	v18 =	vld [tilespmem:s28+$0xFFFFFFA0];
	v5 =	vmul.f32 v10, v5;
	v53 =	vand.u32 v2, v12  }
0x49d: {  	v10 =	vld.idx.msk [tilespmem:v17+s3+$0x0], $0xffff  }
0x49e: {  	[tilespmem:v8+s22+$0x0] =	vst.idx.add.f32.msk $0xffff, v5;
	v5 =	vshrl.u32 v11, $0xE  }
0x49f: {  	v51 =	vld [tilespmem:s28+$0x20];
	v8 =	vadd.s32 $0x2710, v5  }
0x4a0: {  	v13 =	vshrl.u32 v13, $0xE;
	v55 =	vld.idx.msk [tilespmem:v19+s3+$0x0], $0xffff;
	v56 =	vshll.u32 v14, $0x10  }
0x4a1: {  	v4 =	vadd.s32 $0x2710, v13;
	v9 =	vand.u32 v1, v14;
	v11 =	vld.idx.msk [tilespmem:v53+s3+$0x0], $0xffff;
	v14 =	vmul.f32 v56, v16  }
0x4a2: {  	v57 =	vld [tilespmem:s28+$0xB0];
	v58 =	vshll.u32 v10, $0x10;
	v9 =	vmul.f32 v9, v16  }
0x4a3: {  	v15 =	vshrl.u32 v15, $0xE;
	v10 =	vand.u32 v1, v10;
	[tilespmem:v5+s22+$0x0] =	vst.idx.add.f32.msk $0xffff, v14;
	v14 =	vmul.f32 v58, v18  }
0x4a4: {  	v12 =	vshrl.u32 v12, $0xE;
	v10 =	vmul.f32 v10, v18;
	[tilespmem:v8+s22+$0x0] =	vst.idx.add.f32.msk $0xffff, v9  }
0x4a5: {  	v62 =	vadd.s32 $0x2710, v15;
	v60 =	vshll.u32 v55, $0x10;
	v8 =	vadd.s32 $0x2710, v12;
	[tilespmem:v13+s22+$0x0] =	vst.idx.add.f32.msk $0xffff, v14  }
0x4a6: {  	v61 =	vadd.s32 $0x2710, v53;
	v9 =	vmul.f32 v60, v51;
	v14 =	vshll.u32 v11, $0x10;
	[tilespmem:v4+s22+$0x0] =	vst.idx.add.f32.msk $0xffff, v10  }
0x4a7: {  	v59 =	vld [tilespmem:s30+$0xFFFFFFF0];
	v4 =	vand.u32 v1, v11;
	v11 =	vand.u32 v2, v6;
	v10 =	vmul.f32 v14, v57  }
0x4a8: {  	[tilespmem:v15+s22+$0x0] =	vst.idx.add.f32.msk $0xffff, v9;
	v14 =	vadd.s32 $0x2710, v7;
	v4 =	vmul.f32 v4, v57;
	v7 =	vand.u32 v1, v55  }
0x4a9: {  	v7 =	vmul.f32 v7, v51;
	[tilespmem:v12+s22+$0x0] =	vst.idx.add.f32.msk $0xffff, v10  }
0x4aa: {  	v9 =	vadd.s32 $0x2710, v17;
	[tilespmem:v8+s22+$0x0] =	vst.idx.add.f32.msk $0xffff, v4  }
0x4ab: {  	[tilespmem:v62+s22+$0x0] =	vst.idx.add.f32.msk $0xffff, v7  }
0x4ac: {  	v10 =	vadd.s32 $0x2710, v19;
	v4 =	vld.idx.msk [tilespmem:v61+s3+$0x0], $0xffff  }
0x4ad: {  	v7 =	vand.u32 v2, v59;
	v63 =	vld.idx.msk [tilespmem:v11+s3+$0x0], $0xffff  }
0x4ae: {  	v8 =	vld.idx.msk [tilespmem:v14+s3+$0x0], $0xffff  }
0x4af: {  	v17 =	vadd.s32 $0x4E20, v12;
	v14 =	vld.idx.msk [tilespmem:v9+s3+$0x0], $0xffff  }
0x4b0: {  	v12 =	vadd.s32 $0x7530, v12;
	v9 =	vld [tilespmem:s30+$0x70]  }
0x4b1: {  	v10 =	vld.idx.msk [tilespmem:v10+s3+$0x0], $0xffff;
	v19 =	vshll.u32 v4, $0x10  }
0x4b2: {  	v35 =	vadd.s32 $0x4E20, v5;
	v25 =	vld.idx.msk [tilespmem:v7+s3+$0x0], $0xffff;
	v4 =	vand.u32 v1, v4;
	v19 =	vmul.f32 v19, v57  }
0x4b3: {  	v5 =	vadd.s32 $0x7530, v5;
	v21 =	vmul.f32 v4, v57;
	v4 =	vld [tilespmem:s29+$0xFFFFFFF0]  }
0x4b4: {  	v36 =	vadd.s32 $0x4E20, v13;
	v37 =	vshll.u32 v8, $0x10;
	[tilespmem:v17+s22+$0x0] =	vst.idx.add.f32.msk $0xffff, v19  }
0x4b5: {  	v8 =	vand.u32 v1, v8;
	v17 =	vmul.f32 v37, v16;
	[tilespmem:v12+s22+$0x0] =	vst.idx.add.f32.msk $0xffff, v21  }
0x4b6: {  	v13 =	vadd.s32 $0x7530, v13;
	v8 =	vmul.f32 v8, v16;
	v19 =	vshll.u32 v14, $0x10;
	v16 =	vld [tilespmem:s26+$0xC0]  }
0x4b7: {  	v19 =	vmul.f32 v19, v18;
	[tilespmem:v35+s22+$0x0] =	vst.idx.add.f32.msk $0xffff, v17  }
0x4b8: {  	v14 =	vand.u32 v1, v14;
	v12 =	vadd.s32 $0x4E20, v15;
	[tilespmem:v5+s22+$0x0] =	vst.idx.add.f32.msk $0xffff, v8  }
0x4b9: {  	v14 =	vmul.f32 v14, v18;
	[tilespmem:v36+s22+$0x0] =	vst.idx.add.f32.msk $0xffff, v19  }
0x4ba: {  	v15 =	vadd.s32 $0x7530, v15;
	v17 =	vshll.u32 v10, $0x10;
	v19 =	vld [tilespmem:s28+$0xC0]  }
0x4bb: {  	v8 =	vmul.f32 v17, v51;
	[tilespmem:v13+s22+$0x0] =	vst.idx.add.f32.msk $0xffff, v14  }
0x4bc: {  	v5 =	vand.u32 v1, v10;
	v13 =	vld [tilespmem:s26+$0xFFFFFFB0]  }
0x4bd: {  	v5 =	vmul.f32 v5, v51;
	[tilespmem:v12+s22+$0x0] =	vst.idx.add.f32.msk $0xffff, v8  }
0x4be: {  	v12 =	vld [tilespmem:s26+$0xFFFFFF30];
	v8 =	vand.u32 v2, v16  }
0x4bf: {  	[tilespmem:v15+s22+$0x0] =	vst.idx.add.f32.msk $0xffff, v5  }
0x4c0: {  	v14 =	vld [tilespmem:s26+$0x30]  }
0x4c1: {  	v10 =	vand.u32 v2, v9;
	v17 =	vld [tilespmem:s28+$0xFFFFFF30]  }
0x4c2: {  	v39 =	vld [tilespmem:s28+$0xFFFFFFB0];
	v38 =	vand.u32 v2, v13  }
0x4c3: {  	v18 =	vand.u32 v2, v12;
	v15 =	vld.idx.msk [tilespmem:v8+s3+$0x0], $0xffff  }
0x4c4: {  	v5 =	vld [tilespmem:s29+$0x70];
	v44 =	vadd.s32 $0x2710, v8;
	v8 =	vshrl.u32 v6, $0xE  }
0x4c5: {  	v40 =	vld [tilespmem:s28+$0x30];
	v45 =	vand.u32 v2, v14  }
0x4c6: {  	v48 =	vshll.u32 v63, $0x10;
	v16 =	vshrl.u32 v16, $0xE;
	v42 =	vld.idx.msk [tilespmem:v10+s3+$0x0], $0xffff  }
0x4c7: {  	v49 =	vmul.f32 v48, v3;
	v41 =	vadd.s32 $0x2710, v16;
	v47 =	vld.idx.msk [tilespmem:v38+s3+$0x0], $0xffff  }
0x4c8: {  	v6 =	vshrl.u32 v59, $0xE;
	v46 =	vld.idx.msk [tilespmem:v18+s3+$0x0], $0xffff;
	v43 =	vshll.u32 v15, $0x10  }
0x4c9: {  	v15 =	vand.u32 v1, v15;
	[tilespmem:v8+s22+$0x0] =	vst.idx.add.f32.msk $0xffff, v49;
	v28 =	vmul.f32 v43, v19  }
0x4ca: {  	v51 =	vshll.u32 v25, $0x10;
	v33 =	vadd.s32 $0x2710, v8;
	v15 =	vmul.f32 v15, v19;
	v53 =	vld.idx.msk [tilespmem:v45+s3+$0x0], $0xffff  }
0x4cb: {  	v26 =	vmul.f32 v51, v4;
	v12 =	vshrl.u32 v12, $0xE;
	[tilespmem:v16+s22+$0x0] =	vst.idx.add.f32.msk $0xffff, v28  }
0x4cc: {  	v52 =	vadd.s32 $0x2710, v12;
	[tilespmem:v41+s22+$0x0] =	vst.idx.add.f32.msk $0xffff, v15;
	v15 =	vand.u32 v1, v63  }
0x4cd: {  	v11 =	vadd.s32 $0x2710, v11;
	[tilespmem:v6+s22+$0x0] =	vst.idx.add.f32.msk $0xffff, v26;
	v34 =	vshll.u32 v46, $0x10;
	v15 =	vmul.f32 v15, v3  }
0x4ce: {  	v18 =	vadd.s32 $0x2710, v18;
	v54 =	vand.u32 v1, v46;
	v50 =	vld.idx.msk [tilespmem:v44+s3+$0x0], $0xffff;
	v55 =	vmul.f32 v34, v17  }
0x4cf: {  	v14 =	vshrl.u32 v14, $0xE;
	v22 =	vmul.f32 v54, v17;
	[tilespmem:v33+s22+$0x0] =	vst.idx.add.f32.msk $0xffff, v15  }
0x4d0: {  	v13 =	vshrl.u32 v13, $0xE;
	[tilespmem:v12+s22+$0x0] =	vst.idx.add.f32.msk $0xffff, v55  }
0x4d1: {  	v58 =	vadd.s32 $0x2710, v13;
	v61 =	vshll.u32 v53, $0x10;
	[tilespmem:v52+s22+$0x0] =	vst.idx.add.f32.msk $0xffff, v22  }
0x4d2: {  	v56 =	vadd.s32 $0x4E20, v16;
	v15 =	vshll.u32 v47, $0x10;
	v24 =	vmul.f32 v61, v40;
	v11 =	vld.idx.msk [tilespmem:v11+s3+$0x0], $0xffff  }
0x4d3: {  	v16 =	vadd.s32 $0x7530, v16;
	v59 =	vand.u32 v1, v47;
	v15 =	vmul.f32 v15, v39;
	v18 =	vld.idx.msk [tilespmem:v18+s3+$0x0], $0xffff  }
0x4d4: {  	v60 =	vmul.f32 v59, v39;
	[tilespmem:v14+s22+$0x0] =	vst.idx.add.f32.msk $0xffff, v24;
	v57 =	vshll.u32 v50, $0x10  }
0x4d5: {  	[tilespmem:v13+s22+$0x0] =	vst.idx.add.f32.msk $0xffff, v15;
	v15 =	vand.u32 v1, v50;
	v22 =	vmul.f32 v57, v19  }
0x4d6: {  	v15 =	vmul.f32 v15, v19;
	v19 =	vadd.s32 $0x2710, v14;
	[tilespmem:v58+s22+$0x0] =	vst.idx.add.f32.msk $0xffff, v60  }
0x4d7: {  	v20 =	vadd.s32 $0x2710, v38;
	[tilespmem:v56+s22+$0x0] =	vst.idx.add.f32.msk $0xffff, v22  }
0x4d8: {  	[tilespmem:v16+s22+$0x0] =	vst.idx.add.f32.msk $0xffff, v15;
	v15 =	vadd.s32 $0x2710, v45;
	v16 =	vand.u32 v1, v53  }
0x4d9: {  	v63 =	vadd.s32 $0x4E20, v12;
	v62 =	vld [tilespmem:s26+$0xD0];
	v16 =	vmul.f32 v16, v40  }
0x4da: {  	v12 =	vadd.s32 $0x7530, v12;
	v37 =	vld [tilespmem:s28+$0xD0]  }
0x4db: {  	v31 =	vshll.u32 v18, $0x10;
	[tilespmem:v19+s22+$0x0] =	vst.idx.add.f32.msk $0xffff, v16  }
0x4dc: {  	v16 =	vand.u32 v1, v18;
	v18 =	vmul.f32 v31, v17;
	v19 =	vld.idx.msk [tilespmem:v20+s3+$0x0], $0xffff  }
0x4dd: {  	v32 =	vadd.s32 $0x2710, v6;
	v16 =	vmul.f32 v16, v17;
	v15 =	vld.idx.msk [tilespmem:v15+s3+$0x0], $0xffff  }
0x4de: {  	v7 =	vadd.s32 $0x2710, v7;
	[tilespmem:v63+s22+$0x0] =	vst.idx.add.f32.msk $0xffff, v18  }
0x4df: {  	v17 =	vand.u32 v2, v62;
	[tilespmem:v12+s22+$0x0] =	vst.idx.add.f32.msk $0xffff, v16;
	v12 =	vand.u32 v1, v25  }
0x4e0: {  	v16 =	vadd.s32 $0x4E20, v13;
	v18 =	vld [tilespmem:s26+$0xFFFFFF40];
	v12 =	vmul.f32 v12, v4  }
0x4e1: {  	v13 =	vadd.s32 $0x7530, v13;
	v33 =	vld [tilespmem:s28+$0xFFFFFF40]  }
0x4e2: {  	v34 =	vadd.s32 $0x4E20, v14;
	v35 =	vshll.u32 v19, $0x10;
	[tilespmem:v32+s22+$0x0] =	vst.idx.add.f32.msk $0xffff, v12  }
0x4e3: {  	v14 =	vadd.s32 $0x7530, v14;
	v19 =	vand.u32 v1, v19;
	v25 =	vmul.f32 v35, v39;
	v50 =	vld.idx.msk [tilespmem:v7+s3+$0x0], $0xffff  }
0x4e4: {  	v19 =	vmul.f32 v19, v39;
	v12 =	vshll.u32 v15, $0x10;
	v36 =	vld.idx.msk [tilespmem:v17+s3+$0x0], $0xffff  }
0x4e5: {  	v15 =	vand.u32 v1, v15;
	v12 =	vmul.f32 v12, v40;
	[tilespmem:v16+s22+$0x0] =	vst.idx.add.f32.msk $0xffff, v25  }
0x4e6: {  	v15 =	vmul.f32 v15, v40;
	[tilespmem:v13+s22+$0x0] =	vst.idx.add.f32.msk $0xffff, v19  }
0x4e7: {  	v13 =	vshrl.u32 v62, $0xE;
	[tilespmem:v34+s22+$0x0] =	vst.idx.add.f32.msk $0xffff, v12  }
0x4e8: {  	v12 =	vadd.s32 $0x2710, v13;
	[tilespmem:v14+s22+$0x0] =	vst.idx.add.f32.msk $0xffff, v15  }
0x4e9: {  	v15 =	vadd.s32 $0x2710, v17;
	v17 =	vld [tilespmem:s26+$0xFFFFFFC0];
	v14 =	vshll.u32 v36, $0x10  }
0x4ea: {  	v16 =	vand.u32 v2, v18;
	v38 =	vld [tilespmem:s26+$0x40];
	v19 =	vand.u32 v1, v36;
	v14 =	vmul.f32 v14, v37  }
0x4eb: {  	v25 =	vld [tilespmem:s28+$0xFFFFFFC0];
	v19 =	vmul.f32 v19, v37  }
0x4ec: {  	v9 =	vshrl.u32 v9, $0xE;
	[tilespmem:v13+s22+$0x0] =	vst.idx.add.f32.msk $0xffff, v14  }
0x4ed: {  	[tilespmem:v12+s22+$0x0] =	vst.idx.add.f32.msk $0xffff, v19;
	v12 =	vadd.s32 $0x2710, v9  }
0x4ee: {  	v39 =	vand.u32 v2, v17;
	v14 =	vld.idx.msk [tilespmem:v15+s3+$0x0], $0xffff;
	v15 =	vshll.u32 v42, $0x10  }
0x4ef: {  	v40 =	vand.u32 v1, v42;
	v19 =	vld.idx.msk [tilespmem:v16+s3+$0x0], $0xffff;
	v41 =	vand.u32 v2, v38;
	v15 =	vmul.f32 v15, v5  }
0x4f0: {  	v7 =	vadd.s32 $0x2710, v10;
	v24 =	vmul.f32 v40, v5;
	v42 =	vld [tilespmem:s28+$0x40]  }
0x4f1: {  	v28 =	vadd.s32 $0x4E20, v13;
	[tilespmem:v9+s22+$0x0] =	vst.idx.add.f32.msk $0xffff, v15  }
0x4f2: {  	v13 =	vadd.s32 $0x7530, v13;
	[tilespmem:v12+s22+$0x0] =	vst.idx.add.f32.msk $0xffff, v24  }
0x4f3: {  	v12 =	vld.idx.msk [tilespmem:v39+s3+$0x0], $0xffff;
	v15 =	vshll.u32 v14, $0x10  }
0x4f4: {  	v18 =	vshrl.u32 v18, $0xE;
	v43 =	vld.idx.msk [tilespmem:v41+s3+$0x0], $0xffff;
	v14 =	vand.u32 v1, v14;
	v15 =	vmul.f32 v15, v37  }
0x4f5: {  	v44 =	vadd.s32 $0x2710, v18;
	v7 =	vld.idx.msk [tilespmem:v7+s3+$0x0], $0xffff;
	v14 =	vmul.f32 v14, v37  }
0x4f6: {  	v16 =	vadd.s32 $0x2710, v16;
	v45 =	vshll.u32 v19, $0x10;
	[tilespmem:v28+s22+$0x0] =	vst.idx.add.f32.msk $0xffff, v15  }
0x4f7: {  	v15 =	vshrl.u32 v17, $0xE;
	v17 =	vand.u32 v1, v19;
	v19 =	vmul.f32 v45, v33;
	[tilespmem:v13+s22+$0x0] =	vst.idx.add.f32.msk $0xffff, v14  }
0x4f8: {  	v13 =	vadd.s32 $0x2710, v15;
	v14 =	vmul.f32 v17, v33;
	v17 =	vld [tilespmem:s26+$0xE0]  }
0x4f9: {  	v46 =	vshrl.u32 v38, $0xE;
	[tilespmem:v18+s22+$0x0] =	vst.idx.add.f32.msk $0xffff, v19;
	v19 =	vshll.u32 v12, $0x10  }
0x4fa: {  	v21 =	vadd.s32 $0x2710, v46;
	v12 =	vand.u32 v1, v12;
	[tilespmem:v44+s22+$0x0] =	vst.idx.add.f32.msk $0xffff, v14;
	v14 =	vmul.f32 v19, v25  }
0x4fb: {  	v47 =	vshll.u32 v43, $0x10;
	v19 =	vadd.s32 $0x2710, v39;
	v12 =	vmul.f32 v12, v25;
	v16 =	vld.idx.msk [tilespmem:v16+s3+$0x0], $0xffff  }
0x4fc: {  	v26 =	vadd.s32 $0x2710, v41;
	v24 =	vand.u32 v1, v43;
	v23 =	vmul.f32 v47, v42;
	[tilespmem:v15+s22+$0x0] =	vst.idx.add.f32.msk $0xffff, v14  }
0x4fd: {  	v14 =	vmul.f32 v24, v42;
	[tilespmem:v13+s22+$0x0] =	vst.idx.add.f32.msk $0xffff, v12;
	v12 =	vand.u32 v2, v17  }
0x4fe: {  	[tilespmem:v46+s22+$0x0] =	vst.idx.add.f32.msk $0xffff, v23  }
0x4ff: {  	v13 =	vadd.s32 $0x4E20, v18;
	[tilespmem:v21+s22+$0x0] =	vst.idx.add.f32.msk $0xffff, v14  }
0x500: {  	v18 =	vadd.s32 $0x7530, v18;
	v14 =	vld.idx.msk [tilespmem:v19+s3+$0x0], $0xffff  }
0x501: {  	v19 =	vld.idx.msk [tilespmem:v26+s3+$0x0], $0xffff;
	v48 =	vshll.u32 v16, $0x10  }
0x502: {  	v16 =	vand.u32 v1, v16;
	v21 =	vmul.f32 v48, v33;
	v49 =	vld.idx.msk [tilespmem:v12+s3+$0x0], $0xffff  }
0x503: {  	v51 =	vadd.s32 $0x4E20, v15;
	v10 =	vmul.f32 v16, v33;
	v16 =	vld [tilespmem:s28+$0xE0]  }
0x504: {  	v15 =	vadd.s32 $0x7530, v15;
	[tilespmem:v13+s22+$0x0] =	vst.idx.add.f32.msk $0xffff, v21  }
0x505: {  	[tilespmem:v18+s22+$0x0] =	vst.idx.add.f32.msk $0xffff, v10;
	v10 =	vshrl.u32 v17, $0xE;
	v13 =	vshll.u32 v14, $0x10  }
0x506: {  	v14 =	vand.u32 v1, v14;
	v17 =	vld [tilespmem:s26+$0xFFFFFF50];
	v18 =	vadd.s32 $0x2710, v10;
	v13 =	vmul.f32 v13, v25  }
0x507: {  	v12 =	vadd.s32 $0x2710, v12;
	v21 =	vld [tilespmem:s28+$0xFFFFFF50];
	v14 =	vmul.f32 v14, v25;
	v52 =	vshll.u32 v49, $0x10  }
0x508: {  	[tilespmem:v51+s22+$0x0] =	vst.idx.add.f32.msk $0xffff, v13;
	v23 =	vand.u32 v1, v49;
	v26 =	vmul.f32 v52, v16  }
0x509: {  	v53 =	vadd.s32 $0x4E20, v46;
	[tilespmem:v15+s22+$0x0] =	vst.idx.add.f32.msk $0xffff, v14;
	v13 =	vmul.f32 v23, v16  }
0x50a: {  	v20 =	vadd.s32 $0x7530, v46;
	[tilespmem:v10+s22+$0x0] =	vst.idx.add.f32.msk $0xffff, v26  }
0x50b: {  	v54 =	vshll.u32 v19, $0x10;
	[tilespmem:v18+s22+$0x0] =	vst.idx.add.f32.msk $0xffff, v13  }
0x50c: {  	v13 =	vand.u32 v1, v19;
	v18 =	vmul.f32 v54, v42;
	v12 =	vld.idx.msk [tilespmem:v12+s3+$0x0], $0xffff  }
0x50d: {  	v57 =	vld [tilespmem:s28+$0xFFFFFFD0];
	v13 =	vmul.f32 v13, v42  }
0x50e: {  	v19 =	vand.u32 v2, v17;
	[tilespmem:v53+s22+$0x0] =	vst.idx.add.f32.msk $0xffff, v18  }
0x50f: {  	v14 =	vadd.s32 $0x4E20, v10;
	[tilespmem:v20+s22+$0x0] =	vst.idx.add.f32.msk $0xffff, v13  }
0x510: {  	v10 =	vadd.s32 $0x7530, v10;
	v13 =	vld [tilespmem:s26+$0xFFFFFFD0]  }
0x511: {  	v15 =	vld [tilespmem:s26+$0x50];
	v55 =	vshll.u32 v12, $0x10  }
0x512: {  	v56 =	vadd.s32 $0x4E20, v8;
	v58 =	vld [tilespmem:s28+$0x50];
	v12 =	vand.u32 v1, v12;
	v20 =	vmul.f32 v55, v16  }
0x513: {  	v18 =	vld.idx.msk [tilespmem:v19+s3+$0x0], $0xffff;
	v12 =	vmul.f32 v12, v16  }
0x514: {  	v8 =	vadd.s32 $0x7530, v8;
	v16 =	vshll.u32 v11, $0x10;
	v11 =	vand.u32 v1, v11;
	[tilespmem:v14+s22+$0x0] =	vst.idx.add.f32.msk $0xffff, v20  }
0x515: {  	v59 =	vand.u32 v2, v13;
	v14 =	vmul.f32 v16, v3;
	[tilespmem:v10+s22+$0x0] =	vst.idx.add.f32.msk $0xffff, v12  }
0x516: {  	v16 =	vand.u32 v2, v15;
	v3 =	vmul.f32 v11, v3;
	v11 =	vld [tilespmem:s26+$0xF0]  }
0x517: {  	v10 =	vshrl.u32 v17, $0xE;
	[tilespmem:v56+s22+$0x0] =	vst.idx.add.f32.msk $0xffff, v14  }
0x518: {  	v12 =	vadd.s32 $0x2710, v10;
	v63 =	vld [tilespmem:s28+$0xF0]  }
0x519: {  	v17 =	vshll.u32 v18, $0x10;
	v14 =	vadd.s32 $0x2710, v19;
	[tilespmem:v8+s22+$0x0] =	vst.idx.add.f32.msk $0xffff, v3  }
0x51a: {  	v17 =	vmul.f32 v17, v21;
	v3 =	vadd.s32 $0x4E20, v6;
	v8 =	vand.u32 v1, v18;
	v18 =	vld.idx.msk [tilespmem:v59+s3+$0x0], $0xffff  }
0x51b: {  	v6 =	vadd.s32 $0x7530, v6;
	v8 =	vmul.f32 v8, v21;
	v19 =	vld.idx.msk [tilespmem:v16+s3+$0x0], $0xffff  }
0x51c: {  	v60 =	vshll.u32 v50, $0x10;
	[tilespmem:v10+s22+$0x0] =	vst.idx.add.f32.msk $0xffff, v17;
	v17 =	vand.u32 v2, v11  }
0x51d: {  	v61 =	vadd.s32 $0x4E20, v9;
	v24 =	vand.u32 v1, v50;
	v20 =	vmul.f32 v60, v4;
	[tilespmem:v12+s22+$0x0] =	vst.idx.add.f32.msk $0xffff, v8  }
0x51e: {  	v13 =	vshrl.u32 v13, $0xE;
	v4 =	vmul.f32 v24, v4;
	v12 =	vshll.u32 v7, $0x10;
	v8 =	vld.idx.msk [tilespmem:v14+s3+$0x0], $0xffff  }
0x51f: {  	[tilespmem:v3+s22+$0x0] =	vst.idx.add.f32.msk $0xffff, v20;
	v3 =	vmul.f32 v12, v5;
	v12 =	vadd.s32 $0x2710, v13  }
0x520: {  	[tilespmem:v6+s22+$0x0] =	vst.idx.add.f32.msk $0xffff, v4;
	v4 =	vshrl.u32 v15, $0xE;
	v6 =	vshll.u32 v18, $0x10  }
0x521: {  	v18 =	vand.u32 v1, v18;
	v15 =	vadd.s32 $0x2710, v4;
	v6 =	vmul.f32 v6, v57;
	v14 =	vld.idx.msk [tilespmem:v17+s3+$0x0], $0xffff  }
0x522: {  	[tilespmem:v61+s22+$0x0] =	vst.idx.add.f32.msk $0xffff, v3;
	v3 =	vadd.s32 $0x2710, v59;
	v62 =	vshll.u32 v19, $0x10;
	v18 =	vmul.f32 v18, v57  }
0x523: {  	v16 =	vadd.s32 $0x2710, v16;
	v19 =	vand.u32 v1, v19;
	v20 =	vmul.f32 v62, v58;
	[tilespmem:v13+s22+$0x0] =	vst.idx.add.f32.msk $0xffff, v6  }
0x524: {  	v11 =	vshrl.u32 v11, $0xE;
	v6 =	vmul.f32 v19, v58;
	[tilespmem:v12+s22+$0x0] =	vst.idx.add.f32.msk $0xffff, v18  }
0x525: {  	v12 =	vadd.s32 $0x2710, v11;
	[tilespmem:v4+s22+$0x0] =	vst.idx.add.f32.msk $0xffff, v20  }
0x526: {  	[tilespmem:v15+s22+$0x0] =	vst.idx.add.f32.msk $0xffff, v6;
	v15 =	vadd.s32 $0x2710, v17;
	v6 =	vshll.u32 v14, $0x10  }
0x527: {  	v17 =	vadd.s32 $0x4E20, v10;
	v3 =	vld.idx.msk [tilespmem:v3+s3+$0x0], $0xffff;
	v14 =	vand.u32 v1, v14;
	v6 =	vmul.f32 v6, v63  }
0x528: {  	v10 =	vadd.s32 $0x7530, v10;
	v16 =	vld.idx.msk [tilespmem:v16+s3+$0x0], $0xffff;
	v14 =	vmul.f32 v14, v63  }
0x529: {  	v18 =	vshll.u32 v8, $0x10;
	[tilespmem:v11+s22+$0x0] =	vst.idx.add.f32.msk $0xffff, v6  }
0x52a: {  	v6 =	vand.u32 v1, v8;
	v8 =	vmul.f32 v18, v21;
	[tilespmem:v12+s22+$0x0] =	vst.idx.add.f32.msk $0xffff, v14  }
0x52b: {  	v12 =	vadd.s32 $0x4E20, v13;
	v6 =	vmul.f32 v6, v21;
	v14 =	vld.idx.msk [tilespmem:v15+s3+$0x0], $0xffff  }
0x52c: {  	v13 =	vadd.s32 $0x7530, v13;
	[tilespmem:v17+s22+$0x0] =	vst.idx.add.f32.msk $0xffff, v8  }
0x52d: {  	v8 =	vadd.s32 $0x4E20, v4;
	[tilespmem:v10+s22+$0x0] =	vst.idx.add.f32.msk $0xffff, v6;
	v6 =	vshll.u32 v3, $0x10  }
0x52e: {  	v10 =	vadd.s32 $0x7530, v4;
	v3 =	vand.u32 v1, v3;
	v17 =	vld [tilespmem:s26+$0xFFFFFF60];
	v6 =	vmul.f32 v6, v57  }
0x52f: {  	v18 =	vadd.s32 $0x4E20, v11;
	v15 =	vshll.u32 v16, $0x10;
	v4 =	vld [tilespmem:s28+$0xFFFFFF60];
	v3 =	vmul.f32 v3, v57  }
0x530: {  	v11 =	vadd.s32 $0x7530, v11;
	v16 =	vand.u32 v1, v16;
	v15 =	vmul.f32 v15, v58;
	[tilespmem:v12+s22+$0x0] =	vst.idx.add.f32.msk $0xffff, v6  }
0x531: {  	v7 =	vand.u32 v1, v7;
	v6 =	vmul.f32 v16, v58;
	[tilespmem:v13+s22+$0x0] =	vst.idx.add.f32.msk $0xffff, v3;
	v12 =	vshll.u32 v14, $0x10  }
0x532: {  	[tilespmem:v8+s22+$0x0] =	vst.idx.add.f32.msk $0xffff, v15;
	v8 =	vand.u32 v1, v14;
	v12 =	vmul.f32 v12, v63  }
0x533: {  	v3 =	vadd.s32 $0x7530, v9;
	[tilespmem:v10+s22+$0x0] =	vst.idx.add.f32.msk $0xffff, v6;
	v8 =	vmul.f32 v8, v63;
	v15 =	vshrl.u32 v17, $0xE  }
0x534: {  	v9 =	vmul.f32 v7, v5;
	v7 =	vand.u32 v2, v17;
	v16 =	vadd.s32 $0x2710, v15;
	[tilespmem:v18+s22+$0x0] =	vst.idx.add.f32.msk $0xffff, v12  }
0x535: {  	s31 =	simm.s32 $0x11760;
	s30 =	simm.s32 $0x4;
	s29 =	simm.s32 $0x12960;
	v13 =	vadd.s32 $0x2710, v7;
	v6 =	vadd.s32 $0x4E20, v15;
	v5 =	vadd.s32 $0x7530, v15;
	[tilespmem:v11+s22+$0x0] =	vst.idx.add.f32.msk $0xffff, v8  }
.LBB2_7:
0x536: {  	v10 =	vld [tilespmem:s31+$0x80]  }
0x537: {  	v8 =	vld [tilespmem:s31+$0xFFFFFF80]  }
0x538: {  	v11 =	vld [tilespmem:s31+$0x0]  }
0x539: {  	v12 =	vld [tilespmem:s31+$0xFFFFFF00]  }
0x53a: {  	v14 =	vld [tilespmem:s26+$0xFFFFFFE0]  }
0x53b: {  	v19 =	vand.u32 v2, v10;
	v17 =	vld [tilespmem:s26+$0x60]  }
0x53c: {  	v18 =	vand.u32 v2, v8;
	v23 =	vshrl.u32 v8, $0xE;
	v20 =	vld.idx.msk [tilespmem:v7+s3+$0x0], $0xffff  }
0x53d: {  	v24 =	vadd.s32 $0x2710, v23;
	v25 =	vand.u32 v2, v11;
	v26 =	vshrl.u32 v11, $0xE;
	v8 =	vld [tilespmem:s28+$0xFFFFFFE0]  }
0x53e: {  	v11 =	vand.u32 v2, v12;
	v27 =	vshrl.u32 v12, $0xE;
	v28 =	vadd.s32 $0x2710, v26;
	v7 =	vld [tilespmem:s28+$0x60]  }
0x53f: {  	v31 =	vadd.s32 $0x2710, v18;
	v29 =	vadd.s32 $0x2710, v27;
	v30 =	vadd.s32 $0x2710, v11;
	[tilespmem:v3+s22+$0x0] =	vst.idx.add.f32.msk $0xffff, v9  }
0x540: {  	v34 =	vadd.s32 $0x2710, v25;
	v32 =	vadd.s32 $0x4E20, v27;
	v33 =	vadd.s32 $0x7530, v27;
	v3 =	vld.idx.msk [tilespmem:v19+s3+$0x0], $0xffff  }
0x541: {  	v35 =	vadd.s32 $0x4E20, v23;
	v36 =	vadd.s32 $0x7530, v23;
	v22 =	vadd.s32 $0x4E20, v26;
	s28 =	sadd.s32 $0x200, s28;
	v9 =	vld.idx.msk [tilespmem:v18+s3+$0x0], $0xffff  }
0x542: {  	v21 =	vadd.s32 $0x7530, v26;
	v12 =	vand.u32 v2, v14;
	v38 =	vand.u32 v2, v17;
	v37 =	vld [tilespmem:s28+$0x80]  }
0x543: {  	v39 =	vshll.u32 v20, $0x10;
	v20 =	vand.u32 v1, v20;
	v18 =	vshrl.u32 v14, $0xE;
	v11 =	vld.idx.msk [tilespmem:v11+s3+$0x0], $0xffff  }
0x544: {  	v40 =	vshrl.u32 v10, $0xE;
	v39 =	vmul.f32 v39, v4;
	v41 =	vmul.f32 v20, v4;
	v25 =	vld.idx.msk [tilespmem:v25+s3+$0x0], $0xffff  }
0x545: {  	v10 =	vadd.s32 $0x2710, v40;
	v17 =	vshrl.u32 v17, $0xE;
	v20 =	vadd.s32 $0x2710, v18;
	v42 =	vld [tilespmem:s28+$0xFFFFFF00]  }
0x546: {  	s30 =	sadd.s32 $0x4, s30;
	v44 =	vadd.s32 $0x2710, v19;
	v19 =	vadd.s32 $0x2710, v17;
	v14 =	vshll.u32 v3, $0x10;
	v43 =	vld [tilespmem:s28+$0xFFFFFF80]  }
0x547: {  	p1 =	slt.u32 s30, $0x24;
	v3 =	vand.u32 v1, v3;
	v45 =	vshll.u32 v9, $0x10;
	v46 =	vld [tilespmem:s28+$0x0];
	v47 =	vmul.f32 v14, v37  }
0x548: {  	v48 =	vand.u32 v1, v9;
	v3 =	vmul.f32 v3, v37;
	v14 =	vadd.s32 $0x2710, v12;
	v49 =	vld.idx.msk [tilespmem:v12+s3+$0x0], $0xffff  }
0x549: {  	v9 =	vadd.s32 $0x2710, v38;
	v12 =	vshll.u32 v11, $0x10;
	v11 =	vand.u32 v1, v11;
	[tilespmem:v40+s22+$0x0] =	vst.idx.add.f32.msk $0xffff, v47  }
0x54a: {  	v50 =	vshll.u32 v25, $0x10;
	v25 =	vand.u32 v1, v25;
	v47 =	vmul.f32 v12, v42;
	[tilespmem:v10+s22+$0x0] =	vst.idx.add.f32.msk $0xffff, v3  }
0x54b: {  	v3 =	vmul.f32 v11, v42;
	v12 =	vadd.s32 $0x4E20, v18;
	v45 =	vmul.f32 v45, v43;
	v44 =	vld.idx.msk [tilespmem:v44+s3+$0x0], $0xffff  }
0x54c: {  	v10 =	vadd.s32 $0x7530, v18;
	[tilespmem:v27+s22+$0x0] =	vst.idx.add.f32.msk $0xffff, v47;
	v27 =	vmul.f32 v48, v43;
	v47 =	vmul.f32 v50, v46  }
0x54d: {  	v11 =	vadd.s32 $0x4E20, v17;
	v25 =	vmul.f32 v25, v46;
	[tilespmem:v29+s22+$0x0] =	vst.idx.add.f32.msk $0xffff, v3;
	v3 =	vadd.s32 $0x7530, v17  }
0x54e: {  	v29 =	vand.u32 v1, v49;
	[tilespmem:v23+s22+$0x0] =	vst.idx.add.f32.msk $0xffff, v45;
	v23 =	vshll.u32 v49, $0x10  }
0x54f: {  	[tilespmem:v24+s22+$0x0] =	vst.idx.add.f32.msk $0xffff, v27;
	v24 =	vadd.s32 $0x4E20, v40;
	v23 =	vmul.f32 v23, v8;
	v27 =	vmul.f32 v29, v8  }
0x550: {  	[tilespmem:v26+s22+$0x0] =	vst.idx.add.f32.msk $0xffff, v47;
	v26 =	vadd.s32 $0x7530, v40  }
0x551: {  	[tilespmem:v28+s22+$0x0] =	vst.idx.add.f32.msk $0xffff, v25;
	v25 =	vshll.u32 v44, $0x10  }
0x552: {  	v29 =	vand.u32 v1, v44;
	v28 =	vld.idx.msk [tilespmem:v30+s3+$0x0], $0xffff;
	v25 =	vmul.f32 v25, v37  }
0x553: {  	v29 =	vmul.f32 v29, v37;
	v30 =	vld.idx.msk [tilespmem:v31+s3+$0x0], $0xffff  }
0x554: {  	[tilespmem:v24+s22+$0x0] =	vst.idx.add.f32.msk $0xffff, v25  }
0x555: {  	[tilespmem:v26+s22+$0x0] =	vst.idx.add.f32.msk $0xffff, v29  }
0x556: {  	v24 =	vld [tilespmem:s31+$0x90]  }
0x557: {  	v25 =	vld.idx.msk [tilespmem:v34+s3+$0x0], $0xffff  }
0x558: {  	v26 =	vshll.u32 v28, $0x10;
	v28 =	vand.u32 v1, v28;
	v29 =	vld.idx.msk [tilespmem:v38+s3+$0x0], $0xffff  }
0x559: {  	v26 =	vmul.f32 v26, v42;
	v31 =	vshll.u32 v30, $0x10;
	v30 =	vand.u32 v1, v30;
	[tilespmem:v15+s22+$0x0] =	vst.idx.add.f32.msk $0xffff, v39  }
0x55a: {  	v15 =	vmul.f32 v28, v42;
	v28 =	vmul.f32 v31, v43;
	[tilespmem:v16+s22+$0x0] =	vst.idx.add.f32.msk $0xffff, v41  }
0x55b: {  	v16 =	vmul.f32 v30, v43;
	[tilespmem:v32+s22+$0x0] =	vst.idx.add.f32.msk $0xffff, v26;
	v26 =	vand.u32 v2, v24  }
0x55c: {  	[tilespmem:v33+s22+$0x0] =	vst.idx.add.f32.msk $0xffff, v15  }
0x55d: {  	v15 =	vshll.u32 v25, $0x10;
	v25 =	vand.u32 v1, v25;
	[tilespmem:v35+s22+$0x0] =	vst.idx.add.f32.msk $0xffff, v28  }
0x55e: {  	v15 =	vmul.f32 v15, v46;
	[tilespmem:v36+s22+$0x0] =	vst.idx.add.f32.msk $0xffff, v16;
	v16 =	vmul.f32 v25, v46;
	v25 =	vshll.u32 v29, $0x10  }
0x55f: {  	v29 =	vand.u32 v1, v29;
	v28 =	vld [tilespmem:s31+$0xFFFFFF10];
	v25 =	vmul.f32 v25, v7  }
0x560: {  	v29 =	vmul.f32 v29, v7;
	v30 =	vld.idx.msk [tilespmem:v26+s3+$0x0], $0xffff  }
0x561: {  	[tilespmem:v22+s22+$0x0] =	vst.idx.add.f32.msk $0xffff, v15  }
0x562: {  	v22 =	vld [tilespmem:s28+$0x90]  }
0x563: {  	[tilespmem:v21+s22+$0x0] =	vst.idx.add.f32.msk $0xffff, v16  }
0x564: {  	v24 =	vshrl.u32 v24, $0xE;
	v16 =	vand.u32 v2, v28;
	v21 =	vshrl.u32 v28, $0xE;
	v28 =	vld [tilespmem:s31+$0xFFFFFF90]  }
0x565: {  	v34 =	vadd.s32 $0x2710, v24;
	v31 =	vadd.s32 $0x2710, v21;
	v32 =	vadd.s32 $0x2710, v16;
	v33 =	vld [tilespmem:s31+$0x10]  }
0x566: {  	v26 =	vadd.s32 $0x2710, v26;
	v36 =	vadd.s32 $0x4E20, v21;
	v37 =	vshll.u32 v30, $0x10;
	v35 =	vld [tilespmem:s28+$0xFFFFFF10]  }
0x567: {  	v15 =	vadd.s32 $0x7530, v21;
	v30 =	vand.u32 v1, v30;
	v38 =	vld [tilespmem:s28+$0xFFFFFF90];
	v37 =	vmul.f32 v37, v22  }
0x568: {  	v30 =	vmul.f32 v30, v22;
	v39 =	vld [tilespmem:s28+$0x10]  }
0x569: {  	v40 =	vand.u32 v2, v28;
	v28 =	vshrl.u32 v28, $0xE;
	[tilespmem:v24+s22+$0x0] =	vst.idx.add.f32.msk $0xffff, v37  }
0x56a: {  	v37 =	vadd.s32 $0x2710, v28;
	v41 =	vand.u32 v2, v33;
	v33 =	vshrl.u32 v33, $0xE;
	[tilespmem:v34+s22+$0x0] =	vst.idx.add.f32.msk $0xffff, v30  }
0x56b: {  	v30 =	vadd.s32 $0x2710, v40;
	v34 =	vadd.s32 $0x2710, v33;
	v42 =	vadd.s32 $0x2710, v41;
	v26 =	vld.idx.msk [tilespmem:v26+s3+$0x0], $0xffff  }
0x56c: {  	v43 =	vadd.s32 $0x4E20, v28;
	v44 =	vadd.s32 $0x7530, v28;
	v45 =	vadd.s32 $0x4E20, v33;
	v16 =	vld.idx.msk [tilespmem:v16+s3+$0x0], $0xffff  }
0x56d: {  	v46 =	vadd.s32 $0x7530, v33;
	[tilespmem:v18+s22+$0x0] =	vst.idx.add.f32.msk $0xffff, v23  }
0x56e: {  	v18 =	vld.idx.msk [tilespmem:v40+s3+$0x0], $0xffff  }
0x56f: {  	v40 =	vadd.s32 $0x4E20, v24;
	v23 =	vld.idx.msk [tilespmem:v41+s3+$0x0], $0xffff  }
0x570: {  	v24 =	vadd.s32 $0x7530, v24;
	[tilespmem:v20+s22+$0x0] =	vst.idx.add.f32.msk $0xffff, v27  }
0x571: {  	v20 =	vshll.u32 v26, $0x10;
	[tilespmem:v17+s22+$0x0] =	vst.idx.add.f32.msk $0xffff, v25  }
0x572: {  	v17 =	vshll.u32 v16, $0x10;
	v25 =	vand.u32 v1, v26;
	v20 =	vmul.f32 v20, v22;
	[tilespmem:v19+s22+$0x0] =	vst.idx.add.f32.msk $0xffff, v29  }
0x573: {  	v16 =	vand.u32 v1, v16;
	v17 =	vmul.f32 v17, v35;
	v19 =	vmul.f32 v25, v22;
	v13 =	vld.idx.msk [tilespmem:v13+s3+$0x0], $0xffff  }
0x574: {  	v16 =	vmul.f32 v16, v35;
	v22 =	vshll.u32 v18, $0x10;
	v18 =	vand.u32 v1, v18;
	[tilespmem:v40+s22+$0x0] =	vst.idx.add.f32.msk $0xffff, v20  }
0x575: {  	v20 =	vmul.f32 v22, v38;
	v22 =	vshll.u32 v23, $0x10;
	v23 =	vand.u32 v1, v23;
	[tilespmem:v24+s22+$0x0] =	vst.idx.add.f32.msk $0xffff, v19  }
0x576: {  	v18 =	vmul.f32 v18, v38;
	v19 =	vmul.f32 v22, v39;
	v22 =	vld [tilespmem:s31+$0xA0]  }
0x577: {  	[tilespmem:v21+s22+$0x0] =	vst.idx.add.f32.msk $0xffff, v17;
	v17 =	vmul.f32 v23, v39  }
0x578: {  	[tilespmem:v31+s22+$0x0] =	vst.idx.add.f32.msk $0xffff, v16  }
0x579: {  	v16 =	vshll.u32 v13, $0x10;
	v13 =	vand.u32 v1, v13;
	[tilespmem:v28+s22+$0x0] =	vst.idx.add.f32.msk $0xffff, v20  }
0x57a: {  	v16 =	vmul.f32 v16, v4;
	v4 =	vmul.f32 v13, v4;
	[tilespmem:v37+s22+$0x0] =	vst.idx.add.f32.msk $0xffff, v18  }
0x57b: {  	[tilespmem:v33+s22+$0x0] =	vst.idx.add.f32.msk $0xffff, v19;
	v13 =	vand.u32 v2, v22  }
0x57c: {  	[tilespmem:v34+s22+$0x0] =	vst.idx.add.f32.msk $0xffff, v17  }
0x57d: {  	v17 =	vld.idx.msk [tilespmem:v32+s3+$0x0], $0xffff  }
0x57e: {  	v18 =	vld.idx.msk [tilespmem:v30+s3+$0x0], $0xffff  }
0x57f: {  	v19 =	vld.idx.msk [tilespmem:v42+s3+$0x0], $0xffff  }
0x580: {  	v20 =	vld.idx.msk [tilespmem:v13+s3+$0x0], $0xffff  }
0x581: {  	v14 =	vld.idx.msk [tilespmem:v14+s3+$0x0], $0xffff  }
0x582: {  	v21 =	vld [tilespmem:s28+$0xA0]  }
0x583: {  	v23 =	vshll.u32 v17, $0x10;
	v17 =	vand.u32 v1, v17;
	v9 =	vld.idx.msk [tilespmem:v9+s3+$0x0], $0xffff  }
0x584: {  	v22 =	vshrl.u32 v22, $0xE;
	v24 =	vshll.u32 v18, $0x10;
	v18 =	vand.u32 v1, v18;
	[tilespmem:v6+s22+$0x0] =	vst.idx.add.f32.msk $0xffff, v16  }
0x585: {  	v25 =	vadd.s32 $0x2710, v22;
	v16 =	vshll.u32 v19, $0x10;
	v19 =	vand.u32 v1, v19;
	[tilespmem:v5+s22+$0x0] =	vst.idx.add.f32.msk $0xffff, v4  }
0x586: {  	v13 =	vadd.s32 $0x2710, v13;
	v4 =	vmul.f32 v23, v35;
	v5 =	vshll.u32 v20, $0x10;
	v23 =	vld [tilespmem:s26+$0xFFFFFF70]  }
0x587: {  	v17 =	vmul.f32 v17, v35;
	v20 =	vand.u32 v1, v20;
	v5 =	vmul.f32 v5, v21;
	v6 =	vld [tilespmem:s29+$0xFFFFFF70]  }
0x588: {  	v20 =	vmul.f32 v20, v21;
	[tilespmem:v36+s22+$0x0] =	vst.idx.add.f32.msk $0xffff, v4;
	v4 =	vmul.f32 v24, v38;
	v24 =	vshll.u32 v14, $0x10  }
0x589: {  	v18 =	vmul.f32 v18, v38;
	v26 =	vmul.f32 v16, v39;
	[tilespmem:v22+s22+$0x0] =	vst.idx.add.f32.msk $0xffff, v5;
	v5 =	vshll.u32 v9, $0x10  }
0x58a: {  	v19 =	vmul.f32 v19, v39;
	v14 =	vand.u32 v1, v14;
	[tilespmem:v25+s22+$0x0] =	vst.idx.add.f32.msk $0xffff, v20  }
0x58b: {  	v24 =	vmul.f32 v24, v8;
	v8 =	vmul.f32 v14, v8;
	v9 =	vand.u32 v1, v9;
	v20 =	vld.idx.msk [tilespmem:v13+s3+$0x0], $0xffff  }
0x58c: {  	v14 =	vmul.f32 v5, v7;
	v7 =	vmul.f32 v9, v7;
	[tilespmem:v15+s22+$0x0] =	vst.idx.add.f32.msk $0xffff, v17;
	v15 =	vshrl.u32 v23, $0xE  }
0x58d: {  	v13 =	vand.u32 v2, v23;
	[tilespmem:v43+s22+$0x0] =	vst.idx.add.f32.msk $0xffff, v4;
	v16 =	vadd.s32 $0x2710, v15;
	v5 =	vadd.s32 $0x4E20, v15  }
0x58e: {  	v9 =	vadd.s32 $0x2710, v13;
	v4 =	vadd.s32 $0x7530, v15;
	[tilespmem:v44+s22+$0x0] =	vst.idx.add.f32.msk $0xffff, v18  }
0x58f: {  	v17 =	vadd.s32 $0x4E20, v22;
	[tilespmem:v45+s22+$0x0] =	vst.idx.add.f32.msk $0xffff, v26  }
0x590: {  	v18 =	vadd.s32 $0x7530, v22;
	[tilespmem:v46+s22+$0x0] =	vst.idx.add.f32.msk $0xffff, v19  }
0x591: {  	v22 =	vshll.u32 v20, $0x10;
	v19 =	vld [tilespmem:s31+$0xFFFFFF20]  }
0x592: {  	v20 =	vand.u32 v1, v20;
	v22 =	vmul.f32 v22, v21;
	v23 =	vld [tilespmem:s31+$0xFFFFFFA0]  }
0x593: {  	v20 =	vmul.f32 v20, v21;
	v25 =	vld [tilespmem:s31+$0x20]  }
0x594: {  	[tilespmem:v17+s22+$0x0] =	vst.idx.add.f32.msk $0xffff, v22  }
0x595: {  	[tilespmem:v18+s22+$0x0] =	vst.idx.add.f32.msk $0xffff, v20  }
0x596: {  	v17 =	vand.u32 v2, v19;
	v18 =	vshrl.u32 v19, $0xE;
	v19 =	vld [tilespmem:s31+$0xB0]  }
0x597: {  	v21 =	vld [tilespmem:s28+$0xFFFFFF20];
	v20 =	vadd.s32 $0x2710, v18;
	v22 =	vand.u32 v2, v23;
	v23 =	vshrl.u32 v23, $0xE  }
0x598: {  	v26 =	vld [tilespmem:s28+$0xFFFFFFA0];
	v27 =	vadd.s32 $0x2710, v23;
	v28 =	vand.u32 v2, v25;
	v25 =	vshrl.u32 v25, $0xE  }
0x599: {  	v29 =	vadd.s32 $0x2710, v17;
	v30 =	vadd.s32 $0x2710, v22;
	v31 =	vld [tilespmem:s28+$0x20];
	v32 =	vadd.s32 $0x2710, v25  }
0x59a: {  	v33 =	vadd.s32 $0x4E20, v18;
	v34 =	vadd.s32 $0x7530, v18;
	v35 =	vadd.s32 $0x2710, v28;
	[tilespmem:v12+s22+$0x0] =	vst.idx.add.f32.msk $0xffff, v24  }
0x59b: {  	v36 =	vadd.s32 $0x7530, v23;
	v24 =	vadd.s32 $0x4E20, v23;
	v12 =	vld.idx.msk [tilespmem:v17+s3+$0x0], $0xffff;
	v17 =	vand.u32 v2, v19  }
0x59c: {  	v37 =	vadd.s32 $0x4E20, v25;
	v38 =	vadd.s32 $0x7530, v25;
	v22 =	vld.idx.msk [tilespmem:v22+s3+$0x0], $0xffff  }
0x59d: {  	v28 =	vld.idx.msk [tilespmem:v28+s3+$0x0], $0xffff  }
0x59e: {  	[tilespmem:v10+s22+$0x0] =	vst.idx.add.f32.msk $0xffff, v8  }
0x59f: {  	[tilespmem:v11+s22+$0x0] =	vst.idx.add.f32.msk $0xffff, v14  }
0x5a0: {  	v8 =	vld.idx.msk [tilespmem:v17+s3+$0x0], $0xffff  }
0x5a1: {  	v10 =	vshll.u32 v12, $0x10;
	v11 =	vand.u32 v1, v12;
	[tilespmem:v3+s22+$0x0] =	vst.idx.add.f32.msk $0xffff, v7  }
0x5a2: {  	v3 =	vmul.f32 v10, v21;
	v7 =	vshll.u32 v22, $0x10;
	v10 =	vand.u32 v1, v22;
	v14 =	vld [tilespmem:s28+$0xB0]  }
0x5a3: {  	v11 =	vmul.f32 v11, v21;
	v12 =	vshll.u32 v28, $0x10;
	v22 =	vand.u32 v1, v28;
	v28 =	vld [tilespmem:s26+$0xFFFFFFF0]  }
0x5a4: {  	[tilespmem:v18+s22+$0x0] =	vst.idx.add.f32.msk $0xffff, v3;
	v3 =	vmul.f32 v7, v26;
	v7 =	vmul.f32 v10, v26;
	v10 =	vshrl.u32 v19, $0xE  }
0x5a5: {  	v18 =	vmul.f32 v22, v31;
	[tilespmem:v20+s22+$0x0] =	vst.idx.add.f32.msk $0xffff, v11;
	v11 =	vmul.f32 v12, v31;
	v19 =	vadd.s32 $0x2710, v10  }
0x5a6: {  	v22 =	vadd.s32 $0x2710, v17;
	[tilespmem:v23+s22+$0x0] =	vst.idx.add.f32.msk $0xffff, v3;
	v3 =	vshll.u32 v8, $0x10  }
0x5a7: {  	[tilespmem:v27+s22+$0x0] =	vst.idx.add.f32.msk $0xffff, v7;
	v7 =	vand.u32 v1, v8;
	v3 =	vmul.f32 v3, v14  }
0x5a8: {  	[tilespmem:v25+s22+$0x0] =	vst.idx.add.f32.msk $0xffff, v11;
	v7 =	vmul.f32 v7, v14;
	v11 =	vand.u32 v2, v28;
	v20 =	vshrl.u32 v28, $0xE  }
0x5a9: {  	[tilespmem:v10+s22+$0x0] =	vst.idx.add.f32.msk $0xffff, v3;
	v17 =	vadd.s32 $0x2710, v20;
	v12 =	vadd.s32 $0x2710, v11;
	v8 =	vadd.s32 $0x4E20, v20  }
0x5aa: {  	[tilespmem:v19+s22+$0x0] =	vst.idx.add.f32.msk $0xffff, v7;
	v7 =	vadd.s32 $0x7530, v20  }
0x5ab: {  	v3 =	vld.idx.msk [tilespmem:v22+s3+$0x0], $0xffff  }
0x5ac: {  	[tilespmem:v32+s22+$0x0] =	vst.idx.add.f32.msk $0xffff, v18  }
0x5ad: {  	v18 =	vld.idx.msk [tilespmem:v29+s3+$0x0], $0xffff  }
0x5ae: {  	v19 =	vld.idx.msk [tilespmem:v30+s3+$0x0], $0xffff  }
0x5af: {  	v23 =	vadd.s32 $0x4E20, v10;
	v22 =	vld.idx.msk [tilespmem:v35+s3+$0x0], $0xffff  }
0x5b0: {  	v10 =	vadd.s32 $0x7530, v10;
	v25 =	vld [tilespmem:s26+$0x70];
	s26 =	smov.u32 s31  }
0x5b1: {  	v27 =	vshll.u32 v3, $0x10;
	v13 =	vld.idx.msk [tilespmem:v13+s3+$0x0], $0xffff  }
0x5b2: {  	v3 =	vand.u32 v1, v3;
	v27 =	vmul.f32 v27, v14;
	v28 =	vld.idx.msk [tilespmem:v11+s3+$0x0], $0xffff  }
0x5b3: {  	v3 =	vmul.f32 v3, v14;
	v29 =	vshll.u32 v18, $0x10;
	v18 =	vand.u32 v1, v18;
	v11 =	vld [tilespmem:s29+$0xFFFFFFF0]  }
0x5b4: {  	v14 =	vmul.f32 v29, v21;
	v29 =	vshll.u32 v19, $0x10;
	v19 =	vand.u32 v1, v19;
	[tilespmem:v23+s22+$0x0] =	vst.idx.add.f32.msk $0xffff, v27  }
0x5b5: {  	v18 =	vmul.f32 v18, v21;
	v21 =	vshll.u32 v22, $0x10;
	v22 =	vand.u32 v1, v22;
	[tilespmem:v10+s22+$0x0] =	vst.idx.add.f32.msk $0xffff, v3  }
0x5b6: {  	v3 =	vmul.f32 v29, v26;
	v10 =	vmul.f32 v19, v26;
	v26 =	vand.u32 v2, v25;
	v23 =	vld [tilespmem:s31+$0xC0]  }
0x5b7: {  	v22 =	vmul.f32 v22, v31;
	v19 =	vshll.u32 v13, $0x10;
	[tilespmem:v33+s22+$0x0] =	vst.idx.add.f32.msk $0xffff, v14;
	v14 =	vmul.f32 v21, v31  }
0x5b8: {  	v13 =	vand.u32 v1, v13;
	v21 =	vshll.u32 v28, $0x10;
	v27 =	vand.u32 v1, v28;
	[tilespmem:v34+s22+$0x0] =	vst.idx.add.f32.msk $0xffff, v18  }
0x5b9: {  	v28 =	vmul.f32 v13, v6;
	v18 =	vshrl.u32 v25, $0xE;
	[tilespmem:v24+s22+$0x0] =	vst.idx.add.f32.msk $0xffff, v3;
	v24 =	vmul.f32 v19, v6  }
0x5ba: {  	v25 =	vmul.f32 v21, v11;
	v21 =	vmul.f32 v27, v11;
	v19 =	vadd.s32 $0x2710, v18;
	[tilespmem:v36+s22+$0x0] =	vst.idx.add.f32.msk $0xffff, v10  }
0x5bb: {  	v13 =	vadd.s32 $0x2710, v26;
	v10 =	vadd.s32 $0x4E20, v18;
	[tilespmem:v37+s22+$0x0] =	vst.idx.add.f32.msk $0xffff, v14;
	v14 =	vand.u32 v2, v23  }
0x5bc: {  	v3 =	vadd.s32 $0x7530, v18;
	[tilespmem:v38+s22+$0x0] =	vst.idx.add.f32.msk $0xffff, v22  }
0x5bd: {  	v22 =	vld [tilespmem:s31+$0xFFFFFF30]  }
0x5be: {  	v27 =	vld [tilespmem:s31+$0xFFFFFFB0]  }
0x5bf: {  	v29 =	vld [tilespmem:s31+$0x30]  }
0x5c0: {  	v30 =	vld.idx.msk [tilespmem:v14+s3+$0x0], $0xffff  }
0x5c1: {  	v31 =	vld [tilespmem:s28+$0xFFFFFF30]  }
0x5c2: {  	v32 =	vand.u32 v2, v22;
	v33 =	vshrl.u32 v22, $0xE;
	v34 =	vld [tilespmem:s28+$0xC0]  }
0x5c3: {  	v35 =	vadd.s32 $0x2710, v33;
	v22 =	vand.u32 v2, v27;
	v27 =	vshrl.u32 v27, $0xE;
	v36 =	vld [tilespmem:s28+$0xFFFFFFB0]  }
0x5c4: {  	v23 =	vshrl.u32 v23, $0xE;
	v37 =	vand.u32 v2, v29;
	v29 =	vshrl.u32 v29, $0xE;
	v38 =	vld [tilespmem:s28+$0x30]  }
0x5c5: {  	v41 =	vadd.s32 $0x2710, v23;
	v39 =	vadd.s32 $0x2710, v27;
	v40 =	vadd.s32 $0x2710, v29;
	v26 =	vld.idx.msk [tilespmem:v26+s3+$0x0], $0xffff  }
0x5c6: {  	v44 =	vadd.s32 $0x2710, v14;
	v42 =	vadd.s32 $0x2710, v32;
	v43 =	vshll.u32 v30, $0x10;
	v14 =	vld [tilespmem:s29+$0x70];
	s29 =	smov.u32 s28  }
0x5c7: {  	v45 =	vadd.s32 $0x2710, v22;
	v30 =	vand.u32 v1, v30;
	v32 =	vld.idx.msk [tilespmem:v32+s3+$0x0], $0xffff;
	v43 =	vmul.f32 v43, v34  }
0x5c8: {  	v46 =	vadd.s32 $0x4E20, v33;
	v48 =	vadd.s32 $0x2710, v37;
	v47 =	vld.idx.msk [tilespmem:v22+s3+$0x0], $0xffff;
	v22 =	vmul.f32 v30, v34  }
0x5c9: {  	v49 =	vadd.s32 $0x4E20, v27;
	v50 =	vadd.s32 $0x7530, v27;
	v30 =	vadd.s32 $0x7530, v33;
	[tilespmem:v23+s22+$0x0] =	vst.idx.add.f32.msk $0xffff, v43  }
0x5ca: {  	v51 =	vadd.s32 $0x7530, v29;
	v43 =	vadd.s32 $0x4E20, v29;
	[tilespmem:v41+s22+$0x0] =	vst.idx.add.f32.msk $0xffff, v22  }
0x5cb: {  	v22 =	vshll.u32 v26, $0x10;
	v26 =	vand.u32 v1, v26;
	v41 =	vld.idx.msk [tilespmem:v44+s3+$0x0], $0xffff  }
0x5cc: {  	v44 =	vmul.f32 v22, v14;
	v22 =	vmul.f32 v26, v14;
	v37 =	vld.idx.msk [tilespmem:v37+s3+$0x0], $0xffff  }
0x5cd: {  	v26 =	vshll.u32 v32, $0x10;
	v32 =	vand.u32 v1, v32;
	[tilespmem:v15+s22+$0x0] =	vst.idx.add.f32.msk $0xffff, v24  }
0x5ce: {  	v15 =	vmul.f32 v26, v31;
	v24 =	vshll.u32 v47, $0x10;
	v26 =	vand.u32 v1, v47;
	[tilespmem:v16+s22+$0x0] =	vst.idx.add.f32.msk $0xffff, v28  }
0x5cf: {  	v16 =	vmul.f32 v32, v31;
	v24 =	vmul.f32 v24, v36;
	v28 =	vadd.s32 $0x4E20, v23;
	[tilespmem:v20+s22+$0x0] =	vst.idx.add.f32.msk $0xffff, v25  }
0x5d0: {  	v20 =	vadd.s32 $0x7530, v23;
	[tilespmem:v33+s22+$0x0] =	vst.idx.add.f32.msk $0xffff, v15;
	v15 =	vmul.f32 v26, v36  }
0x5d1: {  	[tilespmem:v35+s22+$0x0] =	vst.idx.add.f32.msk $0xffff, v16;
	v16 =	vshll.u32 v41, $0x10  }
0x5d2: {  	v23 =	vshll.u32 v37, $0x10;
	[tilespmem:v27+s22+$0x0] =	vst.idx.add.f32.msk $0xffff, v24;
	v24 =	vand.u32 v1, v41;
	v16 =	vmul.f32 v16, v34  }
0x5d3: {  	v26 =	vand.u32 v1, v37;
	v23 =	vmul.f32 v23, v38;
	v25 =	vld.idx.msk [tilespmem:v42+s3+$0x0], $0xffff;
	v24 =	vmul.f32 v24, v34  }
0x5d4: {  	v26 =	vmul.f32 v26, v38;
	[tilespmem:v28+s22+$0x0] =	vst.idx.add.f32.msk $0xffff, v16  }
0x5d5: {  	[tilespmem:v20+s22+$0x0] =	vst.idx.add.f32.msk $0xffff, v24  }
0x5d6: {  	v16 =	vld [tilespmem:s31+$0xD0]  }
0x5d7: {  	[tilespmem:v39+s22+$0x0] =	vst.idx.add.f32.msk $0xffff, v15  }
0x5d8: {  	[tilespmem:v29+s22+$0x0] =	vst.idx.add.f32.msk $0xffff, v23  }
0x5d9: {  	v15 =	vshll.u32 v25, $0x10;
	v20 =	vand.u32 v1, v25;
	[tilespmem:v40+s22+$0x0] =	vst.idx.add.f32.msk $0xffff, v26  }
0x5da: {  	v15 =	vmul.f32 v15, v31;
	v20 =	vmul.f32 v20, v31;
	v23 =	vld.idx.msk [tilespmem:v45+s3+$0x0], $0xffff  }
0x5db: {  	v24 =	vld.idx.msk [tilespmem:v48+s3+$0x0], $0xffff;
	v25 =	vand.u32 v2, v16  }
0x5dc: {  	[tilespmem:v46+s22+$0x0] =	vst.idx.add.f32.msk $0xffff, v15  }
0x5dd: {  	[tilespmem:v30+s22+$0x0] =	vst.idx.add.f32.msk $0xffff, v20  }
0x5de: {  	v15 =	vld [tilespmem:s31+$0xFFFFFF40]  }
0x5df: {  	v20 =	vld [tilespmem:s28+$0xFFFFFF40]  }
0x5e0: {  	v26 =	vshll.u32 v23, $0x10;
	v23 =	vand.u32 v1, v23;
	v27 =	vld.idx.msk [tilespmem:v25+s3+$0x0], $0xffff  }
0x5e1: {  	v26 =	vmul.f32 v26, v36;
	v28 =	vshll.u32 v24, $0x10;
	v24 =	vand.u32 v1, v24;
	[tilespmem:v17+s22+$0x0] =	vst.idx.add.f32.msk $0xffff, v21  }
0x5e2: {  	v17 =	vmul.f32 v23, v36;
	v21 =	vmul.f32 v28, v38;
	v23 =	vld [tilespmem:s28+$0xD0]  }
0x5e3: {  	v24 =	vmul.f32 v24, v38;
	v28 =	vand.u32 v2, v15;
	v15 =	vshrl.u32 v15, $0xE;
	[tilespmem:v49+s22+$0x0] =	vst.idx.add.f32.msk $0xffff, v26  }
0x5e4: {  	v16 =	vshrl.u32 v16, $0xE;
	v26 =	vadd.s32 $0x2710, v15;
	v29 =	vadd.s32 $0x2710, v28;
	[tilespmem:v50+s22+$0x0] =	vst.idx.add.f32.msk $0xffff, v17  }
0x5e5: {  	v17 =	vadd.s32 $0x4E20, v15;
	v30 =	vadd.s32 $0x7530, v15;
	[tilespmem:v43+s22+$0x0] =	vst.idx.add.f32.msk $0xffff, v21;
	v21 =	vadd.s32 $0x2710, v16  }
0x5e6: {  	v25 =	vadd.s32 $0x2710, v25;
	[tilespmem:v51+s22+$0x0] =	vst.idx.add.f32.msk $0xffff, v24;
	v24 =	vshll.u32 v27, $0x10  }
0x5e7: {  	v27 =	vand.u32 v1, v27;
	v31 =	vld [tilespmem:s31+$0xFFFFFFC0];
	v24 =	vmul.f32 v24, v23  }
0x5e8: {  	v27 =	vmul.f32 v27, v23;
	v32 =	vld [tilespmem:s31+$0x40]  }
0x5e9: {  	[tilespmem:v16+s22+$0x0] =	vst.idx.add.f32.msk $0xffff, v24  }
0x5ea: {  	[tilespmem:v21+s22+$0x0] =	vst.idx.add.f32.msk $0xffff, v27  }
0x5eb: {  	v21 =	vld.idx.msk [tilespmem:v25+s3+$0x0], $0xffff  }
0x5ec: {  	v24 =	vld.idx.msk [tilespmem:v28+s3+$0x0], $0xffff;
	v25 =	vand.u32 v2, v31;
	v27 =	vshrl.u32 v31, $0xE  }
0x5ed: {  	v28 =	vld [tilespmem:s28+$0xFFFFFFC0];
	v31 =	vadd.s32 $0x2710, v27;
	v33 =	vand.u32 v2, v32;
	v32 =	vshrl.u32 v32, $0xE  }
0x5ee: {  	v34 =	vadd.s32 $0x2710, v25;
	v35 =	vld [tilespmem:s28+$0x40];
	v36 =	vadd.s32 $0x2710, v32;
	v37 =	vadd.s32 $0x2710, v33  }
0x5ef: {  	v40 =	vadd.s32 $0x4E20, v16;
	v38 =	vadd.s32 $0x4E20, v27;
	v39 =	vadd.s32 $0x7530, v27;
	[tilespmem:v18+s22+$0x0] =	vst.idx.add.f32.msk $0xffff, v44  }
0x5f0: {  	v16 =	vadd.s32 $0x7530, v16;
	v41 =	vadd.s32 $0x7530, v32;
	v18 =	vadd.s32 $0x4E20, v32;
	[tilespmem:v19+s22+$0x0] =	vst.idx.add.f32.msk $0xffff, v22  }
0x5f1: {  	v22 =	vshll.u32 v21, $0x10;
	v19 =	vld.idx.msk [tilespmem:v25+s3+$0x0], $0xffff  }
0x5f2: {  	v21 =	vand.u32 v1, v21;
	v25 =	vshll.u32 v24, $0x10;
	v22 =	vmul.f32 v22, v23;
	v33 =	vld.idx.msk [tilespmem:v33+s3+$0x0], $0xffff  }
0x5f3: {  	v24 =	vand.u32 v1, v24;
	v21 =	vmul.f32 v21, v23;
	v25 =	vmul.f32 v25, v20;
	v9 =	vld.idx.msk [tilespmem:v9+s3+$0x0], $0xffff  }
0x5f4: {  	v23 =	vmul.f32 v24, v20;
	[tilespmem:v40+s22+$0x0] =	vst.idx.add.f32.msk $0xffff, v22  }
0x5f5: {  	[tilespmem:v16+s22+$0x0] =	vst.idx.add.f32.msk $0xffff, v21  }
0x5f6: {  	v16 =	vld [tilespmem:s31+$0xE0]  }
0x5f7: {  	[tilespmem:v15+s22+$0x0] =	vst.idx.add.f32.msk $0xffff, v25;
	v15 =	vshll.u32 v19, $0x10;
	v19 =	vand.u32 v1, v19  }
0x5f8: {  	v21 =	vshll.u32 v33, $0x10;
	v22 =	vand.u32 v1, v33;
	[tilespmem:v26+s22+$0x0] =	vst.idx.add.f32.msk $0xffff, v23;
	v15 =	vmul.f32 v15, v28  }
0x5f9: {  	v19 =	vmul.f32 v19, v28;
	v21 =	vmul.f32 v21, v35;
	v24 =	vshll.u32 v9, $0x10;
	v23 =	vld.idx.msk [tilespmem:v29+s3+$0x0], $0xffff  }
0x5fa: {  	v9 =	vand.u32 v1, v9;
	[tilespmem:v27+s22+$0x0] =	vst.idx.add.f32.msk $0xffff, v15;
	v15 =	vmul.f32 v22, v35  }
0x5fb: {  	v22 =	vmul.f32 v24, v6;
	[tilespmem:v31+s22+$0x0] =	vst.idx.add.f32.msk $0xffff, v19;
	v19 =	vand.u32 v2, v16  }
0x5fc: {  	v6 =	vmul.f32 v9, v6;
	[tilespmem:v32+s22+$0x0] =	vst.idx.add.f32.msk $0xffff, v21  }
0x5fd: {  	[tilespmem:v36+s22+$0x0] =	vst.idx.add.f32.msk $0xffff, v15  }
0x5fe: {  	v9 =	vld.idx.msk [tilespmem:v34+s3+$0x0], $0xffff  }
0x5ff: {  	v15 =	vshll.u32 v23, $0x10;
	v21 =	vand.u32 v1, v23;
	v23 =	vld.idx.msk [tilespmem:v37+s3+$0x0], $0xffff  }
0x600: {  	v15 =	vmul.f32 v15, v20;
	v20 =	vmul.f32 v21, v20;
	v21 =	vld.idx.msk [tilespmem:v19+s3+$0x0], $0xffff  }
0x601: {  	v12 =	vld.idx.msk [tilespmem:v12+s3+$0x0], $0xffff  }
0x602: {  	v24 =	vld [tilespmem:s28+$0xE0]  }
0x603: {  	[tilespmem:v17+s22+$0x0] =	vst.idx.add.f32.msk $0xffff, v15  }
0x604: {  	v16 =	vshrl.u32 v16, $0xE;
	v15 =	vshll.u32 v9, $0x10;
	v9 =	vand.u32 v1, v9;
	[tilespmem:v30+s22+$0x0] =	vst.idx.add.f32.msk $0xffff, v20  }
0x605: {  	v25 =	vadd.s32 $0x2710, v16;
	v20 =	vshll.u32 v23, $0x10;
	v23 =	vand.u32 v1, v23;
	v17 =	vld [tilespmem:s31+$0xFFFFFF50]  }
0x606: {  	v19 =	vadd.s32 $0x2710, v19;
	v15 =	vmul.f32 v15, v28;
	v27 =	vshll.u32 v21, $0x10;
	v26 =	vld [tilespmem:s28+$0xFFFFFF50]  }
0x607: {  	v9 =	vmul.f32 v9, v28;
	v21 =	vand.u32 v1, v21;
	v27 =	vmul.f32 v27, v24;
	v13 =	vld.idx.msk [tilespmem:v13+s3+$0x0], $0xffff  }
0x608: {  	[tilespmem:v38+s22+$0x0] =	vst.idx.add.f32.msk $0xffff, v15;
	v15 =	vmul.f32 v20, v35;
	v20 =	vmul.f32 v21, v24;
	v21 =	vshll.u32 v12, $0x10  }
0x609: {  	v23 =	vmul.f32 v23, v35;
	v12 =	vand.u32 v1, v12;
	[tilespmem:v16+s22+$0x0] =	vst.idx.add.f32.msk $0xffff, v27  }
0x60a: {  	v27 =	vand.u32 v2, v17;
	v17 =	vshrl.u32 v17, $0xE;
	[tilespmem:v25+s22+$0x0] =	vst.idx.add.f32.msk $0xffff, v20;
	v20 =	vmul.f32 v21, v11  }
0x60b: {  	v21 =	vadd.s32 $0x2710, v17;
	v25 =	vadd.s32 $0x2710, v27;
	v28 =	vadd.s32 $0x4E20, v17;
	v19 =	vld.idx.msk [tilespmem:v19+s3+$0x0], $0xffff  }
0x60c: {  	v11 =	vmul.f32 v12, v11;
	v29 =	vadd.s32 $0x7530, v17;
	[tilespmem:v39+s22+$0x0] =	vst.idx.add.f32.msk $0xffff, v9  }
0x60d: {  	v9 =	vshll.u32 v13, $0x10;
	v12 =	vand.u32 v1, v13;
	[tilespmem:v18+s22+$0x0] =	vst.idx.add.f32.msk $0xffff, v15  }
0x60e: {  	v13 =	vmul.f32 v9, v14;
	v9 =	vmul.f32 v12, v14;
	[tilespmem:v41+s22+$0x0] =	vst.idx.add.f32.msk $0xffff, v23  }
0x60f: {  	v14 =	vadd.s32 $0x4E20, v16;
	v12 =	vld [tilespmem:s31+$0xFFFFFFD0]  }
0x610: {  	v16 =	vadd.s32 $0x7530, v16;
	v15 =	vld [tilespmem:s31+$0x50]  }
0x611: {  	v23 =	vshll.u32 v19, $0x10;
	v18 =	vld.idx.msk [tilespmem:v27+s3+$0x0], $0xffff  }
0x612: {  	v19 =	vand.u32 v1, v19;
	v23 =	vmul.f32 v23, v24;
	v27 =	vld [tilespmem:s28+$0xFFFFFFD0]  }
0x613: {  	v19 =	vmul.f32 v19, v24;
	v30 =	vld [tilespmem:s28+$0x50]  }
0x614: {  	v24 =	vand.u32 v2, v12;
	v12 =	vshrl.u32 v12, $0xE;
	[tilespmem:v14+s22+$0x0] =	vst.idx.add.f32.msk $0xffff, v23  }
0x615: {  	v14 =	vadd.s32 $0x2710, v12;
	v23 =	vand.u32 v2, v15;
	v15 =	vshrl.u32 v15, $0xE;
	[tilespmem:v16+s22+$0x0] =	vst.idx.add.f32.msk $0xffff, v19  }
0x616: {  	v16 =	vadd.s32 $0x2710, v24;
	v19 =	vadd.s32 $0x2710, v15;
	v31 =	vadd.s32 $0x2710, v23;
	v32 =	vld [tilespmem:s31+$0xF0]  }
0x617: {  	v34 =	vadd.s32 $0x4E20, v12;
	v33 =	vshll.u32 v18, $0x10;
	v18 =	vand.u32 v1, v18;
	[tilespmem:v5+s22+$0x0] =	vst.idx.add.f32.msk $0xffff, v22  }
0x618: {  	v5 =	vmul.f32 v33, v26;
	v18 =	vmul.f32 v18, v26;
	v22 =	vadd.s32 $0x7530, v12;
	[tilespmem:v4+s22+$0x0] =	vst.idx.add.f32.msk $0xffff, v6  }
0x619: {  	v6 =	vadd.s32 $0x4E20, v15;
	v4 =	vld.idx.msk [tilespmem:v24+s3+$0x0], $0xffff;
	v24 =	vadd.s32 $0x7530, v15  }
0x61a: {  	v23 =	vld.idx.msk [tilespmem:v23+s3+$0x0], $0xffff  }
0x61b: {  	[tilespmem:v17+s22+$0x0] =	vst.idx.add.f32.msk $0xffff, v5;
	v5 =	vand.u32 v2, v32  }
0x61c: {  	[tilespmem:v21+s22+$0x0] =	vst.idx.add.f32.msk $0xffff, v18  }
0x61d: {  	v17 =	vld.idx.msk [tilespmem:v25+s3+$0x0], $0xffff  }
0x61e: {  	[tilespmem:v8+s22+$0x0] =	vst.idx.add.f32.msk $0xffff, v20  }
0x61f: {  	v8 =	vshll.u32 v4, $0x10;
	v4 =	vand.u32 v1, v4;
	[tilespmem:v7+s22+$0x0] =	vst.idx.add.f32.msk $0xffff, v11  }
0x620: {  	v7 =	vmul.f32 v8, v27;
	v8 =	vshll.u32 v23, $0x10;
	v11 =	vand.u32 v1, v23;
	v18 =	vld.idx.msk [tilespmem:v5+s3+$0x0], $0xffff  }
0x621: {  	v4 =	vmul.f32 v4, v27;
	v8 =	vmul.f32 v8, v30;
	[tilespmem:v10+s22+$0x0] =	vst.idx.add.f32.msk $0xffff, v13  }
0x622: {  	v10 =	vmul.f32 v11, v30;
	v11 =	vld [tilespmem:s28+$0xF0]  }
0x623: {  	v13 =	vshll.u32 v17, $0x10;
	v17 =	vand.u32 v1, v17;
	[tilespmem:v12+s22+$0x0] =	vst.idx.add.f32.msk $0xffff, v7  }
0x624: {  	v7 =	vmul.f32 v13, v26;
	v12 =	vmul.f32 v17, v26;
	v13 =	vshrl.u32 v32, $0xE;
	[tilespmem:v14+s22+$0x0] =	vst.idx.add.f32.msk $0xffff, v4  }
0x625: {  	v4 =	vadd.s32 $0x2710, v13;
	[tilespmem:v15+s22+$0x0] =	vst.idx.add.f32.msk $0xffff, v8  }
0x626: {  	v5 =	vadd.s32 $0x2710, v5;
	v8 =	vshll.u32 v18, $0x10;
	[tilespmem:v19+s22+$0x0] =	vst.idx.add.f32.msk $0xffff, v10  }
0x627: {  	v14 =	vand.u32 v1, v18;
	v10 =	vld.idx.msk [tilespmem:v16+s3+$0x0], $0xffff;
	v8 =	vmul.f32 v8, v11  }
0x628: {  	v14 =	vmul.f32 v14, v11;
	v15 =	vld.idx.msk [tilespmem:v31+s3+$0x0], $0xffff  }
0x629: {  	[tilespmem:v13+s22+$0x0] =	vst.idx.add.f32.msk $0xffff, v8  }
0x62a: {  	[tilespmem:v4+s22+$0x0] =	vst.idx.add.f32.msk $0xffff, v14  }
0x62b: {  	v5 =	vld.idx.msk [tilespmem:v5+s3+$0x0], $0xffff  }
0x62c: {  	[tilespmem:v28+s22+$0x0] =	vst.idx.add.f32.msk $0xffff, v7  }
0x62d: {  	v4 =	vshll.u32 v10, $0x10;
	v7 =	vand.u32 v1, v10;
	[tilespmem:v29+s22+$0x0] =	vst.idx.add.f32.msk $0xffff, v12  }
0x62e: {  	v10 =	vmul.f32 v4, v27;
	v12 =	vshll.u32 v15, $0x10;
	v14 =	vand.u32 v1, v15;
	v8 =	vld [tilespmem:s31+$0xFFFFFF60]  }
0x62f: {  	v17 =	vadd.s32 $0x4E20, v13;
	v7 =	vmul.f32 v7, v27;
	v12 =	vmul.f32 v12, v30;
	v4 =	vld [tilespmem:s28+$0xFFFFFF60]  }
0x630: {  	[tilespmem:v34+s22+$0x0] =	vst.idx.add.f32.msk $0xffff, v10;
	v10 =	vmul.f32 v14, v30;
	v14 =	vadd.s32 $0x7530, v13  }
.Ltmp2:
0x631: {  	[tilespmem:v22+s22+$0x0] =	vst.idx.add.f32.msk $0xffff, v7;
	v7 =	vshll.u32 v5, $0x10;
	(pc) =	sbr.rel @p1 .LBB2_7-.Ltmp2, $4  }
0x632: {  	v5 =	vand.u32 v1, v5;
	[tilespmem:v6+s22+$0x0] =	vst.idx.add.f32.msk $0xffff, v12;
	v12 =	vmul.f32 v7, v11  }
0x633: {  	v7 =	vand.u32 v2, v8;
	v15 =	vshrl.u32 v8, $0xE;
	[tilespmem:v24+s22+$0x0] =	vst.idx.add.f32.msk $0xffff, v10;
	v8 =	vmul.f32 v5, v11  }
0x634: {  	v16 =	vadd.s32 $0x2710, v15;
	v13 =	vadd.s32 $0x2710, v7;
	v6 =	vadd.s32 $0x4E20, v15;
	[tilespmem:v17+s22+$0x0] =	vst.idx.add.f32.msk $0xffff, v12  }
0x635: {  	s31 =	sadd.s32 $0x200, s31;
	v5 =	vadd.s32 $0x7530, v15;
	[tilespmem:v14+s22+$0x0] =	vst.idx.add.f32.msk $0xffff, v8  }
0x636: {  	v8 =	vld [tilespmem:s26+$0xFFFFFFE0]  }
0x637: {  	v10 =	vld [tilespmem:s26+$0x60];
	_ =	sdelay $0x3  }
0x638: {  	v11 =	vand.u32 v2, v8  }
0x639: {  	v12 =	vand.u32 v2, v10  }
0x63a: {  	v7 =	vld.idx.msk [tilespmem:v7+s3+$0x0], $0xffff;
	_ =	sdelay $0x1  }
0x63b: {  	v17 =	vld [tilespmem:s28+$0xFFFFFFE0]  }
0x63c: {  	v14 =	vld.idx.msk [tilespmem:v11+s3+$0x0], $0xffff  }
0x63d: {  	v19 =	vld.idx.msk [tilespmem:v12+s3+$0x0], $0xffff  }
0x63e: {  	v20 =	vld [tilespmem:s28+$0x60];
	v18 =	vshll.u32 v7, $0x10  }
0x63f: {  	v7 =	vand.u32 v1, v7;
	v8 =	vshrl.u32 v8, $0xE;
	v18 =	vmul.f32 v18, v4  }
0x640: {  	v10 =	vshrl.u32 v10, $0xE;
	v7 =	vmul.f32 v7, v4  }
0x641: {  	v21 =	vadd.s32 $0x2710, v8;
	[tilespmem:v15+s22+$0x0] =	vst.idx.add.f32.msk $0xffff, v18;
	v22 =	vshll.u32 v14, $0x10  }
0x642: {  	v23 =	vadd.s32 $0x2710, v10;
	[tilespmem:v16+s22+$0x0] =	vst.idx.add.f32.msk $0xffff, v7;
	v24 =	vshll.u32 v19, $0x10;
	v22 =	vmul.f32 v22, v17  }
0x643: {  	v11 =	vadd.s32 $0x2710, v11;
	v13 =	vld.idx.msk [tilespmem:v13+s3+$0x0], $0xffff;
	v14 =	vand.u32 v1, v14;
	v16 =	vmul.f32 v24, v20  }
0x644: {  	v12 =	vadd.s32 $0x2710, v12;
	v25 =	vand.u32 v1, v19;
	v14 =	vmul.f32 v14, v17;
	[tilespmem:v8+s22+$0x0] =	vst.idx.add.f32.msk $0xffff, v22  }
0x645: {  	v26 =	vmul.f32 v25, v20;
	[tilespmem:v10+s22+$0x0] =	vst.idx.add.f32.msk $0xffff, v16  }
0x646: {  	[tilespmem:v21+s22+$0x0] =	vst.idx.add.f32.msk $0xffff, v14  }
0x647: {  	[tilespmem:v23+s22+$0x0] =	vst.idx.add.f32.msk $0xffff, v26  }
0x648: {  	v11 =	vld.idx.msk [tilespmem:v11+s3+$0x0], $0xffff  }
0x649: {  	v12 =	vld.idx.msk [tilespmem:v12+s3+$0x0], $0xffff  }
0x64a: {  	v27 =	vshll.u32 v13, $0x10  }
0x64b: {  	v28 =	vadd.s32 $0x4E20, v8;
	v13 =	vand.u32 v1, v13;
	v7 =	vmul.f32 v27, v4  }
0x64c: {  	v31 =	vadd.s32 $0x4E20, v10;
	v29 =	vmul.f32 v13, v4  }
0x64d: {  	v8 =	vadd.s32 $0x7530, v8;
	[tilespmem:v6+s22+$0x0] =	vst.idx.add.f32.msk $0xffff, v7;
	v30 =	vshll.u32 v11, $0x10  }
0x64e: {  	v34 =	vadd.s32 $0x7530, v10;
	[tilespmem:v5+s22+$0x0] =	vst.idx.add.f32.msk $0xffff, v29;
	v36 =	vshll.u32 v12, $0x10;
	v33 =	vmul.f32 v30, v17  }
0x64f: {  	v35 =	vld [tilespmem:s26+$0xFFFFFF70];
	v32 =	vand.u32 v1, v11;
	v11 =	vmul.f32 v36, v20  }
0x650: {  	v37 =	vand.u32 v1, v12;
	v4 =	vmul.f32 v32, v17;
	[tilespmem:v28+s22+$0x0] =	vst.idx.add.f32.msk $0xffff, v33  }
0x651: {  	v38 =	vmul.f32 v37, v20;
	[tilespmem:v31+s22+$0x0] =	vst.idx.add.f32.msk $0xffff, v11  }
0x652: {  	[tilespmem:v8+s22+$0x0] =	vst.idx.add.f32.msk $0xffff, v4  }
0x653: {  	[tilespmem:v34+s22+$0x0] =	vst.idx.add.f32.msk $0xffff, v38  }
0x654: {  	v39 =	vld [tilespmem:s26+$0xFFFFFFF0]  }
0x655: {  	v6 =	vld [tilespmem:s26+$0x70]  }
0x656: {  	v40 =	vand.u32 v2, v35;
	_ =	sdelay $0x2  }
0x657: {  	v41 =	vand.u32 v2, v39  }
0x658: {  	v43 =	vand.u32 v2, v6  }
0x659: {  	v42 =	vld.idx.msk [tilespmem:v40+s3+$0x0], $0xffff  }
0x65a: {  	v44 =	vld [tilespmem:s29+$0xFFFFFF70]  }
0x65b: {  	v14 =	vld [tilespmem:s29+$0xFFFFFFF0]  }
0x65c: {  	v10 =	vshrl.u32 v35, $0xE;
	v45 =	vld.idx.msk [tilespmem:v41+s3+$0x0], $0xffff  }
0x65d: {  	v46 =	vadd.s32 $0x2710, v10;
	v48 =	vld.idx.msk [tilespmem:v43+s3+$0x0], $0xffff  }
0x65e: {  	v4 =	vadd.s32 $0x2710, v40;
	v50 =	vld [tilespmem:s29+$0x70];
	v47 =	vshll.u32 v42, $0x10  }
0x65f: {  	v5 =	vshrl.u32 v39, $0xE;
	v8 =	vand.u32 v1, v42;
	v16 =	vmul.f32 v47, v44  }
0x660: {  	v6 =	vshrl.u32 v6, $0xE;
	v8 =	vmul.f32 v8, v44  }
0x661: {  	v49 =	vadd.s32 $0x2710, v5;
	[tilespmem:v10+s22+$0x0] =	vst.idx.add.f32.msk $0xffff, v16;
	v51 =	vshll.u32 v45, $0x10  }
0x662: {  	v7 =	vadd.s32 $0x2710, v41;
	[tilespmem:v46+s22+$0x0] =	vst.idx.add.f32.msk $0xffff, v8;
	v53 =	vshll.u32 v48, $0x10;
	v20 =	vmul.f32 v51, v14  }
0x663: {  	v52 =	vadd.s32 $0x2710, v6;
	v4 =	vld.idx.msk [tilespmem:v4+s3+$0x0], $0xffff;
	v13 =	vand.u32 v1, v45;
	v15 =	vmul.f32 v53, v50  }
0x664: {  	v11 =	vadd.s32 $0x2710, v43;
	v13 =	vmul.f32 v13, v14;
	[tilespmem:v5+s22+$0x0] =	vst.idx.add.f32.msk $0xffff, v20  }
0x665: {  	v54 =	vand.u32 v1, v48;
	[tilespmem:v6+s22+$0x0] =	vst.idx.add.f32.msk $0xffff, v15  }
0x666: {  	[tilespmem:v49+s22+$0x0] =	vst.idx.add.f32.msk $0xffff, v13;
	v13 =	vmul.f32 v54, v50  }
0x667: {  	v7 =	vld.idx.msk [tilespmem:v7+s3+$0x0], $0xffff  }
0x668: {  	v55 =	vadd.s32 $0x4E20, v10;
	[tilespmem:v52+s22+$0x0] =	vst.idx.add.f32.msk $0xffff, v13  }
0x669: {  	v56 =	vadd.s32 $0x7530, v10;
	v57 =	vld.idx.msk [tilespmem:v11+s3+$0x0], $0xffff  }
0x66a: {  	v58 =	vadd.s32 $0x4E20, v5;
	v59 =	vshll.u32 v4, $0x10  }
0x66b: {  	v4 =	vand.u32 v1, v4;
	v5 =	vadd.s32 $0x7530, v5;
	v13 =	vmul.f32 v59, v44  }
0x66c: {  	[tilespmem:v3+s22+$0x0] =	vst.idx.add.f32.msk $0xffff, v9;
	v3 =	vadd.s32 $0x4E20, v6;
	v4 =	vmul.f32 v4, v44;
	v60 =	vshll.u32 v7, $0x10  }
0x66d: {  	v6 =	vadd.s32 $0x7530, v6;
	[tilespmem:v55+s22+$0x0] =	vst.idx.add.f32.msk $0xffff, v13;
	v7 =	vand.u32 v1, v7;
	v9 =	vmul.f32 v60, v14  }
.Ltmp3:
0x66e: {  	[tilespmem:v56+s22+$0x0] =	vst.idx.add.f32.msk $0xffff, v4;
	v7 =	vmul.f32 v7, v14;
	v61 =	vshll.u32 v57, $0x10;
	(pc) =	sbr.rel @p0 .LBB2_10-.Ltmp3, $4  }
0x66f: {  	v62 =	vand.u32 v1, v57;
	v63 =	vmul.f32 v61, v50;
	[tilespmem:v58+s22+$0x0] =	vst.idx.add.f32.msk $0xffff, v9  }
0x670: {  	v4 =	vmul.f32 v62, v50;
	[tilespmem:v5+s22+$0x0] =	vst.idx.add.f32.msk $0xffff, v7  }
0x671: {  	[tilespmem:v3+s22+$0x0] =	vst.idx.add.f32.msk $0xffff, v63  }
0x672: {  	[tilespmem:v6+s22+$0x0] =	vst.idx.add.f32.msk $0xffff, v4  }
0x673: {  	s26 =	smul.u32 $0x500, s25;
	_ =	sdelay $0x1  }
.Ltmp4:
0x674: {  	s26 =	sadd.s32 $0x780, s26;
	(pc) =	sbr.rel .LBB2_4-.Ltmp4, $4  }
0x675: {  	s28 =	sadd.s32 s4, s26  }
0x676: {  	[tilespmem:s19], [sflag:$0x2] =	stream.linear.gather [hbm4b:s28+s3], $0x1400, $0x38;
	[tilespmem:$0x13A80] =	vst v63  }
0x677: {  	s25 =	sadd.s32 $0x1, s25;
	s26 =	sadd.s32 s1, s26  }
0x678: {  	[tilespmem:s20], [sflag:$0x2] =	stream.linear.gather [hbm4b:s26+s3], $0x1400, $0x38;
	[tilespmem:$0x13A80] =	vst v63  }
.LBB2_10:
0x679: {  	[tilespmem:s17], [sflag:$0x3] =	stream.linear.gather [hbm4b:s10+s3], $0xA00, $0x38;
	[tilespmem:$0x13A80] =	vst v63  }
0x67a: {  	_ =	swait.ge [sflag:s16], $0xA00  }
0x67b: {  	[sflag:s16] =	ssyncset.done $0x0  }
0x67c: {  	[sflag:s16] =	ssyncadd.s32 $0xFFFFF600  }
0x67d: {  	[tilespmem:s18], [sflag:$0x3] =	stream.linear.gather [hbm4b:s11+s3], $0xA00, $0x38;
	[tilespmem:$0x13A80] =	vst v63  }
0x67e: {  	_ =	swait.ge [sflag:s16], $0xA00  }
0x67f: {  	[sflag:s16] =	ssyncset.done $0x0  }
0x680: {  	s29 =	simm.s32 $0xEB60;
	[sflag:s16] =	ssyncadd.s32 $0xFFFFF600  }
0x681: {  	v3 =	vld [tilespmem:s29+$0x80];
	_ =	sdelay $0x4  }
0x682: {  	v4 =	vand.u32 v2, v3;
	_ =	sdelay $0x4  }
0x683: {  	s28 =	simm.s32 $0xFF60;
	v5 =	vld.idx.msk [tilespmem:v4+s3+$0x0], $0xffff  }
0x684: {  	v6 =	vld [tilespmem:s28+$0x80];
	_ =	sdelay $0x1  }
0x685: {  	v3 =	vshrl.u32 v3, $0xE  }
0x686: {  	v7 =	vadd.s32 $0x2710, v3  }
0x687: {  	v4 =	vadd.s32 $0x2710, v4;
	v8 =	vshll.u32 v5, $0x10  }
0x688: {  	v5 =	vand.u32 v1, v5;
	v8 =	vmul.f32 v8, v6  }
0x689: {  	v9 =	vld [tilespmem:s29+$0xFFFFFF00];
	v5 =	vmul.f32 v5, v6  }
0x68a: {  	[tilespmem:v3+s22+$0x0] =	vst.idx.add.f32.msk $0xffff, v8  }
0x68b: {  	[tilespmem:v7+s22+$0x0] =	vst.idx.add.f32.msk $0xffff, v5  }
0x68c: {  	v4 =	vld.idx.msk [tilespmem:v4+s3+$0x0], $0xffff  }
0x68d: {  	v5 =	vld [tilespmem:s29+$0xFFFFFF80]  }
0x68e: {  	v7 =	vand.u32 v2, v9  }
0x68f: {  	v8 =	vadd.s32 $0x4E20, v3  }
0x690: {  	v3 =	vadd.s32 $0x7530, v3  }
0x691: {  	v10 =	vld [tilespmem:s29+$0x0];
	v11 =	vshll.u32 v4, $0x10  }
0x692: {  	v14 =	vld [tilespmem:s28+$0xFFFFFF00];
	v12 =	vand.u32 v2, v5;
	v4 =	vand.u32 v1, v4;
	v11 =	vmul.f32 v11, v6  }
0x693: {  	v13 =	vld.idx.msk [tilespmem:v7+s3+$0x0], $0xffff;
	v4 =	vmul.f32 v4, v6  }
0x694: {  	[tilespmem:v8+s22+$0x0] =	vst.idx.add.f32.msk $0xffff, v11  }
0x695: {  	[tilespmem:v3+s22+$0x0] =	vst.idx.add.f32.msk $0xffff, v4  }
0x696: {  	v4 =	vld [tilespmem:s29+$0x90]  }
0x697: {  	v3 =	vand.u32 v2, v10;
	v6 =	vld.idx.msk [tilespmem:v12+s3+$0x0], $0xffff  }
0x698: {  	v8 =	vshrl.u32 v9, $0xE;
	v9 =	vld [tilespmem:s28+$0xFFFFFF80]  }
0x699: {  	v11 =	vadd.s32 $0x2710, v8  }
0x69a: {  	v5 =	vshrl.u32 v5, $0xE;
	v15 =	vshll.u32 v13, $0x10  }
0x69b: {  	v19 =	vld [tilespmem:s28+$0x0];
	v13 =	vand.u32 v1, v13;
	v15 =	vmul.f32 v15, v14;
	v17 =	vand.u32 v2, v4  }
0x69c: {  	v13 =	vmul.f32 v13, v14;
	v16 =	vld.idx.msk [tilespmem:v3+s3+$0x0], $0xffff;
	v18 =	vshll.u32 v6, $0x10  }
0x69d: {  	v7 =	vadd.s32 $0x2710, v7;
	[tilespmem:v8+s22+$0x0] =	vst.idx.add.f32.msk $0xffff, v15;
	v18 =	vmul.f32 v18, v9  }
0x69e: {  	v20 =	vadd.s32 $0x2710, v5;
	[tilespmem:v11+s22+$0x0] =	vst.idx.add.f32.msk $0xffff, v13  }
0x69f: {  	v10 =	vshrl.u32 v10, $0xE;
	[tilespmem:v5+s22+$0x0] =	vst.idx.add.f32.msk $0xffff, v18  }
0x6a0: {  	v6 =	vand.u32 v1, v6;
	v11 =	vadd.s32 $0x2710, v12;
	v12 =	vld.idx.msk [tilespmem:v17+s3+$0x0], $0xffff  }
0x6a1: {  	v13 =	vadd.s32 $0x2710, v10;
	v6 =	vmul.f32 v6, v9;
	v18 =	vld [tilespmem:s28+$0x90];
	v15 =	vshll.u32 v16, $0x10  }
0x6a2: {  	v3 =	vadd.s32 $0x2710, v3;
	v7 =	vld.idx.msk [tilespmem:v7+s3+$0x0], $0xffff;
	v15 =	vmul.f32 v15, v19  }
0x6a3: {  	v4 =	vshrl.u32 v4, $0xE;
	[tilespmem:v20+s22+$0x0] =	vst.idx.add.f32.msk $0xffff, v6;
	v6 =	vand.u32 v1, v16  }
0x6a4: {  	v6 =	vmul.f32 v6, v19;
	[tilespmem:v10+s22+$0x0] =	vst.idx.add.f32.msk $0xffff, v15;
	v15 =	vadd.s32 $0x2710, v4  }
0x6a5: {  	v11 =	vld.idx.msk [tilespmem:v11+s3+$0x0], $0xffff;
	v17 =	vadd.s32 $0x2710, v17;
	v16 =	vshll.u32 v12, $0x10  }
0x6a6: {  	v51 =	vadd.s32 $0x4E20, v8;
	[tilespmem:v13+s22+$0x0] =	vst.idx.add.f32.msk $0xffff, v6;
	v6 =	vand.u32 v1, v12;
	v12 =	vmul.f32 v16, v18  }
0x6a7: {  	v8 =	vadd.s32 $0x7530, v8;
	v3 =	vld.idx.msk [tilespmem:v3+s3+$0x0], $0xffff;
	v6 =	vmul.f32 v6, v18  }
0x6a8: {  	v13 =	vadd.s32 $0x4E20, v5;
	v16 =	vshll.u32 v7, $0x10;
	[tilespmem:v4+s22+$0x0] =	vst.idx.add.f32.msk $0xffff, v12  }
0x6a9: {  	v5 =	vadd.s32 $0x7530, v5;
	v7 =	vand.u32 v1, v7;
	v12 =	vmul.f32 v16, v14;
	[tilespmem:v15+s22+$0x0] =	vst.idx.add.f32.msk $0xffff, v6  }
0x6aa: {  	v7 =	vmul.f32 v7, v14;
	v6 =	vshll.u32 v11, $0x10;
	v14 =	vld.idx.msk [tilespmem:v17+s3+$0x0], $0xffff  }
0x6ab: {  	v15 =	vadd.s32 $0x4E20, v10;
	v11 =	vand.u32 v1, v11;
	v6 =	vmul.f32 v6, v9;
	[tilespmem:v51+s22+$0x0] =	vst.idx.add.f32.msk $0xffff, v12  }
0x6ac: {  	v9 =	vmul.f32 v11, v9;
	[tilespmem:v8+s22+$0x0] =	vst.idx.add.f32.msk $0xffff, v7  }
0x6ad: {  	v7 =	vadd.s32 $0x4E20, v4;
	[tilespmem:v13+s22+$0x0] =	vst.idx.add.f32.msk $0xffff, v6;
	v6 =	vshll.u32 v3, $0x10  }
0x6ae: {  	v4 =	vadd.s32 $0x7530, v4;
	[tilespmem:v5+s22+$0x0] =	vst.idx.add.f32.msk $0xffff, v9;
	v5 =	vmul.f32 v6, v19  }
0x6af: {  	v6 =	vld [tilespmem:s29+$0xFFFFFF10];
	v8 =	vshll.u32 v14, $0x10  }
0x6b0: {  	v9 =	vadd.s32 $0x7530, v10;
	[tilespmem:v15+s22+$0x0] =	vst.idx.add.f32.msk $0xffff, v5;
	v5 =	vand.u32 v1, v14;
	v8 =	vmul.f32 v8, v18  }
0x6b1: {  	v10 =	vld [tilespmem:s29+$0xFFFFFF90];
	v5 =	vmul.f32 v5, v18  }
0x6b2: {  	v3 =	vand.u32 v1, v3;
	[tilespmem:v7+s22+$0x0] =	vst.idx.add.f32.msk $0xffff, v8  }
0x6b3: {  	v3 =	vmul.f32 v3, v19;
	[tilespmem:v4+s22+$0x0] =	vst.idx.add.f32.msk $0xffff, v5  }
0x6b4: {  	v4 =	vand.u32 v2, v6;
	v5 =	vld [tilespmem:s29+$0xA0]  }
0x6b5: {  	[tilespmem:v9+s22+$0x0] =	vst.idx.add.f32.msk $0xffff, v3  }
0x6b6: {  	v3 =	vld [tilespmem:s29+$0x10];
	v7 =	vand.u32 v2, v10;
	_ =	sdelay $0x2  }
0x6b7: {  	v8 =	vld.idx.msk [tilespmem:v4+s3+$0x0], $0xffff;
	v9 =	vand.u32 v2, v5  }
0x6b8: {  	v11 =	vld [tilespmem:s28+$0xFFFFFF10]  }
0x6b9: {  	v12 =	vand.u32 v2, v3;
	v13 =	vld.idx.msk [tilespmem:v7+s3+$0x0], $0xffff  }
0x6ba: {  	v14 =	vld [tilespmem:s28+$0xFFFFFF90];
	v6 =	vshrl.u32 v6, $0xE  }
0x6bb: {  	v16 =	vld [tilespmem:s28+$0x10];
	v15 =	vadd.s32 $0x2710, v6  }
0x6bc: {  	v10 =	vshrl.u32 v10, $0xE;
	v17 =	vshll.u32 v8, $0x10;
	v18 =	vld.idx.msk [tilespmem:v9+s3+$0x0], $0xffff  }
0x6bd: {  	v19 =	vadd.s32 $0x2710, v10;
	v52 =	vld [tilespmem:s28+$0xA0];
	v8 =	vand.u32 v1, v8;
	v17 =	vmul.f32 v17, v11  }
0x6be: {  	v4 =	vadd.s32 $0x2710, v4;
	v21 =	vld.idx.msk [tilespmem:v12+s3+$0x0], $0xffff;
	v22 =	vshll.u32 v13, $0x10;
	v8 =	vmul.f32 v8, v11  }
0x6bf: {  	v5 =	vshrl.u32 v5, $0xE;
	v13 =	vand.u32 v1, v13;
	v22 =	vmul.f32 v22, v14;
	[tilespmem:v6+s22+$0x0] =	vst.idx.add.f32.msk $0xffff, v17  }
0x6c0: {  	v13 =	vmul.f32 v13, v14;
	[tilespmem:v15+s22+$0x0] =	vst.idx.add.f32.msk $0xffff, v8;
	v8 =	vadd.s32 $0x2710, v5  }
0x6c1: {  	v9 =	vadd.s32 $0x2710, v9;
	[tilespmem:v10+s22+$0x0] =	vst.idx.add.f32.msk $0xffff, v22;
	v15 =	vshll.u32 v18, $0x10  }
0x6c2: {  	v3 =	vshrl.u32 v3, $0xE;
	[tilespmem:v19+s22+$0x0] =	vst.idx.add.f32.msk $0xffff, v13;
	v13 =	vand.u32 v1, v18;
	v15 =	vmul.f32 v15, v52  }
0x6c3: {  	v17 =	vadd.s32 $0x2710, v3;
	v4 =	vld.idx.msk [tilespmem:v4+s3+$0x0], $0xffff;
	v13 =	vmul.f32 v13, v52  }
0x6c4: {  	v7 =	vadd.s32 $0x2710, v7;
	v18 =	vshll.u32 v21, $0x10;
	[tilespmem:v5+s22+$0x0] =	vst.idx.add.f32.msk $0xffff, v15  }
0x6c5: {  	v12 =	vadd.s32 $0x2710, v12;
	v18 =	vmul.f32 v18, v16;
	v15 =	vand.u32 v1, v21;
	[tilespmem:v8+s22+$0x0] =	vst.idx.add.f32.msk $0xffff, v13  }
0x6c6: {  	v8 =	vadd.s32 $0x4E20, v6;
	v13 =	vmul.f32 v15, v16;
	v9 =	vld.idx.msk [tilespmem:v9+s3+$0x0], $0xffff  }
0x6c7: {  	[tilespmem:v3+s22+$0x0] =	vst.idx.add.f32.msk $0xffff, v18;
	v6 =	vadd.s32 $0x7530, v6  }
0x6c8: {  	[tilespmem:v17+s22+$0x0] =	vst.idx.add.f32.msk $0xffff, v13;
	v13 =	vshll.u32 v4, $0x10  }
0x6c9: {  	v7 =	vld.idx.msk [tilespmem:v7+s3+$0x0], $0xffff;
	v15 =	vadd.s32 $0x4E20, v5;
	v4 =	vand.u32 v1, v4;
	v13 =	vmul.f32 v13, v11  }
0x6ca: {  	v5 =	vadd.s32 $0x7530, v5;
	v12 =	vld.idx.msk [tilespmem:v12+s3+$0x0], $0xffff;
	v4 =	vmul.f32 v4, v11  }
0x6cb: {  	[tilespmem:v8+s22+$0x0] =	vst.idx.add.f32.msk $0xffff, v13;
	v8 =	vshll.u32 v9, $0x10  }
0x6cc: {  	v11 =	vadd.s32 $0x4E20, v10;
	[tilespmem:v6+s22+$0x0] =	vst.idx.add.f32.msk $0xffff, v4;
	v4 =	vand.u32 v1, v9;
	v6 =	vmul.f32 v8, v52  }
0x6cd: {  	v8 =	vadd.s32 $0x7530, v10;
	v9 =	vld [tilespmem:s29+$0xFFFFFF20];
	v4 =	vmul.f32 v4, v52  }
0x6ce: {  	v13 =	vshll.u32 v7, $0x10;
	v10 =	vadd.s32 $0x4E20, v3;
	[tilespmem:v15+s22+$0x0] =	vst.idx.add.f32.msk $0xffff, v6  }
0x6cf: {  	v6 =	vand.u32 v1, v7;
	v7 =	vmul.f32 v13, v14;
	[tilespmem:v5+s22+$0x0] =	vst.idx.add.f32.msk $0xffff, v4  }
0x6d0: {  	v3 =	vadd.s32 $0x7530, v3;
	v4 =	vshll.u32 v12, $0x10;
	v5 =	vmul.f32 v6, v14;
	v6 =	vld [tilespmem:s29+$0xB0]  }
0x6d1: {  	v4 =	vmul.f32 v4, v16;
	[tilespmem:v11+s22+$0x0] =	vst.idx.add.f32.msk $0xffff, v7  }
0x6d2: {  	v7 =	vand.u32 v1, v12;
	[tilespmem:v8+s22+$0x0] =	vst.idx.add.f32.msk $0xffff, v5  }
0x6d3: {  	v5 =	vmul.f32 v7, v16;
	[tilespmem:v10+s22+$0x0] =	vst.idx.add.f32.msk $0xffff, v4  }
0x6d4: {  	v7 =	vand.u32 v2, v9;
	v4 =	vld [tilespmem:s29+$0xFFFFFFA0]  }
0x6d5: {  	[tilespmem:v3+s22+$0x0] =	vst.idx.add.f32.msk $0xffff, v5;
	v3 =	vand.u32 v2, v6  }
0x6d6: {  	v5 =	vld [tilespmem:s29+$0x20];
	_ =	sdelay $0x1  }
0x6d7: {  	v8 =	vld [tilespmem:s28+$0xFFFFFF20]  }
0x6d8: {  	v11 =	vld.idx.msk [tilespmem:v7+s3+$0x0], $0xffff;
	v10 =	vand.u32 v2, v4  }
0x6d9: {  	v12 =	vld.idx.msk [tilespmem:v3+s3+$0x0], $0xffff  }
0x6da: {  	v14 =	vld [tilespmem:s28+$0xB0];
	v13 =	vand.u32 v2, v5  }
0x6db: {  	v9 =	vshrl.u32 v9, $0xE  }
0x6dc: {  	v15 =	vld [tilespmem:s28+$0xFFFFFFA0];
	v6 =	vshrl.u32 v6, $0xE  }
0x6dd: {  	v18 =	vadd.s32 $0x2710, v6;
	v17 =	vshll.u32 v11, $0x10;
	v16 =	vld.idx.msk [tilespmem:v10+s3+$0x0], $0xffff  }
0x6de: {  	v19 =	vld [tilespmem:s28+$0x20];
	v3 =	vadd.s32 $0x2710, v3;
	v17 =	vmul.f32 v17, v8;
	v53 =	vshll.u32 v12, $0x10  }
0x6df: {  	v54 =	vadd.s32 $0x2710, v9;
	v55 =	vld.idx.msk [tilespmem:v13+s3+$0x0], $0xffff;
	v12 =	vand.u32 v1, v12;
	v20 =	vmul.f32 v53, v14  }
0x6e0: {  	v4 =	vshrl.u32 v4, $0xE;
	[tilespmem:v9+s22+$0x0] =	vst.idx.add.f32.msk $0xffff, v17;
	v12 =	vmul.f32 v12, v14  }
0x6e1: {  	v11 =	vand.u32 v1, v11;
	v17 =	vadd.s32 $0x2710, v4;
	[tilespmem:v6+s22+$0x0] =	vst.idx.add.f32.msk $0xffff, v20  }
0x6e2: {  	v5 =	vshrl.u32 v5, $0xE;
	v11 =	vmul.f32 v11, v8;
	v56 =	vshll.u32 v16, $0x10;
	[tilespmem:v18+s22+$0x0] =	vst.idx.add.f32.msk $0xffff, v12  }
0x6e3: {  	v16 =	vand.u32 v1, v16;
	v12 =	vadd.s32 $0x2710, v5;
	v18 =	vmul.f32 v56, v15;
	v3 =	vld.idx.msk [tilespmem:v3+s3+$0x0], $0xffff  }
0x6e4: {  	v7 =	vadd.s32 $0x2710, v7;
	[tilespmem:v54+s22+$0x0] =	vst.idx.add.f32.msk $0xffff, v11;
	v16 =	vmul.f32 v16, v15;
	v57 =	vshll.u32 v55, $0x10  }
0x6e5: {  	v10 =	vadd.s32 $0x2710, v10;
	v11 =	vand.u32 v1, v55;
	v20 =	vmul.f32 v57, v19;
	[tilespmem:v4+s22+$0x0] =	vst.idx.add.f32.msk $0xffff, v18  }
0x6e6: {  	v11 =	vmul.f32 v11, v19;
	[tilespmem:v17+s22+$0x0] =	vst.idx.add.f32.msk $0xffff, v16;
	v16 =	vadd.s32 $0x4E20, v6  }
0x6e7: {  	[tilespmem:v5+s22+$0x0] =	vst.idx.add.f32.msk $0xffff, v20;
	v6 =	vadd.s32 $0x7530, v6  }
0x6e8: {  	[tilespmem:v12+s22+$0x0] =	vst.idx.add.f32.msk $0xffff, v11;
	v12 =	vadd.s32 $0x2710, v13;
	v11 =	vshll.u32 v3, $0x10  }
0x6e9: {  	v7 =	vld.idx.msk [tilespmem:v7+s3+$0x0], $0xffff;
	v3 =	vand.u32 v1, v3;
	v11 =	vmul.f32 v11, v14  }
0x6ea: {  	v10 =	vld.idx.msk [tilespmem:v10+s3+$0x0], $0xffff;
	v3 =	vmul.f32 v3, v14  }
0x6eb: {  	[tilespmem:v16+s22+$0x0] =	vst.idx.add.f32.msk $0xffff, v11  }
0x6ec: {  	v11 =	vadd.s32 $0x4E20, v9;
	[tilespmem:v6+s22+$0x0] =	vst.idx.add.f32.msk $0xffff, v3  }
0x6ed: {  	v3 =	vadd.s32 $0x7530, v9;
	v12 =	vld.idx.msk [tilespmem:v12+s3+$0x0], $0xffff  }
0x6ee: {  	v13 =	vshll.u32 v7, $0x10;
	v9 =	vadd.s32 $0x4E20, v4;
	v6 =	vld [tilespmem:s29+$0xC0]  }
0x6ef: {  	v7 =	vand.u32 v1, v7;
	v13 =	vmul.f32 v13, v8  }
0x6f0: {  	v7 =	vmul.f32 v7, v8;
	v14 =	vshll.u32 v10, $0x10;
	v4 =	vadd.s32 $0x7530, v4  }
0x6f1: {  	v8 =	vadd.s32 $0x4E20, v5;
	v14 =	vmul.f32 v14, v15;
	[tilespmem:v11+s22+$0x0] =	vst.idx.add.f32.msk $0xffff, v13  }
0x6f2: {  	v10 =	vand.u32 v1, v10;
	[tilespmem:v3+s22+$0x0] =	vst.idx.add.f32.msk $0xffff, v7  }
0x6f3: {  	v10 =	vmul.f32 v10, v15;
	v7 =	vshll.u32 v12, $0x10;
	[tilespmem:v9+s22+$0x0] =	vst.idx.add.f32.msk $0xffff, v14;
	v3 =	vand.u32 v2, v6  }
0x6f4: {  	v5 =	vadd.s32 $0x7530, v5;
	v7 =	vmul.f32 v7, v19;
	v9 =	vld [tilespmem:s29+$0xFFFFFF30]  }
0x6f5: {  	[tilespmem:v4+s22+$0x0] =	vst.idx.add.f32.msk $0xffff, v10  }
0x6f6: {  	v4 =	vand.u32 v1, v12;
	[tilespmem:v8+s22+$0x0] =	vst.idx.add.f32.msk $0xffff, v7  }
0x6f7: {  	v4 =	vmul.f32 v4, v19;
	v8 =	vld [tilespmem:s28+$0xC0]  }
0x6f8: {  	v7 =	vld.idx.msk [tilespmem:v3+s3+$0x0], $0xffff  }
0x6f9: {  	[tilespmem:v5+s22+$0x0] =	vst.idx.add.f32.msk $0xffff, v4  }
0x6fa: {  	v5 =	vld [tilespmem:s29+$0xFFFFFFB0];
	v4 =	vand.u32 v2, v9  }
0x6fb: {  	v6 =	vshrl.u32 v6, $0xE  }
0x6fc: {  	v11 =	vadd.s32 $0x2710, v6;
	v10 =	vld [tilespmem:s29+$0x30]  }
0x6fd: {  	v3 =	vadd.s32 $0x2710, v3;
	v12 =	vshll.u32 v7, $0x10  }
0x6fe: {  	v13 =	vld [tilespmem:s28+$0xFFFFFF30];
	v7 =	vand.u32 v1, v7;
	v12 =	vmul.f32 v12, v8  }
0x6ff: {  	v15 =	vand.u32 v2, v5;
	v14 =	vld.idx.msk [tilespmem:v4+s3+$0x0], $0xffff;
	v7 =	vmul.f32 v7, v8  }
0x700: {  	[tilespmem:v6+s22+$0x0] =	vst.idx.add.f32.msk $0xffff, v12  }
0x701: {  	v12 =	vand.u32 v2, v10;
	[tilespmem:v11+s22+$0x0] =	vst.idx.add.f32.msk $0xffff, v7  }
0x702: {  	v7 =	vshrl.u32 v9, $0xE;
	v3 =	vld.idx.msk [tilespmem:v3+s3+$0x0], $0xffff  }
0x703: {  	v16 =	vld [tilespmem:s28+$0x30];
	v9 =	vadd.s32 $0x2710, v7  }
0x704: {  	v4 =	vadd.s32 $0x2710, v4;
	v18 =	vld.idx.msk [tilespmem:v15+s3+$0x0], $0xffff;
	v17 =	vshll.u32 v14, $0x10  }
0x705: {  	v19 =	vadd.s32 $0x4E20, v6;
	v11 =	vld [tilespmem:s28+$0xFFFFFFB0];
	v14 =	vand.u32 v1, v14;
	v17 =	vmul.f32 v17, v13  }
0x706: {  	v6 =	vadd.s32 $0x7530, v6;
	v14 =	vmul.f32 v14, v13;
	v20 =	vld.idx.msk [tilespmem:v12+s3+$0x0], $0xffff  }
0x707: {  	[tilespmem:v7+s22+$0x0] =	vst.idx.add.f32.msk $0xffff, v17;
	v17 =	vshll.u32 v3, $0x10  }
0x708: {  	v5 =	vshrl.u32 v5, $0xE;
	[tilespmem:v9+s22+$0x0] =	vst.idx.add.f32.msk $0xffff, v14;
	v3 =	vand.u32 v1, v3;
	v9 =	vmul.f32 v17, v8  }
0x709: {  	v14 =	vadd.s32 $0x2710, v5;
	v4 =	vld.idx.msk [tilespmem:v4+s3+$0x0], $0xffff;
	v3 =	vmul.f32 v3, v8  }
0x70a: {  	v8 =	vshrl.u32 v10, $0xE;
	v10 =	vshll.u32 v18, $0x10;
	[tilespmem:v19+s22+$0x0] =	vst.idx.add.f32.msk $0xffff, v9  }
0x70b: {  	v10 =	vmul.f32 v10, v11;
	v9 =	vadd.s32 $0x2710, v15;
	v15 =	vand.u32 v1, v18;
	[tilespmem:v6+s22+$0x0] =	vst.idx.add.f32.msk $0xffff, v3  }
0x70c: {  	v3 =	vadd.s32 $0x2710, v8;
	v6 =	vmul.f32 v15, v11;
	v15 =	vshll.u32 v20, $0x10;
	v17 =	vld [tilespmem:s29+$0xD0]  }
0x70d: {  	v12 =	vadd.s32 $0x2710, v12;
	[tilespmem:v5+s22+$0x0] =	vst.idx.add.f32.msk $0xffff, v10;
	v10 =	vmul.f32 v15, v16  }
0x70e: {  	v18 =	vand.u32 v1, v20;
	v15 =	vadd.s32 $0x4E20, v7;
	[tilespmem:v14+s22+$0x0] =	vst.idx.add.f32.msk $0xffff, v6  }
0x70f: {  	v6 =	vadd.s32 $0x7530, v7;
	v7 =	vmul.f32 v18, v16;
	[tilespmem:v8+s22+$0x0] =	vst.idx.add.f32.msk $0xffff, v10  }
0x710: {  	v10 =	vshll.u32 v4, $0x10;
	v4 =	vand.u32 v1, v4;
	v9 =	vld.idx.msk [tilespmem:v9+s3+$0x0], $0xffff  }
0x711: {  	[tilespmem:v3+s22+$0x0] =	vst.idx.add.f32.msk $0xffff, v7;
	v3 =	vmul.f32 v10, v13;
	v7 =	vand.u32 v2, v17  }
0x712: {  	v4 =	vmul.f32 v4, v13;
	v10 =	vld.idx.msk [tilespmem:v12+s3+$0x0], $0xffff  }
0x713: {  	v12 =	vadd.s32 $0x4E20, v5;
	[tilespmem:v15+s22+$0x0] =	vst.idx.add.f32.msk $0xffff, v3  }
0x714: {  	v3 =	vadd.s32 $0x7530, v5;
	[tilespmem:v6+s22+$0x0] =	vst.idx.add.f32.msk $0xffff, v4  }
0x715: {  	v4 =	vadd.s32 $0x4E20, v8;
	v5 =	vld [tilespmem:s29+$0xFFFFFF40];
	v6 =	vshll.u32 v9, $0x10  }
0x716: {  	v8 =	vadd.s32 $0x7530, v8;
	v9 =	vand.u32 v1, v9;
	v6 =	vmul.f32 v6, v11;
	v13 =	vld.idx.msk [tilespmem:v7+s3+$0x0], $0xffff  }
0x717: {  	v9 =	vmul.f32 v9, v11;
	v11 =	vld [tilespmem:s28+$0xD0];
	v14 =	vshll.u32 v10, $0x10  }
0x718: {  	v10 =	vand.u32 v1, v10;
	v14 =	vmul.f32 v14, v16;
	[tilespmem:v12+s22+$0x0] =	vst.idx.add.f32.msk $0xffff, v6  }
0x719: {  	v6 =	vmul.f32 v10, v16;
	[tilespmem:v3+s22+$0x0] =	vst.idx.add.f32.msk $0xffff, v9;
	v3 =	vshrl.u32 v17, $0xE  }
0x71a: {  	[tilespmem:v4+s22+$0x0] =	vst.idx.add.f32.msk $0xffff, v14;
	v4 =	vadd.s32 $0x2710, v3  }
0x71b: {  	v7 =	vadd.s32 $0x2710, v7;
	[tilespmem:v8+s22+$0x0] =	vst.idx.add.f32.msk $0xffff, v6;
	v6 =	vshll.u32 v13, $0x10  }
0x71c: {  	v8 =	vld [tilespmem:s29+$0xFFFFFFC0];
	v9 =	vand.u32 v1, v13;
	v6 =	vmul.f32 v6, v11  }
0x71d: {  	v10 =	vld [tilespmem:s29+$0x40];
	v9 =	vmul.f32 v9, v11  }
0x71e: {  	[tilespmem:v3+s22+$0x0] =	vst.idx.add.f32.msk $0xffff, v6  }
0x71f: {  	[tilespmem:v4+s22+$0x0] =	vst.idx.add.f32.msk $0xffff, v9  }
0x720: {  	v6 =	vand.u32 v2, v5;
	v4 =	vld.idx.msk [tilespmem:v7+s3+$0x0], $0xffff  }
0x721: {  	s26 =	simm.s32 $0x10160;
	v7 =	vand.u32 v2, v8  }
0x722: {  	v62 =	vld [tilespmem:s26+$0x80];
	v9 =	vand.u32 v2, v10  }
0x723: {  	v12 =	vld [tilespmem:s28+$0xFFFFFF40];
	v13 =	vadd.s32 $0x4E20, v3  }
0x724: {  	v15 =	vld [tilespmem:s28+$0xFFFFFFC0];
	v3 =	vadd.s32 $0x7530, v3  }
0x725: {  	v14 =	vld.idx.msk [tilespmem:v6+s3+$0x0], $0xffff;
	v16 =	vshll.u32 v4, $0x10  }
0x726: {  	v17 =	vld.idx.msk [tilespmem:v7+s3+$0x0], $0xffff;
	v4 =	vand.u32 v1, v4;
	v16 =	vmul.f32 v16, v11  }
0x727: {  	v18 =	vld.idx.msk [tilespmem:v9+s3+$0x0], $0xffff;
	v4 =	vmul.f32 v4, v11  }
0x728: {  	v5 =	vshrl.u32 v5, $0xE;
	[tilespmem:v13+s22+$0x0] =	vst.idx.add.f32.msk $0xffff, v16  }
0x729: {  	v11 =	vadd.s32 $0x2710, v5;
	[tilespmem:v3+s22+$0x0] =	vst.idx.add.f32.msk $0xffff, v4  }
0x72a: {  	v3 =	vadd.s32 $0x2710, v6;
	v4 =	vshll.u32 v14, $0x10;
	v6 =	vld [tilespmem:s29+$0xE0]  }
0x72b: {  	v8 =	vshrl.u32 v8, $0xE;
	v13 =	vld [tilespmem:s28+$0x40];
	v14 =	vand.u32 v1, v14;
	v4 =	vmul.f32 v4, v12  }
0x72c: {  	v25 =	vld [tilespmem:s26+$0xFFFFFF00];
	v16 =	vadd.s32 $0x2710, v8;
	v14 =	vmul.f32 v14, v12  }
0x72d: {  	v10 =	vshrl.u32 v10, $0xE;
	[tilespmem:v5+s22+$0x0] =	vst.idx.add.f32.msk $0xffff, v4;
	v4 =	vshll.u32 v17, $0x10  }
0x72e: {  	v19 =	vadd.s32 $0x2710, v10;
	v17 =	vand.u32 v1, v17;
	[tilespmem:v11+s22+$0x0] =	vst.idx.add.f32.msk $0xffff, v14;
	v4 =	vmul.f32 v4, v15  }
0x72f: {  	v11 =	vshll.u32 v18, $0x10;
	v14 =	vmul.f32 v17, v15;
	v3 =	vld.idx.msk [tilespmem:v3+s3+$0x0], $0xffff;
	v17 =	vand.u32 v2, v6  }
0x730: {  	v18 =	vand.u32 v1, v18;
	v11 =	vmul.f32 v11, v13;
	[tilespmem:v8+s22+$0x0] =	vst.idx.add.f32.msk $0xffff, v4  }
0x731: {  	v9 =	vadd.s32 $0x2710, v9;
	v4 =	vadd.s32 $0x2710, v7;
	v7 =	vmul.f32 v18, v13;
	[tilespmem:v16+s22+$0x0] =	vst.idx.add.f32.msk $0xffff, v14  }
0x732: {  	[tilespmem:v10+s22+$0x0] =	vst.idx.add.f32.msk $0xffff, v11  }
0x733: {  	v11 =	vadd.s32 $0x4E20, v5;
	[tilespmem:v19+s22+$0x0] =	vst.idx.add.f32.msk $0xffff, v7  }
0x734: {  	v5 =	vadd.s32 $0x7530, v5;
	v7 =	vld.idx.msk [tilespmem:v17+s3+$0x0], $0xffff  }
0x735: {  	v16 =	vld [tilespmem:s28+$0xE0];
	v14 =	vshll.u32 v3, $0x10  }
0x736: {  	v9 =	vld.idx.msk [tilespmem:v9+s3+$0x0], $0xffff;
	v3 =	vand.u32 v1, v3;
	v14 =	vmul.f32 v14, v12  }
0x737: {  	v6 =	vshrl.u32 v6, $0xE;
	v4 =	vld.idx.msk [tilespmem:v4+s3+$0x0], $0xffff;
	v3 =	vmul.f32 v3, v12  }
0x738: {  	[tilespmem:v11+s22+$0x0] =	vst.idx.add.f32.msk $0xffff, v14;
	v11 =	vadd.s32 $0x2710, v6  }
0x739: {  	[tilespmem:v5+s22+$0x0] =	vst.idx.add.f32.msk $0xffff, v3;
	v5 =	vadd.s32 $0x2710, v17;
	v3 =	vshll.u32 v7, $0x10  }
0x73a: {  	v12 =	vadd.s32 $0x4E20, v8;
	v14 =	vld [tilespmem:s29+$0xFFFFFF50];
	v7 =	vand.u32 v1, v7;
	v3 =	vmul.f32 v3, v16  }
0x73b: {  	v8 =	vadd.s32 $0x7530, v8;
	v17 =	vld [tilespmem:s28+$0xFFFFFF50];
	v7 =	vmul.f32 v7, v16  }
0x73c: {  	v18 =	vadd.s32 $0x4E20, v10;
	v19 =	vshll.u32 v4, $0x10;
	[tilespmem:v6+s22+$0x0] =	vst.idx.add.f32.msk $0xffff, v3  }
0x73d: {  	v3 =	vand.u32 v1, v4;
	v4 =	vmul.f32 v19, v15;
	[tilespmem:v11+s22+$0x0] =	vst.idx.add.f32.msk $0xffff, v7  }
0x73e: {  	v7 =	vadd.s32 $0x7530, v10;
	v10 =	vshll.u32 v9, $0x10;
	v3 =	vmul.f32 v3, v15;
	v5 =	vld.idx.msk [tilespmem:v5+s3+$0x0], $0xffff  }
0x73f: {  	[tilespmem:v12+s22+$0x0] =	vst.idx.add.f32.msk $0xffff, v4;
	v4 =	vmul.f32 v10, v13  }
0x740: {  	v9 =	vand.u32 v1, v9;
	v10 =	vand.u32 v2, v14;
	[tilespmem:v8+s22+$0x0] =	vst.idx.add.f32.msk $0xffff, v3  }
0x741: {  	v3 =	vmul.f32 v9, v13;
	[tilespmem:v18+s22+$0x0] =	vst.idx.add.f32.msk $0xffff, v4;
	v4 =	vadd.s32 $0x4E20, v6  }
0x742: {  	v8 =	vld [tilespmem:s29+$0xFFFFFFD0];
	v6 =	vadd.s32 $0x7530, v6  }
0x743: {  	[tilespmem:v7+s22+$0x0] =	vst.idx.add.f32.msk $0xffff, v3;
	v3 =	vshll.u32 v5, $0x10  }
0x744: {  	v7 =	vld [tilespmem:s29+$0x50];
	v5 =	vand.u32 v1, v5;
	v3 =	vmul.f32 v3, v16  }
0x745: {  	v9 =	vld.idx.msk [tilespmem:v10+s3+$0x0], $0xffff;
	v5 =	vmul.f32 v5, v16  }
0x746: {  	[tilespmem:v4+s22+$0x0] =	vst.idx.add.f32.msk $0xffff, v3  }
0x747: {  	v3 =	vand.u32 v2, v8;
	[tilespmem:v6+s22+$0x0] =	vst.idx.add.f32.msk $0xffff, v5  }
0x748: {  	v4 =	vld [tilespmem:s29+$0xF0]  }
0x749: {  	v27 =	vld [tilespmem:s26+$0xFFFFFF80];
	v5 =	vand.u32 v2, v7  }
0x74a: {  	v29 =	vld [tilespmem:s26+$0x0];
	v6 =	vshrl.u32 v14, $0xE  }
0x74b: {  	v12 =	vld [tilespmem:s28+$0xFFFFFFD0];
	v11 =	vadd.s32 $0x2710, v6  }
0x74c: {  	v10 =	vadd.s32 $0x2710, v10;
	v13 =	vshll.u32 v9, $0x10;
	v14 =	vld.idx.msk [tilespmem:v3+s3+$0x0], $0xffff  }
0x74d: {  	v15 =	vld [tilespmem:s28+$0x50];
	v9 =	vand.u32 v1, v9;
	v13 =	vmul.f32 v13, v17;
	v16 =	vand.u32 v2, v4  }
0x74e: {  	v9 =	vmul.f32 v9, v17;
	v18 =	vld.idx.msk [tilespmem:v5+s3+$0x0], $0xffff  }
0x74f: {  	v8 =	vshrl.u32 v8, $0xE;
	[tilespmem:v6+s22+$0x0] =	vst.idx.add.f32.msk $0xffff, v13  }
0x750: {  	v13 =	vadd.s32 $0x2710, v8;
	[tilespmem:v11+s22+$0x0] =	vst.idx.add.f32.msk $0xffff, v9  }
0x751: {  	v7 =	vshrl.u32 v7, $0xE;
	v9 =	vld.idx.msk [tilespmem:v10+s3+$0x0], $0xffff;
	v10 =	vshll.u32 v14, $0x10  }
0x752: {  	v11 =	vadd.s32 $0x2710, v7;
	v14 =	vand.u32 v1, v14;
	v10 =	vmul.f32 v10, v12;
	v19 =	vld.idx.msk [tilespmem:v16+s3+$0x0], $0xffff  }
0x753: {  	v59 =	vld [tilespmem:s28+$0xF0];
	v3 =	vadd.s32 $0x2710, v3;
	v14 =	vmul.f32 v14, v12;
	v58 =	vshll.u32 v18, $0x10  }
0x754: {  	v5 =	vadd.s32 $0x2710, v5;
	v18 =	vand.u32 v1, v18;
	v20 =	vmul.f32 v58, v15;
	[tilespmem:v8+s22+$0x0] =	vst.idx.add.f32.msk $0xffff, v10  }
0x755: {  	v4 =	vshrl.u32 v4, $0xE;
	v10 =	vmul.f32 v18, v15;
	[tilespmem:v13+s22+$0x0] =	vst.idx.add.f32.msk $0xffff, v14  }
0x756: {  	v13 =	vadd.s32 $0x2710, v4;
	[tilespmem:v7+s22+$0x0] =	vst.idx.add.f32.msk $0xffff, v20  }
0x757: {  	[tilespmem:v11+s22+$0x0] =	vst.idx.add.f32.msk $0xffff, v10;
	v11 =	vadd.s32 $0x2710, v16;
	v10 =	vshll.u32 v19, $0x10  }
0x758: {  	v14 =	vadd.s32 $0x4E20, v6;
	v3 =	vld.idx.msk [tilespmem:v3+s3+$0x0], $0xffff;
	v16 =	vand.u32 v1, v19;
	v10 =	vmul.f32 v10, v59  }
0x759: {  	v6 =	vadd.s32 $0x7530, v6;
	v5 =	vld.idx.msk [tilespmem:v5+s3+$0x0], $0xffff;
	v16 =	vmul.f32 v16, v59  }
0x75a: {  	v18 =	vshll.u32 v9, $0x10;
	[tilespmem:v4+s22+$0x0] =	vst.idx.add.f32.msk $0xffff, v10  }
0x75b: {  	v9 =	vand.u32 v1, v9;
	v10 =	vmul.f32 v18, v17;
	[tilespmem:v13+s22+$0x0] =	vst.idx.add.f32.msk $0xffff, v16  }
0x75c: {  	v9 =	vmul.f32 v9, v17;
	v13 =	vadd.s32 $0x4E20, v8;
	v11 =	vld.idx.msk [tilespmem:v11+s3+$0x0], $0xffff  }
0x75d: {  	v8 =	vadd.s32 $0x7530, v8;
	[tilespmem:v14+s22+$0x0] =	vst.idx.add.f32.msk $0xffff, v10  }
0x75e: {  	v10 =	vadd.s32 $0x4E20, v7;
	[tilespmem:v6+s22+$0x0] =	vst.idx.add.f32.msk $0xffff, v9;
	v6 =	vshll.u32 v3, $0x10  }
0x75f: {  	v9 =	vand.u32 v1, v3;
	v14 =	vld [tilespmem:s29+$0xFFFFFF60];
	v6 =	vmul.f32 v6, v12  }
0x760: {  	v16 =	vshll.u32 v5, $0x10;
	v3 =	vld [tilespmem:s28+$0xFFFFFF60];
	v9 =	vmul.f32 v9, v12  }
0x761: {  	v16 =	vmul.f32 v16, v15;
	[tilespmem:v13+s22+$0x0] =	vst.idx.add.f32.msk $0xffff, v6  }
0x762: {  	v7 =	vadd.s32 $0x7530, v7;
	[tilespmem:v8+s22+$0x0] =	vst.idx.add.f32.msk $0xffff, v9  }
0x763: {  	s25 =	simm.s32 $0xED60;
	[tilespmem:v10+s22+$0x0] =	vst.idx.add.f32.msk $0xffff, v16  }
0x764: {  	v5 =	vand.u32 v1, v5;
	v8 =	vld [tilespmem:s25+$0x80]  }
0x765: {  	v5 =	vmul.f32 v5, v15;
	v12 =	vadd.s32 $0x4E20, v4;
	v10 =	vld [tilespmem:s25+$0xFFFFFF00]  }
0x766: {  	v9 =	vld [tilespmem:s25+$0xFFFFFF80]  }
0x767: {  	v4 =	vadd.s32 $0x7530, v4;
	v6 =	vshll.u32 v11, $0x10;
	[tilespmem:v7+s22+$0x0] =	vst.idx.add.f32.msk $0xffff, v5  }
0x768: {  	v6 =	vmul.f32 v6, v59;
	v5 =	vand.u32 v1, v11;
	v11 =	vld [tilespmem:s25+$0x0]  }
0x769: {  	v15 =	vld [tilespmem:s29+$0x60];
	v13 =	vand.u32 v2, v8  }
0x76a: {  	v5 =	vmul.f32 v5, v59;
	[tilespmem:v12+s22+$0x0] =	vst.idx.add.f32.msk $0xffff, v6;
	v18 =	vand.u32 v2, v10  }
0x76b: {  	v12 =	vld [tilespmem:s29+$0xFFFFFFE0]  }
0x76c: {  	v7 =	vand.u32 v2, v14;
	[tilespmem:v4+s22+$0x0] =	vst.idx.add.f32.msk $0xffff, v5  }
0x76d: {  	v5 =	vld [tilespmem:s28+$0xFFFFFFE0];
	v16 =	vand.u32 v2, v9  }
0x76e: {  	v19 =	vand.u32 v2, v11;
	v60 =	vld.idx.msk [tilespmem:v13+s3+$0x0], $0xffff  }
0x76f: {  	v43 =	vand.u32 v2, v15;
	v23 =	vld.idx.msk [tilespmem:v18+s3+$0x0], $0xffff  }
0x770: {  	v4 =	vld [tilespmem:s28+$0x60];
	v6 =	vand.u32 v2, v12  }
0x771: {  	v8 =	vshrl.u32 v8, $0xE;
	v17 =	vld.idx.msk [tilespmem:v7+s3+$0x0], $0xffff  }
0x772: {  	v10 =	vshrl.u32 v10, $0xE;
	v61 =	vld.idx.msk [tilespmem:v16+s3+$0x0], $0xffff  }
0x773: {  	v26 =	vadd.s32 $0x2710, v8;
	v24 =	vld.idx.msk [tilespmem:v19+s3+$0x0], $0xffff;
	v28 =	vshll.u32 v60, $0x10  }
0x774: {  	v13 =	vadd.s32 $0x2710, v13;
	v47 =	vld.idx.msk [tilespmem:v43+s3+$0x0], $0xffff;
	v32 =	vshll.u32 v23, $0x10;
	v28 =	vmul.f32 v28, v62  }
0x775: {  	v30 =	vadd.s32 $0x2710, v10;
	v31 =	vld.idx.msk [tilespmem:v6+s3+$0x0], $0xffff;
	v20 =	vand.u32 v1, v60;
	v32 =	vmul.f32 v32, v25  }
0x776: {  	v11 =	vshrl.u32 v11, $0xE;
	v20 =	vmul.f32 v20, v62;
	[tilespmem:v8+s22+$0x0] =	vst.idx.add.f32.msk $0xffff, v28  }
0x777: {  	v36 =	vadd.s32 $0x2710, v11;
	v23 =	vand.u32 v1, v23;
	[tilespmem:v10+s22+$0x0] =	vst.idx.add.f32.msk $0xffff, v32  }
0x778: {  	v18 =	vadd.s32 $0x2710, v18;
	v23 =	vmul.f32 v23, v25;
	v37 =	vshll.u32 v24, $0x10;
	[tilespmem:v26+s22+$0x0] =	vst.idx.add.f32.msk $0xffff, v20  }
0x779: {  	v9 =	vshrl.u32 v9, $0xE;
	v38 =	vand.u32 v1, v24;
	v39 =	vmul.f32 v37, v29;
	v13 =	vld.idx.msk [tilespmem:v13+s3+$0x0], $0xffff  }
0x77a: {  	v63 =	vadd.s32 $0x2710, v9;
	v40 =	vmul.f32 v38, v29;
	[tilespmem:v30+s22+$0x0] =	vst.idx.add.f32.msk $0xffff, v23  }
0x77b: {  	v16 =	vadd.s32 $0x2710, v16;
	v35 =	vshll.u32 v61, $0x10;
	[tilespmem:v11+s22+$0x0] =	vst.idx.add.f32.msk $0xffff, v39  }
0x77c: {  	v41 =	vadd.s32 $0x4E20, v8;
	v21 =	vand.u32 v1, v61;
	v20 =	vmul.f32 v35, v27;
	[tilespmem:v36+s22+$0x0] =	vst.idx.add.f32.msk $0xffff, v40  }
0x77d: {  	v21 =	vmul.f32 v21, v27;
	v8 =	vadd.s32 $0x7530, v8;
	v18 =	vld.idx.msk [tilespmem:v18+s3+$0x0], $0xffff  }
0x77e: {  	v19 =	vadd.s32 $0x2710, v19;
	[tilespmem:v9+s22+$0x0] =	vst.idx.add.f32.msk $0xffff, v20;
	v42 =	vshll.u32 v13, $0x10  }
0x77f: {  	[tilespmem:v63+s22+$0x0] =	vst.idx.add.f32.msk $0xffff, v21;
	v13 =	vand.u32 v1, v13;
	v20 =	vmul.f32 v42, v62  }
0x780: {  	v14 =	vshrl.u32 v14, $0xE;
	v16 =	vld.idx.msk [tilespmem:v16+s3+$0x0], $0xffff;
	v13 =	vmul.f32 v13, v62  }
0x781: {  	v44 =	vadd.s32 $0x2710, v14;
	[tilespmem:v41+s22+$0x0] =	vst.idx.add.f32.msk $0xffff, v20  }
0x782: {  	[tilespmem:v8+s22+$0x0] =	vst.idx.add.f32.msk $0xffff, v13;
	v8 =	vadd.s32 $0x4E20, v10;
	v13 =	vshll.u32 v17, $0x10  }
0x783: {  	v7 =	vadd.s32 $0x2710, v7;
	v19 =	vld.idx.msk [tilespmem:v19+s3+$0x0], $0xffff;
	v17 =	vand.u32 v1, v17;
	v13 =	vmul.f32 v13, v3  }
0x784: {  	v46 =	vshll.u32 v18, $0x10;
	v10 =	vadd.s32 $0x7530, v10;
	v21 =	vld [tilespmem:s25+$0x90];
	v17 =	vmul.f32 v17, v3  }
0x785: {  	v45 =	vadd.s32 $0x4E20, v9;
	v24 =	vmul.f32 v46, v25;
	[tilespmem:v14+s22+$0x0] =	vst.idx.add.f32.msk $0xffff, v13  }
0x786: {  	v9 =	vadd.s32 $0x7530, v9;
	v18 =	vand.u32 v1, v18;
	[tilespmem:v44+s22+$0x0] =	vst.idx.add.f32.msk $0xffff, v17  }
0x787: {  	v18 =	vmul.f32 v18, v25;
	v13 =	vshll.u32 v16, $0x10;
	[tilespmem:v8+s22+$0x0] =	vst.idx.add.f32.msk $0xffff, v24  }
0x788: {  	v16 =	vand.u32 v1, v16;
	v13 =	vmul.f32 v13, v27;
	v17 =	vadd.s32 $0x4E20, v11;
	v7 =	vld.idx.msk [tilespmem:v7+s3+$0x0], $0xffff  }
0x789: {  	v16 =	vmul.f32 v16, v27;
	v8 =	vand.u32 v2, v21;
	[tilespmem:v10+s22+$0x0] =	vst.idx.add.f32.msk $0xffff, v18  }
0x78a: {  	[tilespmem:v45+s22+$0x0] =	vst.idx.add.f32.msk $0xffff, v13;
	v10 =	vadd.s32 $0x7530, v11;
	v11 =	vshll.u32 v19, $0x10  }
0x78b: {  	[tilespmem:v9+s22+$0x0] =	vst.idx.add.f32.msk $0xffff, v16;
	v9 =	vmul.f32 v11, v29  }
0x78c: {  	v11 =	vld [tilespmem:s25+$0xFFFFFF10]  }
0x78d: {  	v13 =	vand.u32 v1, v19;
	[tilespmem:v17+s22+$0x0] =	vst.idx.add.f32.msk $0xffff, v9  }
0x78e: {  	v13 =	vmul.f32 v13, v29;
	v16 =	vld.idx.msk [tilespmem:v8+s3+$0x0], $0xffff  }
0x78f: {  	v17 =	vld [tilespmem:s26+$0x90]  }
0x790: {  	[tilespmem:v10+s22+$0x0] =	vst.idx.add.f32.msk $0xffff, v13  }
0x791: {  	v10 =	vld [tilespmem:s25+$0xFFFFFF90];
	v13 =	vshrl.u32 v21, $0xE  }
0x792: {  	v18 =	vld [tilespmem:s25+$0x10];
	v9 =	vadd.s32 $0x2710, v13  }
0x793: {  	v19 =	vld [tilespmem:s26+$0xFFFFFF10];
	v50 =	vand.u32 v2, v11;
	v48 =	vshll.u32 v16, $0x10  }
0x794: {  	v49 =	vadd.s32 $0x2710, v8;
	v51 =	vld [tilespmem:s26+$0xFFFFFF90];
	v16 =	vand.u32 v1, v16;
	v20 =	vmul.f32 v48, v17  }
0x795: {  	v8 =	vshrl.u32 v12, $0xE;
	v12 =	vld [tilespmem:s26+$0x10];
	v16 =	vmul.f32 v16, v17  }
0x796: {  	v52 =	vand.u32 v2, v10;
	[tilespmem:v13+s22+$0x0] =	vst.idx.add.f32.msk $0xffff, v20  }
0x797: {  	v53 =	vshll.u32 v31, $0x10;
	v54 =	vand.u32 v2, v18;
	[tilespmem:v9+s22+$0x0] =	vst.idx.add.f32.msk $0xffff, v16  }
0x798: {  	v20 =	vmul.f32 v53, v5;
	v16 =	vadd.s32 $0x2710, v8;
	v9 =	vshrl.u32 v15, $0xE;
	v15 =	vld.idx.msk [tilespmem:v50+s3+$0x0], $0xffff  }
0x799: {  	v21 =	vld.idx.msk [tilespmem:v49+s3+$0x0], $0xffff  }
0x79a: {  	v56 =	vand.u32 v1, v31;
	v55 =	vadd.s32 $0x2710, v9;
	[tilespmem:v8+s22+$0x0] =	vst.idx.add.f32.msk $0xffff, v20  }
0x79b: {  	v6 =	vadd.s32 $0x2710, v6;
	v58 =	vshll.u32 v47, $0x10;
	v57 =	vmul.f32 v56, v5;
	v59 =	vld.idx.msk [tilespmem:v52+s3+$0x0], $0xffff  }
0x79c: {  	v26 =	vand.u32 v1, v47;
	v29 =	vmul.f32 v58, v4;
	v11 =	vshrl.u32 v11, $0xE;
	v60 =	vld.idx.msk [tilespmem:v54+s3+$0x0], $0xffff  }
0x79d: {  	v26 =	vmul.f32 v26, v4;
	v61 =	vadd.s32 $0x4E20, v13;
	[tilespmem:v16+s22+$0x0] =	vst.idx.add.f32.msk $0xffff, v57  }
0x79e: {  	v13 =	vadd.s32 $0x7530, v13;
	[tilespmem:v9+s22+$0x0] =	vst.idx.add.f32.msk $0xffff, v29;
	v33 =	vshll.u32 v15, $0x10  }
0x79f: {  	v39 =	vadd.s32 $0x2710, v43;
	v16 =	vshll.u32 v21, $0x10;
	[tilespmem:v55+s22+$0x0] =	vst.idx.add.f32.msk $0xffff, v26;
	v20 =	vmul.f32 v33, v19  }
0x7a0: {  	v40 =	vadd.s32 $0x4E20, v14;
	v62 =	vand.u32 v1, v21;
	v43 =	vld.idx.msk [tilespmem:v6+s3+$0x0], $0xffff;
	v16 =	vmul.f32 v16, v17  }
0x7a1: {  	v63 =	vadd.s32 $0x2710, v11;
	v17 =	vmul.f32 v62, v17;
	[tilespmem:v11+s22+$0x0] =	vst.idx.add.f32.msk $0xffff, v20  }
0x7a2: {  	v14 =	vadd.s32 $0x7530, v14;
	v42 =	vshll.u32 v7, $0x10;
	v15 =	vand.u32 v1, v15;
	[tilespmem:v61+s22+$0x0] =	vst.idx.add.f32.msk $0xffff, v16  }
0x7a3: {  	v10 =	vshrl.u32 v10, $0xE;
	v6 =	vand.u32 v1, v7;
	v7 =	vmul.f32 v42, v3;
	[tilespmem:v13+s22+$0x0] =	vst.idx.add.f32.msk $0xffff, v17  }
0x7a4: {  	v15 =	vmul.f32 v15, v19;
	v16 =	vadd.s32 $0x2710, v10;
	v13 =	vshrl.u32 v18, $0xE;
	v18 =	vld [tilespmem:s25+$0xA0]  }
0x7a5: {  	v36 =	vadd.s32 $0x2710, v50;
	v3 =	vmul.f32 v6, v3;
	[tilespmem:v40+s22+$0x0] =	vst.idx.add.f32.msk $0xffff, v7;
	v17 =	vshll.u32 v59, $0x10  }
0x7a6: {  	v35 =	vand.u32 v1, v59;
	[tilespmem:v63+s22+$0x0] =	vst.idx.add.f32.msk $0xffff, v15;
	v17 =	vmul.f32 v17, v51  }
0x7a7: {  	v28 =	vmul.f32 v35, v51;
	[tilespmem:v14+s22+$0x0] =	vst.idx.add.f32.msk $0xffff, v3;
	v34 =	vadd.s32 $0x2710, v13  }
0x7a8: {  	v37 =	vshll.u32 v60, $0x10;
	v38 =	vand.u32 v1, v60;
	[tilespmem:v10+s22+$0x0] =	vst.idx.add.f32.msk $0xffff, v17  }
0x7a9: {  	v22 =	vmul.f32 v37, v12;
	[tilespmem:v16+s22+$0x0] =	vst.idx.add.f32.msk $0xffff, v28;
	v16 =	vand.u32 v2, v18  }
0x7aa: {  	v21 =	vmul.f32 v38, v12;
	v20 =	vld.idx.msk [tilespmem:v36+s3+$0x0], $0xffff  }
0x7ab: {  	v15 =	vadd.s32 $0x2710, v52;
	[tilespmem:v13+s22+$0x0] =	vst.idx.add.f32.msk $0xffff, v22  }
0x7ac: {  	[tilespmem:v34+s22+$0x0] =	vst.idx.add.f32.msk $0xffff, v21  }
0x7ad: {  	v17 =	vadd.s32 $0x2710, v54;
	v21 =	vld.idx.msk [tilespmem:v39+s3+$0x0], $0xffff  }
0x7ae: {  	v45 =	vadd.s32 $0x4E20, v11;
	v41 =	vld.idx.msk [tilespmem:v16+s3+$0x0], $0xffff  }
0x7af: {  	v11 =	vadd.s32 $0x7530, v11;
	v44 =	vld [tilespmem:s26+$0xA0]  }
0x7b0: {  	v52 =	vadd.s32 $0x4E20, v9;
	v15 =	vld.idx.msk [tilespmem:v15+s3+$0x0], $0xffff;
	v6 =	vshll.u32 v20, $0x10  }
0x7b1: {  	v20 =	vand.u32 v1, v20;
	v18 =	vshrl.u32 v18, $0xE;
	v14 =	vmul.f32 v6, v19;
	v6 =	vld [tilespmem:s29+$0xFFFFFF70]  }
0x7b2: {  	v19 =	vmul.f32 v20, v19;
	v7 =	vadd.s32 $0x2710, v18;
	v17 =	vld.idx.msk [tilespmem:v17+s3+$0x0], $0xffff;
	v54 =	vshll.u32 v21, $0x10  }
0x7b3: {  	[tilespmem:v45+s22+$0x0] =	vst.idx.add.f32.msk $0xffff, v14;
	v16 =	vadd.s32 $0x2710, v16;
	v24 =	vmul.f32 v54, v4;
	v3 =	vshll.u32 v41, $0x10  }
0x7b4: {  	v48 =	vadd.s32 $0x4E20, v10;
	[tilespmem:v11+s22+$0x0] =	vst.idx.add.f32.msk $0xffff, v19;
	v46 =	vand.u32 v1, v41;
	v47 =	vmul.f32 v3, v44  }
0x7b5: {  	v10 =	vadd.s32 $0x7530, v10;
	[tilespmem:v52+s22+$0x0] =	vst.idx.add.f32.msk $0xffff, v24;
	v14 =	vmul.f32 v46, v44  }
0x7b6: {  	v49 =	vadd.s32 $0x4E20, v13;
	v50 =	vshll.u32 v15, $0x10;
	[tilespmem:v18+s22+$0x0] =	vst.idx.add.f32.msk $0xffff, v47  }
0x7b7: {  	[tilespmem:v7+s22+$0x0] =	vst.idx.add.f32.msk $0xffff, v14;
	v7 =	vadd.s32 $0x7530, v13;
	v13 =	vand.u32 v1, v15;
	v14 =	vmul.f32 v50, v51  }
0x7b8: {  	v15 =	vld.idx.msk [tilespmem:v16+s3+$0x0], $0xffff;
	v16 =	vshll.u32 v17, $0x10;
	v13 =	vmul.f32 v13, v51  }
0x7b9: {  	v9 =	vadd.s32 $0x7530, v9;
	v11 =	vand.u32 v1, v17;
	v16 =	vmul.f32 v16, v12;
	[tilespmem:v48+s22+$0x0] =	vst.idx.add.f32.msk $0xffff, v14  }
0x7ba: {  	v11 =	vmul.f32 v11, v12;
	[tilespmem:v10+s22+$0x0] =	vst.idx.add.f32.msk $0xffff, v13  }
0x7bb: {  	v21 =	vand.u32 v1, v21;
	[tilespmem:v49+s22+$0x0] =	vst.idx.add.f32.msk $0xffff, v16  }
0x7bc: {  	v4 =	vmul.f32 v21, v4;
	v10 =	vadd.s32 $0x4E20, v18;
	[tilespmem:v7+s22+$0x0] =	vst.idx.add.f32.msk $0xffff, v11  }
0x7bd: {  	v7 =	vadd.s32 $0x7530, v18;
	v11 =	vld [tilespmem:s25+$0xFFFFFF20]  }
0x7be: {  	[tilespmem:v9+s22+$0x0] =	vst.idx.add.f32.msk $0xffff, v4;
	v12 =	vshll.u32 v15, $0x10  }
0x7bf: {  	v13 =	vld [tilespmem:s25+$0xFFFFFFA0];
	v14 =	vand.u32 v1, v15;
	v12 =	vmul.f32 v12, v44  }
0x7c0: {  	v15 =	vld [tilespmem:s25+$0x20];
	v14 =	vmul.f32 v14, v44  }
0x7c1: {  	[tilespmem:v10+s22+$0x0] =	vst.idx.add.f32.msk $0xffff, v12;
	v10 =	vadd.s32 $0x4E20, v8  }
0x7c2: {  	[tilespmem:v7+s22+$0x0] =	vst.idx.add.f32.msk $0xffff, v14;
	v7 =	vand.u32 v2, v11  }
0x7c3: {  	v14 =	vshll.u32 v43, $0x10;
	v12 =	vld [tilespmem:s25+$0xB0]  }
0x7c4: {  	v3 =	vld [tilespmem:s28+$0xFFFFFF70];
	v17 =	vand.u32 v2, v13;
	v14 =	vmul.f32 v14, v5  }
0x7c5: {  	v16 =	vld [tilespmem:s26+$0xFFFFFF20];
	v8 =	vadd.s32 $0x7530, v8  }
0x7c6: {  	[tilespmem:v10+s22+$0x0] =	vst.idx.add.f32.msk $0xffff, v14  }
0x7c7: {  	v19 =	vand.u32 v2, v15;
	v10 =	vand.u32 v1, v43;
	v14 =	vld.idx.msk [tilespmem:v7+s3+$0x0], $0xffff  }
0x7c8: {  	v18 =	vld [tilespmem:s26+$0xFFFFFFA0];
	v5 =	vmul.f32 v10, v5;
	v53 =	vand.u32 v2, v12  }
0x7c9: {  	v10 =	vld.idx.msk [tilespmem:v17+s3+$0x0], $0xffff  }
0x7ca: {  	[tilespmem:v8+s22+$0x0] =	vst.idx.add.f32.msk $0xffff, v5;
	v5 =	vshrl.u32 v11, $0xE  }
0x7cb: {  	v51 =	vld [tilespmem:s26+$0x20];
	v8 =	vadd.s32 $0x2710, v5  }
0x7cc: {  	v13 =	vshrl.u32 v13, $0xE;
	v55 =	vld.idx.msk [tilespmem:v19+s3+$0x0], $0xffff;
	v56 =	vshll.u32 v14, $0x10  }
0x7cd: {  	v4 =	vadd.s32 $0x2710, v13;
	v9 =	vand.u32 v1, v14;
	v11 =	vld.idx.msk [tilespmem:v53+s3+$0x0], $0xffff;
	v14 =	vmul.f32 v56, v16  }
0x7ce: {  	v57 =	vld [tilespmem:s26+$0xB0];
	v58 =	vshll.u32 v10, $0x10;
	v9 =	vmul.f32 v9, v16  }
0x7cf: {  	v15 =	vshrl.u32 v15, $0xE;
	v10 =	vand.u32 v1, v10;
	[tilespmem:v5+s22+$0x0] =	vst.idx.add.f32.msk $0xffff, v14;
	v14 =	vmul.f32 v58, v18  }
0x7d0: {  	v12 =	vshrl.u32 v12, $0xE;
	v10 =	vmul.f32 v10, v18;
	[tilespmem:v8+s22+$0x0] =	vst.idx.add.f32.msk $0xffff, v9  }
0x7d1: {  	v62 =	vadd.s32 $0x2710, v15;
	v60 =	vshll.u32 v55, $0x10;
	v8 =	vadd.s32 $0x2710, v12;
	[tilespmem:v13+s22+$0x0] =	vst.idx.add.f32.msk $0xffff, v14  }
0x7d2: {  	v61 =	vadd.s32 $0x2710, v53;
	v9 =	vmul.f32 v60, v51;
	v14 =	vshll.u32 v11, $0x10;
	[tilespmem:v4+s22+$0x0] =	vst.idx.add.f32.msk $0xffff, v10  }
0x7d3: {  	v59 =	vld [tilespmem:s29+$0xFFFFFFF0];
	v4 =	vand.u32 v1, v11;
	v11 =	vand.u32 v2, v6;
	v10 =	vmul.f32 v14, v57  }
0x7d4: {  	[tilespmem:v15+s22+$0x0] =	vst.idx.add.f32.msk $0xffff, v9;
	v14 =	vadd.s32 $0x2710, v7;
	v4 =	vmul.f32 v4, v57;
	v7 =	vand.u32 v1, v55  }
0x7d5: {  	v7 =	vmul.f32 v7, v51;
	[tilespmem:v12+s22+$0x0] =	vst.idx.add.f32.msk $0xffff, v10  }
0x7d6: {  	v9 =	vadd.s32 $0x2710, v17;
	[tilespmem:v8+s22+$0x0] =	vst.idx.add.f32.msk $0xffff, v4  }
0x7d7: {  	[tilespmem:v62+s22+$0x0] =	vst.idx.add.f32.msk $0xffff, v7  }
0x7d8: {  	v10 =	vadd.s32 $0x2710, v19;
	v4 =	vld.idx.msk [tilespmem:v61+s3+$0x0], $0xffff  }
0x7d9: {  	v7 =	vand.u32 v2, v59;
	v63 =	vld.idx.msk [tilespmem:v11+s3+$0x0], $0xffff  }
0x7da: {  	v8 =	vld.idx.msk [tilespmem:v14+s3+$0x0], $0xffff  }
0x7db: {  	v17 =	vadd.s32 $0x4E20, v12;
	v14 =	vld.idx.msk [tilespmem:v9+s3+$0x0], $0xffff  }
0x7dc: {  	v12 =	vadd.s32 $0x7530, v12;
	v9 =	vld [tilespmem:s29+$0x70]  }
0x7dd: {  	v10 =	vld.idx.msk [tilespmem:v10+s3+$0x0], $0xffff;
	v19 =	vshll.u32 v4, $0x10  }
0x7de: {  	v35 =	vadd.s32 $0x4E20, v5;
	v25 =	vld.idx.msk [tilespmem:v7+s3+$0x0], $0xffff;
	v4 =	vand.u32 v1, v4;
	v19 =	vmul.f32 v19, v57  }
0x7df: {  	v5 =	vadd.s32 $0x7530, v5;
	v21 =	vmul.f32 v4, v57;
	v4 =	vld [tilespmem:s28+$0xFFFFFFF0]  }
0x7e0: {  	v36 =	vadd.s32 $0x4E20, v13;
	v37 =	vshll.u32 v8, $0x10;
	[tilespmem:v17+s22+$0x0] =	vst.idx.add.f32.msk $0xffff, v19  }
0x7e1: {  	v8 =	vand.u32 v1, v8;
	v17 =	vmul.f32 v37, v16;
	[tilespmem:v12+s22+$0x0] =	vst.idx.add.f32.msk $0xffff, v21  }
0x7e2: {  	v13 =	vadd.s32 $0x7530, v13;
	v8 =	vmul.f32 v8, v16;
	v19 =	vshll.u32 v14, $0x10;
	v16 =	vld [tilespmem:s25+$0xC0]  }
0x7e3: {  	v19 =	vmul.f32 v19, v18;
	[tilespmem:v35+s22+$0x0] =	vst.idx.add.f32.msk $0xffff, v17  }
0x7e4: {  	v14 =	vand.u32 v1, v14;
	v12 =	vadd.s32 $0x4E20, v15;
	[tilespmem:v5+s22+$0x0] =	vst.idx.add.f32.msk $0xffff, v8  }
0x7e5: {  	v14 =	vmul.f32 v14, v18;
	[tilespmem:v36+s22+$0x0] =	vst.idx.add.f32.msk $0xffff, v19  }
0x7e6: {  	v15 =	vadd.s32 $0x7530, v15;
	v17 =	vshll.u32 v10, $0x10;
	v19 =	vld [tilespmem:s26+$0xC0]  }
0x7e7: {  	v8 =	vmul.f32 v17, v51;
	[tilespmem:v13+s22+$0x0] =	vst.idx.add.f32.msk $0xffff, v14  }
0x7e8: {  	v5 =	vand.u32 v1, v10;
	v13 =	vld [tilespmem:s25+$0xFFFFFFB0]  }
0x7e9: {  	v5 =	vmul.f32 v5, v51;
	[tilespmem:v12+s22+$0x0] =	vst.idx.add.f32.msk $0xffff, v8  }
0x7ea: {  	v12 =	vld [tilespmem:s25+$0xFFFFFF30];
	v8 =	vand.u32 v2, v16  }
0x7eb: {  	[tilespmem:v15+s22+$0x0] =	vst.idx.add.f32.msk $0xffff, v5  }
0x7ec: {  	v14 =	vld [tilespmem:s25+$0x30]  }
0x7ed: {  	v10 =	vand.u32 v2, v9;
	v17 =	vld [tilespmem:s26+$0xFFFFFF30]  }
0x7ee: {  	v39 =	vld [tilespmem:s26+$0xFFFFFFB0];
	v38 =	vand.u32 v2, v13  }
0x7ef: {  	v18 =	vand.u32 v2, v12;
	v15 =	vld.idx.msk [tilespmem:v8+s3+$0x0], $0xffff  }
0x7f0: {  	v5 =	vld [tilespmem:s28+$0x70];
	v44 =	vadd.s32 $0x2710, v8;
	v8 =	vshrl.u32 v6, $0xE  }
0x7f1: {  	v40 =	vld [tilespmem:s26+$0x30];
	v45 =	vand.u32 v2, v14  }
0x7f2: {  	v48 =	vshll.u32 v63, $0x10;
	v16 =	vshrl.u32 v16, $0xE;
	v42 =	vld.idx.msk [tilespmem:v10+s3+$0x0], $0xffff  }
0x7f3: {  	v49 =	vmul.f32 v48, v3;
	v41 =	vadd.s32 $0x2710, v16;
	v47 =	vld.idx.msk [tilespmem:v38+s3+$0x0], $0xffff  }
0x7f4: {  	v6 =	vshrl.u32 v59, $0xE;
	v46 =	vld.idx.msk [tilespmem:v18+s3+$0x0], $0xffff;
	v43 =	vshll.u32 v15, $0x10  }
0x7f5: {  	v15 =	vand.u32 v1, v15;
	[tilespmem:v8+s22+$0x0] =	vst.idx.add.f32.msk $0xffff, v49;
	v28 =	vmul.f32 v43, v19  }
0x7f6: {  	v51 =	vshll.u32 v25, $0x10;
	v33 =	vadd.s32 $0x2710, v8;
	v15 =	vmul.f32 v15, v19;
	v53 =	vld.idx.msk [tilespmem:v45+s3+$0x0], $0xffff  }
0x7f7: {  	v26 =	vmul.f32 v51, v4;
	v12 =	vshrl.u32 v12, $0xE;
	[tilespmem:v16+s22+$0x0] =	vst.idx.add.f32.msk $0xffff, v28  }
0x7f8: {  	v52 =	vadd.s32 $0x2710, v12;
	[tilespmem:v41+s22+$0x0] =	vst.idx.add.f32.msk $0xffff, v15;
	v15 =	vand.u32 v1, v63  }
0x7f9: {  	v11 =	vadd.s32 $0x2710, v11;
	[tilespmem:v6+s22+$0x0] =	vst.idx.add.f32.msk $0xffff, v26;
	v34 =	vshll.u32 v46, $0x10;
	v15 =	vmul.f32 v15, v3  }
0x7fa: {  	v18 =	vadd.s32 $0x2710, v18;
	v54 =	vand.u32 v1, v46;
	v50 =	vld.idx.msk [tilespmem:v44+s3+$0x0], $0xffff;
	v55 =	vmul.f32 v34, v17  }
0x7fb: {  	v14 =	vshrl.u32 v14, $0xE;
	v22 =	vmul.f32 v54, v17;
	[tilespmem:v33+s22+$0x0] =	vst.idx.add.f32.msk $0xffff, v15  }
0x7fc: {  	v13 =	vshrl.u32 v13, $0xE;
	[tilespmem:v12+s22+$0x0] =	vst.idx.add.f32.msk $0xffff, v55  }
0x7fd: {  	v58 =	vadd.s32 $0x2710, v13;
	v61 =	vshll.u32 v53, $0x10;
	[tilespmem:v52+s22+$0x0] =	vst.idx.add.f32.msk $0xffff, v22  }
0x7fe: {  	v56 =	vadd.s32 $0x4E20, v16;
	v15 =	vshll.u32 v47, $0x10;
	v24 =	vmul.f32 v61, v40;
	v11 =	vld.idx.msk [tilespmem:v11+s3+$0x0], $0xffff  }
0x7ff: {  	v16 =	vadd.s32 $0x7530, v16;
	v59 =	vand.u32 v1, v47;
	v15 =	vmul.f32 v15, v39;
	v18 =	vld.idx.msk [tilespmem:v18+s3+$0x0], $0xffff  }
0x800: {  	v60 =	vmul.f32 v59, v39;
	[tilespmem:v14+s22+$0x0] =	vst.idx.add.f32.msk $0xffff, v24;
	v57 =	vshll.u32 v50, $0x10  }
0x801: {  	[tilespmem:v13+s22+$0x0] =	vst.idx.add.f32.msk $0xffff, v15;
	v15 =	vand.u32 v1, v50;
	v22 =	vmul.f32 v57, v19  }
0x802: {  	v15 =	vmul.f32 v15, v19;
	v19 =	vadd.s32 $0x2710, v14;
	[tilespmem:v58+s22+$0x0] =	vst.idx.add.f32.msk $0xffff, v60  }
0x803: {  	v20 =	vadd.s32 $0x2710, v38;
	[tilespmem:v56+s22+$0x0] =	vst.idx.add.f32.msk $0xffff, v22  }
0x804: {  	[tilespmem:v16+s22+$0x0] =	vst.idx.add.f32.msk $0xffff, v15;
	v15 =	vadd.s32 $0x2710, v45;
	v16 =	vand.u32 v1, v53  }
0x805: {  	v63 =	vadd.s32 $0x4E20, v12;
	v62 =	vld [tilespmem:s25+$0xD0];
	v16 =	vmul.f32 v16, v40  }
0x806: {  	v12 =	vadd.s32 $0x7530, v12;
	v37 =	vld [tilespmem:s26+$0xD0]  }
0x807: {  	v31 =	vshll.u32 v18, $0x10;
	[tilespmem:v19+s22+$0x0] =	vst.idx.add.f32.msk $0xffff, v16  }
0x808: {  	v16 =	vand.u32 v1, v18;
	v18 =	vmul.f32 v31, v17;
	v19 =	vld.idx.msk [tilespmem:v20+s3+$0x0], $0xffff  }
0x809: {  	v32 =	vadd.s32 $0x2710, v6;
	v16 =	vmul.f32 v16, v17;
	v15 =	vld.idx.msk [tilespmem:v15+s3+$0x0], $0xffff  }
0x80a: {  	v7 =	vadd.s32 $0x2710, v7;
	[tilespmem:v63+s22+$0x0] =	vst.idx.add.f32.msk $0xffff, v18  }
0x80b: {  	v17 =	vand.u32 v2, v62;
	[tilespmem:v12+s22+$0x0] =	vst.idx.add.f32.msk $0xffff, v16;
	v12 =	vand.u32 v1, v25  }
0x80c: {  	v16 =	vadd.s32 $0x4E20, v13;
	v18 =	vld [tilespmem:s25+$0xFFFFFF40];
	v12 =	vmul.f32 v12, v4  }
0x80d: {  	v13 =	vadd.s32 $0x7530, v13;
	v33 =	vld [tilespmem:s26+$0xFFFFFF40]  }
0x80e: {  	v34 =	vadd.s32 $0x4E20, v14;
	v35 =	vshll.u32 v19, $0x10;
	[tilespmem:v32+s22+$0x0] =	vst.idx.add.f32.msk $0xffff, v12  }
0x80f: {  	v14 =	vadd.s32 $0x7530, v14;
	v19 =	vand.u32 v1, v19;
	v25 =	vmul.f32 v35, v39;
	v50 =	vld.idx.msk [tilespmem:v7+s3+$0x0], $0xffff  }
0x810: {  	v19 =	vmul.f32 v19, v39;
	v12 =	vshll.u32 v15, $0x10;
	v36 =	vld.idx.msk [tilespmem:v17+s3+$0x0], $0xffff  }
0x811: {  	v15 =	vand.u32 v1, v15;
	v12 =	vmul.f32 v12, v40;
	[tilespmem:v16+s22+$0x0] =	vst.idx.add.f32.msk $0xffff, v25  }
0x812: {  	v15 =	vmul.f32 v15, v40;
	[tilespmem:v13+s22+$0x0] =	vst.idx.add.f32.msk $0xffff, v19  }
0x813: {  	v13 =	vshrl.u32 v62, $0xE;
	[tilespmem:v34+s22+$0x0] =	vst.idx.add.f32.msk $0xffff, v12  }
0x814: {  	v12 =	vadd.s32 $0x2710, v13;
	[tilespmem:v14+s22+$0x0] =	vst.idx.add.f32.msk $0xffff, v15  }
0x815: {  	v15 =	vadd.s32 $0x2710, v17;
	v17 =	vld [tilespmem:s25+$0xFFFFFFC0];
	v14 =	vshll.u32 v36, $0x10  }
0x816: {  	v16 =	vand.u32 v2, v18;
	v38 =	vld [tilespmem:s25+$0x40];
	v19 =	vand.u32 v1, v36;
	v14 =	vmul.f32 v14, v37  }
0x817: {  	v25 =	vld [tilespmem:s26+$0xFFFFFFC0];
	v19 =	vmul.f32 v19, v37  }
0x818: {  	v9 =	vshrl.u32 v9, $0xE;
	[tilespmem:v13+s22+$0x0] =	vst.idx.add.f32.msk $0xffff, v14  }
0x819: {  	[tilespmem:v12+s22+$0x0] =	vst.idx.add.f32.msk $0xffff, v19;
	v12 =	vadd.s32 $0x2710, v9  }
0x81a: {  	v39 =	vand.u32 v2, v17;
	v14 =	vld.idx.msk [tilespmem:v15+s3+$0x0], $0xffff;
	v15 =	vshll.u32 v42, $0x10  }
0x81b: {  	v40 =	vand.u32 v1, v42;
	v19 =	vld.idx.msk [tilespmem:v16+s3+$0x0], $0xffff;
	v41 =	vand.u32 v2, v38;
	v15 =	vmul.f32 v15, v5  }
0x81c: {  	v7 =	vadd.s32 $0x2710, v10;
	v24 =	vmul.f32 v40, v5;
	v42 =	vld [tilespmem:s26+$0x40]  }
0x81d: {  	v28 =	vadd.s32 $0x4E20, v13;
	[tilespmem:v9+s22+$0x0] =	vst.idx.add.f32.msk $0xffff, v15  }
0x81e: {  	v13 =	vadd.s32 $0x7530, v13;
	[tilespmem:v12+s22+$0x0] =	vst.idx.add.f32.msk $0xffff, v24  }
0x81f: {  	v12 =	vld.idx.msk [tilespmem:v39+s3+$0x0], $0xffff;
	v15 =	vshll.u32 v14, $0x10  }
0x820: {  	v18 =	vshrl.u32 v18, $0xE;
	v43 =	vld.idx.msk [tilespmem:v41+s3+$0x0], $0xffff;
	v14 =	vand.u32 v1, v14;
	v15 =	vmul.f32 v15, v37  }
0x821: {  	v44 =	vadd.s32 $0x2710, v18;
	v7 =	vld.idx.msk [tilespmem:v7+s3+$0x0], $0xffff;
	v14 =	vmul.f32 v14, v37  }
0x822: {  	v16 =	vadd.s32 $0x2710, v16;
	v45 =	vshll.u32 v19, $0x10;
	[tilespmem:v28+s22+$0x0] =	vst.idx.add.f32.msk $0xffff, v15  }
0x823: {  	v15 =	vshrl.u32 v17, $0xE;
	v17 =	vand.u32 v1, v19;
	v19 =	vmul.f32 v45, v33;
	[tilespmem:v13+s22+$0x0] =	vst.idx.add.f32.msk $0xffff, v14  }
0x824: {  	v13 =	vadd.s32 $0x2710, v15;
	v14 =	vmul.f32 v17, v33;
	v17 =	vld [tilespmem:s25+$0xE0]  }
0x825: {  	v46 =	vshrl.u32 v38, $0xE;
	[tilespmem:v18+s22+$0x0] =	vst.idx.add.f32.msk $0xffff, v19;
	v19 =	vshll.u32 v12, $0x10  }
0x826: {  	v21 =	vadd.s32 $0x2710, v46;
	v12 =	vand.u32 v1, v12;
	[tilespmem:v44+s22+$0x0] =	vst.idx.add.f32.msk $0xffff, v14;
	v14 =	vmul.f32 v19, v25  }
0x827: {  	v47 =	vshll.u32 v43, $0x10;
	v19 =	vadd.s32 $0x2710, v39;
	v12 =	vmul.f32 v12, v25;
	v16 =	vld.idx.msk [tilespmem:v16+s3+$0x0], $0xffff  }
0x828: {  	v26 =	vadd.s32 $0x2710, v41;
	v24 =	vand.u32 v1, v43;
	v23 =	vmul.f32 v47, v42;
	[tilespmem:v15+s22+$0x0] =	vst.idx.add.f32.msk $0xffff, v14  }
0x829: {  	v14 =	vmul.f32 v24, v42;
	[tilespmem:v13+s22+$0x0] =	vst.idx.add.f32.msk $0xffff, v12;
	v12 =	vand.u32 v2, v17  }
0x82a: {  	[tilespmem:v46+s22+$0x0] =	vst.idx.add.f32.msk $0xffff, v23  }
0x82b: {  	v13 =	vadd.s32 $0x4E20, v18;
	[tilespmem:v21+s22+$0x0] =	vst.idx.add.f32.msk $0xffff, v14  }
0x82c: {  	v18 =	vadd.s32 $0x7530, v18;
	v14 =	vld.idx.msk [tilespmem:v19+s3+$0x0], $0xffff  }
0x82d: {  	v19 =	vld.idx.msk [tilespmem:v26+s3+$0x0], $0xffff;
	v48 =	vshll.u32 v16, $0x10  }
0x82e: {  	v16 =	vand.u32 v1, v16;
	v21 =	vmul.f32 v48, v33;
	v49 =	vld.idx.msk [tilespmem:v12+s3+$0x0], $0xffff  }
0x82f: {  	v51 =	vadd.s32 $0x4E20, v15;
	v10 =	vmul.f32 v16, v33;
	v16 =	vld [tilespmem:s26+$0xE0]  }
0x830: {  	v15 =	vadd.s32 $0x7530, v15;
	[tilespmem:v13+s22+$0x0] =	vst.idx.add.f32.msk $0xffff, v21  }
0x831: {  	[tilespmem:v18+s22+$0x0] =	vst.idx.add.f32.msk $0xffff, v10;
	v10 =	vshrl.u32 v17, $0xE;
	v13 =	vshll.u32 v14, $0x10  }
0x832: {  	v14 =	vand.u32 v1, v14;
	v17 =	vld [tilespmem:s25+$0xFFFFFF50];
	v18 =	vadd.s32 $0x2710, v10;
	v13 =	vmul.f32 v13, v25  }
0x833: {  	v12 =	vadd.s32 $0x2710, v12;
	v21 =	vld [tilespmem:s26+$0xFFFFFF50];
	v14 =	vmul.f32 v14, v25;
	v52 =	vshll.u32 v49, $0x10  }
0x834: {  	[tilespmem:v51+s22+$0x0] =	vst.idx.add.f32.msk $0xffff, v13;
	v23 =	vand.u32 v1, v49;
	v26 =	vmul.f32 v52, v16  }
0x835: {  	v53 =	vadd.s32 $0x4E20, v46;
	[tilespmem:v15+s22+$0x0] =	vst.idx.add.f32.msk $0xffff, v14;
	v13 =	vmul.f32 v23, v16  }
0x836: {  	v20 =	vadd.s32 $0x7530, v46;
	[tilespmem:v10+s22+$0x0] =	vst.idx.add.f32.msk $0xffff, v26  }
0x837: {  	v54 =	vshll.u32 v19, $0x10;
	[tilespmem:v18+s22+$0x0] =	vst.idx.add.f32.msk $0xffff, v13  }
0x838: {  	v13 =	vand.u32 v1, v19;
	v18 =	vmul.f32 v54, v42;
	v12 =	vld.idx.msk [tilespmem:v12+s3+$0x0], $0xffff  }
0x839: {  	v57 =	vld [tilespmem:s26+$0xFFFFFFD0];
	v13 =	vmul.f32 v13, v42  }
0x83a: {  	v19 =	vand.u32 v2, v17;
	[tilespmem:v53+s22+$0x0] =	vst.idx.add.f32.msk $0xffff, v18  }
0x83b: {  	v14 =	vadd.s32 $0x4E20, v10;
	[tilespmem:v20+s22+$0x0] =	vst.idx.add.f32.msk $0xffff, v13  }
0x83c: {  	v10 =	vadd.s32 $0x7530, v10;
	v13 =	vld [tilespmem:s25+$0xFFFFFFD0]  }
0x83d: {  	v15 =	vld [tilespmem:s25+$0x50];
	v55 =	vshll.u32 v12, $0x10  }
0x83e: {  	v56 =	vadd.s32 $0x4E20, v8;
	v58 =	vld [tilespmem:s26+$0x50];
	v12 =	vand.u32 v1, v12;
	v20 =	vmul.f32 v55, v16  }
0x83f: {  	v18 =	vld.idx.msk [tilespmem:v19+s3+$0x0], $0xffff;
	v12 =	vmul.f32 v12, v16  }
0x840: {  	v8 =	vadd.s32 $0x7530, v8;
	v16 =	vshll.u32 v11, $0x10;
	v11 =	vand.u32 v1, v11;
	[tilespmem:v14+s22+$0x0] =	vst.idx.add.f32.msk $0xffff, v20  }
0x841: {  	v59 =	vand.u32 v2, v13;
	v14 =	vmul.f32 v16, v3;
	[tilespmem:v10+s22+$0x0] =	vst.idx.add.f32.msk $0xffff, v12  }
0x842: {  	v16 =	vand.u32 v2, v15;
	v3 =	vmul.f32 v11, v3;
	v11 =	vld [tilespmem:s25+$0xF0]  }
0x843: {  	v10 =	vshrl.u32 v17, $0xE;
	[tilespmem:v56+s22+$0x0] =	vst.idx.add.f32.msk $0xffff, v14  }
0x844: {  	v12 =	vadd.s32 $0x2710, v10;
	v63 =	vld [tilespmem:s26+$0xF0]  }
0x845: {  	v17 =	vshll.u32 v18, $0x10;
	v14 =	vadd.s32 $0x2710, v19;
	[tilespmem:v8+s22+$0x0] =	vst.idx.add.f32.msk $0xffff, v3  }
0x846: {  	v17 =	vmul.f32 v17, v21;
	v3 =	vadd.s32 $0x4E20, v6;
	v8 =	vand.u32 v1, v18;
	v18 =	vld.idx.msk [tilespmem:v59+s3+$0x0], $0xffff  }
0x847: {  	v6 =	vadd.s32 $0x7530, v6;
	v8 =	vmul.f32 v8, v21;
	v19 =	vld.idx.msk [tilespmem:v16+s3+$0x0], $0xffff  }
0x848: {  	v60 =	vshll.u32 v50, $0x10;
	[tilespmem:v10+s22+$0x0] =	vst.idx.add.f32.msk $0xffff, v17;
	v17 =	vand.u32 v2, v11  }
0x849: {  	v61 =	vadd.s32 $0x4E20, v9;
	v24 =	vand.u32 v1, v50;
	v20 =	vmul.f32 v60, v4;
	[tilespmem:v12+s22+$0x0] =	vst.idx.add.f32.msk $0xffff, v8  }
0x84a: {  	v13 =	vshrl.u32 v13, $0xE;
	v4 =	vmul.f32 v24, v4;
	v12 =	vshll.u32 v7, $0x10;
	v8 =	vld.idx.msk [tilespmem:v14+s3+$0x0], $0xffff  }
0x84b: {  	[tilespmem:v3+s22+$0x0] =	vst.idx.add.f32.msk $0xffff, v20;
	v3 =	vmul.f32 v12, v5;
	v12 =	vadd.s32 $0x2710, v13  }
0x84c: {  	[tilespmem:v6+s22+$0x0] =	vst.idx.add.f32.msk $0xffff, v4;
	v4 =	vshrl.u32 v15, $0xE;
	v6 =	vshll.u32 v18, $0x10  }
0x84d: {  	v18 =	vand.u32 v1, v18;
	v15 =	vadd.s32 $0x2710, v4;
	v6 =	vmul.f32 v6, v57;
	v14 =	vld.idx.msk [tilespmem:v17+s3+$0x0], $0xffff  }
0x84e: {  	[tilespmem:v61+s22+$0x0] =	vst.idx.add.f32.msk $0xffff, v3;
	v3 =	vadd.s32 $0x2710, v59;
	v62 =	vshll.u32 v19, $0x10;
	v18 =	vmul.f32 v18, v57  }
0x84f: {  	v16 =	vadd.s32 $0x2710, v16;
	v19 =	vand.u32 v1, v19;
	v20 =	vmul.f32 v62, v58;
	[tilespmem:v13+s22+$0x0] =	vst.idx.add.f32.msk $0xffff, v6  }
0x850: {  	v11 =	vshrl.u32 v11, $0xE;
	v6 =	vmul.f32 v19, v58;
	[tilespmem:v12+s22+$0x0] =	vst.idx.add.f32.msk $0xffff, v18  }
0x851: {  	v12 =	vadd.s32 $0x2710, v11;
	[tilespmem:v4+s22+$0x0] =	vst.idx.add.f32.msk $0xffff, v20  }
0x852: {  	[tilespmem:v15+s22+$0x0] =	vst.idx.add.f32.msk $0xffff, v6;
	v15 =	vadd.s32 $0x2710, v17;
	v6 =	vshll.u32 v14, $0x10  }
0x853: {  	v17 =	vadd.s32 $0x4E20, v10;
	v3 =	vld.idx.msk [tilespmem:v3+s3+$0x0], $0xffff;
	v14 =	vand.u32 v1, v14;
	v6 =	vmul.f32 v6, v63  }
0x854: {  	v10 =	vadd.s32 $0x7530, v10;
	v16 =	vld.idx.msk [tilespmem:v16+s3+$0x0], $0xffff;
	v14 =	vmul.f32 v14, v63  }
0x855: {  	v18 =	vshll.u32 v8, $0x10;
	[tilespmem:v11+s22+$0x0] =	vst.idx.add.f32.msk $0xffff, v6  }
0x856: {  	v6 =	vand.u32 v1, v8;
	v8 =	vmul.f32 v18, v21;
	[tilespmem:v12+s22+$0x0] =	vst.idx.add.f32.msk $0xffff, v14  }
0x857: {  	v12 =	vadd.s32 $0x4E20, v13;
	v6 =	vmul.f32 v6, v21;
	v14 =	vld.idx.msk [tilespmem:v15+s3+$0x0], $0xffff  }
0x858: {  	v13 =	vadd.s32 $0x7530, v13;
	[tilespmem:v17+s22+$0x0] =	vst.idx.add.f32.msk $0xffff, v8  }
0x859: {  	v8 =	vadd.s32 $0x4E20, v4;
	[tilespmem:v10+s22+$0x0] =	vst.idx.add.f32.msk $0xffff, v6;
	v6 =	vshll.u32 v3, $0x10  }
0x85a: {  	v10 =	vadd.s32 $0x7530, v4;
	v3 =	vand.u32 v1, v3;
	v17 =	vld [tilespmem:s25+$0xFFFFFF60];
	v6 =	vmul.f32 v6, v57  }
0x85b: {  	v18 =	vadd.s32 $0x4E20, v11;
	v15 =	vshll.u32 v16, $0x10;
	v4 =	vld [tilespmem:s26+$0xFFFFFF60];
	v3 =	vmul.f32 v3, v57  }
0x85c: {  	v11 =	vadd.s32 $0x7530, v11;
	v16 =	vand.u32 v1, v16;
	v15 =	vmul.f32 v15, v58;
	[tilespmem:v12+s22+$0x0] =	vst.idx.add.f32.msk $0xffff, v6  }
0x85d: {  	v7 =	vand.u32 v1, v7;
	v6 =	vmul.f32 v16, v58;
	[tilespmem:v13+s22+$0x0] =	vst.idx.add.f32.msk $0xffff, v3;
	v12 =	vshll.u32 v14, $0x10  }
0x85e: {  	[tilespmem:v8+s22+$0x0] =	vst.idx.add.f32.msk $0xffff, v15;
	v8 =	vand.u32 v1, v14;
	v12 =	vmul.f32 v12, v63  }
0x85f: {  	v3 =	vadd.s32 $0x7530, v9;
	[tilespmem:v10+s22+$0x0] =	vst.idx.add.f32.msk $0xffff, v6;
	v8 =	vmul.f32 v8, v63;
	v15 =	vshrl.u32 v17, $0xE  }
0x860: {  	v9 =	vmul.f32 v7, v5;
	v7 =	vand.u32 v2, v17;
	v16 =	vadd.s32 $0x2710, v15;
	[tilespmem:v18+s22+$0x0] =	vst.idx.add.f32.msk $0xffff, v12  }
0x861: {  	s30 =	simm.s32 $0xEF60;
	s29 =	simm.s32 $0x4;
	s28 =	simm.s32 $0x10160;
	v13 =	vadd.s32 $0x2710, v7;
	v6 =	vadd.s32 $0x4E20, v15;
	v5 =	vadd.s32 $0x7530, v15;
	[tilespmem:v11+s22+$0x0] =	vst.idx.add.f32.msk $0xffff, v8  }
.LBB2_11:
0x862: {  	v10 =	vld [tilespmem:s30+$0x80]  }
0x863: {  	v8 =	vld [tilespmem:s30+$0xFFFFFF80]  }
0x864: {  	v11 =	vld [tilespmem:s30+$0x0]  }
0x865: {  	v12 =	vld [tilespmem:s30+$0xFFFFFF00]  }
0x866: {  	v14 =	vld [tilespmem:s25+$0xFFFFFFE0]  }
0x867: {  	v19 =	vand.u32 v2, v10;
	v17 =	vld [tilespmem:s25+$0x60]  }
0x868: {  	v18 =	vand.u32 v2, v8;
	v23 =	vshrl.u32 v8, $0xE;
	v20 =	vld.idx.msk [tilespmem:v7+s3+$0x0], $0xffff  }
0x869: {  	v24 =	vadd.s32 $0x2710, v23;
	v25 =	vand.u32 v2, v11;
	v26 =	vshrl.u32 v11, $0xE;
	v8 =	vld [tilespmem:s26+$0xFFFFFFE0]  }
0x86a: {  	v11 =	vand.u32 v2, v12;
	v27 =	vshrl.u32 v12, $0xE;
	v28 =	vadd.s32 $0x2710, v26;
	v7 =	vld [tilespmem:s26+$0x60]  }
0x86b: {  	v31 =	vadd.s32 $0x2710, v18;
	v29 =	vadd.s32 $0x2710, v27;
	v30 =	vadd.s32 $0x2710, v11;
	[tilespmem:v3+s22+$0x0] =	vst.idx.add.f32.msk $0xffff, v9  }
0x86c: {  	v34 =	vadd.s32 $0x2710, v25;
	v32 =	vadd.s32 $0x4E20, v27;
	v33 =	vadd.s32 $0x7530, v27;
	v3 =	vld.idx.msk [tilespmem:v19+s3+$0x0], $0xffff  }
0x86d: {  	v35 =	vadd.s32 $0x4E20, v23;
	v36 =	vadd.s32 $0x7530, v23;
	v22 =	vadd.s32 $0x4E20, v26;
	s26 =	sadd.s32 $0x200, s26;
	v9 =	vld.idx.msk [tilespmem:v18+s3+$0x0], $0xffff  }
0x86e: {  	v21 =	vadd.s32 $0x7530, v26;
	v12 =	vand.u32 v2, v14;
	v38 =	vand.u32 v2, v17;
	v37 =	vld [tilespmem:s26+$0x80]  }
0x86f: {  	v39 =	vshll.u32 v20, $0x10;
	v20 =	vand.u32 v1, v20;
	v18 =	vshrl.u32 v14, $0xE;
	v11 =	vld.idx.msk [tilespmem:v11+s3+$0x0], $0xffff  }
0x870: {  	v40 =	vshrl.u32 v10, $0xE;
	v39 =	vmul.f32 v39, v4;
	v41 =	vmul.f32 v20, v4;
	v25 =	vld.idx.msk [tilespmem:v25+s3+$0x0], $0xffff  }
0x871: {  	v10 =	vadd.s32 $0x2710, v40;
	v17 =	vshrl.u32 v17, $0xE;
	v20 =	vadd.s32 $0x2710, v18;
	v42 =	vld [tilespmem:s26+$0xFFFFFF00]  }
0x872: {  	s29 =	sadd.s32 $0x4, s29;
	v44 =	vadd.s32 $0x2710, v19;
	v19 =	vadd.s32 $0x2710, v17;
	v14 =	vshll.u32 v3, $0x10;
	v43 =	vld [tilespmem:s26+$0xFFFFFF80]  }
0x873: {  	p0 =	slt.u32 s29, $0x10;
	v3 =	vand.u32 v1, v3;
	v45 =	vshll.u32 v9, $0x10;
	v46 =	vld [tilespmem:s26+$0x0];
	v47 =	vmul.f32 v14, v37  }
0x874: {  	v48 =	vand.u32 v1, v9;
	v3 =	vmul.f32 v3, v37;
	v14 =	vadd.s32 $0x2710, v12;
	v49 =	vld.idx.msk [tilespmem:v12+s3+$0x0], $0xffff  }
0x875: {  	v9 =	vadd.s32 $0x2710, v38;
	v12 =	vshll.u32 v11, $0x10;
	v11 =	vand.u32 v1, v11;
	[tilespmem:v40+s22+$0x0] =	vst.idx.add.f32.msk $0xffff, v47  }
0x876: {  	v50 =	vshll.u32 v25, $0x10;
	v25 =	vand.u32 v1, v25;
	v47 =	vmul.f32 v12, v42;
	[tilespmem:v10+s22+$0x0] =	vst.idx.add.f32.msk $0xffff, v3  }
0x877: {  	v3 =	vmul.f32 v11, v42;
	v12 =	vadd.s32 $0x4E20, v18;
	v45 =	vmul.f32 v45, v43;
	v44 =	vld.idx.msk [tilespmem:v44+s3+$0x0], $0xffff  }
0x878: {  	v10 =	vadd.s32 $0x7530, v18;
	[tilespmem:v27+s22+$0x0] =	vst.idx.add.f32.msk $0xffff, v47;
	v27 =	vmul.f32 v48, v43;
	v47 =	vmul.f32 v50, v46  }
0x879: {  	v11 =	vadd.s32 $0x4E20, v17;
	v25 =	vmul.f32 v25, v46;
	[tilespmem:v29+s22+$0x0] =	vst.idx.add.f32.msk $0xffff, v3;
	v3 =	vadd.s32 $0x7530, v17  }
0x87a: {  	v29 =	vand.u32 v1, v49;
	[tilespmem:v23+s22+$0x0] =	vst.idx.add.f32.msk $0xffff, v45;
	v23 =	vshll.u32 v49, $0x10  }
0x87b: {  	[tilespmem:v24+s22+$0x0] =	vst.idx.add.f32.msk $0xffff, v27;
	v24 =	vadd.s32 $0x4E20, v40;
	v23 =	vmul.f32 v23, v8;
	v27 =	vmul.f32 v29, v8  }
0x87c: {  	[tilespmem:v26+s22+$0x0] =	vst.idx.add.f32.msk $0xffff, v47;
	v26 =	vadd.s32 $0x7530, v40  }
0x87d: {  	[tilespmem:v28+s22+$0x0] =	vst.idx.add.f32.msk $0xffff, v25;
	v25 =	vshll.u32 v44, $0x10  }
0x87e: {  	v29 =	vand.u32 v1, v44;
	v28 =	vld.idx.msk [tilespmem:v30+s3+$0x0], $0xffff;
	v25 =	vmul.f32 v25, v37  }
0x87f: {  	v29 =	vmul.f32 v29, v37;
	v30 =	vld.idx.msk [tilespmem:v31+s3+$0x0], $0xffff  }
0x880: {  	[tilespmem:v24+s22+$0x0] =	vst.idx.add.f32.msk $0xffff, v25  }
0x881: {  	[tilespmem:v26+s22+$0x0] =	vst.idx.add.f32.msk $0xffff, v29  }
0x882: {  	v24 =	vld [tilespmem:s30+$0x90]  }
0x883: {  	v25 =	vld.idx.msk [tilespmem:v34+s3+$0x0], $0xffff  }
0x884: {  	v26 =	vshll.u32 v28, $0x10;
	v28 =	vand.u32 v1, v28;
	v29 =	vld.idx.msk [tilespmem:v38+s3+$0x0], $0xffff  }
0x885: {  	v26 =	vmul.f32 v26, v42;
	v31 =	vshll.u32 v30, $0x10;
	v30 =	vand.u32 v1, v30;
	[tilespmem:v15+s22+$0x0] =	vst.idx.add.f32.msk $0xffff, v39  }
0x886: {  	v15 =	vmul.f32 v28, v42;
	v28 =	vmul.f32 v31, v43;
	[tilespmem:v16+s22+$0x0] =	vst.idx.add.f32.msk $0xffff, v41  }
0x887: {  	v16 =	vmul.f32 v30, v43;
	[tilespmem:v32+s22+$0x0] =	vst.idx.add.f32.msk $0xffff, v26;
	v26 =	vand.u32 v2, v24  }
0x888: {  	[tilespmem:v33+s22+$0x0] =	vst.idx.add.f32.msk $0xffff, v15  }
0x889: {  	v15 =	vshll.u32 v25, $0x10;
	v25 =	vand.u32 v1, v25;
	[tilespmem:v35+s22+$0x0] =	vst.idx.add.f32.msk $0xffff, v28  }
0x88a: {  	v15 =	vmul.f32 v15, v46;
	[tilespmem:v36+s22+$0x0] =	vst.idx.add.f32.msk $0xffff, v16;
	v16 =	vmul.f32 v25, v46;
	v25 =	vshll.u32 v29, $0x10  }
0x88b: {  	v29 =	vand.u32 v1, v29;
	v28 =	vld [tilespmem:s30+$0xFFFFFF10];
	v25 =	vmul.f32 v25, v7  }
0x88c: {  	v29 =	vmul.f32 v29, v7;
	v30 =	vld.idx.msk [tilespmem:v26+s3+$0x0], $0xffff  }
0x88d: {  	[tilespmem:v22+s22+$0x0] =	vst.idx.add.f32.msk $0xffff, v15  }
0x88e: {  	v22 =	vld [tilespmem:s26+$0x90]  }
0x88f: {  	[tilespmem:v21+s22+$0x0] =	vst.idx.add.f32.msk $0xffff, v16  }
0x890: {  	v24 =	vshrl.u32 v24, $0xE;
	v16 =	vand.u32 v2, v28;
	v21 =	vshrl.u32 v28, $0xE;
	v28 =	vld [tilespmem:s30+$0xFFFFFF90]  }
0x891: {  	v34 =	vadd.s32 $0x2710, v24;
	v31 =	vadd.s32 $0x2710, v21;
	v32 =	vadd.s32 $0x2710, v16;
	v33 =	vld [tilespmem:s30+$0x10]  }
0x892: {  	v26 =	vadd.s32 $0x2710, v26;
	v36 =	vadd.s32 $0x4E20, v21;
	v37 =	vshll.u32 v30, $0x10;
	v35 =	vld [tilespmem:s26+$0xFFFFFF10]  }
0x893: {  	v15 =	vadd.s32 $0x7530, v21;
	v30 =	vand.u32 v1, v30;
	v38 =	vld [tilespmem:s26+$0xFFFFFF90];
	v37 =	vmul.f32 v37, v22  }
0x894: {  	v30 =	vmul.f32 v30, v22;
	v39 =	vld [tilespmem:s26+$0x10]  }
0x895: {  	v40 =	vand.u32 v2, v28;
	v28 =	vshrl.u32 v28, $0xE;
	[tilespmem:v24+s22+$0x0] =	vst.idx.add.f32.msk $0xffff, v37  }
0x896: {  	v37 =	vadd.s32 $0x2710, v28;
	v41 =	vand.u32 v2, v33;
	v33 =	vshrl.u32 v33, $0xE;
	[tilespmem:v34+s22+$0x0] =	vst.idx.add.f32.msk $0xffff, v30  }
0x897: {  	v30 =	vadd.s32 $0x2710, v40;
	v34 =	vadd.s32 $0x2710, v33;
	v42 =	vadd.s32 $0x2710, v41;
	v26 =	vld.idx.msk [tilespmem:v26+s3+$0x0], $0xffff  }
0x898: {  	v43 =	vadd.s32 $0x4E20, v28;
	v44 =	vadd.s32 $0x7530, v28;
	v45 =	vadd.s32 $0x4E20, v33;
	v16 =	vld.idx.msk [tilespmem:v16+s3+$0x0], $0xffff  }
0x899: {  	v46 =	vadd.s32 $0x7530, v33;
	[tilespmem:v18+s22+$0x0] =	vst.idx.add.f32.msk $0xffff, v23  }
0x89a: {  	v18 =	vld.idx.msk [tilespmem:v40+s3+$0x0], $0xffff  }
0x89b: {  	v40 =	vadd.s32 $0x4E20, v24;
	v23 =	vld.idx.msk [tilespmem:v41+s3+$0x0], $0xffff  }
0x89c: {  	v24 =	vadd.s32 $0x7530, v24;
	[tilespmem:v20+s22+$0x0] =	vst.idx.add.f32.msk $0xffff, v27  }
0x89d: {  	v20 =	vshll.u32 v26, $0x10;
	[tilespmem:v17+s22+$0x0] =	vst.idx.add.f32.msk $0xffff, v25  }
0x89e: {  	v17 =	vshll.u32 v16, $0x10;
	v25 =	vand.u32 v1, v26;
	v20 =	vmul.f32 v20, v22;
	[tilespmem:v19+s22+$0x0] =	vst.idx.add.f32.msk $0xffff, v29  }
0x89f: {  	v16 =	vand.u32 v1, v16;
	v17 =	vmul.f32 v17, v35;
	v19 =	vmul.f32 v25, v22;
	v13 =	vld.idx.msk [tilespmem:v13+s3+$0x0], $0xffff  }
0x8a0: {  	v16 =	vmul.f32 v16, v35;
	v22 =	vshll.u32 v18, $0x10;
	v18 =	vand.u32 v1, v18;
	[tilespmem:v40+s22+$0x0] =	vst.idx.add.f32.msk $0xffff, v20  }
0x8a1: {  	v20 =	vmul.f32 v22, v38;
	v22 =	vshll.u32 v23, $0x10;
	v23 =	vand.u32 v1, v23;
	[tilespmem:v24+s22+$0x0] =	vst.idx.add.f32.msk $0xffff, v19  }
0x8a2: {  	v18 =	vmul.f32 v18, v38;
	v19 =	vmul.f32 v22, v39;
	v22 =	vld [tilespmem:s30+$0xA0]  }
0x8a3: {  	[tilespmem:v21+s22+$0x0] =	vst.idx.add.f32.msk $0xffff, v17;
	v17 =	vmul.f32 v23, v39  }
0x8a4: {  	[tilespmem:v31+s22+$0x0] =	vst.idx.add.f32.msk $0xffff, v16  }
0x8a5: {  	v16 =	vshll.u32 v13, $0x10;
	v13 =	vand.u32 v1, v13;
	[tilespmem:v28+s22+$0x0] =	vst.idx.add.f32.msk $0xffff, v20  }
0x8a6: {  	v16 =	vmul.f32 v16, v4;
	v4 =	vmul.f32 v13, v4;
	[tilespmem:v37+s22+$0x0] =	vst.idx.add.f32.msk $0xffff, v18  }
0x8a7: {  	[tilespmem:v33+s22+$0x0] =	vst.idx.add.f32.msk $0xffff, v19;
	v13 =	vand.u32 v2, v22  }
0x8a8: {  	[tilespmem:v34+s22+$0x0] =	vst.idx.add.f32.msk $0xffff, v17  }
0x8a9: {  	v17 =	vld.idx.msk [tilespmem:v32+s3+$0x0], $0xffff  }
0x8aa: {  	v18 =	vld.idx.msk [tilespmem:v30+s3+$0x0], $0xffff  }
0x8ab: {  	v19 =	vld.idx.msk [tilespmem:v42+s3+$0x0], $0xffff  }
0x8ac: {  	v20 =	vld.idx.msk [tilespmem:v13+s3+$0x0], $0xffff  }
0x8ad: {  	v14 =	vld.idx.msk [tilespmem:v14+s3+$0x0], $0xffff  }
0x8ae: {  	v21 =	vld [tilespmem:s26+$0xA0]  }
0x8af: {  	v23 =	vshll.u32 v17, $0x10;
	v17 =	vand.u32 v1, v17;
	v9 =	vld.idx.msk [tilespmem:v9+s3+$0x0], $0xffff  }
0x8b0: {  	v22 =	vshrl.u32 v22, $0xE;
	v24 =	vshll.u32 v18, $0x10;
	v18 =	vand.u32 v1, v18;
	[tilespmem:v6+s22+$0x0] =	vst.idx.add.f32.msk $0xffff, v16  }
0x8b1: {  	v25 =	vadd.s32 $0x2710, v22;
	v16 =	vshll.u32 v19, $0x10;
	v19 =	vand.u32 v1, v19;
	[tilespmem:v5+s22+$0x0] =	vst.idx.add.f32.msk $0xffff, v4  }
0x8b2: {  	v13 =	vadd.s32 $0x2710, v13;
	v4 =	vmul.f32 v23, v35;
	v5 =	vshll.u32 v20, $0x10;
	v23 =	vld [tilespmem:s25+$0xFFFFFF70]  }
0x8b3: {  	v17 =	vmul.f32 v17, v35;
	v20 =	vand.u32 v1, v20;
	v5 =	vmul.f32 v5, v21;
	v6 =	vld [tilespmem:s28+$0xFFFFFF70]  }
0x8b4: {  	v20 =	vmul.f32 v20, v21;
	[tilespmem:v36+s22+$0x0] =	vst.idx.add.f32.msk $0xffff, v4;
	v4 =	vmul.f32 v24, v38;
	v24 =	vshll.u32 v14, $0x10  }
0x8b5: {  	v18 =	vmul.f32 v18, v38;
	v26 =	vmul.f32 v16, v39;
	[tilespmem:v22+s22+$0x0] =	vst.idx.add.f32.msk $0xffff, v5;
	v5 =	vshll.u32 v9, $0x10  }
0x8b6: {  	v19 =	vmul.f32 v19, v39;
	v14 =	vand.u32 v1, v14;
	[tilespmem:v25+s22+$0x0] =	vst.idx.add.f32.msk $0xffff, v20  }
0x8b7: {  	v24 =	vmul.f32 v24, v8;
	v8 =	vmul.f32 v14, v8;
	v9 =	vand.u32 v1, v9;
	v20 =	vld.idx.msk [tilespmem:v13+s3+$0x0], $0xffff  }
0x8b8: {  	v14 =	vmul.f32 v5, v7;
	v7 =	vmul.f32 v9, v7;
	[tilespmem:v15+s22+$0x0] =	vst.idx.add.f32.msk $0xffff, v17;
	v15 =	vshrl.u32 v23, $0xE  }
0x8b9: {  	v13 =	vand.u32 v2, v23;
	[tilespmem:v43+s22+$0x0] =	vst.idx.add.f32.msk $0xffff, v4;
	v16 =	vadd.s32 $0x2710, v15;
	v5 =	vadd.s32 $0x4E20, v15  }
0x8ba: {  	v9 =	vadd.s32 $0x2710, v13;
	v4 =	vadd.s32 $0x7530, v15;
	[tilespmem:v44+s22+$0x0] =	vst.idx.add.f32.msk $0xffff, v18  }
0x8bb: {  	v17 =	vadd.s32 $0x4E20, v22;
	[tilespmem:v45+s22+$0x0] =	vst.idx.add.f32.msk $0xffff, v26  }
0x8bc: {  	v18 =	vadd.s32 $0x7530, v22;
	[tilespmem:v46+s22+$0x0] =	vst.idx.add.f32.msk $0xffff, v19  }
0x8bd: {  	v22 =	vshll.u32 v20, $0x10;
	v19 =	vld [tilespmem:s30+$0xFFFFFF20]  }
0x8be: {  	v20 =	vand.u32 v1, v20;
	v22 =	vmul.f32 v22, v21;
	v23 =	vld [tilespmem:s30+$0xFFFFFFA0]  }
0x8bf: {  	v20 =	vmul.f32 v20, v21;
	v25 =	vld [tilespmem:s30+$0x20]  }
0x8c0: {  	[tilespmem:v17+s22+$0x0] =	vst.idx.add.f32.msk $0xffff, v22  }
0x8c1: {  	[tilespmem:v18+s22+$0x0] =	vst.idx.add.f32.msk $0xffff, v20  }
0x8c2: {  	v17 =	vand.u32 v2, v19;
	v18 =	vshrl.u32 v19, $0xE;
	v19 =	vld [tilespmem:s30+$0xB0]  }
0x8c3: {  	v21 =	vld [tilespmem:s26+$0xFFFFFF20];
	v20 =	vadd.s32 $0x2710, v18;
	v22 =	vand.u32 v2, v23;
	v23 =	vshrl.u32 v23, $0xE  }
0x8c4: {  	v26 =	vld [tilespmem:s26+$0xFFFFFFA0];
	v27 =	vadd.s32 $0x2710, v23;
	v28 =	vand.u32 v2, v25;
	v25 =	vshrl.u32 v25, $0xE  }
0x8c5: {  	v29 =	vadd.s32 $0x2710, v17;
	v30 =	vadd.s32 $0x2710, v22;
	v31 =	vld [tilespmem:s26+$0x20];
	v32 =	vadd.s32 $0x2710, v25  }
0x8c6: {  	v33 =	vadd.s32 $0x4E20, v18;
	v34 =	vadd.s32 $0x7530, v18;
	v35 =	vadd.s32 $0x2710, v28;
	[tilespmem:v12+s22+$0x0] =	vst.idx.add.f32.msk $0xffff, v24  }
0x8c7: {  	v36 =	vadd.s32 $0x7530, v23;
	v24 =	vadd.s32 $0x4E20, v23;
	v12 =	vld.idx.msk [tilespmem:v17+s3+$0x0], $0xffff;
	v17 =	vand.u32 v2, v19  }
0x8c8: {  	v37 =	vadd.s32 $0x4E20, v25;
	v38 =	vadd.s32 $0x7530, v25;
	v22 =	vld.idx.msk [tilespmem:v22+s3+$0x0], $0xffff  }
0x8c9: {  	v28 =	vld.idx.msk [tilespmem:v28+s3+$0x0], $0xffff  }
0x8ca: {  	[tilespmem:v10+s22+$0x0] =	vst.idx.add.f32.msk $0xffff, v8  }
0x8cb: {  	[tilespmem:v11+s22+$0x0] =	vst.idx.add.f32.msk $0xffff, v14  }
0x8cc: {  	v8 =	vld.idx.msk [tilespmem:v17+s3+$0x0], $0xffff  }
0x8cd: {  	v10 =	vshll.u32 v12, $0x10;
	v11 =	vand.u32 v1, v12;
	[tilespmem:v3+s22+$0x0] =	vst.idx.add.f32.msk $0xffff, v7  }
0x8ce: {  	v3 =	vmul.f32 v10, v21;
	v7 =	vshll.u32 v22, $0x10;
	v10 =	vand.u32 v1, v22;
	v14 =	vld [tilespmem:s26+$0xB0]  }
0x8cf: {  	v11 =	vmul.f32 v11, v21;
	v12 =	vshll.u32 v28, $0x10;
	v22 =	vand.u32 v1, v28;
	v28 =	vld [tilespmem:s25+$0xFFFFFFF0]  }
0x8d0: {  	[tilespmem:v18+s22+$0x0] =	vst.idx.add.f32.msk $0xffff, v3;
	v3 =	vmul.f32 v7, v26;
	v7 =	vmul.f32 v10, v26;
	v10 =	vshrl.u32 v19, $0xE  }
0x8d1: {  	v18 =	vmul.f32 v22, v31;
	[tilespmem:v20+s22+$0x0] =	vst.idx.add.f32.msk $0xffff, v11;
	v11 =	vmul.f32 v12, v31;
	v19 =	vadd.s32 $0x2710, v10  }
0x8d2: {  	v22 =	vadd.s32 $0x2710, v17;
	[tilespmem:v23+s22+$0x0] =	vst.idx.add.f32.msk $0xffff, v3;
	v3 =	vshll.u32 v8, $0x10  }
0x8d3: {  	[tilespmem:v27+s22+$0x0] =	vst.idx.add.f32.msk $0xffff, v7;
	v7 =	vand.u32 v1, v8;
	v3 =	vmul.f32 v3, v14  }
0x8d4: {  	[tilespmem:v25+s22+$0x0] =	vst.idx.add.f32.msk $0xffff, v11;
	v7 =	vmul.f32 v7, v14;
	v11 =	vand.u32 v2, v28;
	v20 =	vshrl.u32 v28, $0xE  }
0x8d5: {  	[tilespmem:v10+s22+$0x0] =	vst.idx.add.f32.msk $0xffff, v3;
	v17 =	vadd.s32 $0x2710, v20;
	v12 =	vadd.s32 $0x2710, v11;
	v8 =	vadd.s32 $0x4E20, v20  }
0x8d6: {  	[tilespmem:v19+s22+$0x0] =	vst.idx.add.f32.msk $0xffff, v7;
	v7 =	vadd.s32 $0x7530, v20  }
0x8d7: {  	v3 =	vld.idx.msk [tilespmem:v22+s3+$0x0], $0xffff  }
0x8d8: {  	[tilespmem:v32+s22+$0x0] =	vst.idx.add.f32.msk $0xffff, v18  }
0x8d9: {  	v18 =	vld.idx.msk [tilespmem:v29+s3+$0x0], $0xffff  }
0x8da: {  	v19 =	vld.idx.msk [tilespmem:v30+s3+$0x0], $0xffff  }
0x8db: {  	v23 =	vadd.s32 $0x4E20, v10;
	v22 =	vld.idx.msk [tilespmem:v35+s3+$0x0], $0xffff  }
0x8dc: {  	v10 =	vadd.s32 $0x7530, v10;
	v25 =	vld [tilespmem:s25+$0x70];
	s25 =	smov.u32 s30  }
0x8dd: {  	v27 =	vshll.u32 v3, $0x10;
	v13 =	vld.idx.msk [tilespmem:v13+s3+$0x0], $0xffff  }
0x8de: {  	v3 =	vand.u32 v1, v3;
	v27 =	vmul.f32 v27, v14;
	v28 =	vld.idx.msk [tilespmem:v11+s3+$0x0], $0xffff  }
0x8df: {  	v3 =	vmul.f32 v3, v14;
	v29 =	vshll.u32 v18, $0x10;
	v18 =	vand.u32 v1, v18;
	v11 =	vld [tilespmem:s28+$0xFFFFFFF0]  }
0x8e0: {  	v14 =	vmul.f32 v29, v21;
	v29 =	vshll.u32 v19, $0x10;
	v19 =	vand.u32 v1, v19;
	[tilespmem:v23+s22+$0x0] =	vst.idx.add.f32.msk $0xffff, v27  }
0x8e1: {  	v18 =	vmul.f32 v18, v21;
	v21 =	vshll.u32 v22, $0x10;
	v22 =	vand.u32 v1, v22;
	[tilespmem:v10+s22+$0x0] =	vst.idx.add.f32.msk $0xffff, v3  }
0x8e2: {  	v3 =	vmul.f32 v29, v26;
	v10 =	vmul.f32 v19, v26;
	v26 =	vand.u32 v2, v25;
	v23 =	vld [tilespmem:s30+$0xC0]  }
0x8e3: {  	v22 =	vmul.f32 v22, v31;
	v19 =	vshll.u32 v13, $0x10;
	[tilespmem:v33+s22+$0x0] =	vst.idx.add.f32.msk $0xffff, v14;
	v14 =	vmul.f32 v21, v31  }
0x8e4: {  	v13 =	vand.u32 v1, v13;
	v21 =	vshll.u32 v28, $0x10;
	v27 =	vand.u32 v1, v28;
	[tilespmem:v34+s22+$0x0] =	vst.idx.add.f32.msk $0xffff, v18  }
0x8e5: {  	v28 =	vmul.f32 v13, v6;
	v18 =	vshrl.u32 v25, $0xE;
	[tilespmem:v24+s22+$0x0] =	vst.idx.add.f32.msk $0xffff, v3;
	v24 =	vmul.f32 v19, v6  }
0x8e6: {  	v25 =	vmul.f32 v21, v11;
	v21 =	vmul.f32 v27, v11;
	v19 =	vadd.s32 $0x2710, v18;
	[tilespmem:v36+s22+$0x0] =	vst.idx.add.f32.msk $0xffff, v10  }
0x8e7: {  	v13 =	vadd.s32 $0x2710, v26;
	v10 =	vadd.s32 $0x4E20, v18;
	[tilespmem:v37+s22+$0x0] =	vst.idx.add.f32.msk $0xffff, v14;
	v14 =	vand.u32 v2, v23  }
0x8e8: {  	v3 =	vadd.s32 $0x7530, v18;
	[tilespmem:v38+s22+$0x0] =	vst.idx.add.f32.msk $0xffff, v22  }
0x8e9: {  	v22 =	vld [tilespmem:s30+$0xFFFFFF30]  }
0x8ea: {  	v27 =	vld [tilespmem:s30+$0xFFFFFFB0]  }
0x8eb: {  	v29 =	vld [tilespmem:s30+$0x30]  }
0x8ec: {  	v30 =	vld.idx.msk [tilespmem:v14+s3+$0x0], $0xffff  }
0x8ed: {  	v31 =	vld [tilespmem:s26+$0xFFFFFF30]  }
0x8ee: {  	v32 =	vand.u32 v2, v22;
	v33 =	vshrl.u32 v22, $0xE;
	v34 =	vld [tilespmem:s26+$0xC0]  }
0x8ef: {  	v35 =	vadd.s32 $0x2710, v33;
	v22 =	vand.u32 v2, v27;
	v27 =	vshrl.u32 v27, $0xE;
	v36 =	vld [tilespmem:s26+$0xFFFFFFB0]  }
0x8f0: {  	v23 =	vshrl.u32 v23, $0xE;
	v37 =	vand.u32 v2, v29;
	v29 =	vshrl.u32 v29, $0xE;
	v38 =	vld [tilespmem:s26+$0x30]  }
0x8f1: {  	v41 =	vadd.s32 $0x2710, v23;
	v39 =	vadd.s32 $0x2710, v27;
	v40 =	vadd.s32 $0x2710, v29;
	v26 =	vld.idx.msk [tilespmem:v26+s3+$0x0], $0xffff  }
0x8f2: {  	v44 =	vadd.s32 $0x2710, v14;
	v42 =	vadd.s32 $0x2710, v32;
	v43 =	vshll.u32 v30, $0x10;
	v14 =	vld [tilespmem:s28+$0x70];
	s28 =	smov.u32 s26  }
0x8f3: {  	v45 =	vadd.s32 $0x2710, v22;
	v30 =	vand.u32 v1, v30;
	v32 =	vld.idx.msk [tilespmem:v32+s3+$0x0], $0xffff;
	v43 =	vmul.f32 v43, v34  }
0x8f4: {  	v46 =	vadd.s32 $0x4E20, v33;
	v48 =	vadd.s32 $0x2710, v37;
	v47 =	vld.idx.msk [tilespmem:v22+s3+$0x0], $0xffff;
	v22 =	vmul.f32 v30, v34  }
0x8f5: {  	v49 =	vadd.s32 $0x4E20, v27;
	v50 =	vadd.s32 $0x7530, v27;
	v30 =	vadd.s32 $0x7530, v33;
	[tilespmem:v23+s22+$0x0] =	vst.idx.add.f32.msk $0xffff, v43  }
0x8f6: {  	v51 =	vadd.s32 $0x7530, v29;
	v43 =	vadd.s32 $0x4E20, v29;
	[tilespmem:v41+s22+$0x0] =	vst.idx.add.f32.msk $0xffff, v22  }
0x8f7: {  	v22 =	vshll.u32 v26, $0x10;
	v26 =	vand.u32 v1, v26;
	v41 =	vld.idx.msk [tilespmem:v44+s3+$0x0], $0xffff  }
0x8f8: {  	v44 =	vmul.f32 v22, v14;
	v22 =	vmul.f32 v26, v14;
	v37 =	vld.idx.msk [tilespmem:v37+s3+$0x0], $0xffff  }
0x8f9: {  	v26 =	vshll.u32 v32, $0x10;
	v32 =	vand.u32 v1, v32;
	[tilespmem:v15+s22+$0x0] =	vst.idx.add.f32.msk $0xffff, v24  }
0x8fa: {  	v15 =	vmul.f32 v26, v31;
	v24 =	vshll.u32 v47, $0x10;
	v26 =	vand.u32 v1, v47;
	[tilespmem:v16+s22+$0x0] =	vst.idx.add.f32.msk $0xffff, v28  }
0x8fb: {  	v16 =	vmul.f32 v32, v31;
	v24 =	vmul.f32 v24, v36;
	v28 =	vadd.s32 $0x4E20, v23;
	[tilespmem:v20+s22+$0x0] =	vst.idx.add.f32.msk $0xffff, v25  }
0x8fc: {  	v20 =	vadd.s32 $0x7530, v23;
	[tilespmem:v33+s22+$0x0] =	vst.idx.add.f32.msk $0xffff, v15;
	v15 =	vmul.f32 v26, v36  }
0x8fd: {  	[tilespmem:v35+s22+$0x0] =	vst.idx.add.f32.msk $0xffff, v16;
	v16 =	vshll.u32 v41, $0x10  }
0x8fe: {  	v23 =	vshll.u32 v37, $0x10;
	[tilespmem:v27+s22+$0x0] =	vst.idx.add.f32.msk $0xffff, v24;
	v24 =	vand.u32 v1, v41;
	v16 =	vmul.f32 v16, v34  }
0x8ff: {  	v26 =	vand.u32 v1, v37;
	v23 =	vmul.f32 v23, v38;
	v25 =	vld.idx.msk [tilespmem:v42+s3+$0x0], $0xffff;
	v24 =	vmul.f32 v24, v34  }
0x900: {  	v26 =	vmul.f32 v26, v38;
	[tilespmem:v28+s22+$0x0] =	vst.idx.add.f32.msk $0xffff, v16  }
0x901: {  	[tilespmem:v20+s22+$0x0] =	vst.idx.add.f32.msk $0xffff, v24  }
0x902: {  	v16 =	vld [tilespmem:s30+$0xD0]  }
0x903: {  	[tilespmem:v39+s22+$0x0] =	vst.idx.add.f32.msk $0xffff, v15  }
0x904: {  	[tilespmem:v29+s22+$0x0] =	vst.idx.add.f32.msk $0xffff, v23  }
0x905: {  	v15 =	vshll.u32 v25, $0x10;
	v20 =	vand.u32 v1, v25;
	[tilespmem:v40+s22+$0x0] =	vst.idx.add.f32.msk $0xffff, v26  }
0x906: {  	v15 =	vmul.f32 v15, v31;
	v20 =	vmul.f32 v20, v31;
	v23 =	vld.idx.msk [tilespmem:v45+s3+$0x0], $0xffff  }
0x907: {  	v24 =	vld.idx.msk [tilespmem:v48+s3+$0x0], $0xffff;
	v25 =	vand.u32 v2, v16  }
0x908: {  	[tilespmem:v46+s22+$0x0] =	vst.idx.add.f32.msk $0xffff, v15  }
0x909: {  	[tilespmem:v30+s22+$0x0] =	vst.idx.add.f32.msk $0xffff, v20  }
0x90a: {  	v15 =	vld [tilespmem:s30+$0xFFFFFF40]  }
0x90b: {  	v20 =	vld [tilespmem:s26+$0xFFFFFF40]  }
0x90c: {  	v26 =	vshll.u32 v23, $0x10;
	v23 =	vand.u32 v1, v23;
	v27 =	vld.idx.msk [tilespmem:v25+s3+$0x0], $0xffff  }
0x90d: {  	v26 =	vmul.f32 v26, v36;
	v28 =	vshll.u32 v24, $0x10;
	v24 =	vand.u32 v1, v24;
	[tilespmem:v17+s22+$0x0] =	vst.idx.add.f32.msk $0xffff, v21  }
0x90e: {  	v17 =	vmul.f32 v23, v36;
	v21 =	vmul.f32 v28, v38;
	v23 =	vld [tilespmem:s26+$0xD0]  }
0x90f: {  	v24 =	vmul.f32 v24, v38;
	v28 =	vand.u32 v2, v15;
	v15 =	vshrl.u32 v15, $0xE;
	[tilespmem:v49+s22+$0x0] =	vst.idx.add.f32.msk $0xffff, v26  }
0x910: {  	v16 =	vshrl.u32 v16, $0xE;
	v26 =	vadd.s32 $0x2710, v15;
	v29 =	vadd.s32 $0x2710, v28;
	[tilespmem:v50+s22+$0x0] =	vst.idx.add.f32.msk $0xffff, v17  }
0x911: {  	v17 =	vadd.s32 $0x4E20, v15;
	v30 =	vadd.s32 $0x7530, v15;
	[tilespmem:v43+s22+$0x0] =	vst.idx.add.f32.msk $0xffff, v21;
	v21 =	vadd.s32 $0x2710, v16  }
0x912: {  	v25 =	vadd.s32 $0x2710, v25;
	[tilespmem:v51+s22+$0x0] =	vst.idx.add.f32.msk $0xffff, v24;
	v24 =	vshll.u32 v27, $0x10  }
0x913: {  	v27 =	vand.u32 v1, v27;
	v31 =	vld [tilespmem:s30+$0xFFFFFFC0];
	v24 =	vmul.f32 v24, v23  }
0x914: {  	v27 =	vmul.f32 v27, v23;
	v32 =	vld [tilespmem:s30+$0x40]  }
0x915: {  	[tilespmem:v16+s22+$0x0] =	vst.idx.add.f32.msk $0xffff, v24  }
0x916: {  	[tilespmem:v21+s22+$0x0] =	vst.idx.add.f32.msk $0xffff, v27  }
0x917: {  	v21 =	vld.idx.msk [tilespmem:v25+s3+$0x0], $0xffff  }
0x918: {  	v24 =	vld.idx.msk [tilespmem:v28+s3+$0x0], $0xffff;
	v25 =	vand.u32 v2, v31;
	v27 =	vshrl.u32 v31, $0xE  }
0x919: {  	v28 =	vld [tilespmem:s26+$0xFFFFFFC0];
	v31 =	vadd.s32 $0x2710, v27;
	v33 =	vand.u32 v2, v32;
	v32 =	vshrl.u32 v32, $0xE  }
0x91a: {  	v34 =	vadd.s32 $0x2710, v25;
	v35 =	vld [tilespmem:s26+$0x40];
	v36 =	vadd.s32 $0x2710, v32;
	v37 =	vadd.s32 $0x2710, v33  }
0x91b: {  	v40 =	vadd.s32 $0x4E20, v16;
	v38 =	vadd.s32 $0x4E20, v27;
	v39 =	vadd.s32 $0x7530, v27;
	[tilespmem:v18+s22+$0x0] =	vst.idx.add.f32.msk $0xffff, v44  }
0x91c: {  	v16 =	vadd.s32 $0x7530, v16;
	v41 =	vadd.s32 $0x7530, v32;
	v18 =	vadd.s32 $0x4E20, v32;
	[tilespmem:v19+s22+$0x0] =	vst.idx.add.f32.msk $0xffff, v22  }
0x91d: {  	v22 =	vshll.u32 v21, $0x10;
	v19 =	vld.idx.msk [tilespmem:v25+s3+$0x0], $0xffff  }
0x91e: {  	v21 =	vand.u32 v1, v21;
	v25 =	vshll.u32 v24, $0x10;
	v22 =	vmul.f32 v22, v23;
	v33 =	vld.idx.msk [tilespmem:v33+s3+$0x0], $0xffff  }
0x91f: {  	v24 =	vand.u32 v1, v24;
	v21 =	vmul.f32 v21, v23;
	v25 =	vmul.f32 v25, v20;
	v9 =	vld.idx.msk [tilespmem:v9+s3+$0x0], $0xffff  }
0x920: {  	v23 =	vmul.f32 v24, v20;
	[tilespmem:v40+s22+$0x0] =	vst.idx.add.f32.msk $0xffff, v22  }
0x921: {  	[tilespmem:v16+s22+$0x0] =	vst.idx.add.f32.msk $0xffff, v21  }
0x922: {  	v16 =	vld [tilespmem:s30+$0xE0]  }
0x923: {  	[tilespmem:v15+s22+$0x0] =	vst.idx.add.f32.msk $0xffff, v25;
	v15 =	vshll.u32 v19, $0x10;
	v19 =	vand.u32 v1, v19  }
0x924: {  	v21 =	vshll.u32 v33, $0x10;
	v22 =	vand.u32 v1, v33;
	[tilespmem:v26+s22+$0x0] =	vst.idx.add.f32.msk $0xffff, v23;
	v15 =	vmul.f32 v15, v28  }
0x925: {  	v19 =	vmul.f32 v19, v28;
	v21 =	vmul.f32 v21, v35;
	v24 =	vshll.u32 v9, $0x10;
	v23 =	vld.idx.msk [tilespmem:v29+s3+$0x0], $0xffff  }
0x926: {  	v9 =	vand.u32 v1, v9;
	[tilespmem:v27+s22+$0x0] =	vst.idx.add.f32.msk $0xffff, v15;
	v15 =	vmul.f32 v22, v35  }
0x927: {  	v22 =	vmul.f32 v24, v6;
	[tilespmem:v31+s22+$0x0] =	vst.idx.add.f32.msk $0xffff, v19;
	v19 =	vand.u32 v2, v16  }
0x928: {  	v6 =	vmul.f32 v9, v6;
	[tilespmem:v32+s22+$0x0] =	vst.idx.add.f32.msk $0xffff, v21  }
0x929: {  	[tilespmem:v36+s22+$0x0] =	vst.idx.add.f32.msk $0xffff, v15  }
0x92a: {  	v9 =	vld.idx.msk [tilespmem:v34+s3+$0x0], $0xffff  }
0x92b: {  	v15 =	vshll.u32 v23, $0x10;
	v21 =	vand.u32 v1, v23;
	v23 =	vld.idx.msk [tilespmem:v37+s3+$0x0], $0xffff  }
0x92c: {  	v15 =	vmul.f32 v15, v20;
	v20 =	vmul.f32 v21, v20;
	v21 =	vld.idx.msk [tilespmem:v19+s3+$0x0], $0xffff  }
0x92d: {  	v12 =	vld.idx.msk [tilespmem:v12+s3+$0x0], $0xffff  }
0x92e: {  	v24 =	vld [tilespmem:s26+$0xE0]  }
0x92f: {  	[tilespmem:v17+s22+$0x0] =	vst.idx.add.f32.msk $0xffff, v15  }
0x930: {  	v16 =	vshrl.u32 v16, $0xE;
	v15 =	vshll.u32 v9, $0x10;
	v9 =	vand.u32 v1, v9;
	[tilespmem:v30+s22+$0x0] =	vst.idx.add.f32.msk $0xffff, v20  }
0x931: {  	v25 =	vadd.s32 $0x2710, v16;
	v20 =	vshll.u32 v23, $0x10;
	v23 =	vand.u32 v1, v23;
	v17 =	vld [tilespmem:s30+$0xFFFFFF50]  }
0x932: {  	v19 =	vadd.s32 $0x2710, v19;
	v15 =	vmul.f32 v15, v28;
	v27 =	vshll.u32 v21, $0x10;
	v26 =	vld [tilespmem:s26+$0xFFFFFF50]  }
0x933: {  	v9 =	vmul.f32 v9, v28;
	v21 =	vand.u32 v1, v21;
	v27 =	vmul.f32 v27, v24;
	v13 =	vld.idx.msk [tilespmem:v13+s3+$0x0], $0xffff  }
0x934: {  	[tilespmem:v38+s22+$0x0] =	vst.idx.add.f32.msk $0xffff, v15;
	v15 =	vmul.f32 v20, v35;
	v20 =	vmul.f32 v21, v24;
	v21 =	vshll.u32 v12, $0x10  }
0x935: {  	v23 =	vmul.f32 v23, v35;
	v12 =	vand.u32 v1, v12;
	[tilespmem:v16+s22+$0x0] =	vst.idx.add.f32.msk $0xffff, v27  }
0x936: {  	v27 =	vand.u32 v2, v17;
	v17 =	vshrl.u32 v17, $0xE;
	[tilespmem:v25+s22+$0x0] =	vst.idx.add.f32.msk $0xffff, v20;
	v20 =	vmul.f32 v21, v11  }
0x937: {  	v21 =	vadd.s32 $0x2710, v17;
	v25 =	vadd.s32 $0x2710, v27;
	v28 =	vadd.s32 $0x4E20, v17;
	v19 =	vld.idx.msk [tilespmem:v19+s3+$0x0], $0xffff  }
0x938: {  	v11 =	vmul.f32 v12, v11;
	v29 =	vadd.s32 $0x7530, v17;
	[tilespmem:v39+s22+$0x0] =	vst.idx.add.f32.msk $0xffff, v9  }
0x939: {  	v9 =	vshll.u32 v13, $0x10;
	v12 =	vand.u32 v1, v13;
	[tilespmem:v18+s22+$0x0] =	vst.idx.add.f32.msk $0xffff, v15  }
0x93a: {  	v13 =	vmul.f32 v9, v14;
	v9 =	vmul.f32 v12, v14;
	[tilespmem:v41+s22+$0x0] =	vst.idx.add.f32.msk $0xffff, v23  }
0x93b: {  	v14 =	vadd.s32 $0x4E20, v16;
	v12 =	vld [tilespmem:s30+$0xFFFFFFD0]  }
0x93c: {  	v16 =	vadd.s32 $0x7530, v16;
	v15 =	vld [tilespmem:s30+$0x50]  }
0x93d: {  	v23 =	vshll.u32 v19, $0x10;
	v18 =	vld.idx.msk [tilespmem:v27+s3+$0x0], $0xffff  }
0x93e: {  	v19 =	vand.u32 v1, v19;
	v23 =	vmul.f32 v23, v24;
	v27 =	vld [tilespmem:s26+$0xFFFFFFD0]  }
0x93f: {  	v19 =	vmul.f32 v19, v24;
	v30 =	vld [tilespmem:s26+$0x50]  }
0x940: {  	v24 =	vand.u32 v2, v12;
	v12 =	vshrl.u32 v12, $0xE;
	[tilespmem:v14+s22+$0x0] =	vst.idx.add.f32.msk $0xffff, v23  }
0x941: {  	v14 =	vadd.s32 $0x2710, v12;
	v23 =	vand.u32 v2, v15;
	v15 =	vshrl.u32 v15, $0xE;
	[tilespmem:v16+s22+$0x0] =	vst.idx.add.f32.msk $0xffff, v19  }
0x942: {  	v16 =	vadd.s32 $0x2710, v24;
	v19 =	vadd.s32 $0x2710, v15;
	v31 =	vadd.s32 $0x2710, v23;
	v32 =	vld [tilespmem:s30+$0xF0]  }
0x943: {  	v34 =	vadd.s32 $0x4E20, v12;
	v33 =	vshll.u32 v18, $0x10;
	v18 =	vand.u32 v1, v18;
	[tilespmem:v5+s22+$0x0] =	vst.idx.add.f32.msk $0xffff, v22  }
0x944: {  	v5 =	vmul.f32 v33, v26;
	v18 =	vmul.f32 v18, v26;
	v22 =	vadd.s32 $0x7530, v12;
	[tilespmem:v4+s22+$0x0] =	vst.idx.add.f32.msk $0xffff, v6  }
0x945: {  	v6 =	vadd.s32 $0x4E20, v15;
	v4 =	vld.idx.msk [tilespmem:v24+s3+$0x0], $0xffff;
	v24 =	vadd.s32 $0x7530, v15  }
0x946: {  	v23 =	vld.idx.msk [tilespmem:v23+s3+$0x0], $0xffff  }
0x947: {  	[tilespmem:v17+s22+$0x0] =	vst.idx.add.f32.msk $0xffff, v5;
	v5 =	vand.u32 v2, v32  }
0x948: {  	[tilespmem:v21+s22+$0x0] =	vst.idx.add.f32.msk $0xffff, v18  }
0x949: {  	v17 =	vld.idx.msk [tilespmem:v25+s3+$0x0], $0xffff  }
0x94a: {  	[tilespmem:v8+s22+$0x0] =	vst.idx.add.f32.msk $0xffff, v20  }
0x94b: {  	v8 =	vshll.u32 v4, $0x10;
	v4 =	vand.u32 v1, v4;
	[tilespmem:v7+s22+$0x0] =	vst.idx.add.f32.msk $0xffff, v11  }
0x94c: {  	v7 =	vmul.f32 v8, v27;
	v8 =	vshll.u32 v23, $0x10;
	v11 =	vand.u32 v1, v23;
	v18 =	vld.idx.msk [tilespmem:v5+s3+$0x0], $0xffff  }
0x94d: {  	v4 =	vmul.f32 v4, v27;
	v8 =	vmul.f32 v8, v30;
	[tilespmem:v10+s22+$0x0] =	vst.idx.add.f32.msk $0xffff, v13  }
0x94e: {  	v10 =	vmul.f32 v11, v30;
	v11 =	vld [tilespmem:s26+$0xF0]  }
0x94f: {  	v13 =	vshll.u32 v17, $0x10;
	v17 =	vand.u32 v1, v17;
	[tilespmem:v12+s22+$0x0] =	vst.idx.add.f32.msk $0xffff, v7  }
0x950: {  	v7 =	vmul.f32 v13, v26;
	v12 =	vmul.f32 v17, v26;
	v13 =	vshrl.u32 v32, $0xE;
	[tilespmem:v14+s22+$0x0] =	vst.idx.add.f32.msk $0xffff, v4  }
0x951: {  	v4 =	vadd.s32 $0x2710, v13;
	[tilespmem:v15+s22+$0x0] =	vst.idx.add.f32.msk $0xffff, v8  }
0x952: {  	v5 =	vadd.s32 $0x2710, v5;
	v8 =	vshll.u32 v18, $0x10;
	[tilespmem:v19+s22+$0x0] =	vst.idx.add.f32.msk $0xffff, v10  }
0x953: {  	v14 =	vand.u32 v1, v18;
	v10 =	vld.idx.msk [tilespmem:v16+s3+$0x0], $0xffff;
	v8 =	vmul.f32 v8, v11  }
0x954: {  	v14 =	vmul.f32 v14, v11;
	v15 =	vld.idx.msk [tilespmem:v31+s3+$0x0], $0xffff  }
0x955: {  	[tilespmem:v13+s22+$0x0] =	vst.idx.add.f32.msk $0xffff, v8  }
0x956: {  	[tilespmem:v4+s22+$0x0] =	vst.idx.add.f32.msk $0xffff, v14  }
0x957: {  	v5 =	vld.idx.msk [tilespmem:v5+s3+$0x0], $0xffff  }
0x958: {  	[tilespmem:v28+s22+$0x0] =	vst.idx.add.f32.msk $0xffff, v7  }
0x959: {  	v4 =	vshll.u32 v10, $0x10;
	v7 =	vand.u32 v1, v10;
	[tilespmem:v29+s22+$0x0] =	vst.idx.add.f32.msk $0xffff, v12  }
0x95a: {  	v10 =	vmul.f32 v4, v27;
	v12 =	vshll.u32 v15, $0x10;
	v14 =	vand.u32 v1, v15;
	v8 =	vld [tilespmem:s30+$0xFFFFFF60]  }
0x95b: {  	v17 =	vadd.s32 $0x4E20, v13;
	v7 =	vmul.f32 v7, v27;
	v12 =	vmul.f32 v12, v30;
	v4 =	vld [tilespmem:s26+$0xFFFFFF60]  }
0x95c: {  	[tilespmem:v34+s22+$0x0] =	vst.idx.add.f32.msk $0xffff, v10;
	v10 =	vmul.f32 v14, v30;
	v14 =	vadd.s32 $0x7530, v13  }
.Ltmp5:
0x95d: {  	[tilespmem:v22+s22+$0x0] =	vst.idx.add.f32.msk $0xffff, v7;
	v7 =	vshll.u32 v5, $0x10;
	(pc) =	sbr.rel @p0 .LBB2_11-.Ltmp5, $4  }
0x95e: {  	v5 =	vand.u32 v1, v5;
	[tilespmem:v6+s22+$0x0] =	vst.idx.add.f32.msk $0xffff, v12;
	v12 =	vmul.f32 v7, v11  }
0x95f: {  	v7 =	vand.u32 v2, v8;
	v15 =	vshrl.u32 v8, $0xE;
	[tilespmem:v24+s22+$0x0] =	vst.idx.add.f32.msk $0xffff, v10;
	v8 =	vmul.f32 v5, v11  }
0x960: {  	v16 =	vadd.s32 $0x2710, v15;
	v13 =	vadd.s32 $0x2710, v7;
	v6 =	vadd.s32 $0x4E20, v15;
	[tilespmem:v17+s22+$0x0] =	vst.idx.add.f32.msk $0xffff, v12  }
0x961: {  	s30 =	sadd.s32 $0x200, s30;
	v5 =	vadd.s32 $0x7530, v15;
	[tilespmem:v14+s22+$0x0] =	vst.idx.add.f32.msk $0xffff, v8  }
0x962: {  	v8 =	vld [tilespmem:s25+$0xFFFFFFE0]  }
0x963: {  	v10 =	vld [tilespmem:s25+$0x60];
	_ =	sdelay $0x3  }
0x964: {  	v11 =	vand.u32 v2, v8  }
0x965: {  	v12 =	vand.u32 v2, v10  }
0x966: {  	v7 =	vld.idx.msk [tilespmem:v7+s3+$0x0], $0xffff;
	_ =	sdelay $0x1  }
0x967: {  	v17 =	vld [tilespmem:s26+$0xFFFFFFE0]  }
0x968: {  	v14 =	vld.idx.msk [tilespmem:v11+s3+$0x0], $0xffff  }
0x969: {  	v19 =	vld.idx.msk [tilespmem:v12+s3+$0x0], $0xffff  }
0x96a: {  	v20 =	vld [tilespmem:s26+$0x60];
	v18 =	vshll.u32 v7, $0x10  }
0x96b: {  	v7 =	vand.u32 v1, v7;
	v8 =	vshrl.u32 v8, $0xE;
	v18 =	vmul.f32 v18, v4  }
0x96c: {  	v10 =	vshrl.u32 v10, $0xE;
	v7 =	vmul.f32 v7, v4  }
0x96d: {  	v21 =	vadd.s32 $0x2710, v8;
	[tilespmem:v15+s22+$0x0] =	vst.idx.add.f32.msk $0xffff, v18;
	v22 =	vshll.u32 v14, $0x10  }
0x96e: {  	v27 =	vadd.s32 $0x2710, v10;
	[tilespmem:v16+s22+$0x0] =	vst.idx.add.f32.msk $0xffff, v7;
	v28 =	vshll.u32 v19, $0x10;
	v26 =	vmul.f32 v22, v17  }
0x96f: {  	v11 =	vadd.s32 $0x2710, v11;
	v13 =	vld.idx.msk [tilespmem:v13+s3+$0x0], $0xffff;
	v14 =	vand.u32 v1, v14;
	v16 =	vmul.f32 v28, v20  }
0x970: {  	v12 =	vadd.s32 $0x2710, v12;
	v29 =	vand.u32 v1, v19;
	v14 =	vmul.f32 v14, v17;
	[tilespmem:v8+s22+$0x0] =	vst.idx.add.f32.msk $0xffff, v26  }
0x971: {  	v30 =	vmul.f32 v29, v20;
	[tilespmem:v10+s22+$0x0] =	vst.idx.add.f32.msk $0xffff, v16  }
0x972: {  	[tilespmem:v21+s22+$0x0] =	vst.idx.add.f32.msk $0xffff, v14  }
0x973: {  	[tilespmem:v27+s22+$0x0] =	vst.idx.add.f32.msk $0xffff, v30  }
0x974: {  	v11 =	vld.idx.msk [tilespmem:v11+s3+$0x0], $0xffff  }
0x975: {  	v12 =	vld.idx.msk [tilespmem:v12+s3+$0x0], $0xffff  }
0x976: {  	v31 =	vshll.u32 v13, $0x10  }
0x977: {  	v32 =	vadd.s32 $0x4E20, v8;
	v13 =	vand.u32 v1, v13;
	v7 =	vmul.f32 v31, v4  }
0x978: {  	v35 =	vadd.s32 $0x4E20, v10;
	v33 =	vmul.f32 v13, v4  }
0x979: {  	v8 =	vadd.s32 $0x7530, v8;
	[tilespmem:v6+s22+$0x0] =	vst.idx.add.f32.msk $0xffff, v7;
	v34 =	vshll.u32 v11, $0x10  }
0x97a: {  	v38 =	vadd.s32 $0x7530, v10;
	[tilespmem:v5+s22+$0x0] =	vst.idx.add.f32.msk $0xffff, v33;
	v40 =	vshll.u32 v12, $0x10;
	v37 =	vmul.f32 v34, v17  }
0x97b: {  	v39 =	vld [tilespmem:s25+$0xFFFFFF70];
	v36 =	vand.u32 v1, v11;
	v11 =	vmul.f32 v40, v20  }
0x97c: {  	v41 =	vand.u32 v1, v12;
	v4 =	vmul.f32 v36, v17;
	[tilespmem:v32+s22+$0x0] =	vst.idx.add.f32.msk $0xffff, v37  }
0x97d: {  	v42 =	vmul.f32 v41, v20;
	[tilespmem:v35+s22+$0x0] =	vst.idx.add.f32.msk $0xffff, v11  }
0x97e: {  	[tilespmem:v8+s22+$0x0] =	vst.idx.add.f32.msk $0xffff, v4  }
0x97f: {  	[tilespmem:v38+s22+$0x0] =	vst.idx.add.f32.msk $0xffff, v42  }
0x980: {  	v43 =	vld [tilespmem:s25+$0xFFFFFFF0]  }
0x981: {  	v6 =	vld [tilespmem:s25+$0x70]  }
0x982: {  	v44 =	vand.u32 v2, v39;
	_ =	sdelay $0x2  }
0x983: {  	v45 =	vand.u32 v2, v43  }
0x984: {  	v2 =	vand.u32 v2, v6  }
0x985: {  	v46 =	vld.idx.msk [tilespmem:v44+s3+$0x0], $0xffff  }
0x986: {  	v47 =	vld [tilespmem:s28+$0xFFFFFF70]  }
0x987: {  	v49 =	vld [tilespmem:s28+$0xFFFFFFF0]  }
0x988: {  	v10 =	vshrl.u32 v39, $0xE;
	v48 =	vld.idx.msk [tilespmem:v45+s3+$0x0], $0xffff  }
0x989: {  	v50 =	vadd.s32 $0x2710, v10;
	v16 =	vld.idx.msk [tilespmem:v2+s3+$0x0], $0xffff  }
0x98a: {  	v4 =	vadd.s32 $0x2710, v44;
	v53 =	vld [tilespmem:s28+$0x70];
	v51 =	vshll.u32 v46, $0x10  }
0x98b: {  	v5 =	vshrl.u32 v43, $0xE;
	v8 =	vand.u32 v1, v46;
	v15 =	vmul.f32 v51, v47  }
0x98c: {  	v6 =	vshrl.u32 v6, $0xE;
	v8 =	vmul.f32 v8, v47  }
0x98d: {  	v52 =	vadd.s32 $0x2710, v5;
	[tilespmem:v10+s22+$0x0] =	vst.idx.add.f32.msk $0xffff, v15;
	v54 =	vshll.u32 v48, $0x10  }
0x98e: {  	v7 =	vadd.s32 $0x2710, v45;
	[tilespmem:v50+s22+$0x0] =	vst.idx.add.f32.msk $0xffff, v8;
	v56 =	vshll.u32 v16, $0x10;
	v19 =	vmul.f32 v54, v49  }
0x98f: {  	v55 =	vadd.s32 $0x2710, v6;
	v4 =	vld.idx.msk [tilespmem:v4+s3+$0x0], $0xffff;
	v12 =	vand.u32 v1, v48;
	v14 =	vmul.f32 v56, v53  }
0x990: {  	v2 =	vadd.s32 $0x2710, v2;
	v12 =	vmul.f32 v12, v49;
	[tilespmem:v5+s22+$0x0] =	vst.idx.add.f32.msk $0xffff, v19  }
0x991: {  	v57 =	vand.u32 v1, v16;
	[tilespmem:v6+s22+$0x0] =	vst.idx.add.f32.msk $0xffff, v14  }
0x992: {  	[tilespmem:v52+s22+$0x0] =	vst.idx.add.f32.msk $0xffff, v12;
	v12 =	vmul.f32 v57, v53  }
0x993: {  	v7 =	vld.idx.msk [tilespmem:v7+s3+$0x0], $0xffff  }
0x994: {  	v58 =	vadd.s32 $0x4E20, v10;
	[tilespmem:v55+s22+$0x0] =	vst.idx.add.f32.msk $0xffff, v12  }
0x995: {  	v59 =	vadd.s32 $0x7530, v10;
	v2 =	vld.idx.msk [tilespmem:v2+s3+$0x0], $0xffff  }
0x996: {  	v60 =	vadd.s32 $0x4E20, v5;
	v61 =	vshll.u32 v4, $0x10  }
0x997: {  	v4 =	vand.u32 v1, v4;
	v5 =	vadd.s32 $0x7530, v5;
	v12 =	vmul.f32 v61, v47  }
0x998: {  	[tilespmem:v3+s22+$0x0] =	vst.idx.add.f32.msk $0xffff, v9;
	v3 =	vadd.s32 $0x4E20, v6;
	v4 =	vmul.f32 v4, v47;
	v62 =	vshll.u32 v7, $0x10  }
0x999: {  	v6 =	vadd.s32 $0x7530, v6;
	[tilespmem:v58+s22+$0x0] =	vst.idx.add.f32.msk $0xffff, v12;
	v7 =	vand.u32 v1, v7;
	v9 =	vmul.f32 v62, v49  }
0x99a: {  	[tilespmem:v59+s22+$0x0] =	vst.idx.add.f32.msk $0xffff, v4;
	v7 =	vmul.f32 v7, v49;
	v63 =	vshll.u32 v2, $0x10  }
0x99b: {  	v1 =	vand.u32 v1, v2;
	v2 =	vmul.f32 v63, v53;
	[tilespmem:v60+s22+$0x0] =	vst.idx.add.f32.msk $0xffff, v9  }
0x99c: {  	s24 =	sadd.s32 $0x1, s24;
	v1 =	vmul.f32 v1, v53;
	[tilespmem:v5+s22+$0x0] =	vst.idx.add.f32.msk $0xffff, v7  }
0x99d: {  	p0 =	sne.s32 s24, s13;
	[tilespmem:v3+s22+$0x0] =	vst.idx.add.f32.msk $0xffff, v2  }
.Ltmp6:
0x99e: {  	[tilespmem:v6+s22+$0x0] =	vst.idx.add.f32.msk $0xffff, v1;
	(pc) =	sbr.rel @p0 .LBB2_1-.Ltmp6, $4  }
0x99f: {  	[hbm4b:s12+s3] =	stream.linear.scatter [tilespmem:s22], [sflag:$0x3], $0x9C40, $0x38;
	[tilespmem:$0x13A80] =	vst v63  }
0x9a0: {  	_ =	swait.ge [sflag:s16], $0x9C40  }
0x9a1: {  	[sflag:s16] =	ssyncset.done $0x0  }
0x9a2: {  	[sflag:s16] =	ssyncadd.s32 $0xFFFF63C0  }
0x9a3: {  	_ =	sfence.sel $0x180000  }
0x9a4: {  	[bflag:$0x0] =	sbarrier.arrive $0xFFFF  }
0x9a5: {  	p0 =	sne.s32 s2, $0x0;
	_ =	strace $0x90000047  }
0x9a6: {  	s0 =	sadd.s32 @!p0 $0x100000, s0;
	[bflag:$0x2] =	sbarrier.arrive $0xFFFF  }
0x9a7: {  	[sflag:s0] =	ssyncadd.tile.s32 @!p0 $0x1;
	_ =	shalt  }
.Lfunc_end2:
_tile_overlayer_lowered:
.L_overlay_start_2:
0x9a8: {  	(tag) =	ssettag $0x2  }
0x9a9: {  	s0 =	rddreg [dreg:$0x0];
	s2 =	stileid.u32  }
0x9aa: {  	s1 =	rddreg [dreg:$0x1];
	p0 =	sne.s32 s2, $0x0  }
0x9ab: {  	s3 =	rddreg [dreg:$0x2];
	[bflag:$0x3] =	sbarrier.arrive $0xFFFF;
	s2 =	simm.s32 @!p0 $0x1C03  }
0x9ac: {  	[timem:s3], [sflag:s2] =	dma.local @!p0 [hbm:s0], s1  }
0x9ad: {  	s0 =	simm.s32 @!p0 $0x3  }
0x9ae: {  	_ =	swait.ge @!p0 [sflag:s0], s1  }
0x9af: {  	s1 =	ssub.s32 @!p0 $0x0, s1;
	[sflag:s0] =	ssyncset.done @!p0 $0x0  }
0x9b0: {  	[sflag:s0] =	ssyncadd.s32 @!p0 s1  }
0x9b1: {  	[bflag:$0x3] =	sbarrier.arrive $0xFFFF  }
0x9b2: {  	_ =	shalt  }

</sc_bundles>
